<compile_context>
chip_gen: v7x
topology: tpu7x:2x2x1
jax: 0.10.2.dev20260603
libtpu: 0.0.44.dev20260713+nightly
codegen_flags: <defaults>
</compile_context>

<pallas_src>
import jax
import jax.numpy as jnp
from jax import lax
from jax.experimental import pallas as pl
from jax.experimental.pallas import tpu as pltpu
from jax.experimental.pallas import tpu_sc as plsc

_NUM_CLASSES = 1000000
_FEAT = 64
_BATCH = 16384
_ALPHA = 0.5

_NT = 16
_S = _BATCH // _NT
_SUB = 128
_NSUB = _S // _SUB
_LANES = 16
_FG = _FEAT // _LANES


def _clamp_idx(buf, hi):

    def body(r, _):
        for k in range(_SUB // _LANES):
            sl = pl.ds(k * _LANES, _LANES)
            v = buf[r, sl]
            buf[r, sl] = jnp.minimum(jnp.maximum(v, 0), hi)
        return 0

    lax.fori_loop(0, _NSUB, body, 0)


def _scatter_body(yt2_hbm, ids2_hbm, idxtab_hbm, yt, ids):
    wid = lax.axis_index("s")
    pltpu.sync_copy(yt2_hbm.at[pl.ds(wid * _NSUB, _NSUB)], yt)
    pltpu.sync_copy(ids2_hbm.at[pl.ds(wid * _NSUB, _NSUB)], ids)
    _clamp_idx(yt, _NUM_CLASSES - 1)
    for j in range(_NSUB):
        pltpu.sync_copy(ids.at[j], idxtab_hbm.at[yt.at[j]])


def _loss_body(yt2_hbm, yp_hbm, cen_hbm, idxtab_hbm, zrow_hbm, z1_hbm,
               one1_hbm,
               out_hbm,
               acc, cnt, partials,
               yt, slot, ubuf, gbuf, Dbuf, nbuf, rbuf, ones,
               pbuf, accv, vout):
    wid = lax.axis_index("s")
    base = wid * _S

    pltpu.sync_copy(yt2_hbm.at[pl.ds(wid * _NSUB, _NSUB)], yt)
    _clamp_idx(yt, _NUM_CLASSES - 1)
    pltpu.sync_copy(zrow_hbm, Dbuf)
    pltpu.sync_copy(z1_hbm, nbuf)
    pltpu.sync_copy(one1_hbm, ones)
    for j in range(_NSUB):
        pltpu.sync_copy(Dbuf, acc.at[pl.ds(base + j * _SUB, _SUB)])
        pltpu.sync_copy(nbuf, cnt.at[pl.ds(base + j * _SUB, _SUB)])
    for j in range(_NSUB):
        pltpu.sync_copy(idxtab_hbm.at[yt.at[j]], slot.at[j])
    _clamp_idx(slot, _BATCH - 1)
    plsc.subcore_barrier()

    for j in range(_NSUB):
        pltpu.sync_copy(yp_hbm.at[pl.ds(base + j * _SUB, _SUB)], ubuf)
        pltpu.sync_copy(cen_hbm.at[yt.at[j]], gbuf)

        def dbody(r, _):
            for c in range(_FG):
                sl = pl.ds(c * _LANES, _LANES)
                Dbuf[r, sl] = ubuf[r, sl] - gbuf[r, sl]
            return 0

        lax.fori_loop(0, _SUB, dbody, 0)
        pltpu.sync_copy(Dbuf, acc.at[slot.at[j]], add=True)
        pltpu.sync_copy(ones, cnt.at[slot.at[j]], add=True)
    plsc.subcore_barrier()

    acc2 = jnp.zeros((_LANES,), jnp.float32)
    for j in range(_NSUB):
        pltpu.sync_copy(yp_hbm.at[pl.ds(base + j * _SUB, _SUB)], ubuf)
        pltpu.sync_copy(cen_hbm.at[yt.at[j]], gbuf)
        pltpu.sync_copy(acc.at[slot.at[j]], Dbuf)
        pltpu.sync_copy(cnt.at[slot.at[j]], nbuf)

        def rbody(k, _):
            sl = pl.ds(k * _LANES, _LANES)
            rbuf[sl] = _ALPHA / (nbuf[sl] + 1.0)
            return 0

        lax.fori_loop(0, _SUB // _LANES, rbody, 0)

        def ebody(r, a):
            s = rbuf[pl.ds(r, _LANES)][0]
            for c in range(_FG):
                sl = pl.ds(c * _LANES, _LANES)
                e = (ubuf[r, sl] - gbuf[r, sl]) - s * Dbuf[r, sl]
                a = a + e * e
            return a

        acc2 = lax.fori_loop(0, _SUB, ebody, acc2)
    accv[...] = acc2
    pltpu.sync_copy(accv, partials.at[wid])
    plsc.subcore_barrier()

    @pl.when(wid == 0)
    def _():
        pltpu.sync_copy(partials, pbuf)
        tot = jnp.zeros((_LANES,), jnp.float32)
        for k in range(_NT):
            tot = tot + pbuf[k, :]
        lane = lax.broadcasted_iota(jnp.int32, (_LANES,), 0)
        for sh in (8, 4, 2, 1):
            perm = (lane + sh) & (_LANES - 1)
            tot = tot + tot.at[perm].get(mode="promise_in_bounds")
        vout[...] = tot * (1.0 / (_BATCH * _FEAT))
        pltpu.sync_copy(vout, out_hbm)


@jax.jit
def kernel(y_true, y_pred, centers):
    yt2 = y_true.astype(jnp.int32).reshape(_BATCH // _SUB, _SUB)
    ids2 = jnp.arange(_BATCH, dtype=jnp.int32).reshape(_BATCH // _SUB, _SUB)
    zrow = jnp.zeros((_SUB, _FEAT), jnp.float32)
    z1 = jnp.zeros((_SUB,), jnp.float32)
    one1 = jnp.ones((_SUB,), jnp.float32)

    mesh = plsc.VectorSubcoreMesh(
        core_axis_name="c", subcore_axis_name="s", num_cores=1)

    scatter_fn = pl.kernel(
        _scatter_body,
        out_type=pltpu.HBM((_NUM_CLASSES,), jnp.int32),
        mesh=mesh,
        compiler_params=pltpu.CompilerParams(use_tc_tiling_on_sc=False),
        scratch_types=[
            pltpu.VMEM((_NSUB, _SUB), jnp.int32),
            pltpu.VMEM((_NSUB, _SUB), jnp.int32),
        ],
    )
    idxtab = scatter_fn(yt2, ids2)

    loss_fn = pl.kernel(
        _loss_body,
        out_type=jax.ShapeDtypeStruct((_LANES,), jnp.float32),
        mesh=mesh,
        compiler_params=pltpu.CompilerParams(use_tc_tiling_on_sc=False),
        scratch_types=[
            pltpu.VMEM_SHARED((_BATCH, _FEAT), jnp.float32),
            pltpu.VMEM_SHARED((_BATCH,), jnp.float32),
            pltpu.VMEM_SHARED((_NT, _LANES), jnp.float32),
            pltpu.VMEM((_NSUB, _SUB), jnp.int32),
            pltpu.VMEM((_NSUB, _SUB), jnp.int32),
            pltpu.VMEM((_SUB, _FEAT), jnp.float32),
            pltpu.VMEM((_SUB, _FEAT), jnp.float32),
            pltpu.VMEM((_SUB, _FEAT), jnp.float32),
            pltpu.VMEM((_SUB,), jnp.float32),
            pltpu.VMEM((_SUB + _LANES,), jnp.float32),
            pltpu.VMEM((_SUB,), jnp.float32),
            pltpu.VMEM((_NT, _LANES), jnp.float32),
            pltpu.VMEM((_LANES,), jnp.float32),
            pltpu.VMEM((_LANES,), jnp.float32),
        ],
    )
    out = loss_fn(yt2, y_pred, centers, idxtab, zrow, z1, one1)
    return out[0]

# --- scband reference (transcript-rebuilt; emitter-appended) ---
"""Pipeline reference for scband-center-loss-19035295056198 (READ-ONLY COPY).

The authoritative reference and input builder live on the scoring server;
editing this copy changes nothing except your own understanding.
"""

import jax, jax.numpy as jnp
import numpy as np

NUM_CLASSES = 1000000
FEAT_DIM = 64
BATCH = 16384
ALPHA = 0.5

def setup_inputs(seed: int = 0) -> dict:
    key = jax.random.key(seed)
    k1, k2, k3 = jax.random.split(key, 3)
    y_true = jax.random.randint(k1, (BATCH,), 0, NUM_CLASSES, dtype=jnp.int64 if jax.config.jax_enable_x64 else jnp.int32)
    y_pred = jax.random.normal(k2, (BATCH, FEAT_DIM), dtype=jnp.float32)
    centers = jax.random.normal(k3, (NUM_CLASSES, FEAT_DIM), dtype=jnp.float32) * 0.05
    return {"y_true": y_true, "y_pred": y_pred, "centers": centers}

def reference(y_true, y_pred, centers):
    # gather current centers for each sample's class
    gathered = jnp.take(centers, y_true, axis=0)            # [B, d]
    delta_centers = gathered - y_pred                        # [B, d]
    # per-class counts in the batch, gathered back per sample
    centers_counts = jnp.bincount(y_true, length=centers.shape[0])  # [num_classes]
    counts_g = jnp.take(centers_counts, y_true, axis=0).astype(jnp.float32)  # [B]
    delta_centers = delta_centers / (counts_g[:, None] + 1.0)
    delta_centers = ALPHA * delta_centers
    # scatter-subtract the per-sample deltas into the centers table
    centers_new = centers.at[y_true].add(-delta_centers)
    # loss against the updated centers
    loss = jnp.mean(jnp.square(y_pred - jnp.take(centers_new, y_true, axis=0)))
    return loss

if __name__ == "__main__":
    import jax
    _d = setup_inputs()
    print(jax.jit(kernel)(*tuple(_d.values())))

</pallas_src>

<mosaic_0001>
#map = affine_map<(d0, d1) -> (0, 0)>
#map1 = affine_map<(d0, d1) -> (0)>
module attributes {stable_mosaic.version = 14 : i64} {
  func.func @_scatter_body(%arg0: i32, %arg1: i32, %arg2: memref<128x128xi32, #tpu.memory_space<hbm>>, %arg3: memref<128x128xi32, #tpu.memory_space<hbm>>, %arg4: memref<1000000xi32, #tpu.memory_space<hbm>>, %arg5: memref<8x128xi32, #tpu.memory_space<vmem>>, %arg6: memref<8x128xi32, #tpu.memory_space<vmem>>) attributes {dimension_semantics = [#tpu.dimension_semantics<core_parallel>, #tpu.dimension_semantics<subcore_parallel>], iteration_bounds = array<i64: 1, 16>, scalar_prefetch = 0 : i64, scratch_operands = 2 : i64, tpu.core_type = #tpu.core_type<sc_vector_subcore>, window_params = [{transform_indices = #map}, {transform_indices = #map}, {transform_indices = #map1}]} {
    %mul3A = arith.constant 8 : i32
    %mul3A_0 = arith.muli %arg1, %mul3A : i32
    "tpu.region"() ({
      %run_scoped3A_24 = tpu.sem_alloc : memref<!tpu.dma_semaphore, #tpu.memory_space<semaphore_mem>>
      %dma_start3A = arith.constant 0 : i32
      %dma_start3A_25 = tpu.memref_slice %arg2[%mul3A_0, %dma_start3A] : memref<128x128xi32, #tpu.memory_space<hbm>> -> memref<8x128xi32, #tpu.memory_space<hbm>>
      %dma_start3A_26 = arith.constant 0 : i32
      %dma_start3A_27 = tpu.memref_slice %arg2[%mul3A_0, %dma_start3A_26] : memref<128x128xi32, #tpu.memory_space<hbm>> -> memref<8x128xi32, #tpu.memory_space<hbm>>
      tpu.enqueue_dma source(%dma_start3A_27 : memref<8x128xi32, #tpu.memory_space<hbm>>) target(%arg5 : memref<8x128xi32, #tpu.memory_space<vmem>>) target_semaphore(%run_scoped3A_24 : memref<!tpu.dma_semaphore, #tpu.memory_space<semaphore_mem>>)
      %dma_wait3A = arith.constant 0 : i32
      %dma_wait3A_28 = tpu.memref_slice %arg2[%mul3A_0, %dma_wait3A] : memref<128x128xi32, #tpu.memory_space<hbm>> -> memref<8x128xi32, #tpu.memory_space<hbm>>
      %dma_wait3A_29 = arith.constant 0 : i32
      %dma_wait3A_30 = tpu.memref_slice %arg2[%mul3A_0, %dma_wait3A_29] : memref<128x128xi32, #tpu.memory_space<hbm>> -> memref<8x128xi32, #tpu.memory_space<hbm>>
      tpu.wait_dma2 semaphore(%run_scoped3A_24 : memref<!tpu.dma_semaphore, #tpu.memory_space<semaphore_mem>>) src(%dma_wait3A_30 : memref<8x128xi32, #tpu.memory_space<hbm>>) dst(%arg5 : memref<8x128xi32, #tpu.memory_space<vmem>>)
      tpu.yield
    }) : () -> ()
    %mul3A_1 = arith.constant 8 : i32
    %mul3A_2 = arith.muli %arg1, %mul3A_1 : i32
    "tpu.region"() ({
      %run_scoped3A_24 = tpu.sem_alloc : memref<!tpu.dma_semaphore, #tpu.memory_space<semaphore_mem>>
      %dma_start3A = arith.constant 0 : i32
      %dma_start3A_25 = tpu.memref_slice %arg3[%mul3A_2, %dma_start3A] : memref<128x128xi32, #tpu.memory_space<hbm>> -> memref<8x128xi32, #tpu.memory_space<hbm>>
      %dma_start3A_26 = arith.constant 0 : i32
      %dma_start3A_27 = tpu.memref_slice %arg3[%mul3A_2, %dma_start3A_26] : memref<128x128xi32, #tpu.memory_space<hbm>> -> memref<8x128xi32, #tpu.memory_space<hbm>>
      tpu.enqueue_dma source(%dma_start3A_27 : memref<8x128xi32, #tpu.memory_space<hbm>>) target(%arg6 : memref<8x128xi32, #tpu.memory_space<vmem>>) target_semaphore(%run_scoped3A_24 : memref<!tpu.dma_semaphore, #tpu.memory_space<semaphore_mem>>)
      %dma_wait3A = arith.constant 0 : i32
      %dma_wait3A_28 = tpu.memref_slice %arg3[%mul3A_2, %dma_wait3A] : memref<128x128xi32, #tpu.memory_space<hbm>> -> memref<8x128xi32, #tpu.memory_space<hbm>>
      %dma_wait3A_29 = arith.constant 0 : i32
      %dma_wait3A_30 = tpu.memref_slice %arg3[%mul3A_2, %dma_wait3A_29] : memref<128x128xi32, #tpu.memory_space<hbm>> -> memref<8x128xi32, #tpu.memory_space<hbm>>
      tpu.wait_dma2 semaphore(%run_scoped3A_24 : memref<!tpu.dma_semaphore, #tpu.memory_space<semaphore_mem>>) src(%dma_wait3A_30 : memref<8x128xi32, #tpu.memory_space<hbm>>) dst(%arg6 : memref<8x128xi32, #tpu.memory_space<vmem>>)
      tpu.yield
    }) : () -> ()
    %scan3A = arith.constant 0 : i32
    %scan3A_3 = arith.constant 0 : i32
    %scan3A_4 = arith.constant 8 : i32
    %scan3A_5 = arith.addi %scan3A_3, %scan3A_4 : i32
    %scan3A_6 = arith.constant 1 : i32
    %scan3A_7 = scf.for %scan3A_24 = %scan3A_3 to %scan3A_5 step %scan3A_6 iter_args(%scan3A_25 = %scan3A) -> (i32)  : i32 {
      %get3A = arith.index_cast %scan3A_24 : i32 to index
      %get3A_26 = arith.constant 0 : index
      %get3A_27 = tpu.vector_load %arg5[%get3A, %get3A_26] {strides = array<i32>} : memref<8x128xi32, #tpu.memory_space<vmem>>, vector<1x16xi32>,
      %get3A_28 = vector.shape_cast %get3A_27 : vector<1x16xi32> to vector<16xi32>
      %max3A = arith.constant 0 : i32
      %max3A_29 = vector.broadcast %max3A : i32 to vector<16xi32>
      %max3A_30 = arith.maxsi %get3A_28, %max3A_29 : vector<16xi32>
      %min3A = arith.constant 999999 : i32
      %min3A_31 = vector.broadcast %min3A : i32 to vector<16xi32>
      %min3A_32 = arith.minsi %max3A_30, %min3A_31 : vector<16xi32>
      %swap3A = arith.index_cast %scan3A_24 : i32 to index
      %swap3A_33 = arith.constant 0 : index
      %swap3A_34 = tpu.vector_load %arg5[%swap3A, %swap3A_33] {strides = array<i32>} : memref<8x128xi32, #tpu.memory_space<vmem>>, vector<1x16xi32>,
      %swap3A_35 = vector.shape_cast %swap3A_34 : vector<1x16xi32> to vector<16xi32>
      %swap3A_36 = vector.shape_cast %min3A_32 : vector<16xi32> to vector<1x16xi32>
      tpu.vector_store %arg5[%swap3A, %swap3A_33], %swap3A_36 {strides = array<i32>} : memref<8x128xi32, #tpu.memory_space<vmem>>, vector<1x16xi32>,
      %get3A_37 = arith.index_cast %scan3A_24 : i32 to index
      %get3A_38 = arith.constant 16 : index
      %get3A_39 = tpu.vector_load %arg5[%get3A_37, %get3A_38] {strides = array<i32>} : memref<8x128xi32, #tpu.memory_space<vmem>>, vector<1x16xi32>,
      %get3A_40 = vector.shape_cast %get3A_39 : vector<1x16xi32> to vector<16xi32>
      %max3A_41 = arith.constant 0 : i32
      %max3A_42 = vector.broadcast %max3A_41 : i32 to vector<16xi32>
      %max3A_43 = arith.maxsi %get3A_40, %max3A_42 : vector<16xi32>
      %min3A_44 = arith.constant 999999 : i32
      %min3A_45 = vector.broadcast %min3A_44 : i32 to vector<16xi32>
      %min3A_46 = arith.minsi %max3A_43, %min3A_45 : vector<16xi32>
      %swap3A_47 = arith.index_cast %scan3A_24 : i32 to index
      %swap3A_48 = arith.constant 16 : index
      %swap3A_49 = tpu.vector_load %arg5[%swap3A_47, %swap3A_48] {strides = array<i32>} : memref<8x128xi32, #tpu.memory_space<vmem>>, vector<1x16xi32>,
      %swap3A_50 = vector.shape_cast %swap3A_49 : vector<1x16xi32> to vector<16xi32>
      %swap3A_51 = vector.shape_cast %min3A_46 : vector<16xi32> to vector<1x16xi32>
      tpu.vector_store %arg5[%swap3A_47, %swap3A_48], %swap3A_51 {strides = array<i32>} : memref<8x128xi32, #tpu.memory_space<vmem>>, vector<1x16xi32>,
      %get3A_52 = arith.index_cast %scan3A_24 : i32 to index
      %get3A_53 = arith.constant 32 : index
      %get3A_54 = tpu.vector_load %arg5[%get3A_52, %get3A_53] {strides = array<i32>} : memref<8x128xi32, #tpu.memory_space<vmem>>, vector<1x16xi32>,
      %get3A_55 = vector.shape_cast %get3A_54 : vector<1x16xi32> to vector<16xi32>
      %max3A_56 = arith.constant 0 : i32
      %max3A_57 = vector.broadcast %max3A_56 : i32 to vector<16xi32>
      %max3A_58 = arith.maxsi %get3A_55, %max3A_57 : vector<16xi32>
      %min3A_59 = arith.constant 999999 : i32
      %min3A_60 = vector.broadcast %min3A_59 : i32 to vector<16xi32>
      %min3A_61 = arith.minsi %max3A_58, %min3A_60 : vector<16xi32>
      %swap3A_62 = arith.index_cast %scan3A_24 : i32 to index
      %swap3A_63 = arith.constant 32 : index
      %swap3A_64 = tpu.vector_load %arg5[%swap3A_62, %swap3A_63] {strides = array<i32>} : memref<8x128xi32, #tpu.memory_space<vmem>>, vector<1x16xi32>,
      %swap3A_65 = vector.shape_cast %swap3A_64 : vector<1x16xi32> to vector<16xi32>
      %swap3A_66 = vector.shape_cast %min3A_61 : vector<16xi32> to vector<1x16xi32>
      tpu.vector_store %arg5[%swap3A_62, %swap3A_63], %swap3A_66 {strides = array<i32>} : memref<8x128xi32, #tpu.memory_space<vmem>>, vector<1x16xi32>,
      %get3A_67 = arith.index_cast %scan3A_24 : i32 to index
      %get3A_68 = arith.constant 48 : index
      %get3A_69 = tpu.vector_load %arg5[%get3A_67, %get3A_68] {strides = array<i32>} : memref<8x128xi32, #tpu.memory_space<vmem>>, vector<1x16xi32>,
      %get3A_70 = vector.shape_cast %get3A_69 : vector<1x16xi32> to vector<16xi32>
      %max3A_71 = arith.constant 0 : i32
      %max3A_72 = vector.broadcast %max3A_71 : i32 to vector<16xi32>
      %max3A_73 = arith.maxsi %get3A_70, %max3A_72 : vector<16xi32>
      %min3A_74 = arith.constant 999999 : i32
      %min3A_75 = vector.broadcast %min3A_74 : i32 to vector<16xi32>
      %min3A_76 = arith.minsi %max3A_73, %min3A_75 : vector<16xi32>
      %swap3A_77 = arith.index_cast %scan3A_24 : i32 to index
      %swap3A_78 = arith.constant 48 : index
      %swap3A_79 = tpu.vector_load %arg5[%swap3A_77, %swap3A_78] {strides = array<i32>} : memref<8x128xi32, #tpu.memory_space<vmem>>, vector<1x16xi32>,
      %swap3A_80 = vector.shape_cast %swap3A_79 : vector<1x16xi32> to vector<16xi32>
      %swap3A_81 = vector.shape_cast %min3A_76 : vector<16xi32> to vector<1x16xi32>
      tpu.vector_store %arg5[%swap3A_77, %swap3A_78], %swap3A_81 {strides = array<i32>} : memref<8x128xi32, #tpu.memory_space<vmem>>, vector<1x16xi32>,
      %get3A_82 = arith.index_cast %scan3A_24 : i32 to index
      %get3A_83 = arith.constant 64 : index
      %get3A_84 = tpu.vector_load %arg5[%get3A_82, %get3A_83] {strides = array<i32>} : memref<8x128xi32, #tpu.memory_space<vmem>>, vector<1x16xi32>,
      %get3A_85 = vector.shape_cast %get3A_84 : vector<1x16xi32> to vector<16xi32>
      %max3A_86 = arith.constant 0 : i32
      %max3A_87 = vector.broadcast %max3A_86 : i32 to vector<16xi32>
      %max3A_88 = arith.maxsi %get3A_85, %max3A_87 : vector<16xi32>
      %min3A_89 = arith.constant 999999 : i32
      %min3A_90 = vector.broadcast %min3A_89 : i32 to vector<16xi32>
      %min3A_91 = arith.minsi %max3A_88, %min3A_90 : vector<16xi32>
      %swap3A_92 = arith.index_cast %scan3A_24 : i32 to index
      %swap3A_93 = arith.constant 64 : index
      %swap3A_94 = tpu.vector_load %arg5[%swap3A_92, %swap3A_93] {strides = array<i32>} : memref<8x128xi32, #tpu.memory_space<vmem>>, vector<1x16xi32>,
      %swap3A_95 = vector.shape_cast %swap3A_94 : vector<1x16xi32> to vector<16xi32>
      %swap3A_96 = vector.shape_cast %min3A_91 : vector<16xi32> to vector<1x16xi32>
      tpu.vector_store %arg5[%swap3A_92, %swap3A_93], %swap3A_96 {strides = array<i32>} : memref<8x128xi32, #tpu.memory_space<vmem>>, vector<1x16xi32>,
      %get3A_97 = arith.index_cast %scan3A_24 : i32 to index
      %get3A_98 = arith.constant 80 : index
      %get3A_99 = tpu.vector_load %arg5[%get3A_97, %get3A_98] {strides = array<i32>} : memref<8x128xi32, #tpu.memory_space<vmem>>, vector<1x16xi32>,
      %get3A_100 = vector.shape_cast %get3A_99 : vector<1x16xi32> to vector<16xi32>
      %max3A_101 = arith.constant 0 : i32
      %max3A_102 = vector.broadcast %max3A_101 : i32 to vector<16xi32>
      %max3A_103 = arith.maxsi %get3A_100, %max3A_102 : vector<16xi32>
      %min3A_104 = arith.constant 999999 : i32
      %min3A_105 = vector.broadcast %min3A_104 : i32 to vector<16xi32>
      %min3A_106 = arith.minsi %max3A_103, %min3A_105 : vector<16xi32>
      %swap3A_107 = arith.index_cast %scan3A_24 : i32 to index
      %swap3A_108 = arith.constant 80 : index
      %swap3A_109 = tpu.vector_load %arg5[%swap3A_107, %swap3A_108] {strides = array<i32>} : memref<8x128xi32, #tpu.memory_space<vmem>>, vector<1x16xi32>,
      %swap3A_110 = vector.shape_cast %swap3A_109 : vector<1x16xi32> to vector<16xi32>
      %swap3A_111 = vector.shape_cast %min3A_106 : vector<16xi32> to vector<1x16xi32>
      tpu.vector_store %arg5[%swap3A_107, %swap3A_108], %swap3A_111 {strides = array<i32>} : memref<8x128xi32, #tpu.memory_space<vmem>>, vector<1x16xi32>,
      %get3A_112 = arith.index_cast %scan3A_24 : i32 to index
      %get3A_113 = arith.constant 96 : index
      %get3A_114 = tpu.vector_load %arg5[%get3A_112, %get3A_113] {strides = array<i32>} : memref<8x128xi32, #tpu.memory_space<vmem>>, vector<1x16xi32>,
      %get3A_115 = vector.shape_cast %get3A_114 : vector<1x16xi32> to vector<16xi32>
      %max3A_116 = arith.constant 0 : i32
      %max3A_117 = vector.broadcast %max3A_116 : i32 to vector<16xi32>
      %max3A_118 = arith.maxsi %get3A_115, %max3A_117 : vector<16xi32>
      %min3A_119 = arith.constant 999999 : i32
      %min3A_120 = vector.broadcast %min3A_119 : i32 to vector<16xi32>
      %min3A_121 = arith.minsi %max3A_118, %min3A_120 : vector<16xi32>
      %swap3A_122 = arith.index_cast %scan3A_24 : i32 to index
      %swap3A_123 = arith.constant 96 : index
      %swap3A_124 = tpu.vector_load %arg5[%swap3A_122, %swap3A_123] {strides = array<i32>} : memref<8x128xi32, #tpu.memory_space<vmem>>, vector<1x16xi32>,
      %swap3A_125 = vector.shape_cast %swap3A_124 : vector<1x16xi32> to vector<16xi32>
      %swap3A_126 = vector.shape_cast %min3A_121 : vector<16xi32> to vector<1x16xi32>
      tpu.vector_store %arg5[%swap3A_122, %swap3A_123], %swap3A_126 {strides = array<i32>} : memref<8x128xi32, #tpu.memory_space<vmem>>, vector<1x16xi32>,
      %get3A_127 = arith.index_cast %scan3A_24 : i32 to index
      %get3A_128 = arith.constant 112 : index
      %get3A_129 = tpu.vector_load %arg5[%get3A_127, %get3A_128] {strides = array<i32>} : memref<8x128xi32, #tpu.memory_space<vmem>>, vector<1x16xi32>,
      %get3A_130 = vector.shape_cast %get3A_129 : vector<1x16xi32> to vector<16xi32>
      %max3A_131 = arith.constant 0 : i32
      %max3A_132 = vector.broadcast %max3A_131 : i32 to vector<16xi32>
      %max3A_133 = arith.maxsi %get3A_130, %max3A_132 : vector<16xi32>
      %min3A_134 = arith.constant 999999 : i32
      %min3A_135 = vector.broadcast %min3A_134 : i32 to vector<16xi32>
      %min3A_136 = arith.minsi %max3A_133, %min3A_135 : vector<16xi32>
      %swap3A_137 = arith.index_cast %scan3A_24 : i32 to index
      %swap3A_138 = arith.constant 112 : index
      %swap3A_139 = tpu.vector_load %arg5[%swap3A_137, %swap3A_138] {strides = array<i32>} : memref<8x128xi32, #tpu.memory_space<vmem>>, vector<1x16xi32>,
      %swap3A_140 = vector.shape_cast %swap3A_139 : vector<1x16xi32> to vector<16xi32>
      %swap3A_141 = vector.shape_cast %min3A_136 : vector<16xi32> to vector<1x16xi32>
      tpu.vector_store %arg5[%swap3A_137, %swap3A_138], %swap3A_141 {strides = array<i32>} : memref<8x128xi32, #tpu.memory_space<vmem>>, vector<1x16xi32>,
      %scan3A_142 = arith.constant 0 : i32
      scf.yield %scan3A_142 : i32
    }
    %scan3A_8 = arith.constant 8 : i32
    %run_scoped3A = arith.constant 0 : i32
    %run_scoped3A_9 = arith.constant 0 : i32
    "tpu.region"() ({
      %run_scoped3A_24 = tpu.sem_alloc : memref<!tpu.dma_semaphore, #tpu.memory_space<semaphore_mem>>
      %dma_start3A = arith.constant 0 : i32
      %dma_start3A_25 = tpu.memref_slice %arg6[%run_scoped3A, %dma_start3A] : memref<8x128xi32, #tpu.memory_space<vmem>> -> memref<1x128xi32, #tpu.memory_space<vmem>>
      %dma_start3A_26 = tpu.memref_squeeze %dma_start3A_25 : memref<1x128xi32, #tpu.memory_space<vmem>> -> memref<128xi32, #tpu.memory_space<vmem>>
      %dma_start3A_27 = arith.constant 0 : i32
      %dma_start3A_28 = tpu.memref_slice %arg5[%run_scoped3A_9, %dma_start3A_27] : memref<8x128xi32, #tpu.memory_space<vmem>> -> memref<1x128xi32, #tpu.memory_space<vmem>>
      %dma_start3A_29 = tpu.memref_squeeze %dma_start3A_28 : memref<1x128xi32, #tpu.memory_space<vmem>> -> memref<128xi32, #tpu.memory_space<vmem>>
      %dma_start3A_30 = arith.constant 0 : i32
      %dma_start3A_31 = tpu.memref_slice %arg4[%dma_start3A_30] : memref<1000000xi32, #tpu.memory_space<hbm>> -> memref<1000000xi32, #tpu.memory_space<hbm>>
      tpu.enqueue_indirect_dma source(%dma_start3A_26 : memref<128xi32, #tpu.memory_space<vmem>>) target(%dma_start3A_31 : memref<1000000xi32, #tpu.memory_space<hbm>>) offsets(%dma_start3A_29 : memref<128xi32, #tpu.memory_space<vmem>>) semaphore(%run_scoped3A_24 : memref<!tpu.dma_semaphore, #tpu.memory_space<semaphore_mem>>)
      %dma_wait3A = arith.constant 0 : i32
      %dma_wait3A_32 = tpu.memref_slice %arg6[%run_scoped3A, %dma_wait3A] : memref<8x128xi32, #tpu.memory_space<vmem>> -> memref<1x128xi32, #tpu.memory_space<vmem>>
      %dma_wait3A_33 = tpu.memref_squeeze %dma_wait3A_32 : memref<1x128xi32, #tpu.memory_space<vmem>> -> memref<128xi32, #tpu.memory_space<vmem>>
      %dma_wait3A_34 = arith.constant 0 : i32
      %dma_wait3A_35 = tpu.memref_slice %arg5[%run_scoped3A_9, %dma_wait3A_34] : memref<8x128xi32, #tpu.memory_space<vmem>> -> memref<1x128xi32, #tpu.memory_space<vmem>>
      %dma_wait3A_36 = tpu.memref_squeeze %dma_wait3A_35 : memref<1x128xi32, #tpu.memory_space<vmem>> -> memref<128xi32, #tpu.memory_space<vmem>>
      %dma_wait3A_37 = arith.constant 0 : i32
      %dma_wait3A_38 = tpu.memref_slice %arg4[%dma_wait3A_37] : memref<1000000xi32, #tpu.memory_space<hbm>> -> memref<1000000xi32, #tpu.memory_space<hbm>>
      tpu.wait_indirect_dma semaphore(%run_scoped3A_24 : memref<!tpu.dma_semaphore, #tpu.memory_space<semaphore_mem>>) src(%dma_wait3A_33 : memref<128xi32, #tpu.memory_space<vmem>>) dst(%dma_wait3A_38 : memref<1000000xi32, #tpu.memory_space<hbm>>)
      tpu.yield
    }) : () -> ()
    %run_scoped3A_10 = arith.constant 1 : i32
    %run_scoped3A_11 = arith.constant 1 : i32
    "tpu.region"() ({
      %run_scoped3A_24 = tpu.sem_alloc : memref<!tpu.dma_semaphore, #tpu.memory_space<semaphore_mem>>
      %dma_start3A = arith.constant 0 : i32
      %dma_start3A_25 = tpu.memref_slice %arg6[%run_scoped3A_10, %dma_start3A] : memref<8x128xi32, #tpu.memory_space<vmem>> -> memref<1x128xi32, #tpu.memory_space<vmem>>
      %dma_start3A_26 = tpu.memref_squeeze %dma_start3A_25 : memref<1x128xi32, #tpu.memory_space<vmem>> -> memref<128xi32, #tpu.memory_space<vmem>>
      %dma_start3A_27 = arith.constant 0 : i32
      %dma_start3A_28 = tpu.memref_slice %arg5[%run_scoped3A_11, %dma_start3A_27] : memref<8x128xi32, #tpu.memory_space<vmem>> -> memref<1x128xi32, #tpu.memory_space<vmem>>
      %dma_start3A_29 = tpu.memref_squeeze %dma_start3A_28 : memref<1x128xi32, #tpu.memory_space<vmem>> -> memref<128xi32, #tpu.memory_space<vmem>>
      %dma_start3A_30 = arith.constant 0 : i32
      %dma_start3A_31 = tpu.memref_slice %arg4[%dma_start3A_30] : memref<1000000xi32, #tpu.memory_space<hbm>> -> memref<1000000xi32, #tpu.memory_space<hbm>>
      tpu.enqueue_indirect_dma source(%dma_start3A_26 : memref<128xi32, #tpu.memory_space<vmem>>) target(%dma_start3A_31 : memref<1000000xi32, #tpu.memory_space<hbm>>) offsets(%dma_start3A_29 : memref<128xi32, #tpu.memory_space<vmem>>) semaphore(%run_scoped3A_24 : memref<!tpu.dma_semaphore, #tpu.memory_space<semaphore_mem>>)
      %dma_wait3A = arith.constant 0 : i32
      %dma_wait3A_32 = tpu.memref_slice %arg6[%run_scoped3A_10, %dma_wait3A] : memref<8x128xi32, #tpu.memory_space<vmem>> -> memref<1x128xi32, #tpu.memory_space<vmem>>
      %dma_wait3A_33 = tpu.memref_squeeze %dma_wait3A_32 : memref<1x128xi32, #tpu.memory_space<vmem>> -> memref<128xi32, #tpu.memory_space<vmem>>
      %dma_wait3A_34 = arith.constant 0 : i32
      %dma_wait3A_35 = tpu.memref_slice %arg5[%run_scoped3A_11, %dma_wait3A_34] : memref<8x128xi32, #tpu.memory_space<vmem>> -> memref<1x128xi32, #tpu.memory_space<vmem>>
      %dma_wait3A_36 = tpu.memref_squeeze %dma_wait3A_35 : memref<1x128xi32, #tpu.memory_space<vmem>> -> memref<128xi32, #tpu.memory_space<vmem>>
      %dma_wait3A_37 = arith.constant 0 : i32
      %dma_wait3A_38 = tpu.memref_slice %arg4[%dma_wait3A_37] : memref<1000000xi32, #tpu.memory_space<hbm>> -> memref<1000000xi32, #tpu.memory_space<hbm>>
      tpu.wait_indirect_dma semaphore(%run_scoped3A_24 : memref<!tpu.dma_semaphore, #tpu.memory_space<semaphore_mem>>) src(%dma_wait3A_33 : memref<128xi32, #tpu.memory_space<vmem>>) dst(%dma_wait3A_38 : memref<1000000xi32, #tpu.memory_space<hbm>>)
      tpu.yield
    }) : () -> ()
    %run_scoped3A_12 = arith.constant 2 : i32
    %run_scoped3A_13 = arith.constant 2 : i32
    "tpu.region"() ({
      %run_scoped3A_24 = tpu.sem_alloc : memref<!tpu.dma_semaphore, #tpu.memory_space<semaphore_mem>>
      %dma_start3A = arith.constant 0 : i32
      %dma_start3A_25 = tpu.memref_slice %arg6[%run_scoped3A_12, %dma_start3A] : memref<8x128xi32, #tpu.memory_space<vmem>> -> memref<1x128xi32, #tpu.memory_space<vmem>>
      %dma_start3A_26 = tpu.memref_squeeze %dma_start3A_25 : memref<1x128xi32, #tpu.memory_space<vmem>> -> memref<128xi32, #tpu.memory_space<vmem>>
      %dma_start3A_27 = arith.constant 0 : i32
      %dma_start3A_28 = tpu.memref_slice %arg5[%run_scoped3A_13, %dma_start3A_27] : memref<8x128xi32, #tpu.memory_space<vmem>> -> memref<1x128xi32, #tpu.memory_space<vmem>>
      %dma_start3A_29 = tpu.memref_squeeze %dma_start3A_28 : memref<1x128xi32, #tpu.memory_space<vmem>> -> memref<128xi32, #tpu.memory_space<vmem>>
      %dma_start3A_30 = arith.constant 0 : i32
      %dma_start3A_31 = tpu.memref_slice %arg4[%dma_start3A_30] : memref<1000000xi32, #tpu.memory_space<hbm>> -> memref<1000000xi32, #tpu.memory_space<hbm>>
      tpu.enqueue_indirect_dma source(%dma_start3A_26 : memref<128xi32, #tpu.memory_space<vmem>>) target(%dma_start3A_31 : memref<1000000xi32, #tpu.memory_space<hbm>>) offsets(%dma_start3A_29 : memref<128xi32, #tpu.memory_space<vmem>>) semaphore(%run_scoped3A_24 : memref<!tpu.dma_semaphore, #tpu.memory_space<semaphore_mem>>)
      %dma_wait3A = arith.constant 0 : i32
      %dma_wait3A_32 = tpu.memref_slice %arg6[%run_scoped3A_12, %dma_wait3A] : memref<8x128xi32, #tpu.memory_space<vmem>> -> memref<1x128xi32, #tpu.memory_space<vmem>>
      %dma_wait3A_33 = tpu.memref_squeeze %dma_wait3A_32 : memref<1x128xi32, #tpu.memory_space<vmem>> -> memref<128xi32, #tpu.memory_space<vmem>>
      %dma_wait3A_34 = arith.constant 0 : i32
      %dma_wait3A_35 = tpu.memref_slice %arg5[%run_scoped3A_13, %dma_wait3A_34] : memref<8x128xi32, #tpu.memory_space<vmem>> -> memref<1x128xi32, #tpu.memory_space<vmem>>
      %dma_wait3A_36 = tpu.memref_squeeze %dma_wait3A_35 : memref<1x128xi32, #tpu.memory_space<vmem>> -> memref<128xi32, #tpu.memory_space<vmem>>
      %dma_wait3A_37 = arith.constant 0 : i32
      %dma_wait3A_38 = tpu.memref_slice %arg4[%dma_wait3A_37] : memref<1000000xi32, #tpu.memory_space<hbm>> -> memref<1000000xi32, #tpu.memory_space<hbm>>
      tpu.wait_indirect_dma semaphore(%run_scoped3A_24 : memref<!tpu.dma_semaphore, #tpu.memory_space<semaphore_mem>>) src(%dma_wait3A_33 : memref<128xi32, #tpu.memory_space<vmem>>) dst(%dma_wait3A_38 : memref<1000000xi32, #tpu.memory_space<hbm>>)
      tpu.yield
    }) : () -> ()
    %run_scoped3A_14 = arith.constant 3 : i32
    %run_scoped3A_15 = arith.constant 3 : i32
    "tpu.region"() ({
      %run_scoped3A_24 = tpu.sem_alloc : memref<!tpu.dma_semaphore, #tpu.memory_space<semaphore_mem>>
      %dma_start3A = arith.constant 0 : i32
      %dma_start3A_25 = tpu.memref_slice %arg6[%run_scoped3A_14, %dma_start3A] : memref<8x128xi32, #tpu.memory_space<vmem>> -> memref<1x128xi32, #tpu.memory_space<vmem>>
      %dma_start3A_26 = tpu.memref_squeeze %dma_start3A_25 : memref<1x128xi32, #tpu.memory_space<vmem>> -> memref<128xi32, #tpu.memory_space<vmem>>
      %dma_start3A_27 = arith.constant 0 : i32
      %dma_start3A_28 = tpu.memref_slice %arg5[%run_scoped3A_15, %dma_start3A_27] : memref<8x128xi32, #tpu.memory_space<vmem>> -> memref<1x128xi32, #tpu.memory_space<vmem>>
      %dma_start3A_29 = tpu.memref_squeeze %dma_start3A_28 : memref<1x128xi32, #tpu.memory_space<vmem>> -> memref<128xi32, #tpu.memory_space<vmem>>
      %dma_start3A_30 = arith.constant 0 : i32
      %dma_start3A_31 = tpu.memref_slice %arg4[%dma_start3A_30] : memref<1000000xi32, #tpu.memory_space<hbm>> -> memref<1000000xi32, #tpu.memory_space<hbm>>
      tpu.enqueue_indirect_dma source(%dma_start3A_26 : memref<128xi32, #tpu.memory_space<vmem>>) target(%dma_start3A_31 : memref<1000000xi32, #tpu.memory_space<hbm>>) offsets(%dma_start3A_29 : memref<128xi32, #tpu.memory_space<vmem>>) semaphore(%run_scoped3A_24 : memref<!tpu.dma_semaphore, #tpu.memory_space<semaphore_mem>>)
      %dma_wait3A = arith.constant 0 : i32
      %dma_wait3A_32 = tpu.memref_slice %arg6[%run_scoped3A_14, %dma_wait3A] : memref<8x128xi32, #tpu.memory_space<vmem>> -> memref<1x128xi32, #tpu.memory_space<vmem>>
      %dma_wait3A_33 = tpu.memref_squeeze %dma_wait3A_32 : memref<1x128xi32, #tpu.memory_space<vmem>> -> memref<128xi32, #tpu.memory_space<vmem>>
      %dma_wait3A_34 = arith.constant 0 : i32
      %dma_wait3A_35 = tpu.memref_slice %arg5[%run_scoped3A_15, %dma_wait3A_34] : memref<8x128xi32, #tpu.memory_space<vmem>> -> memref<1x128xi32, #tpu.memory_space<vmem>>
      %dma_wait3A_36 = tpu.memref_squeeze %dma_wait3A_35 : memref<1x128xi32, #tpu.memory_space<vmem>> -> memref<128xi32, #tpu.memory_space<vmem>>
      %dma_wait3A_37 = arith.constant 0 : i32
      %dma_wait3A_38 = tpu.memref_slice %arg4[%dma_wait3A_37] : memref<1000000xi32, #tpu.memory_space<hbm>> -> memref<1000000xi32, #tpu.memory_space<hbm>>
      tpu.wait_indirect_dma semaphore(%run_scoped3A_24 : memref<!tpu.dma_semaphore, #tpu.memory_space<semaphore_mem>>) src(%dma_wait3A_33 : memref<128xi32, #tpu.memory_space<vmem>>) dst(%dma_wait3A_38 : memref<1000000xi32, #tpu.memory_space<hbm>>)
      tpu.yield
    }) : () -> ()
    %run_scoped3A_16 = arith.constant 4 : i32
    %run_scoped3A_17 = arith.constant 4 : i32
    "tpu.region"() ({
      %run_scoped3A_24 = tpu.sem_alloc : memref<!tpu.dma_semaphore, #tpu.memory_space<semaphore_mem>>
      %dma_start3A = arith.constant 0 : i32
      %dma_start3A_25 = tpu.memref_slice %arg6[%run_scoped3A_16, %dma_start3A] : memref<8x128xi32, #tpu.memory_space<vmem>> -> memref<1x128xi32, #tpu.memory_space<vmem>>
      %dma_start3A_26 = tpu.memref_squeeze %dma_start3A_25 : memref<1x128xi32, #tpu.memory_space<vmem>> -> memref<128xi32, #tpu.memory_space<vmem>>
      %dma_start3A_27 = arith.constant 0 : i32
      %dma_start3A_28 = tpu.memref_slice %arg5[%run_scoped3A_17, %dma_start3A_27] : memref<8x128xi32, #tpu.memory_space<vmem>> -> memref<1x128xi32, #tpu.memory_space<vmem>>
      %dma_start3A_29 = tpu.memref_squeeze %dma_start3A_28 : memref<1x128xi32, #tpu.memory_space<vmem>> -> memref<128xi32, #tpu.memory_space<vmem>>
      %dma_start3A_30 = arith.constant 0 : i32
      %dma_start3A_31 = tpu.memref_slice %arg4[%dma_start3A_30] : memref<1000000xi32, #tpu.memory_space<hbm>> -> memref<1000000xi32, #tpu.memory_space<hbm>>
      tpu.enqueue_indirect_dma source(%dma_start3A_26 : memref<128xi32, #tpu.memory_space<vmem>>) target(%dma_start3A_31 : memref<1000000xi32, #tpu.memory_space<hbm>>) offsets(%dma_start3A_29 : memref<128xi32, #tpu.memory_space<vmem>>) semaphore(%run_scoped3A_24 : memref<!tpu.dma_semaphore, #tpu.memory_space<semaphore_mem>>)
      %dma_wait3A = arith.constant 0 : i32
      %dma_wait3A_32 = tpu.memref_slice %arg6[%run_scoped3A_16, %dma_wait3A] : memref<8x128xi32, #tpu.memory_space<vmem>> -> memref<1x128xi32, #tpu.memory_space<vmem>>
      %dma_wait3A_33 = tpu.memref_squeeze %dma_wait3A_32 : memref<1x128xi32, #tpu.memory_space<vmem>> -> memref<128xi32, #tpu.memory_space<vmem>>
      %dma_wait3A_34 = arith.constant 0 : i32
      %dma_wait3A_35 = tpu.memref_slice %arg5[%run_scoped3A_17, %dma_wait3A_34] : memref<8x128xi32, #tpu.memory_space<vmem>> -> memref<1x128xi32, #tpu.memory_space<vmem>>
      %dma_wait3A_36 = tpu.memref_squeeze %dma_wait3A_35 : memref<1x128xi32, #tpu.memory_space<vmem>> -> memref<128xi32, #tpu.memory_space<vmem>>
      %dma_wait3A_37 = arith.constant 0 : i32
      %dma_wait3A_38 = tpu.memref_slice %arg4[%dma_wait3A_37] : memref<1000000xi32, #tpu.memory_space<hbm>> -> memref<1000000xi32, #tpu.memory_space<hbm>>
      tpu.wait_indirect_dma semaphore(%run_scoped3A_24 : memref<!tpu.dma_semaphore, #tpu.memory_space<semaphore_mem>>) src(%dma_wait3A_33 : memref<128xi32, #tpu.memory_space<vmem>>) dst(%dma_wait3A_38 : memref<1000000xi32, #tpu.memory_space<hbm>>)
      tpu.yield
    }) : () -> ()
    %run_scoped3A_18 = arith.constant 5 : i32
    %run_scoped3A_19 = arith.constant 5 : i32
    "tpu.region"() ({
      %run_scoped3A_24 = tpu.sem_alloc : memref<!tpu.dma_semaphore, #tpu.memory_space<semaphore_mem>>
      %dma_start3A = arith.constant 0 : i32
      %dma_start3A_25 = tpu.memref_slice %arg6[%run_scoped3A_18, %dma_start3A] : memref<8x128xi32, #tpu.memory_space<vmem>> -> memref<1x128xi32, #tpu.memory_space<vmem>>
      %dma_start3A_26 = tpu.memref_squeeze %dma_start3A_25 : memref<1x128xi32, #tpu.memory_space<vmem>> -> memref<128xi32, #tpu.memory_space<vmem>>
      %dma_start3A_27 = arith.constant 0 : i32
      %dma_start3A_28 = tpu.memref_slice %arg5[%run_scoped3A_19, %dma_start3A_27] : memref<8x128xi32, #tpu.memory_space<vmem>> -> memref<1x128xi32, #tpu.memory_space<vmem>>
      %dma_start3A_29 = tpu.memref_squeeze %dma_start3A_28 : memref<1x128xi32, #tpu.memory_space<vmem>> -> memref<128xi32, #tpu.memory_space<vmem>>
      %dma_start3A_30 = arith.constant 0 : i32
      %dma_start3A_31 = tpu.memref_slice %arg4[%dma_start3A_30] : memref<1000000xi32, #tpu.memory_space<hbm>> -> memref<1000000xi32, #tpu.memory_space<hbm>>
      tpu.enqueue_indirect_dma source(%dma_start3A_26 : memref<128xi32, #tpu.memory_space<vmem>>) target(%dma_start3A_31 : memref<1000000xi32, #tpu.memory_space<hbm>>) offsets(%dma_start3A_29 : memref<128xi32, #tpu.memory_space<vmem>>) semaphore(%run_scoped3A_24 : memref<!tpu.dma_semaphore, #tpu.memory_space<semaphore_mem>>)
      %dma_wait3A = arith.constant 0 : i32
      %dma_wait3A_32 = tpu.memref_slice %arg6[%run_scoped3A_18, %dma_wait3A] : memref<8x128xi32, #tpu.memory_space<vmem>> -> memref<1x128xi32, #tpu.memory_space<vmem>>
      %dma_wait3A_33 = tpu.memref_squeeze %dma_wait3A_32 : memref<1x128xi32, #tpu.memory_space<vmem>> -> memref<128xi32, #tpu.memory_space<vmem>>
      %dma_wait3A_34 = arith.constant 0 : i32
      %dma_wait3A_35 = tpu.memref_slice %arg5[%run_scoped3A_19, %dma_wait3A_34] : memref<8x128xi32, #tpu.memory_space<vmem>> -> memref<1x128xi32, #tpu.memory_space<vmem>>
      %dma_wait3A_36 = tpu.memref_squeeze %dma_wait3A_35 : memref<1x128xi32, #tpu.memory_space<vmem>> -> memref<128xi32, #tpu.memory_space<vmem>>
      %dma_wait3A_37 = arith.constant 0 : i32
      %dma_wait3A_38 = tpu.memref_slice %arg4[%dma_wait3A_37] : memref<1000000xi32, #tpu.memory_space<hbm>> -> memref<1000000xi32, #tpu.memory_space<hbm>>
      tpu.wait_indirect_dma semaphore(%run_scoped3A_24 : memref<!tpu.dma_semaphore, #tpu.memory_space<semaphore_mem>>) src(%dma_wait3A_33 : memref<128xi32, #tpu.memory_space<vmem>>) dst(%dma_wait3A_38 : memref<1000000xi32, #tpu.memory_space<hbm>>)
      tpu.yield
    }) : () -> ()
    %run_scoped3A_20 = arith.constant 6 : i32
    %run_scoped3A_21 = arith.constant 6 : i32
    "tpu.region"() ({
      %run_scoped3A_24 = tpu.sem_alloc : memref<!tpu.dma_semaphore, #tpu.memory_space<semaphore_mem>>
      %dma_start3A = arith.constant 0 : i32
      %dma_start3A_25 = tpu.memref_slice %arg6[%run_scoped3A_20, %dma_start3A] : memref<8x128xi32, #tpu.memory_space<vmem>> -> memref<1x128xi32, #tpu.memory_space<vmem>>
      %dma_start3A_26 = tpu.memref_squeeze %dma_start3A_25 : memref<1x128xi32, #tpu.memory_space<vmem>> -> memref<128xi32, #tpu.memory_space<vmem>>
      %dma_start3A_27 = arith.constant 0 : i32
      %dma_start3A_28 = tpu.memref_slice %arg5[%run_scoped3A_21, %dma_start3A_27] : memref<8x128xi32, #tpu.memory_space<vmem>> -> memref<1x128xi32, #tpu.memory_space<vmem>>
      %dma_start3A_29 = tpu.memref_squeeze %dma_start3A_28 : memref<1x128xi32, #tpu.memory_space<vmem>> -> memref<128xi32, #tpu.memory_space<vmem>>
      %dma_start3A_30 = arith.constant 0 : i32
      %dma_start3A_31 = tpu.memref_slice %arg4[%dma_start3A_30] : memref<1000000xi32, #tpu.memory_space<hbm>> -> memref<1000000xi32, #tpu.memory_space<hbm>>
      tpu.enqueue_indirect_dma source(%dma_start3A_26 : memref<128xi32, #tpu.memory_space<vmem>>) target(%dma_start3A_31 : memref<1000000xi32, #tpu.memory_space<hbm>>) offsets(%dma_start3A_29 : memref<128xi32, #tpu.memory_space<vmem>>) semaphore(%run_scoped3A_24 : memref<!tpu.dma_semaphore, #tpu.memory_space<semaphore_mem>>)
      %dma_wait3A = arith.constant 0 : i32
      %dma_wait3A_32 = tpu.memref_slice %arg6[%run_scoped3A_20, %dma_wait3A] : memref<8x128xi32, #tpu.memory_space<vmem>> -> memref<1x128xi32, #tpu.memory_space<vmem>>
      %dma_wait3A_33 = tpu.memref_squeeze %dma_wait3A_32 : memref<1x128xi32, #tpu.memory_space<vmem>> -> memref<128xi32, #tpu.memory_space<vmem>>
      %dma_wait3A_34 = arith.constant 0 : i32
      %dma_wait3A_35 = tpu.memref_slice %arg5[%run_scoped3A_21, %dma_wait3A_34] : memref<8x128xi32, #tpu.memory_space<vmem>> -> memref<1x128xi32, #tpu.memory_space<vmem>>
      %dma_wait3A_36 = tpu.memref_squeeze %dma_wait3A_35 : memref<1x128xi32, #tpu.memory_space<vmem>> -> memref<128xi32, #tpu.memory_space<vmem>>
      %dma_wait3A_37 = arith.constant 0 : i32
      %dma_wait3A_38 = tpu.memref_slice %arg4[%dma_wait3A_37] : memref<1000000xi32, #tpu.memory_space<hbm>> -> memref<1000000xi32, #tpu.memory_space<hbm>>
      tpu.wait_indirect_dma semaphore(%run_scoped3A_24 : memref<!tpu.dma_semaphore, #tpu.memory_space<semaphore_mem>>) src(%dma_wait3A_33 : memref<128xi32, #tpu.memory_space<vmem>>) dst(%dma_wait3A_38 : memref<1000000xi32, #tpu.memory_space<hbm>>)
      tpu.yield
    }) : () -> ()
    %run_scoped3A_22 = arith.constant 7 : i32
    %run_scoped3A_23 = arith.constant 7 : i32
    "tpu.region"() ({
      %run_scoped3A_24 = tpu.sem_alloc : memref<!tpu.dma_semaphore, #tpu.memory_space<semaphore_mem>>
      %dma_start3A = arith.constant 0 : i32
      %dma_start3A_25 = tpu.memref_slice %arg6[%run_scoped3A_22, %dma_start3A] : memref<8x128xi32, #tpu.memory_space<vmem>> -> memref<1x128xi32, #tpu.memory_space<vmem>>
      %dma_start3A_26 = tpu.memref_squeeze %dma_start3A_25 : memref<1x128xi32, #tpu.memory_space<vmem>> -> memref<128xi32, #tpu.memory_space<vmem>>
      %dma_start3A_27 = arith.constant 0 : i32
      %dma_start3A_28 = tpu.memref_slice %arg5[%run_scoped3A_23, %dma_start3A_27] : memref<8x128xi32, #tpu.memory_space<vmem>> -> memref<1x128xi32, #tpu.memory_space<vmem>>
      %dma_start3A_29 = tpu.memref_squeeze %dma_start3A_28 : memref<1x128xi32, #tpu.memory_space<vmem>> -> memref<128xi32, #tpu.memory_space<vmem>>
      %dma_start3A_30 = arith.constant 0 : i32
      %dma_start3A_31 = tpu.memref_slice %arg4[%dma_start3A_30] : memref<1000000xi32, #tpu.memory_space<hbm>> -> memref<1000000xi32, #tpu.memory_space<hbm>>
      tpu.enqueue_indirect_dma source(%dma_start3A_26 : memref<128xi32, #tpu.memory_space<vmem>>) target(%dma_start3A_31 : memref<1000000xi32, #tpu.memory_space<hbm>>) offsets(%dma_start3A_29 : memref<128xi32, #tpu.memory_space<vmem>>) semaphore(%run_scoped3A_24 : memref<!tpu.dma_semaphore, #tpu.memory_space<semaphore_mem>>)
      %dma_wait3A = arith.constant 0 : i32
      %dma_wait3A_32 = tpu.memref_slice %arg6[%run_scoped3A_22, %dma_wait3A] : memref<8x128xi32, #tpu.memory_space<vmem>> -> memref<1x128xi32, #tpu.memory_space<vmem>>
      %dma_wait3A_33 = tpu.memref_squeeze %dma_wait3A_32 : memref<1x128xi32, #tpu.memory_space<vmem>> -> memref<128xi32, #tpu.memory_space<vmem>>
      %dma_wait3A_34 = arith.constant 0 : i32
      %dma_wait3A_35 = tpu.memref_slice %arg5[%run_scoped3A_23, %dma_wait3A_34] : memref<8x128xi32, #tpu.memory_space<vmem>> -> memref<1x128xi32, #tpu.memory_space<vmem>>
      %dma_wait3A_36 = tpu.memref_squeeze %dma_wait3A_35 : memref<1x128xi32, #tpu.memory_space<vmem>> -> memref<128xi32, #tpu.memory_space<vmem>>
      %dma_wait3A_37 = arith.constant 0 : i32
      %dma_wait3A_38 = tpu.memref_slice %arg4[%dma_wait3A_37] : memref<1000000xi32, #tpu.memory_space<hbm>> -> memref<1000000xi32, #tpu.memory_space<hbm>>
      tpu.wait_indirect_dma semaphore(%run_scoped3A_24 : memref<!tpu.dma_semaphore, #tpu.memory_space<semaphore_mem>>) src(%dma_wait3A_33 : memref<128xi32, #tpu.memory_space<vmem>>) dst(%dma_wait3A_38 : memref<1000000xi32, #tpu.memory_space<hbm>>)
      tpu.yield
    }) : () -> ()
    return
  }
}

#map = affine_map<(d0, d1) -> (0, 0)>
#map1 = affine_map<(d0, d1) -> (0)>
module attributes {stable_mosaic.version = 14 : i64} {
  func.func @_loss_body(%arg0: i32, %arg1: i32, %arg2: memref<128x128xi32, #tpu.memory_space<hbm>>, %arg3: memref<16384x64xf32, #tpu.memory_space<hbm>>, %arg4: memref<1000000x64xf32, #tpu.memory_space<hbm>>, %arg5: memref<1000000xi32, #tpu.memory_space<hbm>>, %arg6: memref<128x64xf32, #tpu.memory_space<hbm>>, %arg7: memref<128xf32, #tpu.memory_space<hbm>>, %arg8: memref<128xf32, #tpu.memory_space<hbm>>, %arg9: memref<16xf32, #tpu.memory_space<hbm>>, %arg10: memref<16384x64xf32, #tpu.memory_space<vmem_shared>>, %arg11: memref<16384xf32, #tpu.memory_space<vmem_shared>>, %arg12: memref<16x16xf32, #tpu.memory_space<vmem_shared>>, %arg13: memref<8x128xi32, #tpu.memory_space<vmem>>, %arg14: memref<8x128xi32, #tpu.memory_space<vmem>>, %arg15: memref<128x64xf32, #tpu.memory_space<vmem>>, %arg16: memref<128x64xf32, #tpu.memory_space<vmem>>, %arg17: memref<128x64xf32, #tpu.memory_space<vmem>>, %arg18: memref<128xf32, #tpu.memory_space<vmem>>, %arg19: memref<144xf32, #tpu.memory_space<vmem>>, %arg20: memref<128xf32, #tpu.memory_space<vmem>>, %arg21: memref<16x16xf32, #tpu.memory_space<vmem>>, %arg22: memref<16xf32, #tpu.memory_space<vmem>>, %arg23: memref<16xf32, #tpu.memory_space<vmem>>) attributes {dimension_semantics = [#tpu.dimension_semantics<core_parallel>, #tpu.dimension_semantics<subcore_parallel>], iteration_bounds = array<i64: 1, 16>, scalar_prefetch = 0 : i64, scratch_operands = 14 : i64, tpu.core_type = #tpu.core_type<sc_vector_subcore>, window_params = [{transform_indices = #map}, {transform_indices = #map}, {transform_indices = #map}, {transform_indices = #map1}, {transform_indices = #map}, {transform_indices = #map1}, {transform_indices = #map1}, {transform_indices = #map1}]} {
    %mul3A = arith.constant 1024 : i32
    %mul3A_0 = arith.muli %arg1, %mul3A : i32
    %mul3A_1 = arith.constant 8 : i32
    %mul3A_2 = arith.muli %arg1, %mul3A_1 : i32
    "tpu.region"() ({
      %run_scoped3A_310 = tpu.sem_alloc : memref<!tpu.dma_semaphore, #tpu.memory_space<semaphore_mem>>
      %dma_start3A = arith.constant 0 : i32
      %dma_start3A_311 = tpu.memref_slice %arg2[%mul3A_2, %dma_start3A] : memref<128x128xi32, #tpu.memory_space<hbm>> -> memref<8x128xi32, #tpu.memory_space<hbm>>
      %dma_start3A_312 = arith.constant 0 : i32
      %dma_start3A_313 = tpu.memref_slice %arg2[%mul3A_2, %dma_start3A_312] : memref<128x128xi32, #tpu.memory_space<hbm>> -> memref<8x128xi32, #tpu.memory_space<hbm>>
      tpu.enqueue_dma source(%dma_start3A_313 : memref<8x128xi32, #tpu.memory_space<hbm>>) target(%arg13 : memref<8x128xi32, #tpu.memory_space<vmem>>) target_semaphore(%run_scoped3A_310 : memref<!tpu.dma_semaphore, #tpu.memory_space<semaphore_mem>>)
      %dma_wait3A = arith.constant 0 : i32
      %dma_wait3A_314 = tpu.memref_slice %arg2[%mul3A_2, %dma_wait3A] : memref<128x128xi32, #tpu.memory_space<hbm>> -> memref<8x128xi32, #tpu.memory_space<hbm>>
      %dma_wait3A_315 = arith.constant 0 : i32
      %dma_wait3A_316 = tpu.memref_slice %arg2[%mul3A_2, %dma_wait3A_315] : memref<128x128xi32, #tpu.memory_space<hbm>> -> memref<8x128xi32, #tpu.memory_space<hbm>>
      tpu.wait_dma2 semaphore(%run_scoped3A_310 : memref<!tpu.dma_semaphore, #tpu.memory_space<semaphore_mem>>) src(%dma_wait3A_316 : memref<8x128xi32, #tpu.memory_space<hbm>>) dst(%arg13 : memref<8x128xi32, #tpu.memory_space<vmem>>)
      tpu.yield
    }) : () -> ()
    %scan3A = arith.constant 0 : i32
    %scan3A_3 = arith.constant 0 : i32
    %scan3A_4 = arith.constant 8 : i32
    %scan3A_5 = arith.addi %scan3A_3, %scan3A_4 : i32
    %scan3A_6 = arith.constant 1 : i32
    %scan3A_7 = scf.for %scan3A_310 = %scan3A_3 to %scan3A_5 step %scan3A_6 iter_args(%scan3A_311 = %scan3A) -> (i32)  : i32 {
      %get3A = arith.index_cast %scan3A_310 : i32 to index
      %get3A_312 = arith.constant 0 : index
      %get3A_313 = tpu.vector_load %arg13[%get3A, %get3A_312] {strides = array<i32>} : memref<8x128xi32, #tpu.memory_space<vmem>>, vector<1x16xi32>,
      %get3A_314 = vector.shape_cast %get3A_313 : vector<1x16xi32> to vector<16xi32>
      %max3A = arith.constant 0 : i32
      %max3A_315 = vector.broadcast %max3A : i32 to vector<16xi32>
      %max3A_316 = arith.maxsi %get3A_314, %max3A_315 : vector<16xi32>
      %min3A = arith.constant 999999 : i32
      %min3A_317 = vector.broadcast %min3A : i32 to vector<16xi32>
      %min3A_318 = arith.minsi %max3A_316, %min3A_317 : vector<16xi32>
      %swap3A_319 = arith.index_cast %scan3A_310 : i32 to index
      %swap3A_320 = arith.constant 0 : index
      %swap3A_321 = tpu.vector_load %arg13[%swap3A_319, %swap3A_320] {strides = array<i32>} : memref<8x128xi32, #tpu.memory_space<vmem>>, vector<1x16xi32>,
      %swap3A_322 = vector.shape_cast %swap3A_321 : vector<1x16xi32> to vector<16xi32>
      %swap3A_323 = vector.shape_cast %min3A_318 : vector<16xi32> to vector<1x16xi32>
      tpu.vector_store %arg13[%swap3A_319, %swap3A_320], %swap3A_323 {strides = array<i32>} : memref<8x128xi32, #tpu.memory_space<vmem>>, vector<1x16xi32>,
      %get3A_324 = arith.index_cast %scan3A_310 : i32 to index
      %get3A_325 = arith.constant 16 : index
      %get3A_326 = tpu.vector_load %arg13[%get3A_324, %get3A_325] {strides = array<i32>} : memref<8x128xi32, #tpu.memory_space<vmem>>, vector<1x16xi32>,
      %get3A_327 = vector.shape_cast %get3A_326 : vector<1x16xi32> to vector<16xi32>
      %max3A_328 = arith.constant 0 : i32
      %max3A_329 = vector.broadcast %max3A_328 : i32 to vector<16xi32>
      %max3A_330 = arith.maxsi %get3A_327, %max3A_329 : vector<16xi32>
      %min3A_331 = arith.constant 999999 : i32
      %min3A_332 = vector.broadcast %min3A_331 : i32 to vector<16xi32>
      %min3A_333 = arith.minsi %max3A_330, %min3A_332 : vector<16xi32>
      %swap3A_334 = arith.index_cast %scan3A_310 : i32 to index
      %swap3A_335 = arith.constant 16 : index
      %swap3A_336 = tpu.vector_load %arg13[%swap3A_334, %swap3A_335] {strides = array<i32>} : memref<8x128xi32, #tpu.memory_space<vmem>>, vector<1x16xi32>,
      %swap3A_337 = vector.shape_cast %swap3A_336 : vector<1x16xi32> to vector<16xi32>
      %swap3A_338 = vector.shape_cast %min3A_333 : vector<16xi32> to vector<1x16xi32>
      tpu.vector_store %arg13[%swap3A_334, %swap3A_335], %swap3A_338 {strides = array<i32>} : memref<8x128xi32, #tpu.memory_space<vmem>>, vector<1x16xi32>,
      %get3A_339 = arith.index_cast %scan3A_310 : i32 to index
      %get3A_340 = arith.constant 32 : index
      %get3A_341 = tpu.vector_load %arg13[%get3A_339, %get3A_340] {strides = array<i32>} : memref<8x128xi32, #tpu.memory_space<vmem>>, vector<1x16xi32>,
      %get3A_342 = vector.shape_cast %get3A_341 : vector<1x16xi32> to vector<16xi32>
      %max3A_343 = arith.constant 0 : i32
      %max3A_344 = vector.broadcast %max3A_343 : i32 to vector<16xi32>
      %max3A_345 = arith.maxsi %get3A_342, %max3A_344 : vector<16xi32>
      %min3A_346 = arith.constant 999999 : i32
      %min3A_347 = vector.broadcast %min3A_346 : i32 to vector<16xi32>
      %min3A_348 = arith.minsi %max3A_345, %min3A_347 : vector<16xi32>
      %swap3A_349 = arith.index_cast %scan3A_310 : i32 to index
      %swap3A_350 = arith.constant 32 : index
      %swap3A_351 = tpu.vector_load %arg13[%swap3A_349, %swap3A_350] {strides = array<i32>} : memref<8x128xi32, #tpu.memory_space<vmem>>, vector<1x16xi32>,
      %swap3A_352 = vector.shape_cast %swap3A_351 : vector<1x16xi32> to vector<16xi32>
      %swap3A_353 = vector.shape_cast %min3A_348 : vector<16xi32> to vector<1x16xi32>
      tpu.vector_store %arg13[%swap3A_349, %swap3A_350], %swap3A_353 {strides = array<i32>} : memref<8x128xi32, #tpu.memory_space<vmem>>, vector<1x16xi32>,
      %get3A_354 = arith.index_cast %scan3A_310 : i32 to index
      %get3A_355 = arith.constant 48 : index
      %get3A_356 = tpu.vector_load %arg13[%get3A_354, %get3A_355] {strides = array<i32>} : memref<8x128xi32, #tpu.memory_space<vmem>>, vector<1x16xi32>,
      %get3A_357 = vector.shape_cast %get3A_356 : vector<1x16xi32> to vector<16xi32>
      %max3A_358 = arith.constant 0 : i32
      %max3A_359 = vector.broadcast %max3A_358 : i32 to vector<16xi32>
      %max3A_360 = arith.maxsi %get3A_357, %max3A_359 : vector<16xi32>
      %min3A_361 = arith.constant 999999 : i32
      %min3A_362 = vector.broadcast %min3A_361 : i32 to vector<16xi32>
      %min3A_363 = arith.minsi %max3A_360, %min3A_362 : vector<16xi32>
      %swap3A_364 = arith.index_cast %scan3A_310 : i32 to index
      %swap3A_365 = arith.constant 48 : index
      %swap3A_366 = tpu.vector_load %arg13[%swap3A_364, %swap3A_365] {strides = array<i32>} : memref<8x128xi32, #tpu.memory_space<vmem>>, vector<1x16xi32>,
      %swap3A_367 = vector.shape_cast %swap3A_366 : vector<1x16xi32> to vector<16xi32>
      %swap3A_368 = vector.shape_cast %min3A_363 : vector<16xi32> to vector<1x16xi32>
      tpu.vector_store %arg13[%swap3A_364, %swap3A_365], %swap3A_368 {strides = array<i32>} : memref<8x128xi32, #tpu.memory_space<vmem>>, vector<1x16xi32>,
      %get3A_369 = arith.index_cast %scan3A_310 : i32 to index
      %get3A_370 = arith.constant 64 : index
      %get3A_371 = tpu.vector_load %arg13[%get3A_369, %get3A_370] {strides = array<i32>} : memref<8x128xi32, #tpu.memory_space<vmem>>, vector<1x16xi32>,
      %get3A_372 = vector.shape_cast %get3A_371 : vector<1x16xi32> to vector<16xi32>
      %max3A_373 = arith.constant 0 : i32
      %max3A_374 = vector.broadcast %max3A_373 : i32 to vector<16xi32>
      %max3A_375 = arith.maxsi %get3A_372, %max3A_374 : vector<16xi32>
      %min3A_376 = arith.constant 999999 : i32
      %min3A_377 = vector.broadcast %min3A_376 : i32 to vector<16xi32>
      %min3A_378 = arith.minsi %max3A_375, %min3A_377 : vector<16xi32>
      %swap3A_379 = arith.index_cast %scan3A_310 : i32 to index
      %swap3A_380 = arith.constant 64 : index
      %swap3A_381 = tpu.vector_load %arg13[%swap3A_379, %swap3A_380] {strides = array<i32>} : memref<8x128xi32, #tpu.memory_space<vmem>>, vector<1x16xi32>,
      %swap3A_382 = vector.shape_cast %swap3A_381 : vector<1x16xi32> to vector<16xi32>
      %swap3A_383 = vector.shape_cast %min3A_378 : vector<16xi32> to vector<1x16xi32>
      tpu.vector_store %arg13[%swap3A_379, %swap3A_380], %swap3A_383 {strides = array<i32>} : memref<8x128xi32, #tpu.memory_space<vmem>>, vector<1x16xi32>,
      %get3A_384 = arith.index_cast %scan3A_310 : i32 to index
      %get3A_385 = arith.constant 80 : index
      %get3A_386 = tpu.vector_load %arg13[%get3A_384, %get3A_385] {strides = array<i32>} : memref<8x128xi32, #tpu.memory_space<vmem>>, vector<1x16xi32>,
      %get3A_387 = vector.shape_cast %get3A_386 : vector<1x16xi32> to vector<16xi32>
      %max3A_388 = arith.constant 0 : i32
      %max3A_389 = vector.broadcast %max3A_388 : i32 to vector<16xi32>
      %max3A_390 = arith.maxsi %get3A_387, %max3A_389 : vector<16xi32>
      %min3A_391 = arith.constant 999999 : i32
      %min3A_392 = vector.broadcast %min3A_391 : i32 to vector<16xi32>
      %min3A_393 = arith.minsi %max3A_390, %min3A_392 : vector<16xi32>
      %swap3A_394 = arith.index_cast %scan3A_310 : i32 to index
      %swap3A_395 = arith.constant 80 : index
      %swap3A_396 = tpu.vector_load %arg13[%swap3A_394, %swap3A_395] {strides = array<i32>} : memref<8x128xi32, #tpu.memory_space<vmem>>, vector<1x16xi32>,
      %swap3A_397 = vector.shape_cast %swap3A_396 : vector<1x16xi32> to vector<16xi32>
      %swap3A_398 = vector.shape_cast %min3A_393 : vector<16xi32> to vector<1x16xi32>
      tpu.vector_store %arg13[%swap3A_394, %swap3A_395], %swap3A_398 {strides = array<i32>} : memref<8x128xi32, #tpu.memory_space<vmem>>, vector<1x16xi32>,
      %get3A_399 = arith.index_cast %scan3A_310 : i32 to index
      %get3A_400 = arith.constant 96 : index
      %get3A_401 = tpu.vector_load %arg13[%get3A_399, %get3A_400] {strides = array<i32>} : memref<8x128xi32, #tpu.memory_space<vmem>>, vector<1x16xi32>,
      %get3A_402 = vector.shape_cast %get3A_401 : vector<1x16xi32> to vector<16xi32>
      %max3A_403 = arith.constant 0 : i32
      %max3A_404 = vector.broadcast %max3A_403 : i32 to vector<16xi32>
      %max3A_405 = arith.maxsi %get3A_402, %max3A_404 : vector<16xi32>
      %min3A_406 = arith.constant 999999 : i32
      %min3A_407 = vector.broadcast %min3A_406 : i32 to vector<16xi32>
      %min3A_408 = arith.minsi %max3A_405, %min3A_407 : vector<16xi32>
      %swap3A_409 = arith.index_cast %scan3A_310 : i32 to index
      %swap3A_410 = arith.constant 96 : index
      %swap3A_411 = tpu.vector_load %arg13[%swap3A_409, %swap3A_410] {strides = array<i32>} : memref<8x128xi32, #tpu.memory_space<vmem>>, vector<1x16xi32>,
      %swap3A_412 = vector.shape_cast %swap3A_411 : vector<1x16xi32> to vector<16xi32>
      %swap3A_413 = vector.shape_cast %min3A_408 : vector<16xi32> to vector<1x16xi32>
      tpu.vector_store %arg13[%swap3A_409, %swap3A_410], %swap3A_413 {strides = array<i32>} : memref<8x128xi32, #tpu.memory_space<vmem>>, vector<1x16xi32>,
      %get3A_414 = arith.index_cast %scan3A_310 : i32 to index
      %get3A_415 = arith.constant 112 : index
      %get3A_416 = tpu.vector_load %arg13[%get3A_414, %get3A_415] {strides = array<i32>} : memref<8x128xi32, #tpu.memory_space<vmem>>, vector<1x16xi32>,
      %get3A_417 = vector.shape_cast %get3A_416 : vector<1x16xi32> to vector<16xi32>
      %max3A_418 = arith.constant 0 : i32
      %max3A_419 = vector.broadcast %max3A_418 : i32 to vector<16xi32>
      %max3A_420 = arith.maxsi %get3A_417, %max3A_419 : vector<16xi32>
      %min3A_421 = arith.constant 999999 : i32
      %min3A_422 = vector.broadcast %min3A_421 : i32 to vector<16xi32>
      %min3A_423 = arith.minsi %max3A_420, %min3A_422 : vector<16xi32>
      %swap3A_424 = arith.index_cast %scan3A_310 : i32 to index
      %swap3A_425 = arith.constant 112 : index
      %swap3A_426 = tpu.vector_load %arg13[%swap3A_424, %swap3A_425] {strides = array<i32>} : memref<8x128xi32, #tpu.memory_space<vmem>>, vector<1x16xi32>,
      %swap3A_427 = vector.shape_cast %swap3A_426 : vector<1x16xi32> to vector<16xi32>
      %swap3A_428 = vector.shape_cast %min3A_423 : vector<16xi32> to vector<1x16xi32>
      tpu.vector_store %arg13[%swap3A_424, %swap3A_425], %swap3A_428 {strides = array<i32>} : memref<8x128xi32, #tpu.memory_space<vmem>>, vector<1x16xi32>,
      %scan3A_429 = arith.constant 0 : i32
      scf.yield %scan3A_429 : i32
    }
    %scan3A_8 = arith.constant 8 : i32
    "tpu.region"() ({
      %run_scoped3A_310 = tpu.sem_alloc : memref<!tpu.dma_semaphore, #tpu.memory_space<semaphore_mem>>
      tpu.enqueue_dma source(%arg6 : memref<128x64xf32, #tpu.memory_space<hbm>>) target(%arg17 : memref<128x64xf32, #tpu.memory_space<vmem>>) target_semaphore(%run_scoped3A_310 : memref<!tpu.dma_semaphore, #tpu.memory_space<semaphore_mem>>)
      tpu.wait_dma2 semaphore(%run_scoped3A_310 : memref<!tpu.dma_semaphore, #tpu.memory_space<semaphore_mem>>) src(%arg6 : memref<128x64xf32, #tpu.memory_space<hbm>>) dst(%arg17 : memref<128x64xf32, #tpu.memory_space<vmem>>)
      tpu.yield
    }) : () -> ()
    "tpu.region"() ({
      %run_scoped3A_310 = tpu.sem_alloc : memref<!tpu.dma_semaphore, #tpu.memory_space<semaphore_mem>>
      tpu.enqueue_dma source(%arg7 : memref<128xf32, #tpu.memory_space<hbm>>) target(%arg18 : memref<128xf32, #tpu.memory_space<vmem>>) target_semaphore(%run_scoped3A_310 : memref<!tpu.dma_semaphore, #tpu.memory_space<semaphore_mem>>)
      tpu.wait_dma2 semaphore(%run_scoped3A_310 : memref<!tpu.dma_semaphore, #tpu.memory_space<semaphore_mem>>) src(%arg7 : memref<128xf32, #tpu.memory_space<hbm>>) dst(%arg18 : memref<128xf32, #tpu.memory_space<vmem>>)
      tpu.yield
    }) : () -> ()
    "tpu.region"() ({
      %run_scoped3A_310 = tpu.sem_alloc : memref<!tpu.dma_semaphore, #tpu.memory_space<semaphore_mem>>
      tpu.enqueue_dma source(%arg8 : memref<128xf32, #tpu.memory_space<hbm>>) target(%arg20 : memref<128xf32, #tpu.memory_space<vmem>>) target_semaphore(%run_scoped3A_310 : memref<!tpu.dma_semaphore, #tpu.memory_space<semaphore_mem>>)
      tpu.wait_dma2 semaphore(%run_scoped3A_310 : memref<!tpu.dma_semaphore, #tpu.memory_space<semaphore_mem>>) src(%arg8 : memref<128xf32, #tpu.memory_space<hbm>>) dst(%arg20 : memref<128xf32, #tpu.memory_space<vmem>>)
      tpu.yield
    }) : () -> ()
    %add3A = arith.constant 0 : i32
    %add3A_9 = arith.addi %mul3A_0, %add3A : i32
    "tpu.region"() ({
      %run_scoped3A_310 = tpu.sem_alloc : memref<!tpu.dma_semaphore, #tpu.memory_space<semaphore_mem>>
      %dma_start3A = arith.constant 0 : i32
      %dma_start3A_311 = tpu.memref_slice %arg10[%add3A_9, %dma_start3A] : memref<16384x64xf32, #tpu.memory_space<vmem_shared>> -> memref<128x64xf32, #tpu.memory_space<vmem_shared>>
      %dma_start3A_312 = arith.constant 0 : i32
      %dma_start3A_313 = tpu.memref_slice %arg10[%add3A_9, %dma_start3A_312] : memref<16384x64xf32, #tpu.memory_space<vmem_shared>> -> memref<128x64xf32, #tpu.memory_space<vmem_shared>>
      tpu.enqueue_dma source(%arg17 : memref<128x64xf32, #tpu.memory_space<vmem>>) target(%dma_start3A_313 : memref<128x64xf32, #tpu.memory_space<vmem_shared>>) target_semaphore(%run_scoped3A_310 : memref<!tpu.dma_semaphore, #tpu.memory_space<semaphore_mem>>)
      %dma_wait3A = arith.constant 0 : i32
      %dma_wait3A_314 = tpu.memref_slice %arg10[%add3A_9, %dma_wait3A] : memref<16384x64xf32, #tpu.memory_space<vmem_shared>> -> memref<128x64xf32, #tpu.memory_space<vmem_shared>>
      %dma_wait3A_315 = arith.constant 0 : i32
      %dma_wait3A_316 = tpu.memref_slice %arg10[%add3A_9, %dma_wait3A_315] : memref<16384x64xf32, #tpu.memory_space<vmem_shared>> -> memref<128x64xf32, #tpu.memory_space<vmem_shared>>
      tpu.wait_dma2 semaphore(%run_scoped3A_310 : memref<!tpu.dma_semaphore, #tpu.memory_space<semaphore_mem>>) src(%arg17 : memref<128x64xf32, #tpu.memory_space<vmem>>) dst(%dma_wait3A_316 : memref<128x64xf32, #tpu.memory_space<vmem_shared>>)
      tpu.yield
    }) : () -> ()
    %add3A_10 = arith.constant 0 : i32
    %add3A_11 = arith.addi %mul3A_0, %add3A_10 : i32
    "tpu.region"() ({
      %run_scoped3A_310 = tpu.sem_alloc : memref<!tpu.dma_semaphore, #tpu.memory_space<semaphore_mem>>
      %dma_start3A = tpu.memref_slice %arg11[%add3A_11] : memref<16384xf32, #tpu.memory_space<vmem_shared>> -> memref<128xf32, #tpu.memory_space<vmem_shared>>
      %dma_start3A_311 = tpu.memref_slice %arg11[%add3A_11] : memref<16384xf32, #tpu.memory_space<vmem_shared>> -> memref<128xf32, #tpu.memory_space<vmem_shared>>
      tpu.enqueue_dma source(%arg18 : memref<128xf32, #tpu.memory_space<vmem>>) target(%dma_start3A_311 : memref<128xf32, #tpu.memory_space<vmem_shared>>) target_semaphore(%run_scoped3A_310 : memref<!tpu.dma_semaphore, #tpu.memory_space<semaphore_mem>>)
      %dma_wait3A = tpu.memref_slice %arg11[%add3A_11] : memref<16384xf32, #tpu.memory_space<vmem_shared>> -> memref<128xf32, #tpu.memory_space<vmem_shared>>
      %dma_wait3A_312 = tpu.memref_slice %arg11[%add3A_11] : memref<16384xf32, #tpu.memory_space<vmem_shared>> -> memref<128xf32, #tpu.memory_space<vmem_shared>>
      tpu.wait_dma2 semaphore(%run_scoped3A_310 : memref<!tpu.dma_semaphore, #tpu.memory_space<semaphore_mem>>) src(%arg18 : memref<128xf32, #tpu.memory_space<vmem>>) dst(%dma_wait3A_312 : memref<128xf32, #tpu.memory_space<vmem_shared>>)
      tpu.yield
    }) : () -> ()
    %add3A_12 = arith.constant 128 : i32
    %add3A_13 = arith.addi %mul3A_0, %add3A_12 : i32
    "tpu.region"() ({
      %run_scoped3A_310 = tpu.sem_alloc : memref<!tpu.dma_semaphore, #tpu.memory_space<semaphore_mem>>
      %dma_start3A = arith.constant 0 : i32
      %dma_start3A_311 = tpu.memref_slice %arg10[%add3A_13, %dma_start3A] : memref<16384x64xf32, #tpu.memory_space<vmem_shared>> -> memref<128x64xf32, #tpu.memory_space<vmem_shared>>
      %dma_start3A_312 = arith.constant 0 : i32
      %dma_start3A_313 = tpu.memref_slice %arg10[%add3A_13, %dma_start3A_312] : memref<16384x64xf32, #tpu.memory_space<vmem_shared>> -> memref<128x64xf32, #tpu.memory_space<vmem_shared>>
      tpu.enqueue_dma source(%arg17 : memref<128x64xf32, #tpu.memory_space<vmem>>) target(%dma_start3A_313 : memref<128x64xf32, #tpu.memory_space<vmem_shared>>) target_semaphore(%run_scoped3A_310 : memref<!tpu.dma_semaphore, #tpu.memory_space<semaphore_mem>>)
      %dma_wait3A = arith.constant 0 : i32
      %dma_wait3A_314 = tpu.memref_slice %arg10[%add3A_13, %dma_wait3A] : memref<16384x64xf32, #tpu.memory_space<vmem_shared>> -> memref<128x64xf32, #tpu.memory_space<vmem_shared>>
      %dma_wait3A_315 = arith.constant 0 : i32
      %dma_wait3A_316 = tpu.memref_slice %arg10[%add3A_13, %dma_wait3A_315] : memref<16384x64xf32, #tpu.memory_space<vmem_shared>> -> memref<128x64xf32, #tpu.memory_space<vmem_shared>>
      tpu.wait_dma2 semaphore(%run_scoped3A_310 : memref<!tpu.dma_semaphore, #tpu.memory_space<semaphore_mem>>) src(%arg17 : memref<128x64xf32, #tpu.memory_space<vmem>>) dst(%dma_wait3A_316 : memref<128x64xf32, #tpu.memory_space<vmem_shared>>)
      tpu.yield
    }) : () -> ()
    %add3A_14 = arith.constant 128 : i32
    %add3A_15 = arith.addi %mul3A_0, %add3A_14 : i32
    "tpu.region"() ({
      %run_scoped3A_310 = tpu.sem_alloc : memref<!tpu.dma_semaphore, #tpu.memory_space<semaphore_mem>>
      %dma_start3A = tpu.memref_slice %arg11[%add3A_15] : memref<16384xf32, #tpu.memory_space<vmem_shared>> -> memref<128xf32, #tpu.memory_space<vmem_shared>>
      %dma_start3A_311 = tpu.memref_slice %arg11[%add3A_15] : memref<16384xf32, #tpu.memory_space<vmem_shared>> -> memref<128xf32, #tpu.memory_space<vmem_shared>>
      tpu.enqueue_dma source(%arg18 : memref<128xf32, #tpu.memory_space<vmem>>) target(%dma_start3A_311 : memref<128xf32, #tpu.memory_space<vmem_shared>>) target_semaphore(%run_scoped3A_310 : memref<!tpu.dma_semaphore, #tpu.memory_space<semaphore_mem>>)
      %dma_wait3A = tpu.memref_slice %arg11[%add3A_15] : memref<16384xf32, #tpu.memory_space<vmem_shared>> -> memref<128xf32, #tpu.memory_space<vmem_shared>>
      %dma_wait3A_312 = tpu.memref_slice %arg11[%add3A_15] : memref<16384xf32, #tpu.memory_space<vmem_shared>> -> memref<128xf32, #tpu.memory_space<vmem_shared>>
      tpu.wait_dma2 semaphore(%run_scoped3A_310 : memref<!tpu.dma_semaphore, #tpu.memory_space<semaphore_mem>>) src(%arg18 : memref<128xf32, #tpu.memory_space<vmem>>) dst(%dma_wait3A_312 : memref<128xf32, #tpu.memory_space<vmem_shared>>)
      tpu.yield
    }) : () -> ()
    %add3A_16 = arith.constant 256 : i32
    %add3A_17 = arith.addi %mul3A_0, %add3A_16 : i32
    "tpu.region"() ({
      %run_scoped3A_310 = tpu.sem_alloc : memref<!tpu.dma_semaphore, #tpu.memory_space<semaphore_mem>>
      %dma_start3A = arith.constant 0 : i32
      %dma_start3A_311 = tpu.memref_slice %arg10[%add3A_17, %dma_start3A] : memref<16384x64xf32, #tpu.memory_space<vmem_shared>> -> memref<128x64xf32, #tpu.memory_space<vmem_shared>>
      %dma_start3A_312 = arith.constant 0 : i32
      %dma_start3A_313 = tpu.memref_slice %arg10[%add3A_17, %dma_start3A_312] : memref<16384x64xf32, #tpu.memory_space<vmem_shared>> -> memref<128x64xf32, #tpu.memory_space<vmem_shared>>
      tpu.enqueue_dma source(%arg17 : memref<128x64xf32, #tpu.memory_space<vmem>>) target(%dma_start3A_313 : memref<128x64xf32, #tpu.memory_space<vmem_shared>>) target_semaphore(%run_scoped3A_310 : memref<!tpu.dma_semaphore, #tpu.memory_space<semaphore_mem>>)
      %dma_wait3A = arith.constant 0 : i32
      %dma_wait3A_314 = tpu.memref_slice %arg10[%add3A_17, %dma_wait3A] : memref<16384x64xf32, #tpu.memory_space<vmem_shared>> -> memref<128x64xf32, #tpu.memory_space<vmem_shared>>
      %dma_wait3A_315 = arith.constant 0 : i32
      %dma_wait3A_316 = tpu.memref_slice %arg10[%add3A_17, %dma_wait3A_315] : memref<16384x64xf32, #tpu.memory_space<vmem_shared>> -> memref<128x64xf32, #tpu.memory_space<vmem_shared>>
      tpu.wait_dma2 semaphore(%run_scoped3A_310 : memref<!tpu.dma_semaphore, #tpu.memory_space<semaphore_mem>>) src(%arg17 : memref<128x64xf32, #tpu.memory_space<vmem>>) dst(%dma_wait3A_316 : memref<128x64xf32, #tpu.memory_space<vmem_shared>>)
      tpu.yield
    }) : () -> ()
    %add3A_18 = arith.constant 256 : i32
    %add3A_19 = arith.addi %mul3A_0, %add3A_18 : i32
    "tpu.region"() ({
      %run_scoped3A_310 = tpu.sem_alloc : memref<!tpu.dma_semaphore, #tpu.memory_space<semaphore_mem>>
      %dma_start3A = tpu.memref_slice %arg11[%add3A_19] : memref<16384xf32, #tpu.memory_space<vmem_shared>> -> memref<128xf32, #tpu.memory_space<vmem_shared>>
      %dma_start3A_311 = tpu.memref_slice %arg11[%add3A_19] : memref<16384xf32, #tpu.memory_space<vmem_shared>> -> memref<128xf32, #tpu.memory_space<vmem_shared>>
      tpu.enqueue_dma source(%arg18 : memref<128xf32, #tpu.memory_space<vmem>>) target(%dma_start3A_311 : memref<128xf32, #tpu.memory_space<vmem_shared>>) target_semaphore(%run_scoped3A_310 : memref<!tpu.dma_semaphore, #tpu.memory_space<semaphore_mem>>)
      %dma_wait3A = tpu.memref_slice %arg11[%add3A_19] : memref<16384xf32, #tpu.memory_space<vmem_shared>> -> memref<128xf32, #tpu.memory_space<vmem_shared>>
      %dma_wait3A_312 = tpu.memref_slice %arg11[%add3A_19] : memref<16384xf32, #tpu.memory_space<vmem_shared>> -> memref<128xf32, #tpu.memory_space<vmem_shared>>
      tpu.wait_dma2 semaphore(%run_scoped3A_310 : memref<!tpu.dma_semaphore, #tpu.memory_space<semaphore_mem>>) src(%arg18 : memref<128xf32, #tpu.memory_space<vmem>>) dst(%dma_wait3A_312 : memref<128xf32, #tpu.memory_space<vmem_shared>>)
      tpu.yield
    }) : () -> ()
    %add3A_20 = arith.constant 384 : i32
    %add3A_21 = arith.addi %mul3A_0, %add3A_20 : i32
    "tpu.region"() ({
      %run_scoped3A_310 = tpu.sem_alloc : memref<!tpu.dma_semaphore, #tpu.memory_space<semaphore_mem>>
      %dma_start3A = arith.constant 0 : i32
      %dma_start3A_311 = tpu.memref_slice %arg10[%add3A_21, %dma_start3A] : memref<16384x64xf32, #tpu.memory_space<vmem_shared>> -> memref<128x64xf32, #tpu.memory_space<vmem_shared>>
      %dma_start3A_312 = arith.constant 0 : i32
      %dma_start3A_313 = tpu.memref_slice %arg10[%add3A_21, %dma_start3A_312] : memref<16384x64xf32, #tpu.memory_space<vmem_shared>> -> memref<128x64xf32, #tpu.memory_space<vmem_shared>>
      tpu.enqueue_dma source(%arg17 : memref<128x64xf32, #tpu.memory_space<vmem>>) target(%dma_start3A_313 : memref<128x64xf32, #tpu.memory_space<vmem_shared>>) target_semaphore(%run_scoped3A_310 : memref<!tpu.dma_semaphore, #tpu.memory_space<semaphore_mem>>)
      %dma_wait3A = arith.constant 0 : i32
      %dma_wait3A_314 = tpu.memref_slice %arg10[%add3A_21, %dma_wait3A] : memref<16384x64xf32, #tpu.memory_space<vmem_shared>> -> memref<128x64xf32, #tpu.memory_space<vmem_shared>>
      %dma_wait3A_315 = arith.constant 0 : i32
      %dma_wait3A_316 = tpu.memref_slice %arg10[%add3A_21, %dma_wait3A_315] : memref<16384x64xf32, #tpu.memory_space<vmem_shared>> -> memref<128x64xf32, #tpu.memory_space<vmem_shared>>
      tpu.wait_dma2 semaphore(%run_scoped3A_310 : memref<!tpu.dma_semaphore, #tpu.memory_space<semaphore_mem>>) src(%arg17 : memref<128x64xf32, #tpu.memory_space<vmem>>) dst(%dma_wait3A_316 : memref<128x64xf32, #tpu.memory_space<vmem_shared>>)
      tpu.yield
    }) : () -> ()
    %add3A_22 = arith.constant 384 : i32
    %add3A_23 = arith.addi %mul3A_0, %add3A_22 : i32
    "tpu.region"() ({
      %run_scoped3A_310 = tpu.sem_alloc : memref<!tpu.dma_semaphore, #tpu.memory_space<semaphore_mem>>
      %dma_start3A = tpu.memref_slice %arg11[%add3A_23] : memref<16384xf32, #tpu.memory_space<vmem_shared>> -> memref<128xf32, #tpu.memory_space<vmem_shared>>
      %dma_start3A_311 = tpu.memref_slice %arg11[%add3A_23] : memref<16384xf32, #tpu.memory_space<vmem_shared>> -> memref<128xf32, #tpu.memory_space<vmem_shared>>
      tpu.enqueue_dma source(%arg18 : memref<128xf32, #tpu.memory_space<vmem>>) target(%dma_start3A_311 : memref<128xf32, #tpu.memory_space<vmem_shared>>) target_semaphore(%run_scoped3A_310 : memref<!tpu.dma_semaphore, #tpu.memory_space<semaphore_mem>>)
      %dma_wait3A = tpu.memref_slice %arg11[%add3A_23] : memref<16384xf32, #tpu.memory_space<vmem_shared>> -> memref<128xf32, #tpu.memory_space<vmem_shared>>
      %dma_wait3A_312 = tpu.memref_slice %arg11[%add3A_23] : memref<16384xf32, #tpu.memory_space<vmem_shared>> -> memref<128xf32, #tpu.memory_space<vmem_shared>>
      tpu.wait_dma2 semaphore(%run_scoped3A_310 : memref<!tpu.dma_semaphore, #tpu.memory_space<semaphore_mem>>) src(%arg18 : memref<128xf32, #tpu.memory_space<vmem>>) dst(%dma_wait3A_312 : memref<128xf32, #tpu.memory_space<vmem_shared>>)
      tpu.yield
    }) : () -> ()
    %add3A_24 = arith.constant 512 : i32
    %add3A_25 = arith.addi %mul3A_0, %add3A_24 : i32
    "tpu.region"() ({
      %run_scoped3A_310 = tpu.sem_alloc : memref<!tpu.dma_semaphore, #tpu.memory_space<semaphore_mem>>
      %dma_start3A = arith.constant 0 : i32
      %dma_start3A_311 = tpu.memref_slice %arg10[%add3A_25, %dma_start3A] : memref<16384x64xf32, #tpu.memory_space<vmem_shared>> -> memref<128x64xf32, #tpu.memory_space<vmem_shared>>
      %dma_start3A_312 = arith.constant 0 : i32
      %dma_start3A_313 = tpu.memref_slice %arg10[%add3A_25, %dma_start3A_312] : memref<16384x64xf32, #tpu.memory_space<vmem_shared>> -> memref<128x64xf32, #tpu.memory_space<vmem_shared>>
      tpu.enqueue_dma source(%arg17 : memref<128x64xf32, #tpu.memory_space<vmem>>) target(%dma_start3A_313 : memref<128x64xf32, #tpu.memory_space<vmem_shared>>) target_semaphore(%run_scoped3A_310 : memref<!tpu.dma_semaphore, #tpu.memory_space<semaphore_mem>>)
      %dma_wait3A = arith.constant 0 : i32
      %dma_wait3A_314 = tpu.memref_slice %arg10[%add3A_25, %dma_wait3A] : memref<16384x64xf32, #tpu.memory_space<vmem_shared>> -> memref<128x64xf32, #tpu.memory_space<vmem_shared>>
      %dma_wait3A_315 = arith.constant 0 : i32
      %dma_wait3A_316 = tpu.memref_slice %arg10[%add3A_25, %dma_wait3A_315] : memref<16384x64xf32, #tpu.memory_space<vmem_shared>> -> memref<128x64xf32, #tpu.memory_space<vmem_shared>>
      tpu.wait_dma2 semaphore(%run_scoped3A_310 : memref<!tpu.dma_semaphore, #tpu.memory_space<semaphore_mem>>) src(%arg17 : memref<128x64xf32, #tpu.memory_space<vmem>>) dst(%dma_wait3A_316 : memref<128x64xf32, #tpu.memory_space<vmem_shared>>)
      tpu.yield
    }) : () -> ()
    %add3A_26 = arith.constant 512 : i32
    %add3A_27 = arith.addi %mul3A_0, %add3A_26 : i32
    "tpu.region"() ({
      %run_scoped3A_310 = tpu.sem_alloc : memref<!tpu.dma_semaphore, #tpu.memory_space<semaphore_mem>>
      %dma_start3A = tpu.memref_slice %arg11[%add3A_27] : memref<16384xf32, #tpu.memory_space<vmem_shared>> -> memref<128xf32, #tpu.memory_space<vmem_shared>>
      %dma_start3A_311 = tpu.memref_slice %arg11[%add3A_27] : memref<16384xf32, #tpu.memory_space<vmem_shared>> -> memref<128xf32, #tpu.memory_space<vmem_shared>>
      tpu.enqueue_dma source(%arg18 : memref<128xf32, #tpu.memory_space<vmem>>) target(%dma_start3A_311 : memref<128xf32, #tpu.memory_space<vmem_shared>>) target_semaphore(%run_scoped3A_310 : memref<!tpu.dma_semaphore, #tpu.memory_space<semaphore_mem>>)
      %dma_wait3A = tpu.memref_slice %arg11[%add3A_27] : memref<16384xf32, #tpu.memory_space<vmem_shared>> -> memref<128xf32, #tpu.memory_space<vmem_shared>>
      %dma_wait3A_312 = tpu.memref_slice %arg11[%add3A_27] : memref<16384xf32, #tpu.memory_space<vmem_shared>> -> memref<128xf32, #tpu.memory_space<vmem_shared>>
      tpu.wait_dma2 semaphore(%run_scoped3A_310 : memref<!tpu.dma_semaphore, #tpu.memory_space<semaphore_mem>>) src(%arg18 : memref<128xf32, #tpu.memory_space<vmem>>) dst(%dma_wait3A_312 : memref<128xf32, #tpu.memory_space<vmem_shared>>)
      tpu.yield
    }) : () -> ()
    %add3A_28 = arith.constant 640 : i32
    %add3A_29 = arith.addi %mul3A_0, %add3A_28 : i32
    "tpu.region"() ({
      %run_scoped3A_310 = tpu.sem_alloc : memref<!tpu.dma_semaphore, #tpu.memory_space<semaphore_mem>>
      %dma_start3A = arith.constant 0 : i32
      %dma_start3A_311 = tpu.memref_slice %arg10[%add3A_29, %dma_start3A] : memref<16384x64xf32, #tpu.memory_space<vmem_shared>> -> memref<128x64xf32, #tpu.memory_space<vmem_shared>>
      %dma_start3A_312 = arith.constant 0 : i32
      %dma_start3A_313 = tpu.memref_slice %arg10[%add3A_29, %dma_start3A_312] : memref<16384x64xf32, #tpu.memory_space<vmem_shared>> -> memref<128x64xf32, #tpu.memory_space<vmem_shared>>
      tpu.enqueue_dma source(%arg17 : memref<128x64xf32, #tpu.memory_space<vmem>>) target(%dma_start3A_313 : memref<128x64xf32, #tpu.memory_space<vmem_shared>>) target_semaphore(%run_scoped3A_310 : memref<!tpu.dma_semaphore, #tpu.memory_space<semaphore_mem>>)
      %dma_wait3A = arith.constant 0 : i32
      %dma_wait3A_314 = tpu.memref_slice %arg10[%add3A_29, %dma_wait3A] : memref<16384x64xf32, #tpu.memory_space<vmem_shared>> -> memref<128x64xf32, #tpu.memory_space<vmem_shared>>
      %dma_wait3A_315 = arith.constant 0 : i32
      %dma_wait3A_316 = tpu.memref_slice %arg10[%add3A_29, %dma_wait3A_315] : memref<16384x64xf32, #tpu.memory_space<vmem_shared>> -> memref<128x64xf32, #tpu.memory_space<vmem_shared>>
      tpu.wait_dma2 semaphore(%run_scoped3A_310 : memref<!tpu.dma_semaphore, #tpu.memory_space<semaphore_mem>>) src(%arg17 : memref<128x64xf32, #tpu.memory_space<vmem>>) dst(%dma_wait3A_316 : memref<128x64xf32, #tpu.memory_space<vmem_shared>>)
      tpu.yield
    }) : () -> ()
    %add3A_30 = arith.constant 640 : i32
    %add3A_31 = arith.addi %mul3A_0, %add3A_30 : i32
    "tpu.region"() ({
      %run_scoped3A_310 = tpu.sem_alloc : memref<!tpu.dma_semaphore, #tpu.memory_space<semaphore_mem>>
      %dma_start3A = tpu.memref_slice %arg11[%add3A_31] : memref<16384xf32, #tpu.memory_space<vmem_shared>> -> memref<128xf32, #tpu.memory_space<vmem_shared>>
      %dma_start3A_311 = tpu.memref_slice %arg11[%add3A_31] : memref<16384xf32, #tpu.memory_space<vmem_shared>> -> memref<128xf32, #tpu.memory_space<vmem_shared>>
      tpu.enqueue_dma source(%arg18 : memref<128xf32, #tpu.memory_space<vmem>>) target(%dma_start3A_311 : memref<128xf32, #tpu.memory_space<vmem_shared>>) target_semaphore(%run_scoped3A_310 : memref<!tpu.dma_semaphore, #tpu.memory_space<semaphore_mem>>)
      %dma_wait3A = tpu.memref_slice %arg11[%add3A_31] : memref<16384xf32, #tpu.memory_space<vmem_shared>> -> memref<128xf32, #tpu.memory_space<vmem_shared>>
      %dma_wait3A_312 = tpu.memref_slice %arg11[%add3A_31] : memref<16384xf32, #tpu.memory_space<vmem_shared>> -> memref<128xf32, #tpu.memory_space<vmem_shared>>
      tpu.wait_dma2 semaphore(%run_scoped3A_310 : memref<!tpu.dma_semaphore, #tpu.memory_space<semaphore_mem>>) src(%arg18 : memref<128xf32, #tpu.memory_space<vmem>>) dst(%dma_wait3A_312 : memref<128xf32, #tpu.memory_space<vmem_shared>>)
      tpu.yield
    }) : () -> ()
    %add3A_32 = arith.constant 768 : i32
    %add3A_33 = arith.addi %mul3A_0, %add3A_32 : i32
    "tpu.region"() ({
      %run_scoped3A_310 = tpu.sem_alloc : memref<!tpu.dma_semaphore, #tpu.memory_space<semaphore_mem>>
      %dma_start3A = arith.constant 0 : i32
      %dma_start3A_311 = tpu.memref_slice %arg10[%add3A_33, %dma_start3A] : memref<16384x64xf32, #tpu.memory_space<vmem_shared>> -> memref<128x64xf32, #tpu.memory_space<vmem_shared>>
      %dma_start3A_312 = arith.constant 0 : i32
      %dma_start3A_313 = tpu.memref_slice %arg10[%add3A_33, %dma_start3A_312] : memref<16384x64xf32, #tpu.memory_space<vmem_shared>> -> memref<128x64xf32, #tpu.memory_space<vmem_shared>>
      tpu.enqueue_dma source(%arg17 : memref<128x64xf32, #tpu.memory_space<vmem>>) target(%dma_start3A_313 : memref<128x64xf32, #tpu.memory_space<vmem_shared>>) target_semaphore(%run_scoped3A_310 : memref<!tpu.dma_semaphore, #tpu.memory_space<semaphore_mem>>)
      %dma_wait3A = arith.constant 0 : i32
      %dma_wait3A_314 = tpu.memref_slice %arg10[%add3A_33, %dma_wait3A] : memref<16384x64xf32, #tpu.memory_space<vmem_shared>> -> memref<128x64xf32, #tpu.memory_space<vmem_shared>>
      %dma_wait3A_315 = arith.constant 0 : i32
      %dma_wait3A_316 = tpu.memref_slice %arg10[%add3A_33, %dma_wait3A_315] : memref<16384x64xf32, #tpu.memory_space<vmem_shared>> -> memref<128x64xf32, #tpu.memory_space<vmem_shared>>
      tpu.wait_dma2 semaphore(%run_scoped3A_310 : memref<!tpu.dma_semaphore, #tpu.memory_space<semaphore_mem>>) src(%arg17 : memref<128x64xf32, #tpu.memory_space<vmem>>) dst(%dma_wait3A_316 : memref<128x64xf32, #tpu.memory_space<vmem_shared>>)
      tpu.yield
    }) : () -> ()
    %add3A_34 = arith.constant 768 : i32
    %add3A_35 = arith.addi %mul3A_0, %add3A_34 : i32
    "tpu.region"() ({
      %run_scoped3A_310 = tpu.sem_alloc : memref<!tpu.dma_semaphore, #tpu.memory_space<semaphore_mem>>
      %dma_start3A = tpu.memref_slice %arg11[%add3A_35] : memref<16384xf32, #tpu.memory_space<vmem_shared>> -> memref<128xf32, #tpu.memory_space<vmem_shared>>
      %dma_start3A_311 = tpu.memref_slice %arg11[%add3A_35] : memref<16384xf32, #tpu.memory_space<vmem_shared>> -> memref<128xf32, #tpu.memory_space<vmem_shared>>
      tpu.enqueue_dma source(%arg18 : memref<128xf32, #tpu.memory_space<vmem>>) target(%dma_start3A_311 : memref<128xf32, #tpu.memory_space<vmem_shared>>) target_semaphore(%run_scoped3A_310 : memref<!tpu.dma_semaphore, #tpu.memory_space<semaphore_mem>>)
      %dma_wait3A = tpu.memref_slice %arg11[%add3A_35] : memref<16384xf32, #tpu.memory_space<vmem_shared>> -> memref<128xf32, #tpu.memory_space<vmem_shared>>
      %dma_wait3A_312 = tpu.memref_slice %arg11[%add3A_35] : memref<16384xf32, #tpu.memory_space<vmem_shared>> -> memref<128xf32, #tpu.memory_space<vmem_shared>>
      tpu.wait_dma2 semaphore(%run_scoped3A_310 : memref<!tpu.dma_semaphore, #tpu.memory_space<semaphore_mem>>) src(%arg18 : memref<128xf32, #tpu.memory_space<vmem>>) dst(%dma_wait3A_312 : memref<128xf32, #tpu.memory_space<vmem_shared>>)
      tpu.yield
    }) : () -> ()
    %add3A_36 = arith.constant 896 : i32
    %add3A_37 = arith.addi %mul3A_0, %add3A_36 : i32
    "tpu.region"() ({
      %run_scoped3A_310 = tpu.sem_alloc : memref<!tpu.dma_semaphore, #tpu.memory_space<semaphore_mem>>
      %dma_start3A = arith.constant 0 : i32
      %dma_start3A_311 = tpu.memref_slice %arg10[%add3A_37, %dma_start3A] : memref<16384x64xf32, #tpu.memory_space<vmem_shared>> -> memref<128x64xf32, #tpu.memory_space<vmem_shared>>
      %dma_start3A_312 = arith.constant 0 : i32
      %dma_start3A_313 = tpu.memref_slice %arg10[%add3A_37, %dma_start3A_312] : memref<16384x64xf32, #tpu.memory_space<vmem_shared>> -> memref<128x64xf32, #tpu.memory_space<vmem_shared>>
      tpu.enqueue_dma source(%arg17 : memref<128x64xf32, #tpu.memory_space<vmem>>) target(%dma_start3A_313 : memref<128x64xf32, #tpu.memory_space<vmem_shared>>) target_semaphore(%run_scoped3A_310 : memref<!tpu.dma_semaphore, #tpu.memory_space<semaphore_mem>>)
      %dma_wait3A = arith.constant 0 : i32
      %dma_wait3A_314 = tpu.memref_slice %arg10[%add3A_37, %dma_wait3A] : memref<16384x64xf32, #tpu.memory_space<vmem_shared>> -> memref<128x64xf32, #tpu.memory_space<vmem_shared>>
      %dma_wait3A_315 = arith.constant 0 : i32
      %dma_wait3A_316 = tpu.memref_slice %arg10[%add3A_37, %dma_wait3A_315] : memref<16384x64xf32, #tpu.memory_space<vmem_shared>> -> memref<128x64xf32, #tpu.memory_space<vmem_shared>>
      tpu.wait_dma2 semaphore(%run_scoped3A_310 : memref<!tpu.dma_semaphore, #tpu.memory_space<semaphore_mem>>) src(%arg17 : memref<128x64xf32, #tpu.memory_space<vmem>>) dst(%dma_wait3A_316 : memref<128x64xf32, #tpu.memory_space<vmem_shared>>)
      tpu.yield
    }) : () -> ()
    %add3A_38 = arith.constant 896 : i32
    %add3A_39 = arith.addi %mul3A_0, %add3A_38 : i32
    "tpu.region"() ({
      %run_scoped3A_310 = tpu.sem_alloc : memref<!tpu.dma_semaphore, #tpu.memory_space<semaphore_mem>>
      %dma_start3A = tpu.memref_slice %arg11[%add3A_39] : memref<16384xf32, #tpu.memory_space<vmem_shared>> -> memref<128xf32, #tpu.memory_space<vmem_shared>>
      %dma_start3A_311 = tpu.memref_slice %arg11[%add3A_39] : memref<16384xf32, #tpu.memory_space<vmem_shared>> -> memref<128xf32, #tpu.memory_space<vmem_shared>>
      tpu.enqueue_dma source(%arg18 : memref<128xf32, #tpu.memory_space<vmem>>) target(%dma_start3A_311 : memref<128xf32, #tpu.memory_space<vmem_shared>>) target_semaphore(%run_scoped3A_310 : memref<!tpu.dma_semaphore, #tpu.memory_space<semaphore_mem>>)
      %dma_wait3A = tpu.memref_slice %arg11[%add3A_39] : memref<16384xf32, #tpu.memory_space<vmem_shared>> -> memref<128xf32, #tpu.memory_space<vmem_shared>>
      %dma_wait3A_312 = tpu.memref_slice %arg11[%add3A_39] : memref<16384xf32, #tpu.memory_space<vmem_shared>> -> memref<128xf32, #tpu.memory_space<vmem_shared>>
      tpu.wait_dma2 semaphore(%run_scoped3A_310 : memref<!tpu.dma_semaphore, #tpu.memory_space<semaphore_mem>>) src(%arg18 : memref<128xf32, #tpu.memory_space<vmem>>) dst(%dma_wait3A_312 : memref<128xf32, #tpu.memory_space<vmem_shared>>)
      tpu.yield
    }) : () -> ()
    %run_scoped3A = arith.constant 0 : i32
    %run_scoped3A_40 = arith.constant 0 : i32
    "tpu.region"() ({
      %run_scoped3A_310 = tpu.sem_alloc : memref<!tpu.dma_semaphore, #tpu.memory_space<semaphore_mem>>
      %dma_start3A = arith.constant 0 : i32
      %dma_start3A_311 = tpu.memref_slice %arg14[%run_scoped3A_40, %dma_start3A] : memref<8x128xi32, #tpu.memory_space<vmem>> -> memref<1x128xi32, #tpu.memory_space<vmem>>
      %dma_start3A_312 = tpu.memref_squeeze %dma_start3A_311 : memref<1x128xi32, #tpu.memory_space<vmem>> -> memref<128xi32, #tpu.memory_space<vmem>>
      %dma_start3A_313 = arith.constant 0 : i32
      %dma_start3A_314 = tpu.memref_slice %arg13[%run_scoped3A, %dma_start3A_313] : memref<8x128xi32, #tpu.memory_space<vmem>> -> memref<1x128xi32, #tpu.memory_space<vmem>>
      %dma_start3A_315 = tpu.memref_squeeze %dma_start3A_314 : memref<1x128xi32, #tpu.memory_space<vmem>> -> memref<128xi32, #tpu.memory_space<vmem>>
      %dma_start3A_316 = arith.constant 0 : i32
      %dma_start3A_317 = tpu.memref_slice %arg5[%dma_start3A_316] : memref<1000000xi32, #tpu.memory_space<hbm>> -> memref<1000000xi32, #tpu.memory_space<hbm>>
      tpu.enqueue_indirect_dma source(%dma_start3A_317 : memref<1000000xi32, #tpu.memory_space<hbm>>) target(%dma_start3A_312 : memref<128xi32, #tpu.memory_space<vmem>>) offsets(%dma_start3A_315 : memref<128xi32, #tpu.memory_space<vmem>>) semaphore(%run_scoped3A_310 : memref<!tpu.dma_semaphore, #tpu.memory_space<semaphore_mem>>)
      %dma_wait3A = arith.constant 0 : i32
      %dma_wait3A_318 = tpu.memref_slice %arg14[%run_scoped3A_40, %dma_wait3A] : memref<8x128xi32, #tpu.memory_space<vmem>> -> memref<1x128xi32, #tpu.memory_space<vmem>>
      %dma_wait3A_319 = tpu.memref_squeeze %dma_wait3A_318 : memref<1x128xi32, #tpu.memory_space<vmem>> -> memref<128xi32, #tpu.memory_space<vmem>>
      %dma_wait3A_320 = arith.constant 0 : i32
      %dma_wait3A_321 = tpu.memref_slice %arg13[%run_scoped3A, %dma_wait3A_320] : memref<8x128xi32, #tpu.memory_space<vmem>> -> memref<1x128xi32, #tpu.memory_space<vmem>>
      %dma_wait3A_322 = tpu.memref_squeeze %dma_wait3A_321 : memref<1x128xi32, #tpu.memory_space<vmem>> -> memref<128xi32, #tpu.memory_space<vmem>>
      %dma_wait3A_323 = arith.constant 0 : i32
      %dma_wait3A_324 = tpu.memref_slice %arg5[%dma_wait3A_323] : memref<1000000xi32, #tpu.memory_space<hbm>> -> memref<1000000xi32, #tpu.memory_space<hbm>>
      tpu.wait_indirect_dma semaphore(%run_scoped3A_310 : memref<!tpu.dma_semaphore, #tpu.memory_space<semaphore_mem>>) src(%dma_wait3A_324 : memref<1000000xi32, #tpu.memory_space<hbm>>) dst(%dma_wait3A_319 : memref<128xi32, #tpu.memory_space<vmem>>)
      tpu.yield
    }) : () -> ()
    %run_scoped3A_41 = arith.constant 1 : i32
    %run_scoped3A_42 = arith.constant 1 : i32
    "tpu.region"() ({
      %run_scoped3A_310 = tpu.sem_alloc : memref<!tpu.dma_semaphore, #tpu.memory_space<semaphore_mem>>
      %dma_start3A = arith.constant 0 : i32
      %dma_start3A_311 = tpu.memref_slice %arg14[%run_scoped3A_42, %dma_start3A] : memref<8x128xi32, #tpu.memory_space<vmem>> -> memref<1x128xi32, #tpu.memory_space<vmem>>
      %dma_start3A_312 = tpu.memref_squeeze %dma_start3A_311 : memref<1x128xi32, #tpu.memory_space<vmem>> -> memref<128xi32, #tpu.memory_space<vmem>>
      %dma_start3A_313 = arith.constant 0 : i32
      %dma_start3A_314 = tpu.memref_slice %arg13[%run_scoped3A_41, %dma_start3A_313] : memref<8x128xi32, #tpu.memory_space<vmem>> -> memref<1x128xi32, #tpu.memory_space<vmem>>
      %dma_start3A_315 = tpu.memref_squeeze %dma_start3A_314 : memref<1x128xi32, #tpu.memory_space<vmem>> -> memref<128xi32, #tpu.memory_space<vmem>>
      %dma_start3A_316 = arith.constant 0 : i32
      %dma_start3A_317 = tpu.memref_slice %arg5[%dma_start3A_316] : memref<1000000xi32, #tpu.memory_space<hbm>> -> memref<1000000xi32, #tpu.memory_space<hbm>>
      tpu.enqueue_indirect_dma source(%dma_start3A_317 : memref<1000000xi32, #tpu.memory_space<hbm>>) target(%dma_start3A_312 : memref<128xi32, #tpu.memory_space<vmem>>) offsets(%dma_start3A_315 : memref<128xi32, #tpu.memory_space<vmem>>) semaphore(%run_scoped3A_310 : memref<!tpu.dma_semaphore, #tpu.memory_space<semaphore_mem>>)
      %dma_wait3A = arith.constant 0 : i32
      %dma_wait3A_318 = tpu.memref_slice %arg14[%run_scoped3A_42, %dma_wait3A] : memref<8x128xi32, #tpu.memory_space<vmem>> -> memref<1x128xi32, #tpu.memory_space<vmem>>
      %dma_wait3A_319 = tpu.memref_squeeze %dma_wait3A_318 : memref<1x128xi32, #tpu.memory_space<vmem>> -> memref<128xi32, #tpu.memory_space<vmem>>
      %dma_wait3A_320 = arith.constant 0 : i32
      %dma_wait3A_321 = tpu.memref_slice %arg13[%run_scoped3A_41, %dma_wait3A_320] : memref<8x128xi32, #tpu.memory_space<vmem>> -> memref<1x128xi32, #tpu.memory_space<vmem>>
      %dma_wait3A_322 = tpu.memref_squeeze %dma_wait3A_321 : memref<1x128xi32, #tpu.memory_space<vmem>> -> memref<128xi32, #tpu.memory_space<vmem>>
      %dma_wait3A_323 = arith.constant 0 : i32
      %dma_wait3A_324 = tpu.memref_slice %arg5[%dma_wait3A_323] : memref<1000000xi32, #tpu.memory_space<hbm>> -> memref<1000000xi32, #tpu.memory_space<hbm>>
      tpu.wait_indirect_dma semaphore(%run_scoped3A_310 : memref<!tpu.dma_semaphore, #tpu.memory_space<semaphore_mem>>) src(%dma_wait3A_324 : memref<1000000xi32, #tpu.memory_space<hbm>>) dst(%dma_wait3A_319 : memref<128xi32, #tpu.memory_space<vmem>>)
      tpu.yield
    }) : () -> ()
    %run_scoped3A_43 = arith.constant 2 : i32
    %run_scoped3A_44 = arith.constant 2 : i32
    "tpu.region"() ({
      %run_scoped3A_310 = tpu.sem_alloc : memref<!tpu.dma_semaphore, #tpu.memory_space<semaphore_mem>>
      %dma_start3A = arith.constant 0 : i32
      %dma_start3A_311 = tpu.memref_slice %arg14[%run_scoped3A_44, %dma_start3A] : memref<8x128xi32, #tpu.memory_space<vmem>> -> memref<1x128xi32, #tpu.memory_space<vmem>>
      %dma_start3A_312 = tpu.memref_squeeze %dma_start3A_311 : memref<1x128xi32, #tpu.memory_space<vmem>> -> memref<128xi32, #tpu.memory_space<vmem>>
      %dma_start3A_313 = arith.constant 0 : i32
      %dma_start3A_314 = tpu.memref_slice %arg13[%run_scoped3A_43, %dma_start3A_313] : memref<8x128xi32, #tpu.memory_space<vmem>> -> memref<1x128xi32, #tpu.memory_space<vmem>>
      %dma_start3A_315 = tpu.memref_squeeze %dma_start3A_314 : memref<1x128xi32, #tpu.memory_space<vmem>> -> memref<128xi32, #tpu.memory_space<vmem>>
      %dma_start3A_316 = arith.constant 0 : i32
      %dma_start3A_317 = tpu.memref_slice %arg5[%dma_start3A_316] : memref<1000000xi32, #tpu.memory_space<hbm>> -> memref<1000000xi32, #tpu.memory_space<hbm>>
      tpu.enqueue_indirect_dma source(%dma_start3A_317 : memref<1000000xi32, #tpu.memory_space<hbm>>) target(%dma_start3A_312 : memref<128xi32, #tpu.memory_space<vmem>>) offsets(%dma_start3A_315 : memref<128xi32, #tpu.memory_space<vmem>>) semaphore(%run_scoped3A_310 : memref<!tpu.dma_semaphore, #tpu.memory_space<semaphore_mem>>)
      %dma_wait3A = arith.constant 0 : i32
      %dma_wait3A_318 = tpu.memref_slice %arg14[%run_scoped3A_44, %dma_wait3A] : memref<8x128xi32, #tpu.memory_space<vmem>> -> memref<1x128xi32, #tpu.memory_space<vmem>>
      %dma_wait3A_319 = tpu.memref_squeeze %dma_wait3A_318 : memref<1x128xi32, #tpu.memory_space<vmem>> -> memref<128xi32, #tpu.memory_space<vmem>>
      %dma_wait3A_320 = arith.constant 0 : i32
      %dma_wait3A_321 = tpu.memref_slice %arg13[%run_scoped3A_43, %dma_wait3A_320] : memref<8x128xi32, #tpu.memory_space<vmem>> -> memref<1x128xi32, #tpu.memory_space<vmem>>
      %dma_wait3A_322 = tpu.memref_squeeze %dma_wait3A_321 : memref<1x128xi32, #tpu.memory_space<vmem>> -> memref<128xi32, #tpu.memory_space<vmem>>
      %dma_wait3A_323 = arith.constant 0 : i32
      %dma_wait3A_324 = tpu.memref_slice %arg5[%dma_wait3A_323] : memref<1000000xi32, #tpu.memory_space<hbm>> -> memref<1000000xi32, #tpu.memory_space<hbm>>
      tpu.wait_indirect_dma semaphore(%run_scoped3A_310 : memref<!tpu.dma_semaphore, #tpu.memory_space<semaphore_mem>>) src(%dma_wait3A_324 : memref<1000000xi32, #tpu.memory_space<hbm>>) dst(%dma_wait3A_319 : memref<128xi32, #tpu.memory_space<vmem>>)
      tpu.yield
    }) : () -> ()
    %run_scoped3A_45 = arith.constant 3 : i32
    %run_scoped3A_46 = arith.constant 3 : i32
    "tpu.region"() ({
      %run_scoped3A_310 = tpu.sem_alloc : memref<!tpu.dma_semaphore, #tpu.memory_space<semaphore_mem>>
      %dma_start3A = arith.constant 0 : i32
      %dma_start3A_311 = tpu.memref_slice %arg14[%run_scoped3A_46, %dma_start3A] : memref<8x128xi32, #tpu.memory_space<vmem>> -> memref<1x128xi32, #tpu.memory_space<vmem>>
      %dma_start3A_312 = tpu.memref_squeeze %dma_start3A_311 : memref<1x128xi32, #tpu.memory_space<vmem>> -> memref<128xi32, #tpu.memory_space<vmem>>
      %dma_start3A_313 = arith.constant 0 : i32
      %dma_start3A_314 = tpu.memref_slice %arg13[%run_scoped3A_45, %dma_start3A_313] : memref<8x128xi32, #tpu.memory_space<vmem>> -> memref<1x128xi32, #tpu.memory_space<vmem>>
      %dma_start3A_315 = tpu.memref_squeeze %dma_start3A_314 : memref<1x128xi32, #tpu.memory_space<vmem>> -> memref<128xi32, #tpu.memory_space<vmem>>
      %dma_start3A_316 = arith.constant 0 : i32
      %dma_start3A_317 = tpu.memref_slice %arg5[%dma_start3A_316] : memref<1000000xi32, #tpu.memory_space<hbm>> -> memref<1000000xi32, #tpu.memory_space<hbm>>
      tpu.enqueue_indirect_dma source(%dma_start3A_317 : memref<1000000xi32, #tpu.memory_space<hbm>>) target(%dma_start3A_312 : memref<128xi32, #tpu.memory_space<vmem>>) offsets(%dma_start3A_315 : memref<128xi32, #tpu.memory_space<vmem>>) semaphore(%run_scoped3A_310 : memref<!tpu.dma_semaphore, #tpu.memory_space<semaphore_mem>>)
      %dma_wait3A = arith.constant 0 : i32
      %dma_wait3A_318 = tpu.memref_slice %arg14[%run_scoped3A_46, %dma_wait3A] : memref<8x128xi32, #tpu.memory_space<vmem>> -> memref<1x128xi32, #tpu.memory_space<vmem>>
      %dma_wait3A_319 = tpu.memref_squeeze %dma_wait3A_318 : memref<1x128xi32, #tpu.memory_space<vmem>> -> memref<128xi32, #tpu.memory_space<vmem>>
      %dma_wait3A_320 = arith.constant 0 : i32
      %dma_wait3A_321 = tpu.memref_slice %arg13[%run_scoped3A_45, %dma_wait3A_320] : memref<8x128xi32, #tpu.memory_space<vmem>> -> memref<1x128xi32, #tpu.memory_space<vmem>>
      %dma_wait3A_322 = tpu.memref_squeeze %dma_wait3A_321 : memref<1x128xi32, #tpu.memory_space<vmem>> -> memref<128xi32, #tpu.memory_space<vmem>>
      %dma_wait3A_323 = arith.constant 0 : i32
      %dma_wait3A_324 = tpu.memref_slice %arg5[%dma_wait3A_323] : memref<1000000xi32, #tpu.memory_space<hbm>> -> memref<1000000xi32, #tpu.memory_space<hbm>>
      tpu.wait_indirect_dma semaphore(%run_scoped3A_310 : memref<!tpu.dma_semaphore, #tpu.memory_space<semaphore_mem>>) src(%dma_wait3A_324 : memref<1000000xi32, #tpu.memory_space<hbm>>) dst(%dma_wait3A_319 : memref<128xi32, #tpu.memory_space<vmem>>)
      tpu.yield
    }) : () -> ()
    %run_scoped3A_47 = arith.constant 4 : i32
    %run_scoped3A_48 = arith.constant 4 : i32
    "tpu.region"() ({
      %run_scoped3A_310 = tpu.sem_alloc : memref<!tpu.dma_semaphore, #tpu.memory_space<semaphore_mem>>
      %dma_start3A = arith.constant 0 : i32
      %dma_start3A_311 = tpu.memref_slice %arg14[%run_scoped3A_48, %dma_start3A] : memref<8x128xi32, #tpu.memory_space<vmem>> -> memref<1x128xi32, #tpu.memory_space<vmem>>
      %dma_start3A_312 = tpu.memref_squeeze %dma_start3A_311 : memref<1x128xi32, #tpu.memory_space<vmem>> -> memref<128xi32, #tpu.memory_space<vmem>>
      %dma_start3A_313 = arith.constant 0 : i32
      %dma_start3A_314 = tpu.memref_slice %arg13[%run_scoped3A_47, %dma_start3A_313] : memref<8x128xi32, #tpu.memory_space<vmem>> -> memref<1x128xi32, #tpu.memory_space<vmem>>
      %dma_start3A_315 = tpu.memref_squeeze %dma_start3A_314 : memref<1x128xi32, #tpu.memory_space<vmem>> -> memref<128xi32, #tpu.memory_space<vmem>>
      %dma_start3A_316 = arith.constant 0 : i32
      %dma_start3A_317 = tpu.memref_slice %arg5[%dma_start3A_316] : memref<1000000xi32, #tpu.memory_space<hbm>> -> memref<1000000xi32, #tpu.memory_space<hbm>>
      tpu.enqueue_indirect_dma source(%dma_start3A_317 : memref<1000000xi32, #tpu.memory_space<hbm>>) target(%dma_start3A_312 : memref<128xi32, #tpu.memory_space<vmem>>) offsets(%dma_start3A_315 : memref<128xi32, #tpu.memory_space<vmem>>) semaphore(%run_scoped3A_310 : memref<!tpu.dma_semaphore, #tpu.memory_space<semaphore_mem>>)
      %dma_wait3A = arith.constant 0 : i32
      %dma_wait3A_318 = tpu.memref_slice %arg14[%run_scoped3A_48, %dma_wait3A] : memref<8x128xi32, #tpu.memory_space<vmem>> -> memref<1x128xi32, #tpu.memory_space<vmem>>
      %dma_wait3A_319 = tpu.memref_squeeze %dma_wait3A_318 : memref<1x128xi32, #tpu.memory_space<vmem>> -> memref<128xi32, #tpu.memory_space<vmem>>
      %dma_wait3A_320 = arith.constant 0 : i32
      %dma_wait3A_321 = tpu.memref_slice %arg13[%run_scoped3A_47, %dma_wait3A_320] : memref<8x128xi32, #tpu.memory_space<vmem>> -> memref<1x128xi32, #tpu.memory_space<vmem>>
      %dma_wait3A_322 = tpu.memref_squeeze %dma_wait3A_321 : memref<1x128xi32, #tpu.memory_space<vmem>> -> memref<128xi32, #tpu.memory_space<vmem>>
      %dma_wait3A_323 = arith.constant 0 : i32
      %dma_wait3A_324 = tpu.memref_slice %arg5[%dma_wait3A_323] : memref<1000000xi32, #tpu.memory_space<hbm>> -> memref<1000000xi32, #tpu.memory_space<hbm>>
      tpu.wait_indirect_dma semaphore(%run_scoped3A_310 : memref<!tpu.dma_semaphore, #tpu.memory_space<semaphore_mem>>) src(%dma_wait3A_324 : memref<1000000xi32, #tpu.memory_space<hbm>>) dst(%dma_wait3A_319 : memref<128xi32, #tpu.memory_space<vmem>>)
      tpu.yield
    }) : () -> ()
    %run_scoped3A_49 = arith.constant 5 : i32
    %run_scoped3A_50 = arith.constant 5 : i32
    "tpu.region"() ({
      %run_scoped3A_310 = tpu.sem_alloc : memref<!tpu.dma_semaphore, #tpu.memory_space<semaphore_mem>>
      %dma_start3A = arith.constant 0 : i32
      %dma_start3A_311 = tpu.memref_slice %arg14[%run_scoped3A_50, %dma_start3A] : memref<8x128xi32, #tpu.memory_space<vmem>> -> memref<1x128xi32, #tpu.memory_space<vmem>>
      %dma_start3A_312 = tpu.memref_squeeze %dma_start3A_311 : memref<1x128xi32, #tpu.memory_space<vmem>> -> memref<128xi32, #tpu.memory_space<vmem>>
      %dma_start3A_313 = arith.constant 0 : i32
      %dma_start3A_314 = tpu.memref_slice %arg13[%run_scoped3A_49, %dma_start3A_313] : memref<8x128xi32, #tpu.memory_space<vmem>> -> memref<1x128xi32, #tpu.memory_space<vmem>>
      %dma_start3A_315 = tpu.memref_squeeze %dma_start3A_314 : memref<1x128xi32, #tpu.memory_space<vmem>> -> memref<128xi32, #tpu.memory_space<vmem>>
      %dma_start3A_316 = arith.constant 0 : i32
      %dma_start3A_317 = tpu.memref_slice %arg5[%dma_start3A_316] : memref<1000000xi32, #tpu.memory_space<hbm>> -> memref<1000000xi32, #tpu.memory_space<hbm>>
      tpu.enqueue_indirect_dma source(%dma_start3A_317 : memref<1000000xi32, #tpu.memory_space<hbm>>) target(%dma_start3A_312 : memref<128xi32, #tpu.memory_space<vmem>>) offsets(%dma_start3A_315 : memref<128xi32, #tpu.memory_space<vmem>>) semaphore(%run_scoped3A_310 : memref<!tpu.dma_semaphore, #tpu.memory_space<semaphore_mem>>)
      %dma_wait3A = arith.constant 0 : i32
      %dma_wait3A_318 = tpu.memref_slice %arg14[%run_scoped3A_50, %dma_wait3A] : memref<8x128xi32, #tpu.memory_space<vmem>> -> memref<1x128xi32, #tpu.memory_space<vmem>>
      %dma_wait3A_319 = tpu.memref_squeeze %dma_wait3A_318 : memref<1x128xi32, #tpu.memory_space<vmem>> -> memref<128xi32, #tpu.memory_space<vmem>>
      %dma_wait3A_320 = arith.constant 0 : i32
      %dma_wait3A_321 = tpu.memref_slice %arg13[%run_scoped3A_49, %dma_wait3A_320] : memref<8x128xi32, #tpu.memory_space<vmem>> -> memref<1x128xi32, #tpu.memory_space<vmem>>
      %dma_wait3A_322 = tpu.memref_squeeze %dma_wait3A_321 : memref<1x128xi32, #tpu.memory_space<vmem>> -> memref<128xi32, #tpu.memory_space<vmem>>
      %dma_wait3A_323 = arith.constant 0 : i32
      %dma_wait3A_324 = tpu.memref_slice %arg5[%dma_wait3A_323] : memref<1000000xi32, #tpu.memory_space<hbm>> -> memref<1000000xi32, #tpu.memory_space<hbm>>
      tpu.wait_indirect_dma semaphore(%run_scoped3A_310 : memref<!tpu.dma_semaphore, #tpu.memory_space<semaphore_mem>>) src(%dma_wait3A_324 : memref<1000000xi32, #tpu.memory_space<hbm>>) dst(%dma_wait3A_319 : memref<128xi32, #tpu.memory_space<vmem>>)
      tpu.yield
    }) : () -> ()
    %run_scoped3A_51 = arith.constant 6 : i32
    %run_scoped3A_52 = arith.constant 6 : i32
    "tpu.region"() ({
      %run_scoped3A_310 = tpu.sem_alloc : memref<!tpu.dma_semaphore, #tpu.memory_space<semaphore_mem>>
      %dma_start3A = arith.constant 0 : i32
      %dma_start3A_311 = tpu.memref_slice %arg14[%run_scoped3A_52, %dma_start3A] : memref<8x128xi32, #tpu.memory_space<vmem>> -> memref<1x128xi32, #tpu.memory_space<vmem>>
      %dma_start3A_312 = tpu.memref_squeeze %dma_start3A_311 : memref<1x128xi32, #tpu.memory_space<vmem>> -> memref<128xi32, #tpu.memory_space<vmem>>
      %dma_start3A_313 = arith.constant 0 : i32
      %dma_start3A_314 = tpu.memref_slice %arg13[%run_scoped3A_51, %dma_start3A_313] : memref<8x128xi32, #tpu.memory_space<vmem>> -> memref<1x128xi32, #tpu.memory_space<vmem>>
      %dma_start3A_315 = tpu.memref_squeeze %dma_start3A_314 : memref<1x128xi32, #tpu.memory_space<vmem>> -> memref<128xi32, #tpu.memory_space<vmem>>
      %dma_start3A_316 = arith.constant 0 : i32
      %dma_start3A_317 = tpu.memref_slice %arg5[%dma_start3A_316] : memref<1000000xi32, #tpu.memory_space<hbm>> -> memref<1000000xi32, #tpu.memory_space<hbm>>
      tpu.enqueue_indirect_dma source(%dma_start3A_317 : memref<1000000xi32, #tpu.memory_space<hbm>>) target(%dma_start3A_312 : memref<128xi32, #tpu.memory_space<vmem>>) offsets(%dma_start3A_315 : memref<128xi32, #tpu.memory_space<vmem>>) semaphore(%run_scoped3A_310 : memref<!tpu.dma_semaphore, #tpu.memory_space<semaphore_mem>>)
      %dma_wait3A = arith.constant 0 : i32
      %dma_wait3A_318 = tpu.memref_slice %arg14[%run_scoped3A_52, %dma_wait3A] : memref<8x128xi32, #tpu.memory_space<vmem>> -> memref<1x128xi32, #tpu.memory_space<vmem>>
      %dma_wait3A_319 = tpu.memref_squeeze %dma_wait3A_318 : memref<1x128xi32, #tpu.memory_space<vmem>> -> memref<128xi32, #tpu.memory_space<vmem>>
      %dma_wait3A_320 = arith.constant 0 : i32
      %dma_wait3A_321 = tpu.memref_slice %arg13[%run_scoped3A_51, %dma_wait3A_320] : memref<8x128xi32, #tpu.memory_space<vmem>> -> memref<1x128xi32, #tpu.memory_space<vmem>>
      %dma_wait3A_322 = tpu.memref_squeeze %dma_wait3A_321 : memref<1x128xi32, #tpu.memory_space<vmem>> -> memref<128xi32, #tpu.memory_space<vmem>>
      %dma_wait3A_323 = arith.constant 0 : i32
      %dma_wait3A_324 = tpu.memref_slice %arg5[%dma_wait3A_323] : memref<1000000xi32, #tpu.memory_space<hbm>> -> memref<1000000xi32, #tpu.memory_space<hbm>>
      tpu.wait_indirect_dma semaphore(%run_scoped3A_310 : memref<!tpu.dma_semaphore, #tpu.memory_space<semaphore_mem>>) src(%dma_wait3A_324 : memref<1000000xi32, #tpu.memory_space<hbm>>) dst(%dma_wait3A_319 : memref<128xi32, #tpu.memory_space<vmem>>)
      tpu.yield
    }) : () -> ()
    %run_scoped3A_53 = arith.constant 7 : i32
    %run_scoped3A_54 = arith.constant 7 : i32
    "tpu.region"() ({
      %run_scoped3A_310 = tpu.sem_alloc : memref<!tpu.dma_semaphore, #tpu.memory_space<semaphore_mem>>
      %dma_start3A = arith.constant 0 : i32
      %dma_start3A_311 = tpu.memref_slice %arg14[%run_scoped3A_54, %dma_start3A] : memref<8x128xi32, #tpu.memory_space<vmem>> -> memref<1x128xi32, #tpu.memory_space<vmem>>
      %dma_start3A_312 = tpu.memref_squeeze %dma_start3A_311 : memref<1x128xi32, #tpu.memory_space<vmem>> -> memref<128xi32, #tpu.memory_space<vmem>>
      %dma_start3A_313 = arith.constant 0 : i32
      %dma_start3A_314 = tpu.memref_slice %arg13[%run_scoped3A_53, %dma_start3A_313] : memref<8x128xi32, #tpu.memory_space<vmem>> -> memref<1x128xi32, #tpu.memory_space<vmem>>
      %dma_start3A_315 = tpu.memref_squeeze %dma_start3A_314 : memref<1x128xi32, #tpu.memory_space<vmem>> -> memref<128xi32, #tpu.memory_space<vmem>>
      %dma_start3A_316 = arith.constant 0 : i32
      %dma_start3A_317 = tpu.memref_slice %arg5[%dma_start3A_316] : memref<1000000xi32, #tpu.memory_space<hbm>> -> memref<1000000xi32, #tpu.memory_space<hbm>>
      tpu.enqueue_indirect_dma source(%dma_start3A_317 : memref<1000000xi32, #tpu.memory_space<hbm>>) target(%dma_start3A_312 : memref<128xi32, #tpu.memory_space<vmem>>) offsets(%dma_start3A_315 : memref<128xi32, #tpu.memory_space<vmem>>) semaphore(%run_scoped3A_310 : memref<!tpu.dma_semaphore, #tpu.memory_space<semaphore_mem>>)
      %dma_wait3A = arith.constant 0 : i32
      %dma_wait3A_318 = tpu.memref_slice %arg14[%run_scoped3A_54, %dma_wait3A] : memref<8x128xi32, #tpu.memory_space<vmem>> -> memref<1x128xi32, #tpu.memory_space<vmem>>
      %dma_wait3A_319 = tpu.memref_squeeze %dma_wait3A_318 : memref<1x128xi32, #tpu.memory_space<vmem>> -> memref<128xi32, #tpu.memory_space<vmem>>
      %dma_wait3A_320 = arith.constant 0 : i32
      %dma_wait3A_321 = tpu.memref_slice %arg13[%run_scoped3A_53, %dma_wait3A_320] : memref<8x128xi32, #tpu.memory_space<vmem>> -> memref<1x128xi32, #tpu.memory_space<vmem>>
      %dma_wait3A_322 = tpu.memref_squeeze %dma_wait3A_321 : memref<1x128xi32, #tpu.memory_space<vmem>> -> memref<128xi32, #tpu.memory_space<vmem>>
      %dma_wait3A_323 = arith.constant 0 : i32
      %dma_wait3A_324 = tpu.memref_slice %arg5[%dma_wait3A_323] : memref<1000000xi32, #tpu.memory_space<hbm>> -> memref<1000000xi32, #tpu.memory_space<hbm>>
      tpu.wait_indirect_dma semaphore(%run_scoped3A_310 : memref<!tpu.dma_semaphore, #tpu.memory_space<semaphore_mem>>) src(%dma_wait3A_324 : memref<1000000xi32, #tpu.memory_space<hbm>>) dst(%dma_wait3A_319 : memref<128xi32, #tpu.memory_space<vmem>>)
      tpu.yield
    }) : () -> ()
    %scan3A_55 = arith.constant 0 : i32
    %scan3A_56 = arith.constant 0 : i32
    %scan3A_57 = arith.constant 8 : i32
    %scan3A_58 = arith.addi %scan3A_56, %scan3A_57 : i32
    %scan3A_59 = arith.constant 1 : i32
    %scan3A_60 = scf.for %scan3A_310 = %scan3A_56 to %scan3A_58 step %scan3A_59 iter_args(%scan3A_311 = %scan3A_55) -> (i32)  : i32 {
      %get3A = arith.index_cast %scan3A_310 : i32 to index
      %get3A_312 = arith.constant 0 : index
      %get3A_313 = tpu.vector_load %arg14[%get3A, %get3A_312] {strides = array<i32>} : memref<8x128xi32, #tpu.memory_space<vmem>>, vector<1x16xi32>,
      %get3A_314 = vector.shape_cast %get3A_313 : vector<1x16xi32> to vector<16xi32>
      %max3A = arith.constant 0 : i32
      %max3A_315 = vector.broadcast %max3A : i32 to vector<16xi32>
      %max3A_316 = arith.maxsi %get3A_314, %max3A_315 : vector<16xi32>
      %min3A = arith.constant 16383 : i32
      %min3A_317 = vector.broadcast %min3A : i32 to vector<16xi32>
      %min3A_318 = arith.minsi %max3A_316, %min3A_317 : vector<16xi32>
      %swap3A_319 = arith.index_cast %scan3A_310 : i32 to index
      %swap3A_320 = arith.constant 0 : index
      %swap3A_321 = tpu.vector_load %arg14[%swap3A_319, %swap3A_320] {strides = array<i32>} : memref<8x128xi32, #tpu.memory_space<vmem>>, vector<1x16xi32>,
      %swap3A_322 = vector.shape_cast %swap3A_321 : vector<1x16xi32> to vector<16xi32>
      %swap3A_323 = vector.shape_cast %min3A_318 : vector<16xi32> to vector<1x16xi32>
      tpu.vector_store %arg14[%swap3A_319, %swap3A_320], %swap3A_323 {strides = array<i32>} : memref<8x128xi32, #tpu.memory_space<vmem>>, vector<1x16xi32>,
      %get3A_324 = arith.index_cast %scan3A_310 : i32 to index
      %get3A_325 = arith.constant 16 : index
      %get3A_326 = tpu.vector_load %arg14[%get3A_324, %get3A_325] {strides = array<i32>} : memref<8x128xi32, #tpu.memory_space<vmem>>, vector<1x16xi32>,
      %get3A_327 = vector.shape_cast %get3A_326 : vector<1x16xi32> to vector<16xi32>
      %max3A_328 = arith.constant 0 : i32
      %max3A_329 = vector.broadcast %max3A_328 : i32 to vector<16xi32>
      %max3A_330 = arith.maxsi %get3A_327, %max3A_329 : vector<16xi32>
      %min3A_331 = arith.constant 16383 : i32
      %min3A_332 = vector.broadcast %min3A_331 : i32 to vector<16xi32>
      %min3A_333 = arith.minsi %max3A_330, %min3A_332 : vector<16xi32>
      %swap3A_334 = arith.index_cast %scan3A_310 : i32 to index
      %swap3A_335 = arith.constant 16 : index
      %swap3A_336 = tpu.vector_load %arg14[%swap3A_334, %swap3A_335] {strides = array<i32>} : memref<8x128xi32, #tpu.memory_space<vmem>>, vector<1x16xi32>,
      %swap3A_337 = vector.shape_cast %swap3A_336 : vector<1x16xi32> to vector<16xi32>
      %swap3A_338 = vector.shape_cast %min3A_333 : vector<16xi32> to vector<1x16xi32>
      tpu.vector_store %arg14[%swap3A_334, %swap3A_335], %swap3A_338 {strides = array<i32>} : memref<8x128xi32, #tpu.memory_space<vmem>>, vector<1x16xi32>,
      %get3A_339 = arith.index_cast %scan3A_310 : i32 to index
      %get3A_340 = arith.constant 32 : index
      %get3A_341 = tpu.vector_load %arg14[%get3A_339, %get3A_340] {strides = array<i32>} : memref<8x128xi32, #tpu.memory_space<vmem>>, vector<1x16xi32>,
      %get3A_342 = vector.shape_cast %get3A_341 : vector<1x16xi32> to vector<16xi32>
      %max3A_343 = arith.constant 0 : i32
      %max3A_344 = vector.broadcast %max3A_343 : i32 to vector<16xi32>
      %max3A_345 = arith.maxsi %get3A_342, %max3A_344 : vector<16xi32>
      %min3A_346 = arith.constant 16383 : i32
      %min3A_347 = vector.broadcast %min3A_346 : i32 to vector<16xi32>
      %min3A_348 = arith.minsi %max3A_345, %min3A_347 : vector<16xi32>
      %swap3A_349 = arith.index_cast %scan3A_310 : i32 to index
      %swap3A_350 = arith.constant 32 : index
      %swap3A_351 = tpu.vector_load %arg14[%swap3A_349, %swap3A_350] {strides = array<i32>} : memref<8x128xi32, #tpu.memory_space<vmem>>, vector<1x16xi32>,
      %swap3A_352 = vector.shape_cast %swap3A_351 : vector<1x16xi32> to vector<16xi32>
      %swap3A_353 = vector.shape_cast %min3A_348 : vector<16xi32> to vector<1x16xi32>
      tpu.vector_store %arg14[%swap3A_349, %swap3A_350], %swap3A_353 {strides = array<i32>} : memref<8x128xi32, #tpu.memory_space<vmem>>, vector<1x16xi32>,
      %get3A_354 = arith.index_cast %scan3A_310 : i32 to index
      %get3A_355 = arith.constant 48 : index
      %get3A_356 = tpu.vector_load %arg14[%get3A_354, %get3A_355] {strides = array<i32>} : memref<8x128xi32, #tpu.memory_space<vmem>>, vector<1x16xi32>,
      %get3A_357 = vector.shape_cast %get3A_356 : vector<1x16xi32> to vector<16xi32>
      %max3A_358 = arith.constant 0 : i32
      %max3A_359 = vector.broadcast %max3A_358 : i32 to vector<16xi32>
      %max3A_360 = arith.maxsi %get3A_357, %max3A_359 : vector<16xi32>
      %min3A_361 = arith.constant 16383 : i32
      %min3A_362 = vector.broadcast %min3A_361 : i32 to vector<16xi32>
      %min3A_363 = arith.minsi %max3A_360, %min3A_362 : vector<16xi32>
      %swap3A_364 = arith.index_cast %scan3A_310 : i32 to index
      %swap3A_365 = arith.constant 48 : index
      %swap3A_366 = tpu.vector_load %arg14[%swap3A_364, %swap3A_365] {strides = array<i32>} : memref<8x128xi32, #tpu.memory_space<vmem>>, vector<1x16xi32>,
      %swap3A_367 = vector.shape_cast %swap3A_366 : vector<1x16xi32> to vector<16xi32>
      %swap3A_368 = vector.shape_cast %min3A_363 : vector<16xi32> to vector<1x16xi32>
      tpu.vector_store %arg14[%swap3A_364, %swap3A_365], %swap3A_368 {strides = array<i32>} : memref<8x128xi32, #tpu.memory_space<vmem>>, vector<1x16xi32>,
      %get3A_369 = arith.index_cast %scan3A_310 : i32 to index
      %get3A_370 = arith.constant 64 : index
      %get3A_371 = tpu.vector_load %arg14[%get3A_369, %get3A_370] {strides = array<i32>} : memref<8x128xi32, #tpu.memory_space<vmem>>, vector<1x16xi32>,
      %get3A_372 = vector.shape_cast %get3A_371 : vector<1x16xi32> to vector<16xi32>
      %max3A_373 = arith.constant 0 : i32
      %max3A_374 = vector.broadcast %max3A_373 : i32 to vector<16xi32>
      %max3A_375 = arith.maxsi %get3A_372, %max3A_374 : vector<16xi32>
      %min3A_376 = arith.constant 16383 : i32
      %min3A_377 = vector.broadcast %min3A_376 : i32 to vector<16xi32>
      %min3A_378 = arith.minsi %max3A_375, %min3A_377 : vector<16xi32>
      %swap3A_379 = arith.index_cast %scan3A_310 : i32 to index
      %swap3A_380 = arith.constant 64 : index
      %swap3A_381 = tpu.vector_load %arg14[%swap3A_379, %swap3A_380] {strides = array<i32>} : memref<8x128xi32, #tpu.memory_space<vmem>>, vector<1x16xi32>,
      %swap3A_382 = vector.shape_cast %swap3A_381 : vector<1x16xi32> to vector<16xi32>
      %swap3A_383 = vector.shape_cast %min3A_378 : vector<16xi32> to vector<1x16xi32>
      tpu.vector_store %arg14[%swap3A_379, %swap3A_380], %swap3A_383 {strides = array<i32>} : memref<8x128xi32, #tpu.memory_space<vmem>>, vector<1x16xi32>,
      %get3A_384 = arith.index_cast %scan3A_310 : i32 to index
      %get3A_385 = arith.constant 80 : index
      %get3A_386 = tpu.vector_load %arg14[%get3A_384, %get3A_385] {strides = array<i32>} : memref<8x128xi32, #tpu.memory_space<vmem>>, vector<1x16xi32>,
      %get3A_387 = vector.shape_cast %get3A_386 : vector<1x16xi32> to vector<16xi32>
      %max3A_388 = arith.constant 0 : i32
      %max3A_389 = vector.broadcast %max3A_388 : i32 to vector<16xi32>
      %max3A_390 = arith.maxsi %get3A_387, %max3A_389 : vector<16xi32>
      %min3A_391 = arith.constant 16383 : i32
      %min3A_392 = vector.broadcast %min3A_391 : i32 to vector<16xi32>
      %min3A_393 = arith.minsi %max3A_390, %min3A_392 : vector<16xi32>
      %swap3A_394 = arith.index_cast %scan3A_310 : i32 to index
      %swap3A_395 = arith.constant 80 : index
      %swap3A_396 = tpu.vector_load %arg14[%swap3A_394, %swap3A_395] {strides = array<i32>} : memref<8x128xi32, #tpu.memory_space<vmem>>, vector<1x16xi32>,
      %swap3A_397 = vector.shape_cast %swap3A_396 : vector<1x16xi32> to vector<16xi32>
      %swap3A_398 = vector.shape_cast %min3A_393 : vector<16xi32> to vector<1x16xi32>
      tpu.vector_store %arg14[%swap3A_394, %swap3A_395], %swap3A_398 {strides = array<i32>} : memref<8x128xi32, #tpu.memory_space<vmem>>, vector<1x16xi32>,
      %get3A_399 = arith.index_cast %scan3A_310 : i32 to index
      %get3A_400 = arith.constant 96 : index
      %get3A_401 = tpu.vector_load %arg14[%get3A_399, %get3A_400] {strides = array<i32>} : memref<8x128xi32, #tpu.memory_space<vmem>>, vector<1x16xi32>,
      %get3A_402 = vector.shape_cast %get3A_401 : vector<1x16xi32> to vector<16xi32>
      %max3A_403 = arith.constant 0 : i32
      %max3A_404 = vector.broadcast %max3A_403 : i32 to vector<16xi32>
      %max3A_405 = arith.maxsi %get3A_402, %max3A_404 : vector<16xi32>
      %min3A_406 = arith.constant 16383 : i32
      %min3A_407 = vector.broadcast %min3A_406 : i32 to vector<16xi32>
      %min3A_408 = arith.minsi %max3A_405, %min3A_407 : vector<16xi32>
      %swap3A_409 = arith.index_cast %scan3A_310 : i32 to index
      %swap3A_410 = arith.constant 96 : index
      %swap3A_411 = tpu.vector_load %arg14[%swap3A_409, %swap3A_410] {strides = array<i32>} : memref<8x128xi32, #tpu.memory_space<vmem>>, vector<1x16xi32>,
      %swap3A_412 = vector.shape_cast %swap3A_411 : vector<1x16xi32> to vector<16xi32>
      %swap3A_413 = vector.shape_cast %min3A_408 : vector<16xi32> to vector<1x16xi32>
      tpu.vector_store %arg14[%swap3A_409, %swap3A_410], %swap3A_413 {strides = array<i32>} : memref<8x128xi32, #tpu.memory_space<vmem>>, vector<1x16xi32>,
      %get3A_414 = arith.index_cast %scan3A_310 : i32 to index
      %get3A_415 = arith.constant 112 : index
      %get3A_416 = tpu.vector_load %arg14[%get3A_414, %get3A_415] {strides = array<i32>} : memref<8x128xi32, #tpu.memory_space<vmem>>, vector<1x16xi32>,
      %get3A_417 = vector.shape_cast %get3A_416 : vector<1x16xi32> to vector<16xi32>
      %max3A_418 = arith.constant 0 : i32
      %max3A_419 = vector.broadcast %max3A_418 : i32 to vector<16xi32>
      %max3A_420 = arith.maxsi %get3A_417, %max3A_419 : vector<16xi32>
      %min3A_421 = arith.constant 16383 : i32
      %min3A_422 = vector.broadcast %min3A_421 : i32 to vector<16xi32>
      %min3A_423 = arith.minsi %max3A_420, %min3A_422 : vector<16xi32>
      %swap3A_424 = arith.index_cast %scan3A_310 : i32 to index
      %swap3A_425 = arith.constant 112 : index
      %swap3A_426 = tpu.vector_load %arg14[%swap3A_424, %swap3A_425] {strides = array<i32>} : memref<8x128xi32, #tpu.memory_space<vmem>>, vector<1x16xi32>,
      %swap3A_427 = vector.shape_cast %swap3A_426 : vector<1x16xi32> to vector<16xi32>
      %swap3A_428 = vector.shape_cast %min3A_423 : vector<16xi32> to vector<1x16xi32>
      tpu.vector_store %arg14[%swap3A_424, %swap3A_425], %swap3A_428 {strides = array<i32>} : memref<8x128xi32, #tpu.memory_space<vmem>>, vector<1x16xi32>,
      %scan3A_429 = arith.constant 0 : i32
      scf.yield %scan3A_429 : i32
    }
    %scan3A_61 = arith.constant 8 : i32
    %barrier3A = arith.constant 0 : index
    tpu.barrier barrier_id(%barrier3A)
    %add3A_62 = arith.constant 0 : i32
    %add3A_63 = arith.addi %mul3A_0, %add3A_62 : i32
    "tpu.region"() ({
      %run_scoped3A_310 = tpu.sem_alloc : memref<!tpu.dma_semaphore, #tpu.memory_space<semaphore_mem>>
      %dma_start3A = arith.constant 0 : i32
      %dma_start3A_311 = tpu.memref_slice %arg3[%add3A_63, %dma_start3A] : memref<16384x64xf32, #tpu.memory_space<hbm>> -> memref<128x64xf32, #tpu.memory_space<hbm>>
      %dma_start3A_312 = arith.constant 0 : i32
      %dma_start3A_313 = tpu.memref_slice %arg3[%add3A_63, %dma_start3A_312] : memref<16384x64xf32, #tpu.memory_space<hbm>> -> memref<128x64xf32, #tpu.memory_space<hbm>>
      tpu.enqueue_dma source(%dma_start3A_313 : memref<128x64xf32, #tpu.memory_space<hbm>>) target(%arg15 : memref<128x64xf32, #tpu.memory_space<vmem>>) target_semaphore(%run_scoped3A_310 : memref<!tpu.dma_semaphore, #tpu.memory_space<semaphore_mem>>)
      %dma_wait3A = arith.constant 0 : i32
      %dma_wait3A_314 = tpu.memref_slice %arg3[%add3A_63, %dma_wait3A] : memref<16384x64xf32, #tpu.memory_space<hbm>> -> memref<128x64xf32, #tpu.memory_space<hbm>>
      %dma_wait3A_315 = arith.constant 0 : i32
      %dma_wait3A_316 = tpu.memref_slice %arg3[%add3A_63, %dma_wait3A_315] : memref<16384x64xf32, #tpu.memory_space<hbm>> -> memref<128x64xf32, #tpu.memory_space<hbm>>
      tpu.wait_dma2 semaphore(%run_scoped3A_310 : memref<!tpu.dma_semaphore, #tpu.memory_space<semaphore_mem>>) src(%dma_wait3A_316 : memref<128x64xf32, #tpu.memory_space<hbm>>) dst(%arg15 : memref<128x64xf32, #tpu.memory_space<vmem>>)
      tpu.yield
    }) : () -> ()
    %run_scoped3A_64 = arith.constant 0 : i32
    "tpu.region"() ({
      %run_scoped3A_310 = tpu.sem_alloc : memref<!tpu.dma_semaphore, #tpu.memory_space<semaphore_mem>>
      %dma_start3A = arith.constant 0 : i32
      %dma_start3A_311 = tpu.memref_slice %arg13[%run_scoped3A_64, %dma_start3A] : memref<8x128xi32, #tpu.memory_space<vmem>> -> memref<1x128xi32, #tpu.memory_space<vmem>>
      %dma_start3A_312 = tpu.memref_squeeze %dma_start3A_311 : memref<1x128xi32, #tpu.memory_space<vmem>> -> memref<128xi32, #tpu.memory_space<vmem>>
      %dma_start3A_313 = arith.constant 0 : i32
      %dma_start3A_314 = arith.constant 0 : i32
      %dma_start3A_315 = tpu.memref_slice %arg4[%dma_start3A_313, %dma_start3A_314] : memref<1000000x64xf32, #tpu.memory_space<hbm>> -> memref<1000000x64xf32, #tpu.memory_space<hbm>>
      tpu.enqueue_indirect_dma source(%dma_start3A_315 : memref<1000000x64xf32, #tpu.memory_space<hbm>>) target(%arg16 : memref<128x64xf32, #tpu.memory_space<vmem>>) offsets(%dma_start3A_312 : memref<128xi32, #tpu.memory_space<vmem>>) semaphore(%run_scoped3A_310 : memref<!tpu.dma_semaphore, #tpu.memory_space<semaphore_mem>>)
      %dma_wait3A = arith.constant 0 : i32
      %dma_wait3A_316 = tpu.memref_slice %arg13[%run_scoped3A_64, %dma_wait3A] : memref<8x128xi32, #tpu.memory_space<vmem>> -> memref<1x128xi32, #tpu.memory_space<vmem>>
      %dma_wait3A_317 = tpu.memref_squeeze %dma_wait3A_316 : memref<1x128xi32, #tpu.memory_space<vmem>> -> memref<128xi32, #tpu.memory_space<vmem>>
      %dma_wait3A_318 = arith.constant 0 : i32
      %dma_wait3A_319 = arith.constant 0 : i32
      %dma_wait3A_320 = tpu.memref_slice %arg4[%dma_wait3A_318, %dma_wait3A_319] : memref<1000000x64xf32, #tpu.memory_space<hbm>> -> memref<1000000x64xf32, #tpu.memory_space<hbm>>
      tpu.wait_indirect_dma semaphore(%run_scoped3A_310 : memref<!tpu.dma_semaphore, #tpu.memory_space<semaphore_mem>>) src(%dma_wait3A_320 : memref<1000000x64xf32, #tpu.memory_space<hbm>>) dst(%arg16 : memref<128x64xf32, #tpu.memory_space<vmem>>)
      tpu.yield
    }) : () -> ()
    %scan3A_65 = arith.constant 0 : i32
    %scan3A_66 = arith.constant 0 : i32
    %scan3A_67 = arith.constant 128 : i32
    %scan3A_68 = arith.addi %scan3A_66, %scan3A_67 : i32
    %scan3A_69 = arith.constant 1 : i32
    %scan3A_70 = scf.for %scan3A_310 = %scan3A_66 to %scan3A_68 step %scan3A_69 iter_args(%scan3A_311 = %scan3A_65) -> (i32)  : i32 {
      %get3A = arith.index_cast %scan3A_310 : i32 to index
      %get3A_312 = arith.constant 0 : index
      %get3A_313 = tpu.vector_load %arg15[%get3A, %get3A_312] {strides = array<i32>} : memref<128x64xf32, #tpu.memory_space<vmem>>, vector<1x16xf32>,
      %get3A_314 = vector.shape_cast %get3A_313 : vector<1x16xf32> to vector<16xf32>
      %get3A_315 = arith.index_cast %scan3A_310 : i32 to index
      %get3A_316 = arith.constant 0 : index
      %get3A_317 = tpu.vector_load %arg16[%get3A_315, %get3A_316] {strides = array<i32>} : memref<128x64xf32, #tpu.memory_space<vmem>>, vector<1x16xf32>,
      %get3A_318 = vector.shape_cast %get3A_317 : vector<1x16xf32> to vector<16xf32>
      %sub3A = arith.subf %get3A_314, %get3A_318 : vector<16xf32>
      %swap3A_319 = arith.index_cast %scan3A_310 : i32 to index
      %swap3A_320 = arith.constant 0 : index
      %swap3A_321 = tpu.vector_load %arg17[%swap3A_319, %swap3A_320] {strides = array<i32>} : memref<128x64xf32, #tpu.memory_space<vmem>>, vector<1x16xf32>,
      %swap3A_322 = vector.shape_cast %swap3A_321 : vector<1x16xf32> to vector<16xf32>
      %swap3A_323 = vector.shape_cast %sub3A : vector<16xf32> to vector<1x16xf32>
      tpu.vector_store %arg17[%swap3A_319, %swap3A_320], %swap3A_323 {strides = array<i32>} : memref<128x64xf32, #tpu.memory_space<vmem>>, vector<1x16xf32>,
      %get3A_324 = arith.index_cast %scan3A_310 : i32 to index
      %get3A_325 = arith.constant 16 : index
      %get3A_326 = tpu.vector_load %arg15[%get3A_324, %get3A_325] {strides = array<i32>} : memref<128x64xf32, #tpu.memory_space<vmem>>, vector<1x16xf32>,
      %get3A_327 = vector.shape_cast %get3A_326 : vector<1x16xf32> to vector<16xf32>
      %get3A_328 = arith.index_cast %scan3A_310 : i32 to index
      %get3A_329 = arith.constant 16 : index
      %get3A_330 = tpu.vector_load %arg16[%get3A_328, %get3A_329] {strides = array<i32>} : memref<128x64xf32, #tpu.memory_space<vmem>>, vector<1x16xf32>,
      %get3A_331 = vector.shape_cast %get3A_330 : vector<1x16xf32> to vector<16xf32>
      %sub3A_332 = arith.subf %get3A_327, %get3A_331 : vector<16xf32>
      %swap3A_333 = arith.index_cast %scan3A_310 : i32 to index
      %swap3A_334 = arith.constant 16 : index
      %swap3A_335 = tpu.vector_load %arg17[%swap3A_333, %swap3A_334] {strides = array<i32>} : memref<128x64xf32, #tpu.memory_space<vmem>>, vector<1x16xf32>,
      %swap3A_336 = vector.shape_cast %swap3A_335 : vector<1x16xf32> to vector<16xf32>
      %swap3A_337 = vector.shape_cast %sub3A_332 : vector<16xf32> to vector<1x16xf32>
      tpu.vector_store %arg17[%swap3A_333, %swap3A_334], %swap3A_337 {strides = array<i32>} : memref<128x64xf32, #tpu.memory_space<vmem>>, vector<1x16xf32>,
      %get3A_338 = arith.index_cast %scan3A_310 : i32 to index
      %get3A_339 = arith.constant 32 : index
      %get3A_340 = tpu.vector_load %arg15[%get3A_338, %get3A_339] {strides = array<i32>} : memref<128x64xf32, #tpu.memory_space<vmem>>, vector<1x16xf32>,
      %get3A_341 = vector.shape_cast %get3A_340 : vector<1x16xf32> to vector<16xf32>
      %get3A_342 = arith.index_cast %scan3A_310 : i32 to index
      %get3A_343 = arith.constant 32 : index
      %get3A_344 = tpu.vector_load %arg16[%get3A_342, %get3A_343] {strides = array<i32>} : memref<128x64xf32, #tpu.memory_space<vmem>>, vector<1x16xf32>,
      %get3A_345 = vector.shape_cast %get3A_344 : vector<1x16xf32> to vector<16xf32>
      %sub3A_346 = arith.subf %get3A_341, %get3A_345 : vector<16xf32>
      %swap3A_347 = arith.index_cast %scan3A_310 : i32 to index
      %swap3A_348 = arith.constant 32 : index
      %swap3A_349 = tpu.vector_load %arg17[%swap3A_347, %swap3A_348] {strides = array<i32>} : memref<128x64xf32, #tpu.memory_space<vmem>>, vector<1x16xf32>,
      %swap3A_350 = vector.shape_cast %swap3A_349 : vector<1x16xf32> to vector<16xf32>
      %swap3A_351 = vector.shape_cast %sub3A_346 : vector<16xf32> to vector<1x16xf32>
      tpu.vector_store %arg17[%swap3A_347, %swap3A_348], %swap3A_351 {strides = array<i32>} : memref<128x64xf32, #tpu.memory_space<vmem>>, vector<1x16xf32>,
      %get3A_352 = arith.index_cast %scan3A_310 : i32 to index
      %get3A_353 = arith.constant 48 : index
      %get3A_354 = tpu.vector_load %arg15[%get3A_352, %get3A_353] {strides = array<i32>} : memref<128x64xf32, #tpu.memory_space<vmem>>, vector<1x16xf32>,
      %get3A_355 = vector.shape_cast %get3A_354 : vector<1x16xf32> to vector<16xf32>
      %get3A_356 = arith.index_cast %scan3A_310 : i32 to index
      %get3A_357 = arith.constant 48 : index
      %get3A_358 = tpu.vector_load %arg16[%get3A_356, %get3A_357] {strides = array<i32>} : memref<128x64xf32, #tpu.memory_space<vmem>>, vector<1x16xf32>,
      %get3A_359 = vector.shape_cast %get3A_358 : vector<1x16xf32> to vector<16xf32>
      %sub3A_360 = arith.subf %get3A_355, %get3A_359 : vector<16xf32>
      %swap3A_361 = arith.index_cast %scan3A_310 : i32 to index
      %swap3A_362 = arith.constant 48 : index
      %swap3A_363 = tpu.vector_load %arg17[%swap3A_361, %swap3A_362] {strides = array<i32>} : memref<128x64xf32, #tpu.memory_space<vmem>>, vector<1x16xf32>,
      %swap3A_364 = vector.shape_cast %swap3A_363 : vector<1x16xf32> to vector<16xf32>
      %swap3A_365 = vector.shape_cast %sub3A_360 : vector<16xf32> to vector<1x16xf32>
      tpu.vector_store %arg17[%swap3A_361, %swap3A_362], %swap3A_365 {strides = array<i32>} : memref<128x64xf32, #tpu.memory_space<vmem>>, vector<1x16xf32>,
      %scan3A_366 = arith.constant 0 : i32
      scf.yield %scan3A_366 : i32
    }
    %scan3A_71 = arith.constant 128 : i32
    %run_scoped3A_72 = arith.constant 0 : i32
    "tpu.region"() ({
      %run_scoped3A_310 = tpu.sem_alloc : memref<!tpu.dma_semaphore, #tpu.memory_space<semaphore_mem>>
      %dma_start3A = arith.constant 0 : i32
      %dma_start3A_311 = tpu.memref_slice %arg14[%run_scoped3A_72, %dma_start3A] : memref<8x128xi32, #tpu.memory_space<vmem>> -> memref<1x128xi32, #tpu.memory_space<vmem>>
      %dma_start3A_312 = tpu.memref_squeeze %dma_start3A_311 : memref<1x128xi32, #tpu.memory_space<vmem>> -> memref<128xi32, #tpu.memory_space<vmem>>
      %dma_start3A_313 = arith.constant 0 : i32
      %dma_start3A_314 = arith.constant 0 : i32
      %dma_start3A_315 = tpu.memref_slice %arg10[%dma_start3A_313, %dma_start3A_314] : memref<16384x64xf32, #tpu.memory_space<vmem_shared>> -> memref<16384x64xf32, #tpu.memory_space<vmem_shared>>
      tpu.enqueue_indirect_dma source(%arg17 : memref<128x64xf32, #tpu.memory_space<vmem>>) target(%dma_start3A_315 : memref<16384x64xf32, #tpu.memory_space<vmem_shared>>) offsets(%dma_start3A_312 : memref<128xi32, #tpu.memory_space<vmem>>) semaphore(%run_scoped3A_310 : memref<!tpu.dma_semaphore, #tpu.memory_space<semaphore_mem>>) {add = true}
      %dma_wait3A = arith.constant 0 : i32
      %dma_wait3A_316 = tpu.memref_slice %arg14[%run_scoped3A_72, %dma_wait3A] : memref<8x128xi32, #tpu.memory_space<vmem>> -> memref<1x128xi32, #tpu.memory_space<vmem>>
      %dma_wait3A_317 = tpu.memref_squeeze %dma_wait3A_316 : memref<1x128xi32, #tpu.memory_space<vmem>> -> memref<128xi32, #tpu.memory_space<vmem>>
      %dma_wait3A_318 = arith.constant 0 : i32
      %dma_wait3A_319 = arith.constant 0 : i32
      %dma_wait3A_320 = tpu.memref_slice %arg10[%dma_wait3A_318, %dma_wait3A_319] : memref<16384x64xf32, #tpu.memory_space<vmem_shared>> -> memref<16384x64xf32, #tpu.memory_space<vmem_shared>>
      tpu.wait_indirect_dma semaphore(%run_scoped3A_310 : memref<!tpu.dma_semaphore, #tpu.memory_space<semaphore_mem>>) src(%arg17 : memref<128x64xf32, #tpu.memory_space<vmem>>) dst(%dma_wait3A_320 : memref<16384x64xf32, #tpu.memory_space<vmem_shared>>)
      tpu.yield
    }) : () -> ()
    %run_scoped3A_73 = arith.constant 0 : i32
    "tpu.region"() ({
      %run_scoped3A_310 = tpu.sem_alloc : memref<!tpu.dma_semaphore, #tpu.memory_space<semaphore_mem>>
      %dma_start3A = arith.constant 0 : i32
      %dma_start3A_311 = tpu.memref_slice %arg14[%run_scoped3A_73, %dma_start3A] : memref<8x128xi32, #tpu.memory_space<vmem>> -> memref<1x128xi32, #tpu.memory_space<vmem>>
      %dma_start3A_312 = tpu.memref_squeeze %dma_start3A_311 : memref<1x128xi32, #tpu.memory_space<vmem>> -> memref<128xi32, #tpu.memory_space<vmem>>
      %dma_start3A_313 = arith.constant 0 : i32
      %dma_start3A_314 = tpu.memref_slice %arg11[%dma_start3A_313] : memref<16384xf32, #tpu.memory_space<vmem_shared>> -> memref<16384xf32, #tpu.memory_space<vmem_shared>>
      tpu.enqueue_indirect_dma source(%arg20 : memref<128xf32, #tpu.memory_space<vmem>>) target(%dma_start3A_314 : memref<16384xf32, #tpu.memory_space<vmem_shared>>) offsets(%dma_start3A_312 : memref<128xi32, #tpu.memory_space<vmem>>) semaphore(%run_scoped3A_310 : memref<!tpu.dma_semaphore, #tpu.memory_space<semaphore_mem>>) {add = true}
      %dma_wait3A = arith.constant 0 : i32
      %dma_wait3A_315 = tpu.memref_slice %arg14[%run_scoped3A_73, %dma_wait3A] : memref<8x128xi32, #tpu.memory_space<vmem>> -> memref<1x128xi32, #tpu.memory_space<vmem>>
      %dma_wait3A_316 = tpu.memref_squeeze %dma_wait3A_315 : memref<1x128xi32, #tpu.memory_space<vmem>> -> memref<128xi32, #tpu.memory_space<vmem>>
      %dma_wait3A_317 = arith.constant 0 : i32
      %dma_wait3A_318 = tpu.memref_slice %arg11[%dma_wait3A_317] : memref<16384xf32, #tpu.memory_space<vmem_shared>> -> memref<16384xf32, #tpu.memory_space<vmem_shared>>
      tpu.wait_indirect_dma semaphore(%run_scoped3A_310 : memref<!tpu.dma_semaphore, #tpu.memory_space<semaphore_mem>>) src(%arg20 : memref<128xf32, #tpu.memory_space<vmem>>) dst(%dma_wait3A_318 : memref<16384xf32, #tpu.memory_space<vmem_shared>>)
      tpu.yield
    }) : () -> ()
    %add3A_74 = arith.constant 128 : i32
    %add3A_75 = arith.addi %mul3A_0, %add3A_74 : i32
    "tpu.region"() ({
      %run_scoped3A_310 = tpu.sem_alloc : memref<!tpu.dma_semaphore, #tpu.memory_space<semaphore_mem>>
      %dma_start3A = arith.constant 0 : i32
      %dma_start3A_311 = tpu.memref_slice %arg3[%add3A_75, %dma_start3A] : memref<16384x64xf32, #tpu.memory_space<hbm>> -> memref<128x64xf32, #tpu.memory_space<hbm>>
      %dma_start3A_312 = arith.constant 0 : i32
      %dma_start3A_313 = tpu.memref_slice %arg3[%add3A_75, %dma_start3A_312] : memref<16384x64xf32, #tpu.memory_space<hbm>> -> memref<128x64xf32, #tpu.memory_space<hbm>>
      tpu.enqueue_dma source(%dma_start3A_313 : memref<128x64xf32, #tpu.memory_space<hbm>>) target(%arg15 : memref<128x64xf32, #tpu.memory_space<vmem>>) target_semaphore(%run_scoped3A_310 : memref<!tpu.dma_semaphore, #tpu.memory_space<semaphore_mem>>)
      %dma_wait3A = arith.constant 0 : i32
      %dma_wait3A_314 = tpu.memref_slice %arg3[%add3A_75, %dma_wait3A] : memref<16384x64xf32, #tpu.memory_space<hbm>> -> memref<128x64xf32, #tpu.memory_space<hbm>>
      %dma_wait3A_315 = arith.constant 0 : i32
      %dma_wait3A_316 = tpu.memref_slice %arg3[%add3A_75, %dma_wait3A_315] : memref<16384x64xf32, #tpu.memory_space<hbm>> -> memref<128x64xf32, #tpu.memory_space<hbm>>
      tpu.wait_dma2 semaphore(%run_scoped3A_310 : memref<!tpu.dma_semaphore, #tpu.memory_space<semaphore_mem>>) src(%dma_wait3A_316 : memref<128x64xf32, #tpu.memory_space<hbm>>) dst(%arg15 : memref<128x64xf32, #tpu.memory_space<vmem>>)
      tpu.yield
    }) : () -> ()
    %run_scoped3A_76 = arith.constant 1 : i32
    "tpu.region"() ({
      %run_scoped3A_310 = tpu.sem_alloc : memref<!tpu.dma_semaphore, #tpu.memory_space<semaphore_mem>>
      %dma_start3A = arith.constant 0 : i32
      %dma_start3A_311 = tpu.memref_slice %arg13[%run_scoped3A_76, %dma_start3A] : memref<8x128xi32, #tpu.memory_space<vmem>> -> memref<1x128xi32, #tpu.memory_space<vmem>>
      %dma_start3A_312 = tpu.memref_squeeze %dma_start3A_311 : memref<1x128xi32, #tpu.memory_space<vmem>> -> memref<128xi32, #tpu.memory_space<vmem>>
      %dma_start3A_313 = arith.constant 0 : i32
      %dma_start3A_314 = arith.constant 0 : i32
      %dma_start3A_315 = tpu.memref_slice %arg4[%dma_start3A_313, %dma_start3A_314] : memref<1000000x64xf32, #tpu.memory_space<hbm>> -> memref<1000000x64xf32, #tpu.memory_space<hbm>>
      tpu.enqueue_indirect_dma source(%dma_start3A_315 : memref<1000000x64xf32, #tpu.memory_space<hbm>>) target(%arg16 : memref<128x64xf32, #tpu.memory_space<vmem>>) offsets(%dma_start3A_312 : memref<128xi32, #tpu.memory_space<vmem>>) semaphore(%run_scoped3A_310 : memref<!tpu.dma_semaphore, #tpu.memory_space<semaphore_mem>>)
      %dma_wait3A = arith.constant 0 : i32
      %dma_wait3A_316 = tpu.memref_slice %arg13[%run_scoped3A_76, %dma_wait3A] : memref<8x128xi32, #tpu.memory_space<vmem>> -> memref<1x128xi32, #tpu.memory_space<vmem>>
      %dma_wait3A_317 = tpu.memref_squeeze %dma_wait3A_316 : memref<1x128xi32, #tpu.memory_space<vmem>> -> memref<128xi32, #tpu.memory_space<vmem>>
      %dma_wait3A_318 = arith.constant 0 : i32
      %dma_wait3A_319 = arith.constant 0 : i32
      %dma_wait3A_320 = tpu.memref_slice %arg4[%dma_wait3A_318, %dma_wait3A_319] : memref<1000000x64xf32, #tpu.memory_space<hbm>> -> memref<1000000x64xf32, #tpu.memory_space<hbm>>
      tpu.wait_indirect_dma semaphore(%run_scoped3A_310 : memref<!tpu.dma_semaphore, #tpu.memory_space<semaphore_mem>>) src(%dma_wait3A_320 : memref<1000000x64xf32, #tpu.memory_space<hbm>>) dst(%arg16 : memref<128x64xf32, #tpu.memory_space<vmem>>)
      tpu.yield
    }) : () -> ()
    %scan3A_77 = arith.constant 0 : i32
    %scan3A_78 = arith.constant 0 : i32
    %scan3A_79 = arith.constant 128 : i32
    %scan3A_80 = arith.addi %scan3A_78, %scan3A_79 : i32
    %scan3A_81 = arith.constant 1 : i32
    %scan3A_82 = scf.for %scan3A_310 = %scan3A_78 to %scan3A_80 step %scan3A_81 iter_args(%scan3A_311 = %scan3A_77) -> (i32)  : i32 {
      %get3A = arith.index_cast %scan3A_310 : i32 to index
      %get3A_312 = arith.constant 0 : index
      %get3A_313 = tpu.vector_load %arg15[%get3A, %get3A_312] {strides = array<i32>} : memref<128x64xf32, #tpu.memory_space<vmem>>, vector<1x16xf32>,
      %get3A_314 = vector.shape_cast %get3A_313 : vector<1x16xf32> to vector<16xf32>
      %get3A_315 = arith.index_cast %scan3A_310 : i32 to index
      %get3A_316 = arith.constant 0 : index
      %get3A_317 = tpu.vector_load %arg16[%get3A_315, %get3A_316] {strides = array<i32>} : memref<128x64xf32, #tpu.memory_space<vmem>>, vector<1x16xf32>,
      %get3A_318 = vector.shape_cast %get3A_317 : vector<1x16xf32> to vector<16xf32>
      %sub3A = arith.subf %get3A_314, %get3A_318 : vector<16xf32>
      %swap3A_319 = arith.index_cast %scan3A_310 : i32 to index
      %swap3A_320 = arith.constant 0 : index
      %swap3A_321 = tpu.vector_load %arg17[%swap3A_319, %swap3A_320] {strides = array<i32>} : memref<128x64xf32, #tpu.memory_space<vmem>>, vector<1x16xf32>,
      %swap3A_322 = vector.shape_cast %swap3A_321 : vector<1x16xf32> to vector<16xf32>
      %swap3A_323 = vector.shape_cast %sub3A : vector<16xf32> to vector<1x16xf32>
      tpu.vector_store %arg17[%swap3A_319, %swap3A_320], %swap3A_323 {strides = array<i32>} : memref<128x64xf32, #tpu.memory_space<vmem>>, vector<1x16xf32>,
      %get3A_324 = arith.index_cast %scan3A_310 : i32 to index
      %get3A_325 = arith.constant 16 : index
      %get3A_326 = tpu.vector_load %arg15[%get3A_324, %get3A_325] {strides = array<i32>} : memref<128x64xf32, #tpu.memory_space<vmem>>, vector<1x16xf32>,
      %get3A_327 = vector.shape_cast %get3A_326 : vector<1x16xf32> to vector<16xf32>
      %get3A_328 = arith.index_cast %scan3A_310 : i32 to index
      %get3A_329 = arith.constant 16 : index
      %get3A_330 = tpu.vector_load %arg16[%get3A_328, %get3A_329] {strides = array<i32>} : memref<128x64xf32, #tpu.memory_space<vmem>>, vector<1x16xf32>,
      %get3A_331 = vector.shape_cast %get3A_330 : vector<1x16xf32> to vector<16xf32>
      %sub3A_332 = arith.subf %get3A_327, %get3A_331 : vector<16xf32>
      %swap3A_333 = arith.index_cast %scan3A_310 : i32 to index
      %swap3A_334 = arith.constant 16 : index
      %swap3A_335 = tpu.vector_load %arg17[%swap3A_333, %swap3A_334] {strides = array<i32>} : memref<128x64xf32, #tpu.memory_space<vmem>>, vector<1x16xf32>,
      %swap3A_336 = vector.shape_cast %swap3A_335 : vector<1x16xf32> to vector<16xf32>
      %swap3A_337 = vector.shape_cast %sub3A_332 : vector<16xf32> to vector<1x16xf32>
      tpu.vector_store %arg17[%swap3A_333, %swap3A_334], %swap3A_337 {strides = array<i32>} : memref<128x64xf32, #tpu.memory_space<vmem>>, vector<1x16xf32>,
      %get3A_338 = arith.index_cast %scan3A_310 : i32 to index
      %get3A_339 = arith.constant 32 : index
      %get3A_340 = tpu.vector_load %arg15[%get3A_338, %get3A_339] {strides = array<i32>} : memref<128x64xf32, #tpu.memory_space<vmem>>, vector<1x16xf32>,
      %get3A_341 = vector.shape_cast %get3A_340 : vector<1x16xf32> to vector<16xf32>
      %get3A_342 = arith.index_cast %scan3A_310 : i32 to index
      %get3A_343 = arith.constant 32 : index
      %get3A_344 = tpu.vector_load %arg16[%get3A_342, %get3A_343] {strides = array<i32>} : memref<128x64xf32, #tpu.memory_space<vmem>>, vector<1x16xf32>,
      %get3A_345 = vector.shape_cast %get3A_344 : vector<1x16xf32> to vector<16xf32>
      %sub3A_346 = arith.subf %get3A_341, %get3A_345 : vector<16xf32>
      %swap3A_347 = arith.index_cast %scan3A_310 : i32 to index
      %swap3A_348 = arith.constant 32 : index
      %swap3A_349 = tpu.vector_load %arg17[%swap3A_347, %swap3A_348] {strides = array<i32>} : memref<128x64xf32, #tpu.memory_space<vmem>>, vector<1x16xf32>,
      %swap3A_350 = vector.shape_cast %swap3A_349 : vector<1x16xf32> to vector<16xf32>
      %swap3A_351 = vector.shape_cast %sub3A_346 : vector<16xf32> to vector<1x16xf32>
      tpu.vector_store %arg17[%swap3A_347, %swap3A_348], %swap3A_351 {strides = array<i32>} : memref<128x64xf32, #tpu.memory_space<vmem>>, vector<1x16xf32>,
      %get3A_352 = arith.index_cast %scan3A_310 : i32 to index
      %get3A_353 = arith.constant 48 : index
      %get3A_354 = tpu.vector_load %arg15[%get3A_352, %get3A_353] {strides = array<i32>} : memref<128x64xf32, #tpu.memory_space<vmem>>, vector<1x16xf32>,
      %get3A_355 = vector.shape_cast %get3A_354 : vector<1x16xf32> to vector<16xf32>
      %get3A_356 = arith.index_cast %scan3A_310 : i32 to index
      %get3A_357 = arith.constant 48 : index
      %get3A_358 = tpu.vector_load %arg16[%get3A_356, %get3A_357] {strides = array<i32>} : memref<128x64xf32, #tpu.memory_space<vmem>>, vector<1x16xf32>,
      %get3A_359 = vector.shape_cast %get3A_358 : vector<1x16xf32> to vector<16xf32>
      %sub3A_360 = arith.subf %get3A_355, %get3A_359 : vector<16xf32>
      %swap3A_361 = arith.index_cast %scan3A_310 : i32 to index
      %swap3A_362 = arith.constant 48 : index
      %swap3A_363 = tpu.vector_load %arg17[%swap3A_361, %swap3A_362] {strides = array<i32>} : memref<128x64xf32, #tpu.memory_space<vmem>>, vector<1x16xf32>,
      %swap3A_364 = vector.shape_cast %swap3A_363 : vector<1x16xf32> to vector<16xf32>
      %swap3A_365 = vector.shape_cast %sub3A_360 : vector<16xf32> to vector<1x16xf32>
      tpu.vector_store %arg17[%swap3A_361, %swap3A_362], %swap3A_365 {strides = array<i32>} : memref<128x64xf32, #tpu.memory_space<vmem>>, vector<1x16xf32>,
      %scan3A_366 = arith.constant 0 : i32
      scf.yield %scan3A_366 : i32
    }
    %scan3A_83 = arith.constant 128 : i32
    %run_scoped3A_84 = arith.constant 1 : i32
    "tpu.region"() ({
      %run_scoped3A_310 = tpu.sem_alloc : memref<!tpu.dma_semaphore, #tpu.memory_space<semaphore_mem>>
      %dma_start3A = arith.constant 0 : i32
      %dma_start3A_311 = tpu.memref_slice %arg14[%run_scoped3A_84, %dma_start3A] : memref<8x128xi32, #tpu.memory_space<vmem>> -> memref<1x128xi32, #tpu.memory_space<vmem>>
      %dma_start3A_312 = tpu.memref_squeeze %dma_start3A_311 : memref<1x128xi32, #tpu.memory_space<vmem>> -> memref<128xi32, #tpu.memory_space<vmem>>
      %dma_start3A_313 = arith.constant 0 : i32
      %dma_start3A_314 = arith.constant 0 : i32
      %dma_start3A_315 = tpu.memref_slice %arg10[%dma_start3A_313, %dma_start3A_314] : memref<16384x64xf32, #tpu.memory_space<vmem_shared>> -> memref<16384x64xf32, #tpu.memory_space<vmem_shared>>
      tpu.enqueue_indirect_dma source(%arg17 : memref<128x64xf32, #tpu.memory_space<vmem>>) target(%dma_start3A_315 : memref<16384x64xf32, #tpu.memory_space<vmem_shared>>) offsets(%dma_start3A_312 : memref<128xi32, #tpu.memory_space<vmem>>) semaphore(%run_scoped3A_310 : memref<!tpu.dma_semaphore, #tpu.memory_space<semaphore_mem>>) {add = true}
      %dma_wait3A = arith.constant 0 : i32
      %dma_wait3A_316 = tpu.memref_slice %arg14[%run_scoped3A_84, %dma_wait3A] : memref<8x128xi32, #tpu.memory_space<vmem>> -> memref<1x128xi32, #tpu.memory_space<vmem>>
      %dma_wait3A_317 = tpu.memref_squeeze %dma_wait3A_316 : memref<1x128xi32, #tpu.memory_space<vmem>> -> memref<128xi32, #tpu.memory_space<vmem>>
      %dma_wait3A_318 = arith.constant 0 : i32
      %dma_wait3A_319 = arith.constant 0 : i32
      %dma_wait3A_320 = tpu.memref_slice %arg10[%dma_wait3A_318, %dma_wait3A_319] : memref<16384x64xf32, #tpu.memory_space<vmem_shared>> -> memref<16384x64xf32, #tpu.memory_space<vmem_shared>>
      tpu.wait_indirect_dma semaphore(%run_scoped3A_310 : memref<!tpu.dma_semaphore, #tpu.memory_space<semaphore_mem>>) src(%arg17 : memref<128x64xf32, #tpu.memory_space<vmem>>) dst(%dma_wait3A_320 : memref<16384x64xf32, #tpu.memory_space<vmem_shared>>)
      tpu.yield
    }) : () -> ()
    %run_scoped3A_85 = arith.constant 1 : i32
    "tpu.region"() ({
      %run_scoped3A_310 = tpu.sem_alloc : memref<!tpu.dma_semaphore, #tpu.memory_space<semaphore_mem>>
      %dma_start3A = arith.constant 0 : i32
      %dma_start3A_311 = tpu.memref_slice %arg14[%run_scoped3A_85, %dma_start3A] : memref<8x128xi32, #tpu.memory_space<vmem>> -> memref<1x128xi32, #tpu.memory_space<vmem>>
      %dma_start3A_312 = tpu.memref_squeeze %dma_start3A_311 : memref<1x128xi32, #tpu.memory_space<vmem>> -> memref<128xi32, #tpu.memory_space<vmem>>
      %dma_start3A_313 = arith.constant 0 : i32
      %dma_start3A_314 = tpu.memref_slice %arg11[%dma_start3A_313] : memref<16384xf32, #tpu.memory_space<vmem_shared>> -> memref<16384xf32, #tpu.memory_space<vmem_shared>>
      tpu.enqueue_indirect_dma source(%arg20 : memref<128xf32, #tpu.memory_space<vmem>>) target(%dma_start3A_314 : memref<16384xf32, #tpu.memory_space<vmem_shared>>) offsets(%dma_start3A_312 : memref<128xi32, #tpu.memory_space<vmem>>) semaphore(%run_scoped3A_310 : memref<!tpu.dma_semaphore, #tpu.memory_space<semaphore_mem>>) {add = true}
      %dma_wait3A = arith.constant 0 : i32
      %dma_wait3A_315 = tpu.memref_slice %arg14[%run_scoped3A_85, %dma_wait3A] : memref<8x128xi32, #tpu.memory_space<vmem>> -> memref<1x128xi32, #tpu.memory_space<vmem>>
      %dma_wait3A_316 = tpu.memref_squeeze %dma_wait3A_315 : memref<1x128xi32, #tpu.memory_space<vmem>> -> memref<128xi32, #tpu.memory_space<vmem>>
      %dma_wait3A_317 = arith.constant 0 : i32
      %dma_wait3A_318 = tpu.memref_slice %arg11[%dma_wait3A_317] : memref<16384xf32, #tpu.memory_space<vmem_shared>> -> memref<16384xf32, #tpu.memory_space<vmem_shared>>
      tpu.wait_indirect_dma semaphore(%run_scoped3A_310 : memref<!tpu.dma_semaphore, #tpu.memory_space<semaphore_mem>>) src(%arg20 : memref<128xf32, #tpu.memory_space<vmem>>) dst(%dma_wait3A_318 : memref<16384xf32, #tpu.memory_space<vmem_shared>>)
      tpu.yield
    }) : () -> ()
    %add3A_86 = arith.constant 256 : i32
    %add3A_87 = arith.addi %mul3A_0, %add3A_86 : i32
    "tpu.region"() ({
      %run_scoped3A_310 = tpu.sem_alloc : memref<!tpu.dma_semaphore, #tpu.memory_space<semaphore_mem>>
      %dma_start3A = arith.constant 0 : i32
      %dma_start3A_311 = tpu.memref_slice %arg3[%add3A_87, %dma_start3A] : memref<16384x64xf32, #tpu.memory_space<hbm>> -> memref<128x64xf32, #tpu.memory_space<hbm>>
      %dma_start3A_312 = arith.constant 0 : i32
      %dma_start3A_313 = tpu.memref_slice %arg3[%add3A_87, %dma_start3A_312] : memref<16384x64xf32, #tpu.memory_space<hbm>> -> memref<128x64xf32, #tpu.memory_space<hbm>>
      tpu.enqueue_dma source(%dma_start3A_313 : memref<128x64xf32, #tpu.memory_space<hbm>>) target(%arg15 : memref<128x64xf32, #tpu.memory_space<vmem>>) target_semaphore(%run_scoped3A_310 : memref<!tpu.dma_semaphore, #tpu.memory_space<semaphore_mem>>)
      %dma_wait3A = arith.constant 0 : i32
      %dma_wait3A_314 = tpu.memref_slice %arg3[%add3A_87, %dma_wait3A] : memref<16384x64xf32, #tpu.memory_space<hbm>> -> memref<128x64xf32, #tpu.memory_space<hbm>>
      %dma_wait3A_315 = arith.constant 0 : i32
      %dma_wait3A_316 = tpu.memref_slice %arg3[%add3A_87, %dma_wait3A_315] : memref<16384x64xf32, #tpu.memory_space<hbm>> -> memref<128x64xf32, #tpu.memory_space<hbm>>
      tpu.wait_dma2 semaphore(%run_scoped3A_310 : memref<!tpu.dma_semaphore, #tpu.memory_space<semaphore_mem>>) src(%dma_wait3A_316 : memref<128x64xf32, #tpu.memory_space<hbm>>) dst(%arg15 : memref<128x64xf32, #tpu.memory_space<vmem>>)
      tpu.yield
    }) : () -> ()
    %run_scoped3A_88 = arith.constant 2 : i32
    "tpu.region"() ({
      %run_scoped3A_310 = tpu.sem_alloc : memref<!tpu.dma_semaphore, #tpu.memory_space<semaphore_mem>>
      %dma_start3A = arith.constant 0 : i32
      %dma_start3A_311 = tpu.memref_slice %arg13[%run_scoped3A_88, %dma_start3A] : memref<8x128xi32, #tpu.memory_space<vmem>> -> memref<1x128xi32, #tpu.memory_space<vmem>>
      %dma_start3A_312 = tpu.memref_squeeze %dma_start3A_311 : memref<1x128xi32, #tpu.memory_space<vmem>> -> memref<128xi32, #tpu.memory_space<vmem>>
      %dma_start3A_313 = arith.constant 0 : i32
      %dma_start3A_314 = arith.constant 0 : i32
      %dma_start3A_315 = tpu.memref_slice %arg4[%dma_start3A_313, %dma_start3A_314] : memref<1000000x64xf32, #tpu.memory_space<hbm>> -> memref<1000000x64xf32, #tpu.memory_space<hbm>>
      tpu.enqueue_indirect_dma source(%dma_start3A_315 : memref<1000000x64xf32, #tpu.memory_space<hbm>>) target(%arg16 : memref<128x64xf32, #tpu.memory_space<vmem>>) offsets(%dma_start3A_312 : memref<128xi32, #tpu.memory_space<vmem>>) semaphore(%run_scoped3A_310 : memref<!tpu.dma_semaphore, #tpu.memory_space<semaphore_mem>>)
      %dma_wait3A = arith.constant 0 : i32
      %dma_wait3A_316 = tpu.memref_slice %arg13[%run_scoped3A_88, %dma_wait3A] : memref<8x128xi32, #tpu.memory_space<vmem>> -> memref<1x128xi32, #tpu.memory_space<vmem>>
      %dma_wait3A_317 = tpu.memref_squeeze %dma_wait3A_316 : memref<1x128xi32, #tpu.memory_space<vmem>> -> memref<128xi32, #tpu.memory_space<vmem>>
      %dma_wait3A_318 = arith.constant 0 : i32
      %dma_wait3A_319 = arith.constant 0 : i32
      %dma_wait3A_320 = tpu.memref_slice %arg4[%dma_wait3A_318, %dma_wait3A_319] : memref<1000000x64xf32, #tpu.memory_space<hbm>> -> memref<1000000x64xf32, #tpu.memory_space<hbm>>
      tpu.wait_indirect_dma semaphore(%run_scoped3A_310 : memref<!tpu.dma_semaphore, #tpu.memory_space<semaphore_mem>>) src(%dma_wait3A_320 : memref<1000000x64xf32, #tpu.memory_space<hbm>>) dst(%arg16 : memref<128x64xf32, #tpu.memory_space<vmem>>)
      tpu.yield
    }) : () -> ()
    %scan3A_89 = arith.constant 0 : i32
    %scan3A_90 = arith.constant 0 : i32
    %scan3A_91 = arith.constant 128 : i32
    %scan3A_92 = arith.addi %scan3A_90, %scan3A_91 : i32
    %scan3A_93 = arith.constant 1 : i32
    %scan3A_94 = scf.for %scan3A_310 = %scan3A_90 to %scan3A_92 step %scan3A_93 iter_args(%scan3A_311 = %scan3A_89) -> (i32)  : i32 {
      %get3A = arith.index_cast %scan3A_310 : i32 to index
      %get3A_312 = arith.constant 0 : index
      %get3A_313 = tpu.vector_load %arg15[%get3A, %get3A_312] {strides = array<i32>} : memref<128x64xf32, #tpu.memory_space<vmem>>, vector<1x16xf32>,
      %get3A_314 = vector.shape_cast %get3A_313 : vector<1x16xf32> to vector<16xf32>
      %get3A_315 = arith.index_cast %scan3A_310 : i32 to index
      %get3A_316 = arith.constant 0 : index
      %get3A_317 = tpu.vector_load %arg16[%get3A_315, %get3A_316] {strides = array<i32>} : memref<128x64xf32, #tpu.memory_space<vmem>>, vector<1x16xf32>,
      %get3A_318 = vector.shape_cast %get3A_317 : vector<1x16xf32> to vector<16xf32>
      %sub3A = arith.subf %get3A_314, %get3A_318 : vector<16xf32>
      %swap3A_319 = arith.index_cast %scan3A_310 : i32 to index
      %swap3A_320 = arith.constant 0 : index
      %swap3A_321 = tpu.vector_load %arg17[%swap3A_319, %swap3A_320] {strides = array<i32>} : memref<128x64xf32, #tpu.memory_space<vmem>>, vector<1x16xf32>,
      %swap3A_322 = vector.shape_cast %swap3A_321 : vector<1x16xf32> to vector<16xf32>
      %swap3A_323 = vector.shape_cast %sub3A : vector<16xf32> to vector<1x16xf32>
      tpu.vector_store %arg17[%swap3A_319, %swap3A_320], %swap3A_323 {strides = array<i32>} : memref<128x64xf32, #tpu.memory_space<vmem>>, vector<1x16xf32>,
      %get3A_324 = arith.index_cast %scan3A_310 : i32 to index
      %get3A_325 = arith.constant 16 : index
      %get3A_326 = tpu.vector_load %arg15[%get3A_324, %get3A_325] {strides = array<i32>} : memref<128x64xf32, #tpu.memory_space<vmem>>, vector<1x16xf32>,
      %get3A_327 = vector.shape_cast %get3A_326 : vector<1x16xf32> to vector<16xf32>
      %get3A_328 = arith.index_cast %scan3A_310 : i32 to index
      %get3A_329 = arith.constant 16 : index
      %get3A_330 = tpu.vector_load %arg16[%get3A_328, %get3A_329] {strides = array<i32>} : memref<128x64xf32, #tpu.memory_space<vmem>>, vector<1x16xf32>,
      %get3A_331 = vector.shape_cast %get3A_330 : vector<1x16xf32> to vector<16xf32>
      %sub3A_332 = arith.subf %get3A_327, %get3A_331 : vector<16xf32>
      %swap3A_333 = arith.index_cast %scan3A_310 : i32 to index
      %swap3A_334 = arith.constant 16 : index
      %swap3A_335 = tpu.vector_load %arg17[%swap3A_333, %swap3A_334] {strides = array<i32>} : memref<128x64xf32, #tpu.memory_space<vmem>>, vector<1x16xf32>,
      %swap3A_336 = vector.shape_cast %swap3A_335 : vector<1x16xf32> to vector<16xf32>
      %swap3A_337 = vector.shape_cast %sub3A_332 : vector<16xf32> to vector<1x16xf32>
      tpu.vector_store %arg17[%swap3A_333, %swap3A_334], %swap3A_337 {strides = array<i32>} : memref<128x64xf32, #tpu.memory_space<vmem>>, vector<1x16xf32>,
      %get3A_338 = arith.index_cast %scan3A_310 : i32 to index
      %get3A_339 = arith.constant 32 : index
      %get3A_340 = tpu.vector_load %arg15[%get3A_338, %get3A_339] {strides = array<i32>} : memref<128x64xf32, #tpu.memory_space<vmem>>, vector<1x16xf32>,
      %get3A_341 = vector.shape_cast %get3A_340 : vector<1x16xf32> to vector<16xf32>
      %get3A_342 = arith.index_cast %scan3A_310 : i32 to index
      %get3A_343 = arith.constant 32 : index
      %get3A_344 = tpu.vector_load %arg16[%get3A_342, %get3A_343] {strides = array<i32>} : memref<128x64xf32, #tpu.memory_space<vmem>>, vector<1x16xf32>,
      %get3A_345 = vector.shape_cast %get3A_344 : vector<1x16xf32> to vector<16xf32>
      %sub3A_346 = arith.subf %get3A_341, %get3A_345 : vector<16xf32>
      %swap3A_347 = arith.index_cast %scan3A_310 : i32 to index
      %swap3A_348 = arith.constant 32 : index
      %swap3A_349 = tpu.vector_load %arg17[%swap3A_347, %swap3A_348] {strides = array<i32>} : memref<128x64xf32, #tpu.memory_space<vmem>>, vector<1x16xf32>,
      %swap3A_350 = vector.shape_cast %swap3A_349 : vector<1x16xf32> to vector<16xf32>
      %swap3A_351 = vector.shape_cast %sub3A_346 : vector<16xf32> to vector<1x16xf32>
      tpu.vector_store %arg17[%swap3A_347, %swap3A_348], %swap3A_351 {strides = array<i32>} : memref<128x64xf32, #tpu.memory_space<vmem>>, vector<1x16xf32>,
      %get3A_352 = arith.index_cast %scan3A_310 : i32 to index
      %get3A_353 = arith.constant 48 : index
      %get3A_354 = tpu.vector_load %arg15[%get3A_352, %get3A_353] {strides = array<i32>} : memref<128x64xf32, #tpu.memory_space<vmem>>, vector<1x16xf32>,
      %get3A_355 = vector.shape_cast %get3A_354 : vector<1x16xf32> to vector<16xf32>
      %get3A_356 = arith.index_cast %scan3A_310 : i32 to index
      %get3A_357 = arith.constant 48 : index
      %get3A_358 = tpu.vector_load %arg16[%get3A_356, %get3A_357] {strides = array<i32>} : memref<128x64xf32, #tpu.memory_space<vmem>>, vector<1x16xf32>,
      %get3A_359 = vector.shape_cast %get3A_358 : vector<1x16xf32> to vector<16xf32>
      %sub3A_360 = arith.subf %get3A_355, %get3A_359 : vector<16xf32>
      %swap3A_361 = arith.index_cast %scan3A_310 : i32 to index
      %swap3A_362 = arith.constant 48 : index
      %swap3A_363 = tpu.vector_load %arg17[%swap3A_361, %swap3A_362] {strides = array<i32>} : memref<128x64xf32, #tpu.memory_space<vmem>>, vector<1x16xf32>,
      %swap3A_364 = vector.shape_cast %swap3A_363 : vector<1x16xf32> to vector<16xf32>
      %swap3A_365 = vector.shape_cast %sub3A_360 : vector<16xf32> to vector<1x16xf32>
      tpu.vector_store %arg17[%swap3A_361, %swap3A_362], %swap3A_365 {strides = array<i32>} : memref<128x64xf32, #tpu.memory_space<vmem>>, vector<1x16xf32>,
      %scan3A_366 = arith.constant 0 : i32
      scf.yield %scan3A_366 : i32
    }
    %scan3A_95 = arith.constant 128 : i32
    %run_scoped3A_96 = arith.constant 2 : i32
    "tpu.region"() ({
      %run_scoped3A_310 = tpu.sem_alloc : memref<!tpu.dma_semaphore, #tpu.memory_space<semaphore_mem>>
      %dma_start3A = arith.constant 0 : i32
      %dma_start3A_311 = tpu.memref_slice %arg14[%run_scoped3A_96, %dma_start3A] : memref<8x128xi32, #tpu.memory_space<vmem>> -> memref<1x128xi32, #tpu.memory_space<vmem>>
      %dma_start3A_312 = tpu.memref_squeeze %dma_start3A_311 : memref<1x128xi32, #tpu.memory_space<vmem>> -> memref<128xi32, #tpu.memory_space<vmem>>
      %dma_start3A_313 = arith.constant 0 : i32
      %dma_start3A_314 = arith.constant 0 : i32
      %dma_start3A_315 = tpu.memref_slice %arg10[%dma_start3A_313, %dma_start3A_314] : memref<16384x64xf32, #tpu.memory_space<vmem_shared>> -> memref<16384x64xf32, #tpu.memory_space<vmem_shared>>
      tpu.enqueue_indirect_dma source(%arg17 : memref<128x64xf32, #tpu.memory_space<vmem>>) target(%dma_start3A_315 : memref<16384x64xf32, #tpu.memory_space<vmem_shared>>) offsets(%dma_start3A_312 : memref<128xi32, #tpu.memory_space<vmem>>) semaphore(%run_scoped3A_310 : memref<!tpu.dma_semaphore, #tpu.memory_space<semaphore_mem>>) {add = true}
      %dma_wait3A = arith.constant 0 : i32
      %dma_wait3A_316 = tpu.memref_slice %arg14[%run_scoped3A_96, %dma_wait3A] : memref<8x128xi32, #tpu.memory_space<vmem>> -> memref<1x128xi32, #tpu.memory_space<vmem>>
      %dma_wait3A_317 = tpu.memref_squeeze %dma_wait3A_316 : memref<1x128xi32, #tpu.memory_space<vmem>> -> memref<128xi32, #tpu.memory_space<vmem>>
      %dma_wait3A_318 = arith.constant 0 : i32
      %dma_wait3A_319 = arith.constant 0 : i32
      %dma_wait3A_320 = tpu.memref_slice %arg10[%dma_wait3A_318, %dma_wait3A_319] : memref<16384x64xf32, #tpu.memory_space<vmem_shared>> -> memref<16384x64xf32, #tpu.memory_space<vmem_shared>>
      tpu.wait_indirect_dma semaphore(%run_scoped3A_310 : memref<!tpu.dma_semaphore, #tpu.memory_space<semaphore_mem>>) src(%arg17 : memref<128x64xf32, #tpu.memory_space<vmem>>) dst(%dma_wait3A_320 : memref<16384x64xf32, #tpu.memory_space<vmem_shared>>)
      tpu.yield
    }) : () -> ()
    %run_scoped3A_97 = arith.constant 2 : i32
    "tpu.region"() ({
      %run_scoped3A_310 = tpu.sem_alloc : memref<!tpu.dma_semaphore, #tpu.memory_space<semaphore_mem>>
      %dma_start3A = arith.constant 0 : i32
      %dma_start3A_311 = tpu.memref_slice %arg14[%run_scoped3A_97, %dma_start3A] : memref<8x128xi32, #tpu.memory_space<vmem>> -> memref<1x128xi32, #tpu.memory_space<vmem>>
      %dma_start3A_312 = tpu.memref_squeeze %dma_start3A_311 : memref<1x128xi32, #tpu.memory_space<vmem>> -> memref<128xi32, #tpu.memory_space<vmem>>
      %dma_start3A_313 = arith.constant 0 : i32
      %dma_start3A_314 = tpu.memref_slice %arg11[%dma_start3A_313] : memref<16384xf32, #tpu.memory_space<vmem_shared>> -> memref<16384xf32, #tpu.memory_space<vmem_shared>>
      tpu.enqueue_indirect_dma source(%arg20 : memref<128xf32, #tpu.memory_space<vmem>>) target(%dma_start3A_314 : memref<16384xf32, #tpu.memory_space<vmem_shared>>) offsets(%dma_start3A_312 : memref<128xi32, #tpu.memory_space<vmem>>) semaphore(%run_scoped3A_310 : memref<!tpu.dma_semaphore, #tpu.memory_space<semaphore_mem>>) {add = true}
      %dma_wait3A = arith.constant 0 : i32
      %dma_wait3A_315 = tpu.memref_slice %arg14[%run_scoped3A_97, %dma_wait3A] : memref<8x128xi32, #tpu.memory_space<vmem>> -> memref<1x128xi32, #tpu.memory_space<vmem>>
      %dma_wait3A_316 = tpu.memref_squeeze %dma_wait3A_315 : memref<1x128xi32, #tpu.memory_space<vmem>> -> memref<128xi32, #tpu.memory_space<vmem>>
      %dma_wait3A_317 = arith.constant 0 : i32
      %dma_wait3A_318 = tpu.memref_slice %arg11[%dma_wait3A_317] : memref<16384xf32, #tpu.memory_space<vmem_shared>> -> memref<16384xf32, #tpu.memory_space<vmem_shared>>
      tpu.wait_indirect_dma semaphore(%run_scoped3A_310 : memref<!tpu.dma_semaphore, #tpu.memory_space<semaphore_mem>>) src(%arg20 : memref<128xf32, #tpu.memory_space<vmem>>) dst(%dma_wait3A_318 : memref<16384xf32, #tpu.memory_space<vmem_shared>>)
      tpu.yield
    }) : () -> ()
    %add3A_98 = arith.constant 384 : i32
    %add3A_99 = arith.addi %mul3A_0, %add3A_98 : i32
    "tpu.region"() ({
      %run_scoped3A_310 = tpu.sem_alloc : memref<!tpu.dma_semaphore, #tpu.memory_space<semaphore_mem>>
      %dma_start3A = arith.constant 0 : i32
      %dma_start3A_311 = tpu.memref_slice %arg3[%add3A_99, %dma_start3A] : memref<16384x64xf32, #tpu.memory_space<hbm>> -> memref<128x64xf32, #tpu.memory_space<hbm>>
      %dma_start3A_312 = arith.constant 0 : i32
      %dma_start3A_313 = tpu.memref_slice %arg3[%add3A_99, %dma_start3A_312] : memref<16384x64xf32, #tpu.memory_space<hbm>> -> memref<128x64xf32, #tpu.memory_space<hbm>>
      tpu.enqueue_dma source(%dma_start3A_313 : memref<128x64xf32, #tpu.memory_space<hbm>>) target(%arg15 : memref<128x64xf32, #tpu.memory_space<vmem>>) target_semaphore(%run_scoped3A_310 : memref<!tpu.dma_semaphore, #tpu.memory_space<semaphore_mem>>)
      %dma_wait3A = arith.constant 0 : i32
      %dma_wait3A_314 = tpu.memref_slice %arg3[%add3A_99, %dma_wait3A] : memref<16384x64xf32, #tpu.memory_space<hbm>> -> memref<128x64xf32, #tpu.memory_space<hbm>>
      %dma_wait3A_315 = arith.constant 0 : i32
      %dma_wait3A_316 = tpu.memref_slice %arg3[%add3A_99, %dma_wait3A_315] : memref<16384x64xf32, #tpu.memory_space<hbm>> -> memref<128x64xf32, #tpu.memory_space<hbm>>
      tpu.wait_dma2 semaphore(%run_scoped3A_310 : memref<!tpu.dma_semaphore, #tpu.memory_space<semaphore_mem>>) src(%dma_wait3A_316 : memref<128x64xf32, #tpu.memory_space<hbm>>) dst(%arg15 : memref<128x64xf32, #tpu.memory_space<vmem>>)
      tpu.yield
    }) : () -> ()
    %run_scoped3A_100 = arith.constant 3 : i32
    "tpu.region"() ({
      %run_scoped3A_310 = tpu.sem_alloc : memref<!tpu.dma_semaphore, #tpu.memory_space<semaphore_mem>>
      %dma_start3A = arith.constant 0 : i32
      %dma_start3A_311 = tpu.memref_slice %arg13[%run_scoped3A_100, %dma_start3A] : memref<8x128xi32, #tpu.memory_space<vmem>> -> memref<1x128xi32, #tpu.memory_space<vmem>>
      %dma_start3A_312 = tpu.memref_squeeze %dma_start3A_311 : memref<1x128xi32, #tpu.memory_space<vmem>> -> memref<128xi32, #tpu.memory_space<vmem>>
      %dma_start3A_313 = arith.constant 0 : i32
      %dma_start3A_314 = arith.constant 0 : i32
      %dma_start3A_315 = tpu.memref_slice %arg4[%dma_start3A_313, %dma_start3A_314] : memref<1000000x64xf32, #tpu.memory_space<hbm>> -> memref<1000000x64xf32, #tpu.memory_space<hbm>>
      tpu.enqueue_indirect_dma source(%dma_start3A_315 : memref<1000000x64xf32, #tpu.memory_space<hbm>>) target(%arg16 : memref<128x64xf32, #tpu.memory_space<vmem>>) offsets(%dma_start3A_312 : memref<128xi32, #tpu.memory_space<vmem>>) semaphore(%run_scoped3A_310 : memref<!tpu.dma_semaphore, #tpu.memory_space<semaphore_mem>>)
      %dma_wait3A = arith.constant 0 : i32
      %dma_wait3A_316 = tpu.memref_slice %arg13[%run_scoped3A_100, %dma_wait3A] : memref<8x128xi32, #tpu.memory_space<vmem>> -> memref<1x128xi32, #tpu.memory_space<vmem>>
      %dma_wait3A_317 = tpu.memref_squeeze %dma_wait3A_316 : memref<1x128xi32, #tpu.memory_space<vmem>> -> memref<128xi32, #tpu.memory_space<vmem>>
      %dma_wait3A_318 = arith.constant 0 : i32
      %dma_wait3A_319 = arith.constant 0 : i32
      %dma_wait3A_320 = tpu.memref_slice %arg4[%dma_wait3A_318, %dma_wait3A_319] : memref<1000000x64xf32, #tpu.memory_space<hbm>> -> memref<1000000x64xf32, #tpu.memory_space<hbm>>
      tpu.wait_indirect_dma semaphore(%run_scoped3A_310 : memref<!tpu.dma_semaphore, #tpu.memory_space<semaphore_mem>>) src(%dma_wait3A_320 : memref<1000000x64xf32, #tpu.memory_space<hbm>>) dst(%arg16 : memref<128x64xf32, #tpu.memory_space<vmem>>)
      tpu.yield
    }) : () -> ()
    %scan3A_101 = arith.constant 0 : i32
    %scan3A_102 = arith.constant 0 : i32
    %scan3A_103 = arith.constant 128 : i32
    %scan3A_104 = arith.addi %scan3A_102, %scan3A_103 : i32
    %scan3A_105 = arith.constant 1 : i32
    %scan3A_106 = scf.for %scan3A_310 = %scan3A_102 to %scan3A_104 step %scan3A_105 iter_args(%scan3A_311 = %scan3A_101) -> (i32)  : i32 {
      %get3A = arith.index_cast %scan3A_310 : i32 to index
      %get3A_312 = arith.constant 0 : index
      %get3A_313 = tpu.vector_load %arg15[%get3A, %get3A_312] {strides = array<i32>} : memref<128x64xf32, #tpu.memory_space<vmem>>, vector<1x16xf32>,
      %get3A_314 = vector.shape_cast %get3A_313 : vector<1x16xf32> to vector<16xf32>
      %get3A_315 = arith.index_cast %scan3A_310 : i32 to index
      %get3A_316 = arith.constant 0 : index
      %get3A_317 = tpu.vector_load %arg16[%get3A_315, %get3A_316] {strides = array<i32>} : memref<128x64xf32, #tpu.memory_space<vmem>>, vector<1x16xf32>,
      %get3A_318 = vector.shape_cast %get3A_317 : vector<1x16xf32> to vector<16xf32>
      %sub3A = arith.subf %get3A_314, %get3A_318 : vector<16xf32>
      %swap3A_319 = arith.index_cast %scan3A_310 : i32 to index
      %swap3A_320 = arith.constant 0 : index
      %swap3A_321 = tpu.vector_load %arg17[%swap3A_319, %swap3A_320] {strides = array<i32>} : memref<128x64xf32, #tpu.memory_space<vmem>>, vector<1x16xf32>,
      %swap3A_322 = vector.shape_cast %swap3A_321 : vector<1x16xf32> to vector<16xf32>
      %swap3A_323 = vector.shape_cast %sub3A : vector<16xf32> to vector<1x16xf32>
      tpu.vector_store %arg17[%swap3A_319, %swap3A_320], %swap3A_323 {strides = array<i32>} : memref<128x64xf32, #tpu.memory_space<vmem>>, vector<1x16xf32>,
      %get3A_324 = arith.index_cast %scan3A_310 : i32 to index
      %get3A_325 = arith.constant 16 : index
      %get3A_326 = tpu.vector_load %arg15[%get3A_324, %get3A_325] {strides = array<i32>} : memref<128x64xf32, #tpu.memory_space<vmem>>, vector<1x16xf32>,
      %get3A_327 = vector.shape_cast %get3A_326 : vector<1x16xf32> to vector<16xf32>
      %get3A_328 = arith.index_cast %scan3A_310 : i32 to index
      %get3A_329 = arith.constant 16 : index
      %get3A_330 = tpu.vector_load %arg16[%get3A_328, %get3A_329] {strides = array<i32>} : memref<128x64xf32, #tpu.memory_space<vmem>>, vector<1x16xf32>,
      %get3A_331 = vector.shape_cast %get3A_330 : vector<1x16xf32> to vector<16xf32>
      %sub3A_332 = arith.subf %get3A_327, %get3A_331 : vector<16xf32>
      %swap3A_333 = arith.index_cast %scan3A_310 : i32 to index
      %swap3A_334 = arith.constant 16 : index
      %swap3A_335 = tpu.vector_load %arg17[%swap3A_333, %swap3A_334] {strides = array<i32>} : memref<128x64xf32, #tpu.memory_space<vmem>>, vector<1x16xf32>,
      %swap3A_336 = vector.shape_cast %swap3A_335 : vector<1x16xf32> to vector<16xf32>
      %swap3A_337 = vector.shape_cast %sub3A_332 : vector<16xf32> to vector<1x16xf32>
      tpu.vector_store %arg17[%swap3A_333, %swap3A_334], %swap3A_337 {strides = array<i32>} : memref<128x64xf32, #tpu.memory_space<vmem>>, vector<1x16xf32>,
      %get3A_338 = arith.index_cast %scan3A_310 : i32 to index
      %get3A_339 = arith.constant 32 : index
      %get3A_340 = tpu.vector_load %arg15[%get3A_338, %get3A_339] {strides = array<i32>} : memref<128x64xf32, #tpu.memory_space<vmem>>, vector<1x16xf32>,
      %get3A_341 = vector.shape_cast %get3A_340 : vector<1x16xf32> to vector<16xf32>
      %get3A_342 = arith.index_cast %scan3A_310 : i32 to index
      %get3A_343 = arith.constant 32 : index
      %get3A_344 = tpu.vector_load %arg16[%get3A_342, %get3A_343] {strides = array<i32>} : memref<128x64xf32, #tpu.memory_space<vmem>>, vector<1x16xf32>,
      %get3A_345 = vector.shape_cast %get3A_344 : vector<1x16xf32> to vector<16xf32>
      %sub3A_346 = arith.subf %get3A_341, %get3A_345 : vector<16xf32>
      %swap3A_347 = arith.index_cast %scan3A_310 : i32 to index
      %swap3A_348 = arith.constant 32 : index
      %swap3A_349 = tpu.vector_load %arg17[%swap3A_347, %swap3A_348] {strides = array<i32>} : memref<128x64xf32, #tpu.memory_space<vmem>>, vector<1x16xf32>,
      %swap3A_350 = vector.shape_cast %swap3A_349 : vector<1x16xf32> to vector<16xf32>
      %swap3A_351 = vector.shape_cast %sub3A_346 : vector<16xf32> to vector<1x16xf32>
      tpu.vector_store %arg17[%swap3A_347, %swap3A_348], %swap3A_351 {strides = array<i32>} : memref<128x64xf32, #tpu.memory_space<vmem>>, vector<1x16xf32>,
      %get3A_352 = arith.index_cast %scan3A_310 : i32 to index
      %get3A_353 = arith.constant 48 : index
      %get3A_354 = tpu.vector_load %arg15[%get3A_352, %get3A_353] {strides = array<i32>} : memref<128x64xf32, #tpu.memory_space<vmem>>, vector<1x16xf32>,
      %get3A_355 = vector.shape_cast %get3A_354 : vector<1x16xf32> to vector<16xf32>
      %get3A_356 = arith.index_cast %scan3A_310 : i32 to index
      %get3A_357 = arith.constant 48 : index
      %get3A_358 = tpu.vector_load %arg16[%get3A_356, %get3A_357] {strides = array<i32>} : memref<128x64xf32, #tpu.memory_space<vmem>>, vector<1x16xf32>,
      %get3A_359 = vector.shape_cast %get3A_358 : vector<1x16xf32> to vector<16xf32>
      %sub3A_360 = arith.subf %get3A_355, %get3A_359 : vector<16xf32>
      %swap3A_361 = arith.index_cast %scan3A_310 : i32 to index
      %swap3A_362 = arith.constant 48 : index
      %swap3A_363 = tpu.vector_load %arg17[%swap3A_361, %swap3A_362] {strides = array<i32>} : memref<128x64xf32, #tpu.memory_space<vmem>>, vector<1x16xf32>,
      %swap3A_364 = vector.shape_cast %swap3A_363 : vector<1x16xf32> to vector<16xf32>
      %swap3A_365 = vector.shape_cast %sub3A_360 : vector<16xf32> to vector<1x16xf32>
      tpu.vector_store %arg17[%swap3A_361, %swap3A_362], %swap3A_365 {strides = array<i32>} : memref<128x64xf32, #tpu.memory_space<vmem>>, vector<1x16xf32>,
      %scan3A_366 = arith.constant 0 : i32
      scf.yield %scan3A_366 : i32
    }
    %scan3A_107 = arith.constant 128 : i32
    %run_scoped3A_108 = arith.constant 3 : i32
    "tpu.region"() ({
      %run_scoped3A_310 = tpu.sem_alloc : memref<!tpu.dma_semaphore, #tpu.memory_space<semaphore_mem>>
      %dma_start3A = arith.constant 0 : i32
      %dma_start3A_311 = tpu.memref_slice %arg14[%run_scoped3A_108, %dma_start3A] : memref<8x128xi32, #tpu.memory_space<vmem>> -> memref<1x128xi32, #tpu.memory_space<vmem>>
      %dma_start3A_312 = tpu.memref_squeeze %dma_start3A_311 : memref<1x128xi32, #tpu.memory_space<vmem>> -> memref<128xi32, #tpu.memory_space<vmem>>
      %dma_start3A_313 = arith.constant 0 : i32
      %dma_start3A_314 = arith.constant 0 : i32
      %dma_start3A_315 = tpu.memref_slice %arg10[%dma_start3A_313, %dma_start3A_314] : memref<16384x64xf32, #tpu.memory_space<vmem_shared>> -> memref<16384x64xf32, #tpu.memory_space<vmem_shared>>
      tpu.enqueue_indirect_dma source(%arg17 : memref<128x64xf32, #tpu.memory_space<vmem>>) target(%dma_start3A_315 : memref<16384x64xf32, #tpu.memory_space<vmem_shared>>) offsets(%dma_start3A_312 : memref<128xi32, #tpu.memory_space<vmem>>) semaphore(%run_scoped3A_310 : memref<!tpu.dma_semaphore, #tpu.memory_space<semaphore_mem>>) {add = true}
      %dma_wait3A = arith.constant 0 : i32
      %dma_wait3A_316 = tpu.memref_slice %arg14[%run_scoped3A_108, %dma_wait3A] : memref<8x128xi32, #tpu.memory_space<vmem>> -> memref<1x128xi32, #tpu.memory_space<vmem>>
      %dma_wait3A_317 = tpu.memref_squeeze %dma_wait3A_316 : memref<1x128xi32, #tpu.memory_space<vmem>> -> memref<128xi32, #tpu.memory_space<vmem>>
      %dma_wait3A_318 = arith.constant 0 : i32
      %dma_wait3A_319 = arith.constant 0 : i32
      %dma_wait3A_320 = tpu.memref_slice %arg10[%dma_wait3A_318, %dma_wait3A_319] : memref<16384x64xf32, #tpu.memory_space<vmem_shared>> -> memref<16384x64xf32, #tpu.memory_space<vmem_shared>>
      tpu.wait_indirect_dma semaphore(%run_scoped3A_310 : memref<!tpu.dma_semaphore, #tpu.memory_space<semaphore_mem>>) src(%arg17 : memref<128x64xf32, #tpu.memory_space<vmem>>) dst(%dma_wait3A_320 : memref<16384x64xf32, #tpu.memory_space<vmem_shared>>)
      tpu.yield
    }) : () -> ()
    %run_scoped3A_109 = arith.constant 3 : i32
    "tpu.region"() ({
      %run_scoped3A_310 = tpu.sem_alloc : memref<!tpu.dma_semaphore, #tpu.memory_space<semaphore_mem>>
      %dma_start3A = arith.constant 0 : i32
      %dma_start3A_311 = tpu.memref_slice %arg14[%run_scoped3A_109, %dma_start3A] : memref<8x128xi32, #tpu.memory_space<vmem>> -> memref<1x128xi32, #tpu.memory_space<vmem>>
      %dma_start3A_312 = tpu.memref_squeeze %dma_start3A_311 : memref<1x128xi32, #tpu.memory_space<vmem>> -> memref<128xi32, #tpu.memory_space<vmem>>
      %dma_start3A_313 = arith.constant 0 : i32
      %dma_start3A_314 = tpu.memref_slice %arg11[%dma_start3A_313] : memref<16384xf32, #tpu.memory_space<vmem_shared>> -> memref<16384xf32, #tpu.memory_space<vmem_shared>>
      tpu.enqueue_indirect_dma source(%arg20 : memref<128xf32, #tpu.memory_space<vmem>>) target(%dma_start3A_314 : memref<16384xf32, #tpu.memory_space<vmem_shared>>) offsets(%dma_start3A_312 : memref<128xi32, #tpu.memory_space<vmem>>) semaphore(%run_scoped3A_310 : memref<!tpu.dma_semaphore, #tpu.memory_space<semaphore_mem>>) {add = true}
      %dma_wait3A = arith.constant 0 : i32
      %dma_wait3A_315 = tpu.memref_slice %arg14[%run_scoped3A_109, %dma_wait3A] : memref<8x128xi32, #tpu.memory_space<vmem>> -> memref<1x128xi32, #tpu.memory_space<vmem>>
      %dma_wait3A_316 = tpu.memref_squeeze %dma_wait3A_315 : memref<1x128xi32, #tpu.memory_space<vmem>> -> memref<128xi32, #tpu.memory_space<vmem>>
      %dma_wait3A_317 = arith.constant 0 : i32
      %dma_wait3A_318 = tpu.memref_slice %arg11[%dma_wait3A_317] : memref<16384xf32, #tpu.memory_space<vmem_shared>> -> memref<16384xf32, #tpu.memory_space<vmem_shared>>
      tpu.wait_indirect_dma semaphore(%run_scoped3A_310 : memref<!tpu.dma_semaphore, #tpu.memory_space<semaphore_mem>>) src(%arg20 : memref<128xf32, #tpu.memory_space<vmem>>) dst(%dma_wait3A_318 : memref<16384xf32, #tpu.memory_space<vmem_shared>>)
      tpu.yield
    }) : () -> ()
    %add3A_110 = arith.constant 512 : i32
    %add3A_111 = arith.addi %mul3A_0, %add3A_110 : i32
    "tpu.region"() ({
      %run_scoped3A_310 = tpu.sem_alloc : memref<!tpu.dma_semaphore, #tpu.memory_space<semaphore_mem>>
      %dma_start3A = arith.constant 0 : i32
      %dma_start3A_311 = tpu.memref_slice %arg3[%add3A_111, %dma_start3A] : memref<16384x64xf32, #tpu.memory_space<hbm>> -> memref<128x64xf32, #tpu.memory_space<hbm>>
      %dma_start3A_312 = arith.constant 0 : i32
      %dma_start3A_313 = tpu.memref_slice %arg3[%add3A_111, %dma_start3A_312] : memref<16384x64xf32, #tpu.memory_space<hbm>> -> memref<128x64xf32, #tpu.memory_space<hbm>>
      tpu.enqueue_dma source(%dma_start3A_313 : memref<128x64xf32, #tpu.memory_space<hbm>>) target(%arg15 : memref<128x64xf32, #tpu.memory_space<vmem>>) target_semaphore(%run_scoped3A_310 : memref<!tpu.dma_semaphore, #tpu.memory_space<semaphore_mem>>)
      %dma_wait3A = arith.constant 0 : i32
      %dma_wait3A_314 = tpu.memref_slice %arg3[%add3A_111, %dma_wait3A] : memref<16384x64xf32, #tpu.memory_space<hbm>> -> memref<128x64xf32, #tpu.memory_space<hbm>>
      %dma_wait3A_315 = arith.constant 0 : i32
      %dma_wait3A_316 = tpu.memref_slice %arg3[%add3A_111, %dma_wait3A_315] : memref<16384x64xf32, #tpu.memory_space<hbm>> -> memref<128x64xf32, #tpu.memory_space<hbm>>
      tpu.wait_dma2 semaphore(%run_scoped3A_310 : memref<!tpu.dma_semaphore, #tpu.memory_space<semaphore_mem>>) src(%dma_wait3A_316 : memref<128x64xf32, #tpu.memory_space<hbm>>) dst(%arg15 : memref<128x64xf32, #tpu.memory_space<vmem>>)
      tpu.yield
    }) : () -> ()
    %run_scoped3A_112 = arith.constant 4 : i32
    "tpu.region"() ({
      %run_scoped3A_310 = tpu.sem_alloc : memref<!tpu.dma_semaphore, #tpu.memory_space<semaphore_mem>>
      %dma_start3A = arith.constant 0 : i32
      %dma_start3A_311 = tpu.memref_slice %arg13[%run_scoped3A_112, %dma_start3A] : memref<8x128xi32, #tpu.memory_space<vmem>> -> memref<1x128xi32, #tpu.memory_space<vmem>>
      %dma_start3A_312 = tpu.memref_squeeze %dma_start3A_311 : memref<1x128xi32, #tpu.memory_space<vmem>> -> memref<128xi32, #tpu.memory_space<vmem>>
      %dma_start3A_313 = arith.constant 0 : i32
      %dma_start3A_314 = arith.constant 0 : i32
      %dma_start3A_315 = tpu.memref_slice %arg4[%dma_start3A_313, %dma_start3A_314] : memref<1000000x64xf32, #tpu.memory_space<hbm>> -> memref<1000000x64xf32, #tpu.memory_space<hbm>>
      tpu.enqueue_indirect_dma source(%dma_start3A_315 : memref<1000000x64xf32, #tpu.memory_space<hbm>>) target(%arg16 : memref<128x64xf32, #tpu.memory_space<vmem>>) offsets(%dma_start3A_312 : memref<128xi32, #tpu.memory_space<vmem>>) semaphore(%run_scoped3A_310 : memref<!tpu.dma_semaphore, #tpu.memory_space<semaphore_mem>>)
      %dma_wait3A = arith.constant 0 : i32
      %dma_wait3A_316 = tpu.memref_slice %arg13[%run_scoped3A_112, %dma_wait3A] : memref<8x128xi32, #tpu.memory_space<vmem>> -> memref<1x128xi32, #tpu.memory_space<vmem>>
      %dma_wait3A_317 = tpu.memref_squeeze %dma_wait3A_316 : memref<1x128xi32, #tpu.memory_space<vmem>> -> memref<128xi32, #tpu.memory_space<vmem>>
      %dma_wait3A_318 = arith.constant 0 : i32
      %dma_wait3A_319 = arith.constant 0 : i32
      %dma_wait3A_320 = tpu.memref_slice %arg4[%dma_wait3A_318, %dma_wait3A_319] : memref<1000000x64xf32, #tpu.memory_space<hbm>> -> memref<1000000x64xf32, #tpu.memory_space<hbm>>
      tpu.wait_indirect_dma semaphore(%run_scoped3A_310 : memref<!tpu.dma_semaphore, #tpu.memory_space<semaphore_mem>>) src(%dma_wait3A_320 : memref<1000000x64xf32, #tpu.memory_space<hbm>>) dst(%arg16 : memref<128x64xf32, #tpu.memory_space<vmem>>)
      tpu.yield
    }) : () -> ()
    %scan3A_113 = arith.constant 0 : i32
    %scan3A_114 = arith.constant 0 : i32
    %scan3A_115 = arith.constant 128 : i32
    %scan3A_116 = arith.addi %scan3A_114, %scan3A_115 : i32
    %scan3A_117 = arith.constant 1 : i32
    %scan3A_118 = scf.for %scan3A_310 = %scan3A_114 to %scan3A_116 step %scan3A_117 iter_args(%scan3A_311 = %scan3A_113) -> (i32)  : i32 {
      %get3A = arith.index_cast %scan3A_310 : i32 to index
      %get3A_312 = arith.constant 0 : index
      %get3A_313 = tpu.vector_load %arg15[%get3A, %get3A_312] {strides = array<i32>} : memref<128x64xf32, #tpu.memory_space<vmem>>, vector<1x16xf32>,
      %get3A_314 = vector.shape_cast %get3A_313 : vector<1x16xf32> to vector<16xf32>
      %get3A_315 = arith.index_cast %scan3A_310 : i32 to index
      %get3A_316 = arith.constant 0 : index
      %get3A_317 = tpu.vector_load %arg16[%get3A_315, %get3A_316] {strides = array<i32>} : memref<128x64xf32, #tpu.memory_space<vmem>>, vector<1x16xf32>,
      %get3A_318 = vector.shape_cast %get3A_317 : vector<1x16xf32> to vector<16xf32>
      %sub3A = arith.subf %get3A_314, %get3A_318 : vector<16xf32>
      %swap3A_319 = arith.index_cast %scan3A_310 : i32 to index
      %swap3A_320 = arith.constant 0 : index
      %swap3A_321 = tpu.vector_load %arg17[%swap3A_319, %swap3A_320] {strides = array<i32>} : memref<128x64xf32, #tpu.memory_space<vmem>>, vector<1x16xf32>,
      %swap3A_322 = vector.shape_cast %swap3A_321 : vector<1x16xf32> to vector<16xf32>
      %swap3A_323 = vector.shape_cast %sub3A : vector<16xf32> to vector<1x16xf32>
      tpu.vector_store %arg17[%swap3A_319, %swap3A_320], %swap3A_323 {strides = array<i32>} : memref<128x64xf32, #tpu.memory_space<vmem>>, vector<1x16xf32>,
      %get3A_324 = arith.index_cast %scan3A_310 : i32 to index
      %get3A_325 = arith.constant 16 : index
      %get3A_326 = tpu.vector_load %arg15[%get3A_324, %get3A_325] {strides = array<i32>} : memref<128x64xf32, #tpu.memory_space<vmem>>, vector<1x16xf32>,
      %get3A_327 = vector.shape_cast %get3A_326 : vector<1x16xf32> to vector<16xf32>
      %get3A_328 = arith.index_cast %scan3A_310 : i32 to index
      %get3A_329 = arith.constant 16 : index
      %get3A_330 = tpu.vector_load %arg16[%get3A_328, %get3A_329] {strides = array<i32>} : memref<128x64xf32, #tpu.memory_space<vmem>>, vector<1x16xf32>,
      %get3A_331 = vector.shape_cast %get3A_330 : vector<1x16xf32> to vector<16xf32>
      %sub3A_332 = arith.subf %get3A_327, %get3A_331 : vector<16xf32>
      %swap3A_333 = arith.index_cast %scan3A_310 : i32 to index
      %swap3A_334 = arith.constant 16 : index
      %swap3A_335 = tpu.vector_load %arg17[%swap3A_333, %swap3A_334] {strides = array<i32>} : memref<128x64xf32, #tpu.memory_space<vmem>>, vector<1x16xf32>,
      %swap3A_336 = vector.shape_cast %swap3A_335 : vector<1x16xf32> to vector<16xf32>
      %swap3A_337 = vector.shape_cast %sub3A_332 : vector<16xf32> to vector<1x16xf32>
      tpu.vector_store %arg17[%swap3A_333, %swap3A_334], %swap3A_337 {strides = array<i32>} : memref<128x64xf32, #tpu.memory_space<vmem>>, vector<1x16xf32>,
      %get3A_338 = arith.index_cast %scan3A_310 : i32 to index
      %get3A_339 = arith.constant 32 : index
      %get3A_340 = tpu.vector_load %arg15[%get3A_338, %get3A_339] {strides = array<i32>} : memref<128x64xf32, #tpu.memory_space<vmem>>, vector<1x16xf32>,
      %get3A_341 = vector.shape_cast %get3A_340 : vector<1x16xf32> to vector<16xf32>
      %get3A_342 = arith.index_cast %scan3A_310 : i32 to index
      %get3A_343 = arith.constant 32 : index
      %get3A_344 = tpu.vector_load %arg16[%get3A_342, %get3A_343] {strides = array<i32>} : memref<128x64xf32, #tpu.memory_space<vmem>>, vector<1x16xf32>,
      %get3A_345 = vector.shape_cast %get3A_344 : vector<1x16xf32> to vector<16xf32>
      %sub3A_346 = arith.subf %get3A_341, %get3A_345 : vector<16xf32>
      %swap3A_347 = arith.index_cast %scan3A_310 : i32 to index
      %swap3A_348 = arith.constant 32 : index
      %swap3A_349 = tpu.vector_load %arg17[%swap3A_347, %swap3A_348] {strides = array<i32>} : memref<128x64xf32, #tpu.memory_space<vmem>>, vector<1x16xf32>,
      %swap3A_350 = vector.shape_cast %swap3A_349 : vector<1x16xf32> to vector<16xf32>
      %swap3A_351 = vector.shape_cast %sub3A_346 : vector<16xf32> to vector<1x16xf32>
      tpu.vector_store %arg17[%swap3A_347, %swap3A_348], %swap3A_351 {strides = array<i32>} : memref<128x64xf32, #tpu.memory_space<vmem>>, vector<1x16xf32>,
      %get3A_352 = arith.index_cast %scan3A_310 : i32 to index
      %get3A_353 = arith.constant 48 : index
      %get3A_354 = tpu.vector_load %arg15[%get3A_352, %get3A_353] {strides = array<i32>} : memref<128x64xf32, #tpu.memory_space<vmem>>, vector<1x16xf32>,
      %get3A_355 = vector.shape_cast %get3A_354 : vector<1x16xf32> to vector<16xf32>
      %get3A_356 = arith.index_cast %scan3A_310 : i32 to index
      %get3A_357 = arith.constant 48 : index
      %get3A_358 = tpu.vector_load %arg16[%get3A_356, %get3A_357] {strides = array<i32>} : memref<128x64xf32, #tpu.memory_space<vmem>>, vector<1x16xf32>,
      %get3A_359 = vector.shape_cast %get3A_358 : vector<1x16xf32> to vector<16xf32>
      %sub3A_360 = arith.subf %get3A_355, %get3A_359 : vector<16xf32>
      %swap3A_361 = arith.index_cast %scan3A_310 : i32 to index
      %swap3A_362 = arith.constant 48 : index
      %swap3A_363 = tpu.vector_load %arg17[%swap3A_361, %swap3A_362] {strides = array<i32>} : memref<128x64xf32, #tpu.memory_space<vmem>>, vector<1x16xf32>,
      %swap3A_364 = vector.shape_cast %swap3A_363 : vector<1x16xf32> to vector<16xf32>
      %swap3A_365 = vector.shape_cast %sub3A_360 : vector<16xf32> to vector<1x16xf32>
      tpu.vector_store %arg17[%swap3A_361, %swap3A_362], %swap3A_365 {strides = array<i32>} : memref<128x64xf32, #tpu.memory_space<vmem>>, vector<1x16xf32>,
      %scan3A_366 = arith.constant 0 : i32
      scf.yield %scan3A_366 : i32
    }
    %scan3A_119 = arith.constant 128 : i32
    %run_scoped3A_120 = arith.constant 4 : i32
    "tpu.region"() ({
      %run_scoped3A_310 = tpu.sem_alloc : memref<!tpu.dma_semaphore, #tpu.memory_space<semaphore_mem>>
      %dma_start3A = arith.constant 0 : i32
      %dma_start3A_311 = tpu.memref_slice %arg14[%run_scoped3A_120, %dma_start3A] : memref<8x128xi32, #tpu.memory_space<vmem>> -> memref<1x128xi32, #tpu.memory_space<vmem>>
      %dma_start3A_312 = tpu.memref_squeeze %dma_start3A_311 : memref<1x128xi32, #tpu.memory_space<vmem>> -> memref<128xi32, #tpu.memory_space<vmem>>
      %dma_start3A_313 = arith.constant 0 : i32
      %dma_start3A_314 = arith.constant 0 : i32
      %dma_start3A_315 = tpu.memref_slice %arg10[%dma_start3A_313, %dma_start3A_314] : memref<16384x64xf32, #tpu.memory_space<vmem_shared>> -> memref<16384x64xf32, #tpu.memory_space<vmem_shared>>
      tpu.enqueue_indirect_dma source(%arg17 : memref<128x64xf32, #tpu.memory_space<vmem>>) target(%dma_start3A_315 : memref<16384x64xf32, #tpu.memory_space<vmem_shared>>) offsets(%dma_start3A_312 : memref<128xi32, #tpu.memory_space<vmem>>) semaphore(%run_scoped3A_310 : memref<!tpu.dma_semaphore, #tpu.memory_space<semaphore_mem>>) {add = true}
      %dma_wait3A = arith.constant 0 : i32
      %dma_wait3A_316 = tpu.memref_slice %arg14[%run_scoped3A_120, %dma_wait3A] : memref<8x128xi32, #tpu.memory_space<vmem>> -> memref<1x128xi32, #tpu.memory_space<vmem>>
      %dma_wait3A_317 = tpu.memref_squeeze %dma_wait3A_316 : memref<1x128xi32, #tpu.memory_space<vmem>> -> memref<128xi32, #tpu.memory_space<vmem>>
      %dma_wait3A_318 = arith.constant 0 : i32
      %dma_wait3A_319 = arith.constant 0 : i32
      %dma_wait3A_320 = tpu.memref_slice %arg10[%dma_wait3A_318, %dma_wait3A_319] : memref<16384x64xf32, #tpu.memory_space<vmem_shared>> -> memref<16384x64xf32, #tpu.memory_space<vmem_shared>>
      tpu.wait_indirect_dma semaphore(%run_scoped3A_310 : memref<!tpu.dma_semaphore, #tpu.memory_space<semaphore_mem>>) src(%arg17 : memref<128x64xf32, #tpu.memory_space<vmem>>) dst(%dma_wait3A_320 : memref<16384x64xf32, #tpu.memory_space<vmem_shared>>)
      tpu.yield
    }) : () -> ()
    %run_scoped3A_121 = arith.constant 4 : i32
    "tpu.region"() ({
      %run_scoped3A_310 = tpu.sem_alloc : memref<!tpu.dma_semaphore, #tpu.memory_space<semaphore_mem>>
      %dma_start3A = arith.constant 0 : i32
      %dma_start3A_311 = tpu.memref_slice %arg14[%run_scoped3A_121, %dma_start3A] : memref<8x128xi32, #tpu.memory_space<vmem>> -> memref<1x128xi32, #tpu.memory_space<vmem>>
      %dma_start3A_312 = tpu.memref_squeeze %dma_start3A_311 : memref<1x128xi32, #tpu.memory_space<vmem>> -> memref<128xi32, #tpu.memory_space<vmem>>
      %dma_start3A_313 = arith.constant 0 : i32
      %dma_start3A_314 = tpu.memref_slice %arg11[%dma_start3A_313] : memref<16384xf32, #tpu.memory_space<vmem_shared>> -> memref<16384xf32, #tpu.memory_space<vmem_shared>>
      tpu.enqueue_indirect_dma source(%arg20 : memref<128xf32, #tpu.memory_space<vmem>>) target(%dma_start3A_314 : memref<16384xf32, #tpu.memory_space<vmem_shared>>) offsets(%dma_start3A_312 : memref<128xi32, #tpu.memory_space<vmem>>) semaphore(%run_scoped3A_310 : memref<!tpu.dma_semaphore, #tpu.memory_space<semaphore_mem>>) {add = true}
      %dma_wait3A = arith.constant 0 : i32
      %dma_wait3A_315 = tpu.memref_slice %arg14[%run_scoped3A_121, %dma_wait3A] : memref<8x128xi32, #tpu.memory_space<vmem>> -> memref<1x128xi32, #tpu.memory_space<vmem>>
      %dma_wait3A_316 = tpu.memref_squeeze %dma_wait3A_315 : memref<1x128xi32, #tpu.memory_space<vmem>> -> memref<128xi32, #tpu.memory_space<vmem>>
      %dma_wait3A_317 = arith.constant 0 : i32
      %dma_wait3A_318 = tpu.memref_slice %arg11[%dma_wait3A_317] : memref<16384xf32, #tpu.memory_space<vmem_shared>> -> memref<16384xf32, #tpu.memory_space<vmem_shared>>
      tpu.wait_indirect_dma semaphore(%run_scoped3A_310 : memref<!tpu.dma_semaphore, #tpu.memory_space<semaphore_mem>>) src(%arg20 : memref<128xf32, #tpu.memory_space<vmem>>) dst(%dma_wait3A_318 : memref<16384xf32, #tpu.memory_space<vmem_shared>>)
      tpu.yield
    }) : () -> ()
    %add3A_122 = arith.constant 640 : i32
    %add3A_123 = arith.addi %mul3A_0, %add3A_122 : i32
    "tpu.region"() ({
      %run_scoped3A_310 = tpu.sem_alloc : memref<!tpu.dma_semaphore, #tpu.memory_space<semaphore_mem>>
      %dma_start3A = arith.constant 0 : i32
      %dma_start3A_311 = tpu.memref_slice %arg3[%add3A_123, %dma_start3A] : memref<16384x64xf32, #tpu.memory_space<hbm>> -> memref<128x64xf32, #tpu.memory_space<hbm>>
      %dma_start3A_312 = arith.constant 0 : i32
      %dma_start3A_313 = tpu.memref_slice %arg3[%add3A_123, %dma_start3A_312] : memref<16384x64xf32, #tpu.memory_space<hbm>> -> memref<128x64xf32, #tpu.memory_space<hbm>>
      tpu.enqueue_dma source(%dma_start3A_313 : memref<128x64xf32, #tpu.memory_space<hbm>>) target(%arg15 : memref<128x64xf32, #tpu.memory_space<vmem>>) target_semaphore(%run_scoped3A_310 : memref<!tpu.dma_semaphore, #tpu.memory_space<semaphore_mem>>)
      %dma_wait3A = arith.constant 0 : i32
      %dma_wait3A_314 = tpu.memref_slice %arg3[%add3A_123, %dma_wait3A] : memref<16384x64xf32, #tpu.memory_space<hbm>> -> memref<128x64xf32, #tpu.memory_space<hbm>>
      %dma_wait3A_315 = arith.constant 0 : i32
      %dma_wait3A_316 = tpu.memref_slice %arg3[%add3A_123, %dma_wait3A_315] : memref<16384x64xf32, #tpu.memory_space<hbm>> -> memref<128x64xf32, #tpu.memory_space<hbm>>
      tpu.wait_dma2 semaphore(%run_scoped3A_310 : memref<!tpu.dma_semaphore, #tpu.memory_space<semaphore_mem>>) src(%dma_wait3A_316 : memref<128x64xf32, #tpu.memory_space<hbm>>) dst(%arg15 : memref<128x64xf32, #tpu.memory_space<vmem>>)
      tpu.yield
    }) : () -> ()
    %run_scoped3A_124 = arith.constant 5 : i32
    "tpu.region"() ({
      %run_scoped3A_310 = tpu.sem_alloc : memref<!tpu.dma_semaphore, #tpu.memory_space<semaphore_mem>>
      %dma_start3A = arith.constant 0 : i32
      %dma_start3A_311 = tpu.memref_slice %arg13[%run_scoped3A_124, %dma_start3A] : memref<8x128xi32, #tpu.memory_space<vmem>> -> memref<1x128xi32, #tpu.memory_space<vmem>>
      %dma_start3A_312 = tpu.memref_squeeze %dma_start3A_311 : memref<1x128xi32, #tpu.memory_space<vmem>> -> memref<128xi32, #tpu.memory_space<vmem>>
      %dma_start3A_313 = arith.constant 0 : i32
      %dma_start3A_314 = arith.constant 0 : i32
      %dma_start3A_315 = tpu.memref_slice %arg4[%dma_start3A_313, %dma_start3A_314] : memref<1000000x64xf32, #tpu.memory_space<hbm>> -> memref<1000000x64xf32, #tpu.memory_space<hbm>>
      tpu.enqueue_indirect_dma source(%dma_start3A_315 : memref<1000000x64xf32, #tpu.memory_space<hbm>>) target(%arg16 : memref<128x64xf32, #tpu.memory_space<vmem>>) offsets(%dma_start3A_312 : memref<128xi32, #tpu.memory_space<vmem>>) semaphore(%run_scoped3A_310 : memref<!tpu.dma_semaphore, #tpu.memory_space<semaphore_mem>>)
      %dma_wait3A = arith.constant 0 : i32
      %dma_wait3A_316 = tpu.memref_slice %arg13[%run_scoped3A_124, %dma_wait3A] : memref<8x128xi32, #tpu.memory_space<vmem>> -> memref<1x128xi32, #tpu.memory_space<vmem>>
      %dma_wait3A_317 = tpu.memref_squeeze %dma_wait3A_316 : memref<1x128xi32, #tpu.memory_space<vmem>> -> memref<128xi32, #tpu.memory_space<vmem>>
      %dma_wait3A_318 = arith.constant 0 : i32
      %dma_wait3A_319 = arith.constant 0 : i32
      %dma_wait3A_320 = tpu.memref_slice %arg4[%dma_wait3A_318, %dma_wait3A_319] : memref<1000000x64xf32, #tpu.memory_space<hbm>> -> memref<1000000x64xf32, #tpu.memory_space<hbm>>
      tpu.wait_indirect_dma semaphore(%run_scoped3A_310 : memref<!tpu.dma_semaphore, #tpu.memory_space<semaphore_mem>>) src(%dma_wait3A_320 : memref<1000000x64xf32, #tpu.memory_space<hbm>>) dst(%arg16 : memref<128x64xf32, #tpu.memory_space<vmem>>)
      tpu.yield
    }) : () -> ()
    %scan3A_125 = arith.constant 0 : i32
    %scan3A_126 = arith.constant 0 : i32
    %scan3A_127 = arith.constant 128 : i32
    %scan3A_128 = arith.addi %scan3A_126, %scan3A_127 : i32
    %scan3A_129 = arith.constant 1 : i32
    %scan3A_130 = scf.for %scan3A_310 = %scan3A_126 to %scan3A_128 step %scan3A_129 iter_args(%scan3A_311 = %scan3A_125) -> (i32)  : i32 {
      %get3A = arith.index_cast %scan3A_310 : i32 to index
      %get3A_312 = arith.constant 0 : index
      %get3A_313 = tpu.vector_load %arg15[%get3A, %get3A_312] {strides = array<i32>} : memref<128x64xf32, #tpu.memory_space<vmem>>, vector<1x16xf32>,
      %get3A_314 = vector.shape_cast %get3A_313 : vector<1x16xf32> to vector<16xf32>
      %get3A_315 = arith.index_cast %scan3A_310 : i32 to index
      %get3A_316 = arith.constant 0 : index
      %get3A_317 = tpu.vector_load %arg16[%get3A_315, %get3A_316] {strides = array<i32>} : memref<128x64xf32, #tpu.memory_space<vmem>>, vector<1x16xf32>,
      %get3A_318 = vector.shape_cast %get3A_317 : vector<1x16xf32> to vector<16xf32>
      %sub3A = arith.subf %get3A_314, %get3A_318 : vector<16xf32>
      %swap3A_319 = arith.index_cast %scan3A_310 : i32 to index
      %swap3A_320 = arith.constant 0 : index
      %swap3A_321 = tpu.vector_load %arg17[%swap3A_319, %swap3A_320] {strides = array<i32>} : memref<128x64xf32, #tpu.memory_space<vmem>>, vector<1x16xf32>,
      %swap3A_322 = vector.shape_cast %swap3A_321 : vector<1x16xf32> to vector<16xf32>
      %swap3A_323 = vector.shape_cast %sub3A : vector<16xf32> to vector<1x16xf32>
      tpu.vector_store %arg17[%swap3A_319, %swap3A_320], %swap3A_323 {strides = array<i32>} : memref<128x64xf32, #tpu.memory_space<vmem>>, vector<1x16xf32>,
      %get3A_324 = arith.index_cast %scan3A_310 : i32 to index
      %get3A_325 = arith.constant 16 : index
      %get3A_326 = tpu.vector_load %arg15[%get3A_324, %get3A_325] {strides = array<i32>} : memref<128x64xf32, #tpu.memory_space<vmem>>, vector<1x16xf32>,
      %get3A_327 = vector.shape_cast %get3A_326 : vector<1x16xf32> to vector<16xf32>
      %get3A_328 = arith.index_cast %scan3A_310 : i32 to index
      %get3A_329 = arith.constant 16 : index
      %get3A_330 = tpu.vector_load %arg16[%get3A_328, %get3A_329] {strides = array<i32>} : memref<128x64xf32, #tpu.memory_space<vmem>>, vector<1x16xf32>,
      %get3A_331 = vector.shape_cast %get3A_330 : vector<1x16xf32> to vector<16xf32>
      %sub3A_332 = arith.subf %get3A_327, %get3A_331 : vector<16xf32>
      %swap3A_333 = arith.index_cast %scan3A_310 : i32 to index
      %swap3A_334 = arith.constant 16 : index
      %swap3A_335 = tpu.vector_load %arg17[%swap3A_333, %swap3A_334] {strides = array<i32>} : memref<128x64xf32, #tpu.memory_space<vmem>>, vector<1x16xf32>,
      %swap3A_336 = vector.shape_cast %swap3A_335 : vector<1x16xf32> to vector<16xf32>
      %swap3A_337 = vector.shape_cast %sub3A_332 : vector<16xf32> to vector<1x16xf32>
      tpu.vector_store %arg17[%swap3A_333, %swap3A_334], %swap3A_337 {strides = array<i32>} : memref<128x64xf32, #tpu.memory_space<vmem>>, vector<1x16xf32>,
      %get3A_338 = arith.index_cast %scan3A_310 : i32 to index
      %get3A_339 = arith.constant 32 : index
      %get3A_340 = tpu.vector_load %arg15[%get3A_338, %get3A_339] {strides = array<i32>} : memref<128x64xf32, #tpu.memory_space<vmem>>, vector<1x16xf32>,
      %get3A_341 = vector.shape_cast %get3A_340 : vector<1x16xf32> to vector<16xf32>
      %get3A_342 = arith.index_cast %scan3A_310 : i32 to index
      %get3A_343 = arith.constant 32 : index
      %get3A_344 = tpu.vector_load %arg16[%get3A_342, %get3A_343] {strides = array<i32>} : memref<128x64xf32, #tpu.memory_space<vmem>>, vector<1x16xf32>,
      %get3A_345 = vector.shape_cast %get3A_344 : vector<1x16xf32> to vector<16xf32>
      %sub3A_346 = arith.subf %get3A_341, %get3A_345 : vector<16xf32>
      %swap3A_347 = arith.index_cast %scan3A_310 : i32 to index
      %swap3A_348 = arith.constant 32 : index
      %swap3A_349 = tpu.vector_load %arg17[%swap3A_347, %swap3A_348] {strides = array<i32>} : memref<128x64xf32, #tpu.memory_space<vmem>>, vector<1x16xf32>,
      %swap3A_350 = vector.shape_cast %swap3A_349 : vector<1x16xf32> to vector<16xf32>
      %swap3A_351 = vector.shape_cast %sub3A_346 : vector<16xf32> to vector<1x16xf32>
      tpu.vector_store %arg17[%swap3A_347, %swap3A_348], %swap3A_351 {strides = array<i32>} : memref<128x64xf32, #tpu.memory_space<vmem>>, vector<1x16xf32>,
      %get3A_352 = arith.index_cast %scan3A_310 : i32 to index
      %get3A_353 = arith.constant 48 : index
      %get3A_354 = tpu.vector_load %arg15[%get3A_352, %get3A_353] {strides = array<i32>} : memref<128x64xf32, #tpu.memory_space<vmem>>, vector<1x16xf32>,
      %get3A_355 = vector.shape_cast %get3A_354 : vector<1x16xf32> to vector<16xf32>
      %get3A_356 = arith.index_cast %scan3A_310 : i32 to index
      %get3A_357 = arith.constant 48 : index
      %get3A_358 = tpu.vector_load %arg16[%get3A_356, %get3A_357] {strides = array<i32>} : memref<128x64xf32, #tpu.memory_space<vmem>>, vector<1x16xf32>,
      %get3A_359 = vector.shape_cast %get3A_358 : vector<1x16xf32> to vector<16xf32>
      %sub3A_360 = arith.subf %get3A_355, %get3A_359 : vector<16xf32>
      %swap3A_361 = arith.index_cast %scan3A_310 : i32 to index
      %swap3A_362 = arith.constant 48 : index
      %swap3A_363 = tpu.vector_load %arg17[%swap3A_361, %swap3A_362] {strides = array<i32>} : memref<128x64xf32, #tpu.memory_space<vmem>>, vector<1x16xf32>,
      %swap3A_364 = vector.shape_cast %swap3A_363 : vector<1x16xf32> to vector<16xf32>
      %swap3A_365 = vector.shape_cast %sub3A_360 : vector<16xf32> to vector<1x16xf32>
      tpu.vector_store %arg17[%swap3A_361, %swap3A_362], %swap3A_365 {strides = array<i32>} : memref<128x64xf32, #tpu.memory_space<vmem>>, vector<1x16xf32>,
      %scan3A_366 = arith.constant 0 : i32
      scf.yield %scan3A_366 : i32
    }
    %scan3A_131 = arith.constant 128 : i32
    %run_scoped3A_132 = arith.constant 5 : i32
    "tpu.region"() ({
      %run_scoped3A_310 = tpu.sem_alloc : memref<!tpu.dma_semaphore, #tpu.memory_space<semaphore_mem>>
      %dma_start3A = arith.constant 0 : i32
      %dma_start3A_311 = tpu.memref_slice %arg14[%run_scoped3A_132, %dma_start3A] : memref<8x128xi32, #tpu.memory_space<vmem>> -> memref<1x128xi32, #tpu.memory_space<vmem>>
      %dma_start3A_312 = tpu.memref_squeeze %dma_start3A_311 : memref<1x128xi32, #tpu.memory_space<vmem>> -> memref<128xi32, #tpu.memory_space<vmem>>
      %dma_start3A_313 = arith.constant 0 : i32
      %dma_start3A_314 = arith.constant 0 : i32
      %dma_start3A_315 = tpu.memref_slice %arg10[%dma_start3A_313, %dma_start3A_314] : memref<16384x64xf32, #tpu.memory_space<vmem_shared>> -> memref<16384x64xf32, #tpu.memory_space<vmem_shared>>
      tpu.enqueue_indirect_dma source(%arg17 : memref<128x64xf32, #tpu.memory_space<vmem>>) target(%dma_start3A_315 : memref<16384x64xf32, #tpu.memory_space<vmem_shared>>) offsets(%dma_start3A_312 : memref<128xi32, #tpu.memory_space<vmem>>) semaphore(%run_scoped3A_310 : memref<!tpu.dma_semaphore, #tpu.memory_space<semaphore_mem>>) {add = true}
      %dma_wait3A = arith.constant 0 : i32
      %dma_wait3A_316 = tpu.memref_slice %arg14[%run_scoped3A_132, %dma_wait3A] : memref<8x128xi32, #tpu.memory_space<vmem>> -> memref<1x128xi32, #tpu.memory_space<vmem>>
      %dma_wait3A_317 = tpu.memref_squeeze %dma_wait3A_316 : memref<1x128xi32, #tpu.memory_space<vmem>> -> memref<128xi32, #tpu.memory_space<vmem>>
      %dma_wait3A_318 = arith.constant 0 : i32
      %dma_wait3A_319 = arith.constant 0 : i32
      %dma_wait3A_320 = tpu.memref_slice %arg10[%dma_wait3A_318, %dma_wait3A_319] : memref<16384x64xf32, #tpu.memory_space<vmem_shared>> -> memref<16384x64xf32, #tpu.memory_space<vmem_shared>>
      tpu.wait_indirect_dma semaphore(%run_scoped3A_310 : memref<!tpu.dma_semaphore, #tpu.memory_space<semaphore_mem>>) src(%arg17 : memref<128x64xf32, #tpu.memory_space<vmem>>) dst(%dma_wait3A_320 : memref<16384x64xf32, #tpu.memory_space<vmem_shared>>)
      tpu.yield
    }) : () -> ()
    %run_scoped3A_133 = arith.constant 5 : i32
    "tpu.region"() ({
      %run_scoped3A_310 = tpu.sem_alloc : memref<!tpu.dma_semaphore, #tpu.memory_space<semaphore_mem>>
      %dma_start3A = arith.constant 0 : i32
      %dma_start3A_311 = tpu.memref_slice %arg14[%run_scoped3A_133, %dma_start3A] : memref<8x128xi32, #tpu.memory_space<vmem>> -> memref<1x128xi32, #tpu.memory_space<vmem>>
      %dma_start3A_312 = tpu.memref_squeeze %dma_start3A_311 : memref<1x128xi32, #tpu.memory_space<vmem>> -> memref<128xi32, #tpu.memory_space<vmem>>
      %dma_start3A_313 = arith.constant 0 : i32
      %dma_start3A_314 = tpu.memref_slice %arg11[%dma_start3A_313] : memref<16384xf32, #tpu.memory_space<vmem_shared>> -> memref<16384xf32, #tpu.memory_space<vmem_shared>>
      tpu.enqueue_indirect_dma source(%arg20 : memref<128xf32, #tpu.memory_space<vmem>>) target(%dma_start3A_314 : memref<16384xf32, #tpu.memory_space<vmem_shared>>) offsets(%dma_start3A_312 : memref<128xi32, #tpu.memory_space<vmem>>) semaphore(%run_scoped3A_310 : memref<!tpu.dma_semaphore, #tpu.memory_space<semaphore_mem>>) {add = true}
      %dma_wait3A = arith.constant 0 : i32
      %dma_wait3A_315 = tpu.memref_slice %arg14[%run_scoped3A_133, %dma_wait3A] : memref<8x128xi32, #tpu.memory_space<vmem>> -> memref<1x128xi32, #tpu.memory_space<vmem>>
      %dma_wait3A_316 = tpu.memref_squeeze %dma_wait3A_315 : memref<1x128xi32, #tpu.memory_space<vmem>> -> memref<128xi32, #tpu.memory_space<vmem>>
      %dma_wait3A_317 = arith.constant 0 : i32
      %dma_wait3A_318 = tpu.memref_slice %arg11[%dma_wait3A_317] : memref<16384xf32, #tpu.memory_space<vmem_shared>> -> memref<16384xf32, #tpu.memory_space<vmem_shared>>
      tpu.wait_indirect_dma semaphore(%run_scoped3A_310 : memref<!tpu.dma_semaphore, #tpu.memory_space<semaphore_mem>>) src(%arg20 : memref<128xf32, #tpu.memory_space<vmem>>) dst(%dma_wait3A_318 : memref<16384xf32, #tpu.memory_space<vmem_shared>>)
      tpu.yield
    }) : () -> ()
    %add3A_134 = arith.constant 768 : i32
    %add3A_135 = arith.addi %mul3A_0, %add3A_134 : i32
    "tpu.region"() ({
      %run_scoped3A_310 = tpu.sem_alloc : memref<!tpu.dma_semaphore, #tpu.memory_space<semaphore_mem>>
      %dma_start3A = arith.constant 0 : i32
      %dma_start3A_311 = tpu.memref_slice %arg3[%add3A_135, %dma_start3A] : memref<16384x64xf32, #tpu.memory_space<hbm>> -> memref<128x64xf32, #tpu.memory_space<hbm>>
      %dma_start3A_312 = arith.constant 0 : i32
      %dma_start3A_313 = tpu.memref_slice %arg3[%add3A_135, %dma_start3A_312] : memref<16384x64xf32, #tpu.memory_space<hbm>> -> memref<128x64xf32, #tpu.memory_space<hbm>>
      tpu.enqueue_dma source(%dma_start3A_313 : memref<128x64xf32, #tpu.memory_space<hbm>>) target(%arg15 : memref<128x64xf32, #tpu.memory_space<vmem>>) target_semaphore(%run_scoped3A_310 : memref<!tpu.dma_semaphore, #tpu.memory_space<semaphore_mem>>)
      %dma_wait3A = arith.constant 0 : i32
      %dma_wait3A_314 = tpu.memref_slice %arg3[%add3A_135, %dma_wait3A] : memref<16384x64xf32, #tpu.memory_space<hbm>> -> memref<128x64xf32, #tpu.memory_space<hbm>>
      %dma_wait3A_315 = arith.constant 0 : i32
      %dma_wait3A_316 = tpu.memref_slice %arg3[%add3A_135, %dma_wait3A_315] : memref<16384x64xf32, #tpu.memory_space<hbm>> -> memref<128x64xf32, #tpu.memory_space<hbm>>
      tpu.wait_dma2 semaphore(%run_scoped3A_310 : memref<!tpu.dma_semaphore, #tpu.memory_space<semaphore_mem>>) src(%dma_wait3A_316 : memref<128x64xf32, #tpu.memory_space<hbm>>) dst(%arg15 : memref<128x64xf32, #tpu.memory_space<vmem>>)
      tpu.yield
    }) : () -> ()
    %run_scoped3A_136 = arith.constant 6 : i32
    "tpu.region"() ({
      %run_scoped3A_310 = tpu.sem_alloc : memref<!tpu.dma_semaphore, #tpu.memory_space<semaphore_mem>>
      %dma_start3A = arith.constant 0 : i32
      %dma_start3A_311 = tpu.memref_slice %arg13[%run_scoped3A_136, %dma_start3A] : memref<8x128xi32, #tpu.memory_space<vmem>> -> memref<1x128xi32, #tpu.memory_space<vmem>>
      %dma_start3A_312 = tpu.memref_squeeze %dma_start3A_311 : memref<1x128xi32, #tpu.memory_space<vmem>> -> memref<128xi32, #tpu.memory_space<vmem>>
      %dma_start3A_313 = arith.constant 0 : i32
      %dma_start3A_314 = arith.constant 0 : i32
      %dma_start3A_315 = tpu.memref_slice %arg4[%dma_start3A_313, %dma_start3A_314] : memref<1000000x64xf32, #tpu.memory_space<hbm>> -> memref<1000000x64xf32, #tpu.memory_space<hbm>>
      tpu.enqueue_indirect_dma source(%dma_start3A_315 : memref<1000000x64xf32, #tpu.memory_space<hbm>>) target(%arg16 : memref<128x64xf32, #tpu.memory_space<vmem>>) offsets(%dma_start3A_312 : memref<128xi32, #tpu.memory_space<vmem>>) semaphore(%run_scoped3A_310 : memref<!tpu.dma_semaphore, #tpu.memory_space<semaphore_mem>>)
      %dma_wait3A = arith.constant 0 : i32
      %dma_wait3A_316 = tpu.memref_slice %arg13[%run_scoped3A_136, %dma_wait3A] : memref<8x128xi32, #tpu.memory_space<vmem>> -> memref<1x128xi32, #tpu.memory_space<vmem>>
      %dma_wait3A_317 = tpu.memref_squeeze %dma_wait3A_316 : memref<1x128xi32, #tpu.memory_space<vmem>> -> memref<128xi32, #tpu.memory_space<vmem>>
      %dma_wait3A_318 = arith.constant 0 : i32
      %dma_wait3A_319 = arith.constant 0 : i32
      %dma_wait3A_320 = tpu.memref_slice %arg4[%dma_wait3A_318, %dma_wait3A_319] : memref<1000000x64xf32, #tpu.memory_space<hbm>> -> memref<1000000x64xf32, #tpu.memory_space<hbm>>
      tpu.wait_indirect_dma semaphore(%run_scoped3A_310 : memref<!tpu.dma_semaphore, #tpu.memory_space<semaphore_mem>>) src(%dma_wait3A_320 : memref<1000000x64xf32, #tpu.memory_space<hbm>>) dst(%arg16 : memref<128x64xf32, #tpu.memory_space<vmem>>)
      tpu.yield
    }) : () -> ()
    %scan3A_137 = arith.constant 0 : i32
    %scan3A_138 = arith.constant 0 : i32
    %scan3A_139 = arith.constant 128 : i32
    %scan3A_140 = arith.addi %scan3A_138, %scan3A_139 : i32
    %scan3A_141 = arith.constant 1 : i32
    %scan3A_142 = scf.for %scan3A_310 = %scan3A_138 to %scan3A_140 step %scan3A_141 iter_args(%scan3A_311 = %scan3A_137) -> (i32)  : i32 {
      %get3A = arith.index_cast %scan3A_310 : i32 to index
      %get3A_312 = arith.constant 0 : index
      %get3A_313 = tpu.vector_load %arg15[%get3A, %get3A_312] {strides = array<i32>} : memref<128x64xf32, #tpu.memory_space<vmem>>, vector<1x16xf32>,
      %get3A_314 = vector.shape_cast %get3A_313 : vector<1x16xf32> to vector<16xf32>
      %get3A_315 = arith.index_cast %scan3A_310 : i32 to index
      %get3A_316 = arith.constant 0 : index
      %get3A_317 = tpu.vector_load %arg16[%get3A_315, %get3A_316] {strides = array<i32>} : memref<128x64xf32, #tpu.memory_space<vmem>>, vector<1x16xf32>,
      %get3A_318 = vector.shape_cast %get3A_317 : vector<1x16xf32> to vector<16xf32>
      %sub3A = arith.subf %get3A_314, %get3A_318 : vector<16xf32>
      %swap3A_319 = arith.index_cast %scan3A_310 : i32 to index
      %swap3A_320 = arith.constant 0 : index
      %swap3A_321 = tpu.vector_load %arg17[%swap3A_319, %swap3A_320] {strides = array<i32>} : memref<128x64xf32, #tpu.memory_space<vmem>>, vector<1x16xf32>,
      %swap3A_322 = vector.shape_cast %swap3A_321 : vector<1x16xf32> to vector<16xf32>
      %swap3A_323 = vector.shape_cast %sub3A : vector<16xf32> to vector<1x16xf32>
      tpu.vector_store %arg17[%swap3A_319, %swap3A_320], %swap3A_323 {strides = array<i32>} : memref<128x64xf32, #tpu.memory_space<vmem>>, vector<1x16xf32>,
      %get3A_324 = arith.index_cast %scan3A_310 : i32 to index
      %get3A_325 = arith.constant 16 : index
      %get3A_326 = tpu.vector_load %arg15[%get3A_324, %get3A_325] {strides = array<i32>} : memref<128x64xf32, #tpu.memory_space<vmem>>, vector<1x16xf32>,
      %get3A_327 = vector.shape_cast %get3A_326 : vector<1x16xf32> to vector<16xf32>
      %get3A_328 = arith.index_cast %scan3A_310 : i32 to index
      %get3A_329 = arith.constant 16 : index
      %get3A_330 = tpu.vector_load %arg16[%get3A_328, %get3A_329] {strides = array<i32>} : memref<128x64xf32, #tpu.memory_space<vmem>>, vector<1x16xf32>,
      %get3A_331 = vector.shape_cast %get3A_330 : vector<1x16xf32> to vector<16xf32>
      %sub3A_332 = arith.subf %get3A_327, %get3A_331 : vector<16xf32>
      %swap3A_333 = arith.index_cast %scan3A_310 : i32 to index
      %swap3A_334 = arith.constant 16 : index
      %swap3A_335 = tpu.vector_load %arg17[%swap3A_333, %swap3A_334] {strides = array<i32>} : memref<128x64xf32, #tpu.memory_space<vmem>>, vector<1x16xf32>,
      %swap3A_336 = vector.shape_cast %swap3A_335 : vector<1x16xf32> to vector<16xf32>
      %swap3A_337 = vector.shape_cast %sub3A_332 : vector<16xf32> to vector<1x16xf32>
      tpu.vector_store %arg17[%swap3A_333, %swap3A_334], %swap3A_337 {strides = array<i32>} : memref<128x64xf32, #tpu.memory_space<vmem>>, vector<1x16xf32>,
      %get3A_338 = arith.index_cast %scan3A_310 : i32 to index
      %get3A_339 = arith.constant 32 : index
      %get3A_340 = tpu.vector_load %arg15[%get3A_338, %get3A_339] {strides = array<i32>} : memref<128x64xf32, #tpu.memory_space<vmem>>, vector<1x16xf32>,
      %get3A_341 = vector.shape_cast %get3A_340 : vector<1x16xf32> to vector<16xf32>
      %get3A_342 = arith.index_cast %scan3A_310 : i32 to index
      %get3A_343 = arith.constant 32 : index
      %get3A_344 = tpu.vector_load %arg16[%get3A_342, %get3A_343] {strides = array<i32>} : memref<128x64xf32, #tpu.memory_space<vmem>>, vector<1x16xf32>,
      %get3A_345 = vector.shape_cast %get3A_344 : vector<1x16xf32> to vector<16xf32>
      %sub3A_346 = arith.subf %get3A_341, %get3A_345 : vector<16xf32>
      %swap3A_347 = arith.index_cast %scan3A_310 : i32 to index
      %swap3A_348 = arith.constant 32 : index
      %swap3A_349 = tpu.vector_load %arg17[%swap3A_347, %swap3A_348] {strides = array<i32>} : memref<128x64xf32, #tpu.memory_space<vmem>>, vector<1x16xf32>,
      %swap3A_350 = vector.shape_cast %swap3A_349 : vector<1x16xf32> to vector<16xf32>
      %swap3A_351 = vector.shape_cast %sub3A_346 : vector<16xf32> to vector<1x16xf32>
      tpu.vector_store %arg17[%swap3A_347, %swap3A_348], %swap3A_351 {strides = array<i32>} : memref<128x64xf32, #tpu.memory_space<vmem>>, vector<1x16xf32>,
      %get3A_352 = arith.index_cast %scan3A_310 : i32 to index
      %get3A_353 = arith.constant 48 : index
      %get3A_354 = tpu.vector_load %arg15[%get3A_352, %get3A_353] {strides = array<i32>} : memref<128x64xf32, #tpu.memory_space<vmem>>, vector<1x16xf32>,
      %get3A_355 = vector.shape_cast %get3A_354 : vector<1x16xf32> to vector<16xf32>
      %get3A_356 = arith.index_cast %scan3A_310 : i32 to index
      %get3A_357 = arith.constant 48 : index
      %get3A_358 = tpu.vector_load %arg16[%get3A_356, %get3A_357] {strides = array<i32>} : memref<128x64xf32, #tpu.memory_space<vmem>>, vector<1x16xf32>,
      %get3A_359 = vector.shape_cast %get3A_358 : vector<1x16xf32> to vector<16xf32>
      %sub3A_360 = arith.subf %get3A_355, %get3A_359 : vector<16xf32>
      %swap3A_361 = arith.index_cast %scan3A_310 : i32 to index
      %swap3A_362 = arith.constant 48 : index
      %swap3A_363 = tpu.vector_load %arg17[%swap3A_361, %swap3A_362] {strides = array<i32>} : memref<128x64xf32, #tpu.memory_space<vmem>>, vector<1x16xf32>,
      %swap3A_364 = vector.shape_cast %swap3A_363 : vector<1x16xf32> to vector<16xf32>
      %swap3A_365 = vector.shape_cast %sub3A_360 : vector<16xf32> to vector<1x16xf32>
      tpu.vector_store %arg17[%swap3A_361, %swap3A_362], %swap3A_365 {strides = array<i32>} : memref<128x64xf32, #tpu.memory_space<vmem>>, vector<1x16xf32>,
      %scan3A_366 = arith.constant 0 : i32
      scf.yield %scan3A_366 : i32
    }
    %scan3A_143 = arith.constant 128 : i32
    %run_scoped3A_144 = arith.constant 6 : i32
    "tpu.region"() ({
      %run_scoped3A_310 = tpu.sem_alloc : memref<!tpu.dma_semaphore, #tpu.memory_space<semaphore_mem>>
      %dma_start3A = arith.constant 0 : i32
      %dma_start3A_311 = tpu.memref_slice %arg14[%run_scoped3A_144, %dma_start3A] : memref<8x128xi32, #tpu.memory_space<vmem>> -> memref<1x128xi32, #tpu.memory_space<vmem>>
      %dma_start3A_312 = tpu.memref_squeeze %dma_start3A_311 : memref<1x128xi32, #tpu.memory_space<vmem>> -> memref<128xi32, #tpu.memory_space<vmem>>
      %dma_start3A_313 = arith.constant 0 : i32
      %dma_start3A_314 = arith.constant 0 : i32
      %dma_start3A_315 = tpu.memref_slice %arg10[%dma_start3A_313, %dma_start3A_314] : memref<16384x64xf32, #tpu.memory_space<vmem_shared>> -> memref<16384x64xf32, #tpu.memory_space<vmem_shared>>
      tpu.enqueue_indirect_dma source(%arg17 : memref<128x64xf32, #tpu.memory_space<vmem>>) target(%dma_start3A_315 : memref<16384x64xf32, #tpu.memory_space<vmem_shared>>) offsets(%dma_start3A_312 : memref<128xi32, #tpu.memory_space<vmem>>) semaphore(%run_scoped3A_310 : memref<!tpu.dma_semaphore, #tpu.memory_space<semaphore_mem>>) {add = true}
      %dma_wait3A = arith.constant 0 : i32
      %dma_wait3A_316 = tpu.memref_slice %arg14[%run_scoped3A_144, %dma_wait3A] : memref<8x128xi32, #tpu.memory_space<vmem>> -> memref<1x128xi32, #tpu.memory_space<vmem>>
      %dma_wait3A_317 = tpu.memref_squeeze %dma_wait3A_316 : memref<1x128xi32, #tpu.memory_space<vmem>> -> memref<128xi32, #tpu.memory_space<vmem>>
      %dma_wait3A_318 = arith.constant 0 : i32
      %dma_wait3A_319 = arith.constant 0 : i32
      %dma_wait3A_320 = tpu.memref_slice %arg10[%dma_wait3A_318, %dma_wait3A_319] : memref<16384x64xf32, #tpu.memory_space<vmem_shared>> -> memref<16384x64xf32, #tpu.memory_space<vmem_shared>>
      tpu.wait_indirect_dma semaphore(%run_scoped3A_310 : memref<!tpu.dma_semaphore, #tpu.memory_space<semaphore_mem>>) src(%arg17 : memref<128x64xf32, #tpu.memory_space<vmem>>) dst(%dma_wait3A_320 : memref<16384x64xf32, #tpu.memory_space<vmem_shared>>)
      tpu.yield
    }) : () -> ()
    %run_scoped3A_145 = arith.constant 6 : i32
    "tpu.region"() ({
      %run_scoped3A_310 = tpu.sem_alloc : memref<!tpu.dma_semaphore, #tpu.memory_space<semaphore_mem>>
      %dma_start3A = arith.constant 0 : i32
      %dma_start3A_311 = tpu.memref_slice %arg14[%run_scoped3A_145, %dma_start3A] : memref<8x128xi32, #tpu.memory_space<vmem>> -> memref<1x128xi32, #tpu.memory_space<vmem>>
      %dma_start3A_312 = tpu.memref_squeeze %dma_start3A_311 : memref<1x128xi32, #tpu.memory_space<vmem>> -> memref<128xi32, #tpu.memory_space<vmem>>
      %dma_start3A_313 = arith.constant 0 : i32
      %dma_start3A_314 = tpu.memref_slice %arg11[%dma_start3A_313] : memref<16384xf32, #tpu.memory_space<vmem_shared>> -> memref<16384xf32, #tpu.memory_space<vmem_shared>>
      tpu.enqueue_indirect_dma source(%arg20 : memref<128xf32, #tpu.memory_space<vmem>>) target(%dma_start3A_314 : memref<16384xf32, #tpu.memory_space<vmem_shared>>) offsets(%dma_start3A_312 : memref<128xi32, #tpu.memory_space<vmem>>) semaphore(%run_scoped3A_310 : memref<!tpu.dma_semaphore, #tpu.memory_space<semaphore_mem>>) {add = true}
      %dma_wait3A = arith.constant 0 : i32
      %dma_wait3A_315 = tpu.memref_slice %arg14[%run_scoped3A_145, %dma_wait3A] : memref<8x128xi32, #tpu.memory_space<vmem>> -> memref<1x128xi32, #tpu.memory_space<vmem>>
      %dma_wait3A_316 = tpu.memref_squeeze %dma_wait3A_315 : memref<1x128xi32, #tpu.memory_space<vmem>> -> memref<128xi32, #tpu.memory_space<vmem>>
      %dma_wait3A_317 = arith.constant 0 : i32
      %dma_wait3A_318 = tpu.memref_slice %arg11[%dma_wait3A_317] : memref<16384xf32, #tpu.memory_space<vmem_shared>> -> memref<16384xf32, #tpu.memory_space<vmem_shared>>
      tpu.wait_indirect_dma semaphore(%run_scoped3A_310 : memref<!tpu.dma_semaphore, #tpu.memory_space<semaphore_mem>>) src(%arg20 : memref<128xf32, #tpu.memory_space<vmem>>) dst(%dma_wait3A_318 : memref<16384xf32, #tpu.memory_space<vmem_shared>>)
      tpu.yield
    }) : () -> ()
    %add3A_146 = arith.constant 896 : i32
    %add3A_147 = arith.addi %mul3A_0, %add3A_146 : i32
    "tpu.region"() ({
      %run_scoped3A_310 = tpu.sem_alloc : memref<!tpu.dma_semaphore, #tpu.memory_space<semaphore_mem>>
      %dma_start3A = arith.constant 0 : i32
      %dma_start3A_311 = tpu.memref_slice %arg3[%add3A_147, %dma_start3A] : memref<16384x64xf32, #tpu.memory_space<hbm>> -> memref<128x64xf32, #tpu.memory_space<hbm>>
      %dma_start3A_312 = arith.constant 0 : i32
      %dma_start3A_313 = tpu.memref_slice %arg3[%add3A_147, %dma_start3A_312] : memref<16384x64xf32, #tpu.memory_space<hbm>> -> memref<128x64xf32, #tpu.memory_space<hbm>>
      tpu.enqueue_dma source(%dma_start3A_313 : memref<128x64xf32, #tpu.memory_space<hbm>>) target(%arg15 : memref<128x64xf32, #tpu.memory_space<vmem>>) target_semaphore(%run_scoped3A_310 : memref<!tpu.dma_semaphore, #tpu.memory_space<semaphore_mem>>)
      %dma_wait3A = arith.constant 0 : i32
      %dma_wait3A_314 = tpu.memref_slice %arg3[%add3A_147, %dma_wait3A] : memref<16384x64xf32, #tpu.memory_space<hbm>> -> memref<128x64xf32, #tpu.memory_space<hbm>>
      %dma_wait3A_315 = arith.constant 0 : i32
      %dma_wait3A_316 = tpu.memref_slice %arg3[%add3A_147, %dma_wait3A_315] : memref<16384x64xf32, #tpu.memory_space<hbm>> -> memref<128x64xf32, #tpu.memory_space<hbm>>
      tpu.wait_dma2 semaphore(%run_scoped3A_310 : memref<!tpu.dma_semaphore, #tpu.memory_space<semaphore_mem>>) src(%dma_wait3A_316 : memref<128x64xf32, #tpu.memory_space<hbm>>) dst(%arg15 : memref<128x64xf32, #tpu.memory_space<vmem>>)
      tpu.yield
    }) : () -> ()
    %run_scoped3A_148 = arith.constant 7 : i32
    "tpu.region"() ({
      %run_scoped3A_310 = tpu.sem_alloc : memref<!tpu.dma_semaphore, #tpu.memory_space<semaphore_mem>>
      %dma_start3A = arith.constant 0 : i32
      %dma_start3A_311 = tpu.memref_slice %arg13[%run_scoped3A_148, %dma_start3A] : memref<8x128xi32, #tpu.memory_space<vmem>> -> memref<1x128xi32, #tpu.memory_space<vmem>>
      %dma_start3A_312 = tpu.memref_squeeze %dma_start3A_311 : memref<1x128xi32, #tpu.memory_space<vmem>> -> memref<128xi32, #tpu.memory_space<vmem>>
      %dma_start3A_313 = arith.constant 0 : i32
      %dma_start3A_314 = arith.constant 0 : i32
      %dma_start3A_315 = tpu.memref_slice %arg4[%dma_start3A_313, %dma_start3A_314] : memref<1000000x64xf32, #tpu.memory_space<hbm>> -> memref<1000000x64xf32, #tpu.memory_space<hbm>>
      tpu.enqueue_indirect_dma source(%dma_start3A_315 : memref<1000000x64xf32, #tpu.memory_space<hbm>>) target(%arg16 : memref<128x64xf32, #tpu.memory_space<vmem>>) offsets(%dma_start3A_312 : memref<128xi32, #tpu.memory_space<vmem>>) semaphore(%run_scoped3A_310 : memref<!tpu.dma_semaphore, #tpu.memory_space<semaphore_mem>>)
      %dma_wait3A = arith.constant 0 : i32
      %dma_wait3A_316 = tpu.memref_slice %arg13[%run_scoped3A_148, %dma_wait3A] : memref<8x128xi32, #tpu.memory_space<vmem>> -> memref<1x128xi32, #tpu.memory_space<vmem>>
      %dma_wait3A_317 = tpu.memref_squeeze %dma_wait3A_316 : memref<1x128xi32, #tpu.memory_space<vmem>> -> memref<128xi32, #tpu.memory_space<vmem>>
      %dma_wait3A_318 = arith.constant 0 : i32
      %dma_wait3A_319 = arith.constant 0 : i32
      %dma_wait3A_320 = tpu.memref_slice %arg4[%dma_wait3A_318, %dma_wait3A_319] : memref<1000000x64xf32, #tpu.memory_space<hbm>> -> memref<1000000x64xf32, #tpu.memory_space<hbm>>
      tpu.wait_indirect_dma semaphore(%run_scoped3A_310 : memref<!tpu.dma_semaphore, #tpu.memory_space<semaphore_mem>>) src(%dma_wait3A_320 : memref<1000000x64xf32, #tpu.memory_space<hbm>>) dst(%arg16 : memref<128x64xf32, #tpu.memory_space<vmem>>)
      tpu.yield
    }) : () -> ()
    %scan3A_149 = arith.constant 0 : i32
    %scan3A_150 = arith.constant 0 : i32
    %scan3A_151 = arith.constant 128 : i32
    %scan3A_152 = arith.addi %scan3A_150, %scan3A_151 : i32
    %scan3A_153 = arith.constant 1 : i32
    %scan3A_154 = scf.for %scan3A_310 = %scan3A_150 to %scan3A_152 step %scan3A_153 iter_args(%scan3A_311 = %scan3A_149) -> (i32)  : i32 {
      %get3A = arith.index_cast %scan3A_310 : i32 to index
      %get3A_312 = arith.constant 0 : index
      %get3A_313 = tpu.vector_load %arg15[%get3A, %get3A_312] {strides = array<i32>} : memref<128x64xf32, #tpu.memory_space<vmem>>, vector<1x16xf32>,
      %get3A_314 = vector.shape_cast %get3A_313 : vector<1x16xf32> to vector<16xf32>
      %get3A_315 = arith.index_cast %scan3A_310 : i32 to index
      %get3A_316 = arith.constant 0 : index
      %get3A_317 = tpu.vector_load %arg16[%get3A_315, %get3A_316] {strides = array<i32>} : memref<128x64xf32, #tpu.memory_space<vmem>>, vector<1x16xf32>,
      %get3A_318 = vector.shape_cast %get3A_317 : vector<1x16xf32> to vector<16xf32>
      %sub3A = arith.subf %get3A_314, %get3A_318 : vector<16xf32>
      %swap3A_319 = arith.index_cast %scan3A_310 : i32 to index
      %swap3A_320 = arith.constant 0 : index
      %swap3A_321 = tpu.vector_load %arg17[%swap3A_319, %swap3A_320] {strides = array<i32>} : memref<128x64xf32, #tpu.memory_space<vmem>>, vector<1x16xf32>,
      %swap3A_322 = vector.shape_cast %swap3A_321 : vector<1x16xf32> to vector<16xf32>
      %swap3A_323 = vector.shape_cast %sub3A : vector<16xf32> to vector<1x16xf32>
      tpu.vector_store %arg17[%swap3A_319, %swap3A_320], %swap3A_323 {strides = array<i32>} : memref<128x64xf32, #tpu.memory_space<vmem>>, vector<1x16xf32>,
      %get3A_324 = arith.index_cast %scan3A_310 : i32 to index
      %get3A_325 = arith.constant 16 : index
      %get3A_326 = tpu.vector_load %arg15[%get3A_324, %get3A_325] {strides = array<i32>} : memref<128x64xf32, #tpu.memory_space<vmem>>, vector<1x16xf32>,
      %get3A_327 = vector.shape_cast %get3A_326 : vector<1x16xf32> to vector<16xf32>
      %get3A_328 = arith.index_cast %scan3A_310 : i32 to index
      %get3A_329 = arith.constant 16 : index
      %get3A_330 = tpu.vector_load %arg16[%get3A_328, %get3A_329] {strides = array<i32>} : memref<128x64xf32, #tpu.memory_space<vmem>>, vector<1x16xf32>,
      %get3A_331 = vector.shape_cast %get3A_330 : vector<1x16xf32> to vector<16xf32>
      %sub3A_332 = arith.subf %get3A_327, %get3A_331 : vector<16xf32>
      %swap3A_333 = arith.index_cast %scan3A_310 : i32 to index
      %swap3A_334 = arith.constant 16 : index
      %swap3A_335 = tpu.vector_load %arg17[%swap3A_333, %swap3A_334] {strides = array<i32>} : memref<128x64xf32, #tpu.memory_space<vmem>>, vector<1x16xf32>,
      %swap3A_336 = vector.shape_cast %swap3A_335 : vector<1x16xf32> to vector<16xf32>
      %swap3A_337 = vector.shape_cast %sub3A_332 : vector<16xf32> to vector<1x16xf32>
      tpu.vector_store %arg17[%swap3A_333, %swap3A_334], %swap3A_337 {strides = array<i32>} : memref<128x64xf32, #tpu.memory_space<vmem>>, vector<1x16xf32>,
      %get3A_338 = arith.index_cast %scan3A_310 : i32 to index
      %get3A_339 = arith.constant 32 : index
      %get3A_340 = tpu.vector_load %arg15[%get3A_338, %get3A_339] {strides = array<i32>} : memref<128x64xf32, #tpu.memory_space<vmem>>, vector<1x16xf32>,
      %get3A_341 = vector.shape_cast %get3A_340 : vector<1x16xf32> to vector<16xf32>
      %get3A_342 = arith.index_cast %scan3A_310 : i32 to index
      %get3A_343 = arith.constant 32 : index
      %get3A_344 = tpu.vector_load %arg16[%get3A_342, %get3A_343] {strides = array<i32>} : memref<128x64xf32, #tpu.memory_space<vmem>>, vector<1x16xf32>,
      %get3A_345 = vector.shape_cast %get3A_344 : vector<1x16xf32> to vector<16xf32>
      %sub3A_346 = arith.subf %get3A_341, %get3A_345 : vector<16xf32>
      %swap3A_347 = arith.index_cast %scan3A_310 : i32 to index
      %swap3A_348 = arith.constant 32 : index
      %swap3A_349 = tpu.vector_load %arg17[%swap3A_347, %swap3A_348] {strides = array<i32>} : memref<128x64xf32, #tpu.memory_space<vmem>>, vector<1x16xf32>,
      %swap3A_350 = vector.shape_cast %swap3A_349 : vector<1x16xf32> to vector<16xf32>
      %swap3A_351 = vector.shape_cast %sub3A_346 : vector<16xf32> to vector<1x16xf32>
      tpu.vector_store %arg17[%swap3A_347, %swap3A_348], %swap3A_351 {strides = array<i32>} : memref<128x64xf32, #tpu.memory_space<vmem>>, vector<1x16xf32>,
      %get3A_352 = arith.index_cast %scan3A_310 : i32 to index
      %get3A_353 = arith.constant 48 : index
      %get3A_354 = tpu.vector_load %arg15[%get3A_352, %get3A_353] {strides = array<i32>} : memref<128x64xf32, #tpu.memory_space<vmem>>, vector<1x16xf32>,
      %get3A_355 = vector.shape_cast %get3A_354 : vector<1x16xf32> to vector<16xf32>
      %get3A_356 = arith.index_cast %scan3A_310 : i32 to index
      %get3A_357 = arith.constant 48 : index
      %get3A_358 = tpu.vector_load %arg16[%get3A_356, %get3A_357] {strides = array<i32>} : memref<128x64xf32, #tpu.memory_space<vmem>>, vector<1x16xf32>,
      %get3A_359 = vector.shape_cast %get3A_358 : vector<1x16xf32> to vector<16xf32>
      %sub3A_360 = arith.subf %get3A_355, %get3A_359 : vector<16xf32>
      %swap3A_361 = arith.index_cast %scan3A_310 : i32 to index
      %swap3A_362 = arith.constant 48 : index
      %swap3A_363 = tpu.vector_load %arg17[%swap3A_361, %swap3A_362] {strides = array<i32>} : memref<128x64xf32, #tpu.memory_space<vmem>>, vector<1x16xf32>,
      %swap3A_364 = vector.shape_cast %swap3A_363 : vector<1x16xf32> to vector<16xf32>
      %swap3A_365 = vector.shape_cast %sub3A_360 : vector<16xf32> to vector<1x16xf32>
      tpu.vector_store %arg17[%swap3A_361, %swap3A_362], %swap3A_365 {strides = array<i32>} : memref<128x64xf32, #tpu.memory_space<vmem>>, vector<1x16xf32>,
      %scan3A_366 = arith.constant 0 : i32
      scf.yield %scan3A_366 : i32
    }
    %scan3A_155 = arith.constant 128 : i32
    %run_scoped3A_156 = arith.constant 7 : i32
    "tpu.region"() ({
      %run_scoped3A_310 = tpu.sem_alloc : memref<!tpu.dma_semaphore, #tpu.memory_space<semaphore_mem>>
      %dma_start3A = arith.constant 0 : i32
      %dma_start3A_311 = tpu.memref_slice %arg14[%run_scoped3A_156, %dma_start3A] : memref<8x128xi32, #tpu.memory_space<vmem>> -> memref<1x128xi32, #tpu.memory_space<vmem>>
      %dma_start3A_312 = tpu.memref_squeeze %dma_start3A_311 : memref<1x128xi32, #tpu.memory_space<vmem>> -> memref<128xi32, #tpu.memory_space<vmem>>
      %dma_start3A_313 = arith.constant 0 : i32
      %dma_start3A_314 = arith.constant 0 : i32
      %dma_start3A_315 = tpu.memref_slice %arg10[%dma_start3A_313, %dma_start3A_314] : memref<16384x64xf32, #tpu.memory_space<vmem_shared>> -> memref<16384x64xf32, #tpu.memory_space<vmem_shared>>
      tpu.enqueue_indirect_dma source(%arg17 : memref<128x64xf32, #tpu.memory_space<vmem>>) target(%dma_start3A_315 : memref<16384x64xf32, #tpu.memory_space<vmem_shared>>) offsets(%dma_start3A_312 : memref<128xi32, #tpu.memory_space<vmem>>) semaphore(%run_scoped3A_310 : memref<!tpu.dma_semaphore, #tpu.memory_space<semaphore_mem>>) {add = true}
      %dma_wait3A = arith.constant 0 : i32
      %dma_wait3A_316 = tpu.memref_slice %arg14[%run_scoped3A_156, %dma_wait3A] : memref<8x128xi32, #tpu.memory_space<vmem>> -> memref<1x128xi32, #tpu.memory_space<vmem>>
      %dma_wait3A_317 = tpu.memref_squeeze %dma_wait3A_316 : memref<1x128xi32, #tpu.memory_space<vmem>> -> memref<128xi32, #tpu.memory_space<vmem>>
      %dma_wait3A_318 = arith.constant 0 : i32
      %dma_wait3A_319 = arith.constant 0 : i32
      %dma_wait3A_320 = tpu.memref_slice %arg10[%dma_wait3A_318, %dma_wait3A_319] : memref<16384x64xf32, #tpu.memory_space<vmem_shared>> -> memref<16384x64xf32, #tpu.memory_space<vmem_shared>>
      tpu.wait_indirect_dma semaphore(%run_scoped3A_310 : memref<!tpu.dma_semaphore, #tpu.memory_space<semaphore_mem>>) src(%arg17 : memref<128x64xf32, #tpu.memory_space<vmem>>) dst(%dma_wait3A_320 : memref<16384x64xf32, #tpu.memory_space<vmem_shared>>)
      tpu.yield
    }) : () -> ()
    %run_scoped3A_157 = arith.constant 7 : i32
    "tpu.region"() ({
      %run_scoped3A_310 = tpu.sem_alloc : memref<!tpu.dma_semaphore, #tpu.memory_space<semaphore_mem>>
      %dma_start3A = arith.constant 0 : i32
      %dma_start3A_311 = tpu.memref_slice %arg14[%run_scoped3A_157, %dma_start3A] : memref<8x128xi32, #tpu.memory_space<vmem>> -> memref<1x128xi32, #tpu.memory_space<vmem>>
      %dma_start3A_312 = tpu.memref_squeeze %dma_start3A_311 : memref<1x128xi32, #tpu.memory_space<vmem>> -> memref<128xi32, #tpu.memory_space<vmem>>
      %dma_start3A_313 = arith.constant 0 : i32
      %dma_start3A_314 = tpu.memref_slice %arg11[%dma_start3A_313] : memref<16384xf32, #tpu.memory_space<vmem_shared>> -> memref<16384xf32, #tpu.memory_space<vmem_shared>>
      tpu.enqueue_indirect_dma source(%arg20 : memref<128xf32, #tpu.memory_space<vmem>>) target(%dma_start3A_314 : memref<16384xf32, #tpu.memory_space<vmem_shared>>) offsets(%dma_start3A_312 : memref<128xi32, #tpu.memory_space<vmem>>) semaphore(%run_scoped3A_310 : memref<!tpu.dma_semaphore, #tpu.memory_space<semaphore_mem>>) {add = true}
      %dma_wait3A = arith.constant 0 : i32
      %dma_wait3A_315 = tpu.memref_slice %arg14[%run_scoped3A_157, %dma_wait3A] : memref<8x128xi32, #tpu.memory_space<vmem>> -> memref<1x128xi32, #tpu.memory_space<vmem>>
      %dma_wait3A_316 = tpu.memref_squeeze %dma_wait3A_315 : memref<1x128xi32, #tpu.memory_space<vmem>> -> memref<128xi32, #tpu.memory_space<vmem>>
      %dma_wait3A_317 = arith.constant 0 : i32
      %dma_wait3A_318 = tpu.memref_slice %arg11[%dma_wait3A_317] : memref<16384xf32, #tpu.memory_space<vmem_shared>> -> memref<16384xf32, #tpu.memory_space<vmem_shared>>
      tpu.wait_indirect_dma semaphore(%run_scoped3A_310 : memref<!tpu.dma_semaphore, #tpu.memory_space<semaphore_mem>>) src(%arg20 : memref<128xf32, #tpu.memory_space<vmem>>) dst(%dma_wait3A_318 : memref<16384xf32, #tpu.memory_space<vmem_shared>>)
      tpu.yield
    }) : () -> ()
    %barrier3A_158 = arith.constant 0 : index
    tpu.barrier barrier_id(%barrier3A_158)
    %broadcast_in_dim3A = arith.constant 0.000000e+00 : f32
    %broadcast_in_dim3A_159 = vector.broadcast %broadcast_in_dim3A : f32 to vector<16xf32>
    %add3A_160 = arith.constant 0 : i32
    %add3A_161 = arith.addi %mul3A_0, %add3A_160 : i32
    "tpu.region"() ({
      %run_scoped3A_310 = tpu.sem_alloc : memref<!tpu.dma_semaphore, #tpu.memory_space<semaphore_mem>>
      %dma_start3A = arith.constant 0 : i32
      %dma_start3A_311 = tpu.memref_slice %arg3[%add3A_161, %dma_start3A] : memref<16384x64xf32, #tpu.memory_space<hbm>> -> memref<128x64xf32, #tpu.memory_space<hbm>>
      %dma_start3A_312 = arith.constant 0 : i32
      %dma_start3A_313 = tpu.memref_slice %arg3[%add3A_161, %dma_start3A_312] : memref<16384x64xf32, #tpu.memory_space<hbm>> -> memref<128x64xf32, #tpu.memory_space<hbm>>
      tpu.enqueue_dma source(%dma_start3A_313 : memref<128x64xf32, #tpu.memory_space<hbm>>) target(%arg15 : memref<128x64xf32, #tpu.memory_space<vmem>>) target_semaphore(%run_scoped3A_310 : memref<!tpu.dma_semaphore, #tpu.memory_space<semaphore_mem>>)
      %dma_wait3A = arith.constant 0 : i32
      %dma_wait3A_314 = tpu.memref_slice %arg3[%add3A_161, %dma_wait3A] : memref<16384x64xf32, #tpu.memory_space<hbm>> -> memref<128x64xf32, #tpu.memory_space<hbm>>
      %dma_wait3A_315 = arith.constant 0 : i32
      %dma_wait3A_316 = tpu.memref_slice %arg3[%add3A_161, %dma_wait3A_315] : memref<16384x64xf32, #tpu.memory_space<hbm>> -> memref<128x64xf32, #tpu.memory_space<hbm>>
      tpu.wait_dma2 semaphore(%run_scoped3A_310 : memref<!tpu.dma_semaphore, #tpu.memory_space<semaphore_mem>>) src(%dma_wait3A_316 : memref<128x64xf32, #tpu.memory_space<hbm>>) dst(%arg15 : memref<128x64xf32, #tpu.memory_space<vmem>>)
      tpu.yield
    }) : () -> ()
    %run_scoped3A_162 = arith.constant 0 : i32
    "tpu.region"() ({
      %run_scoped3A_310 = tpu.sem_alloc : memref<!tpu.dma_semaphore, #tpu.memory_space<semaphore_mem>>
      %dma_start3A = arith.constant 0 : i32
      %dma_start3A_311 = tpu.memref_slice %arg13[%run_scoped3A_162, %dma_start3A] : memref<8x128xi32, #tpu.memory_space<vmem>> -> memref<1x128xi32, #tpu.memory_space<vmem>>
      %dma_start3A_312 = tpu.memref_squeeze %dma_start3A_311 : memref<1x128xi32, #tpu.memory_space<vmem>> -> memref<128xi32, #tpu.memory_space<vmem>>
      %dma_start3A_313 = arith.constant 0 : i32
      %dma_start3A_314 = arith.constant 0 : i32
      %dma_start3A_315 = tpu.memref_slice %arg4[%dma_start3A_313, %dma_start3A_314] : memref<1000000x64xf32, #tpu.memory_space<hbm>> -> memref<1000000x64xf32, #tpu.memory_space<hbm>>
      tpu.enqueue_indirect_dma source(%dma_start3A_315 : memref<1000000x64xf32, #tpu.memory_space<hbm>>) target(%arg16 : memref<128x64xf32, #tpu.memory_space<vmem>>) offsets(%dma_start3A_312 : memref<128xi32, #tpu.memory_space<vmem>>) semaphore(%run_scoped3A_310 : memref<!tpu.dma_semaphore, #tpu.memory_space<semaphore_mem>>)
      %dma_wait3A = arith.constant 0 : i32
      %dma_wait3A_316 = tpu.memref_slice %arg13[%run_scoped3A_162, %dma_wait3A] : memref<8x128xi32, #tpu.memory_space<vmem>> -> memref<1x128xi32, #tpu.memory_space<vmem>>
      %dma_wait3A_317 = tpu.memref_squeeze %dma_wait3A_316 : memref<1x128xi32, #tpu.memory_space<vmem>> -> memref<128xi32, #tpu.memory_space<vmem>>
      %dma_wait3A_318 = arith.constant 0 : i32
      %dma_wait3A_319 = arith.constant 0 : i32
      %dma_wait3A_320 = tpu.memref_slice %arg4[%dma_wait3A_318, %dma_wait3A_319] : memref<1000000x64xf32, #tpu.memory_space<hbm>> -> memref<1000000x64xf32, #tpu.memory_space<hbm>>
      tpu.wait_indirect_dma semaphore(%run_scoped3A_310 : memref<!tpu.dma_semaphore, #tpu.memory_space<semaphore_mem>>) src(%dma_wait3A_320 : memref<1000000x64xf32, #tpu.memory_space<hbm>>) dst(%arg16 : memref<128x64xf32, #tpu.memory_space<vmem>>)
      tpu.yield
    }) : () -> ()
    %run_scoped3A_163 = arith.constant 0 : i32
    "tpu.region"() ({
      %run_scoped3A_310 = tpu.sem_alloc : memref<!tpu.dma_semaphore, #tpu.memory_space<semaphore_mem>>
      %dma_start3A = arith.constant 0 : i32
      %dma_start3A_311 = tpu.memref_slice %arg14[%run_scoped3A_163, %dma_start3A] : memref<8x128xi32, #tpu.memory_space<vmem>> -> memref<1x128xi32, #tpu.memory_space<vmem>>
      %dma_start3A_312 = tpu.memref_squeeze %dma_start3A_311 : memref<1x128xi32, #tpu.memory_space<vmem>> -> memref<128xi32, #tpu.memory_space<vmem>>
      %dma_start3A_313 = arith.constant 0 : i32
      %dma_start3A_314 = arith.constant 0 : i32
      %dma_start3A_315 = tpu.memref_slice %arg10[%dma_start3A_313, %dma_start3A_314] : memref<16384x64xf32, #tpu.memory_space<vmem_shared>> -> memref<16384x64xf32, #tpu.memory_space<vmem_shared>>
      tpu.enqueue_indirect_dma source(%dma_start3A_315 : memref<16384x64xf32, #tpu.memory_space<vmem_shared>>) target(%arg17 : memref<128x64xf32, #tpu.memory_space<vmem>>) offsets(%dma_start3A_312 : memref<128xi32, #tpu.memory_space<vmem>>) semaphore(%run_scoped3A_310 : memref<!tpu.dma_semaphore, #tpu.memory_space<semaphore_mem>>)
      %dma_wait3A = arith.constant 0 : i32
      %dma_wait3A_316 = tpu.memref_slice %arg14[%run_scoped3A_163, %dma_wait3A] : memref<8x128xi32, #tpu.memory_space<vmem>> -> memref<1x128xi32, #tpu.memory_space<vmem>>
      %dma_wait3A_317 = tpu.memref_squeeze %dma_wait3A_316 : memref<1x128xi32, #tpu.memory_space<vmem>> -> memref<128xi32, #tpu.memory_space<vmem>>
      %dma_wait3A_318 = arith.constant 0 : i32
      %dma_wait3A_319 = arith.constant 0 : i32
      %dma_wait3A_320 = tpu.memref_slice %arg10[%dma_wait3A_318, %dma_wait3A_319] : memref<16384x64xf32, #tpu.memory_space<vmem_shared>> -> memref<16384x64xf32, #tpu.memory_space<vmem_shared>>
      tpu.wait_indirect_dma semaphore(%run_scoped3A_310 : memref<!tpu.dma_semaphore, #tpu.memory_space<semaphore_mem>>) src(%dma_wait3A_320 : memref<16384x64xf32, #tpu.memory_space<vmem_shared>>) dst(%arg17 : memref<128x64xf32, #tpu.memory_space<vmem>>)
      tpu.yield
    }) : () -> ()
    %run_scoped3A_164 = arith.constant 0 : i32
    "tpu.region"() ({
      %run_scoped3A_310 = tpu.sem_alloc : memref<!tpu.dma_semaphore, #tpu.memory_space<semaphore_mem>>
      %dma_start3A = arith.constant 0 : i32
      %dma_start3A_311 = tpu.memref_slice %arg14[%run_scoped3A_164, %dma_start3A] : memref<8x128xi32, #tpu.memory_space<vmem>> -> memref<1x128xi32, #tpu.memory_space<vmem>>
      %dma_start3A_312 = tpu.memref_squeeze %dma_start3A_311 : memref<1x128xi32, #tpu.memory_space<vmem>> -> memref<128xi32, #tpu.memory_space<vmem>>
      %dma_start3A_313 = arith.constant 0 : i32
      %dma_start3A_314 = tpu.memref_slice %arg11[%dma_start3A_313] : memref<16384xf32, #tpu.memory_space<vmem_shared>> -> memref<16384xf32, #tpu.memory_space<vmem_shared>>
      tpu.enqueue_indirect_dma source(%dma_start3A_314 : memref<16384xf32, #tpu.memory_space<vmem_shared>>) target(%arg18 : memref<128xf32, #tpu.memory_space<vmem>>) offsets(%dma_start3A_312 : memref<128xi32, #tpu.memory_space<vmem>>) semaphore(%run_scoped3A_310 : memref<!tpu.dma_semaphore, #tpu.memory_space<semaphore_mem>>)
      %dma_wait3A = arith.constant 0 : i32
      %dma_wait3A_315 = tpu.memref_slice %arg14[%run_scoped3A_164, %dma_wait3A] : memref<8x128xi32, #tpu.memory_space<vmem>> -> memref<1x128xi32, #tpu.memory_space<vmem>>
      %dma_wait3A_316 = tpu.memref_squeeze %dma_wait3A_315 : memref<1x128xi32, #tpu.memory_space<vmem>> -> memref<128xi32, #tpu.memory_space<vmem>>
      %dma_wait3A_317 = arith.constant 0 : i32
      %dma_wait3A_318 = tpu.memref_slice %arg11[%dma_wait3A_317] : memref<16384xf32, #tpu.memory_space<vmem_shared>> -> memref<16384xf32, #tpu.memory_space<vmem_shared>>
      tpu.wait_indirect_dma semaphore(%run_scoped3A_310 : memref<!tpu.dma_semaphore, #tpu.memory_space<semaphore_mem>>) src(%dma_wait3A_318 : memref<16384xf32, #tpu.memory_space<vmem_shared>>) dst(%arg18 : memref<128xf32, #tpu.memory_space<vmem>>)
      tpu.yield
    }) : () -> ()
    %scan3A_165 = arith.constant 0 : i32
    %scan3A_166 = arith.constant 0 : i32
    %scan3A_167 = arith.constant 8 : i32
    %scan3A_168 = arith.addi %scan3A_166, %scan3A_167 : i32
    %scan3A_169 = arith.constant 1 : i32
    %scan3A_170 = scf.for %scan3A_310 = %scan3A_166 to %scan3A_168 step %scan3A_169 iter_args(%scan3A_311 = %scan3A_165) -> (i32)  : i32 {
      %mul3A_312 = arith.constant 16 : i32
      %mul3A_313 = arith.muli %scan3A_310, %mul3A_312 : i32
      %get3A = arith.index_cast %mul3A_313 : i32 to index
      %get3A_314 = tpu.vector_load %arg18[%get3A] {strides = array<i32>} : memref<128xf32, #tpu.memory_space<vmem>>, vector<16xf32>,
      %get3A_315 = vector.shape_cast %get3A_314 : vector<16xf32> to vector<16xf32>
      %add3A_316 = arith.constant 1.000000e+00 : f32
      %add3A_317 = vector.broadcast %add3A_316 : f32 to vector<16xf32>
      %add3A_318 = arith.addf %get3A_315, %add3A_317 : vector<16xf32>
      %div3A = arith.constant 5.000000e-01 : f32
      %div3A_319 = vector.broadcast %div3A : f32 to vector<16xf32>
      %div3A_320 = arith.divf %div3A_319, %add3A_318 : vector<16xf32>
      %swap3A_321 = arith.index_cast %mul3A_313 : i32 to index
      %swap3A_322 = tpu.vector_load %arg19[%swap3A_321] {strides = array<i32>} : memref<144xf32, #tpu.memory_space<vmem>>, vector<16xf32>,
      %swap3A_323 = vector.shape_cast %swap3A_322 : vector<16xf32> to vector<16xf32>
      %swap3A_324 = vector.shape_cast %div3A_320 : vector<16xf32> to vector<16xf32>
      tpu.vector_store %arg19[%swap3A_321], %swap3A_324 {strides = array<i32>} : memref<144xf32, #tpu.memory_space<vmem>>, vector<16xf32>,
      %scan3A_325 = arith.constant 0 : i32
      scf.yield %scan3A_325 : i32
    }
    %scan3A_171 = arith.constant 8 : i32
    %scan3A_172 = arith.constant 0 : i32
    %scan3A_173 = arith.constant 128 : i32
    %scan3A_174 = arith.addi %scan3A_172, %scan3A_173 : i32
    %scan3A_175 = arith.constant 1 : i32
    %scan3A_176 = scf.for %scan3A_310 = %scan3A_172 to %scan3A_174 step %scan3A_175 iter_args(%scan3A_311 = %broadcast_in_dim3A_159) -> (vector<16xf32>)  : i32 {
      %get3A = arith.index_cast %scan3A_310 : i32 to index
      %get3A_312 = tpu.vector_load %arg19[%get3A] {strides = array<i32>} : memref<144xf32, #tpu.memory_space<vmem>>, vector<16xf32>,
      %get3A_313 = vector.shape_cast %get3A_312 : vector<16xf32> to vector<16xf32>
      %slice3A = vector.extract_strided_slice %get3A_313 {offsets = [0], sizes = [1], strides = [1]} : vector<16xf32> to vector<1xf32>
      %squeeze3A = vector.extract %slice3A[0] : f32 from vector<1xf32>
      %get3A_314 = arith.index_cast %scan3A_310 : i32 to index
      %get3A_315 = arith.constant 0 : index
      %get3A_316 = tpu.vector_load %arg15[%get3A_314, %get3A_315] {strides = array<i32>} : memref<128x64xf32, #tpu.memory_space<vmem>>, vector<1x16xf32>,
      %get3A_317 = vector.shape_cast %get3A_316 : vector<1x16xf32> to vector<16xf32>
      %get3A_318 = arith.index_cast %scan3A_310 : i32 to index
      %get3A_319 = arith.constant 0 : index
      %get3A_320 = tpu.vector_load %arg16[%get3A_318, %get3A_319] {strides = array<i32>} : memref<128x64xf32, #tpu.memory_space<vmem>>, vector<1x16xf32>,
      %get3A_321 = vector.shape_cast %get3A_320 : vector<1x16xf32> to vector<16xf32>
      %sub3A = arith.subf %get3A_317, %get3A_321 : vector<16xf32>
      %get3A_322 = arith.index_cast %scan3A_310 : i32 to index
      %get3A_323 = arith.constant 0 : index
      %get3A_324 = tpu.vector_load %arg17[%get3A_322, %get3A_323] {strides = array<i32>} : memref<128x64xf32, #tpu.memory_space<vmem>>, vector<1x16xf32>,
      %get3A_325 = vector.shape_cast %get3A_324 : vector<1x16xf32> to vector<16xf32>
      %mul3A_326 = vector.broadcast %squeeze3A : f32 to vector<16xf32>
      %mul3A_327 = arith.mulf %mul3A_326, %get3A_325 : vector<16xf32>
      %sub3A_328 = arith.subf %sub3A, %mul3A_327 : vector<16xf32>
      %mul3A_329 = arith.mulf %sub3A_328, %sub3A_328 : vector<16xf32>
      %add3A_330 = arith.addf %scan3A_311, %mul3A_329 : vector<16xf32>
      %get3A_331 = arith.index_cast %scan3A_310 : i32 to index
      %get3A_332 = arith.constant 16 : index
      %get3A_333 = tpu.vector_load %arg15[%get3A_331, %get3A_332] {strides = array<i32>} : memref<128x64xf32, #tpu.memory_space<vmem>>, vector<1x16xf32>,
      %get3A_334 = vector.shape_cast %get3A_333 : vector<1x16xf32> to vector<16xf32>
      %get3A_335 = arith.index_cast %scan3A_310 : i32 to index
      %get3A_336 = arith.constant 16 : index
      %get3A_337 = tpu.vector_load %arg16[%get3A_335, %get3A_336] {strides = array<i32>} : memref<128x64xf32, #tpu.memory_space<vmem>>, vector<1x16xf32>,
      %get3A_338 = vector.shape_cast %get3A_337 : vector<1x16xf32> to vector<16xf32>
      %sub3A_339 = arith.subf %get3A_334, %get3A_338 : vector<16xf32>
      %get3A_340 = arith.index_cast %scan3A_310 : i32 to index
      %get3A_341 = arith.constant 16 : index
      %get3A_342 = tpu.vector_load %arg17[%get3A_340, %get3A_341] {strides = array<i32>} : memref<128x64xf32, #tpu.memory_space<vmem>>, vector<1x16xf32>,
      %get3A_343 = vector.shape_cast %get3A_342 : vector<1x16xf32> to vector<16xf32>
      %mul3A_344 = vector.broadcast %squeeze3A : f32 to vector<16xf32>
      %mul3A_345 = arith.mulf %mul3A_344, %get3A_343 : vector<16xf32>
      %sub3A_346 = arith.subf %sub3A_339, %mul3A_345 : vector<16xf32>
      %mul3A_347 = arith.mulf %sub3A_346, %sub3A_346 : vector<16xf32>
      %add3A_348 = arith.addf %add3A_330, %mul3A_347 : vector<16xf32>
      %get3A_349 = arith.index_cast %scan3A_310 : i32 to index
      %get3A_350 = arith.constant 32 : index
      %get3A_351 = tpu.vector_load %arg15[%get3A_349, %get3A_350] {strides = array<i32>} : memref<128x64xf32, #tpu.memory_space<vmem>>, vector<1x16xf32>,
      %get3A_352 = vector.shape_cast %get3A_351 : vector<1x16xf32> to vector<16xf32>
      %get3A_353 = arith.index_cast %scan3A_310 : i32 to index
      %get3A_354 = arith.constant 32 : index
      %get3A_355 = tpu.vector_load %arg16[%get3A_353, %get3A_354] {strides = array<i32>} : memref<128x64xf32, #tpu.memory_space<vmem>>, vector<1x16xf32>,
      %get3A_356 = vector.shape_cast %get3A_355 : vector<1x16xf32> to vector<16xf32>
      %sub3A_357 = arith.subf %get3A_352, %get3A_356 : vector<16xf32>
      %get3A_358 = arith.index_cast %scan3A_310 : i32 to index
      %get3A_359 = arith.constant 32 : index
      %get3A_360 = tpu.vector_load %arg17[%get3A_358, %get3A_359] {strides = array<i32>} : memref<128x64xf32, #tpu.memory_space<vmem>>, vector<1x16xf32>,
      %get3A_361 = vector.shape_cast %get3A_360 : vector<1x16xf32> to vector<16xf32>
      %mul3A_362 = vector.broadcast %squeeze3A : f32 to vector<16xf32>
      %mul3A_363 = arith.mulf %mul3A_362, %get3A_361 : vector<16xf32>
      %sub3A_364 = arith.subf %sub3A_357, %mul3A_363 : vector<16xf32>
      %mul3A_365 = arith.mulf %sub3A_364, %sub3A_364 : vector<16xf32>
      %add3A_366 = arith.addf %add3A_348, %mul3A_365 : vector<16xf32>
      %get3A_367 = arith.index_cast %scan3A_310 : i32 to index
      %get3A_368 = arith.constant 48 : index
      %get3A_369 = tpu.vector_load %arg15[%get3A_367, %get3A_368] {strides = array<i32>} : memref<128x64xf32, #tpu.memory_space<vmem>>, vector<1x16xf32>,
      %get3A_370 = vector.shape_cast %get3A_369 : vector<1x16xf32> to vector<16xf32>
      %get3A_371 = arith.index_cast %scan3A_310 : i32 to index
      %get3A_372 = arith.constant 48 : index
      %get3A_373 = tpu.vector_load %arg16[%get3A_371, %get3A_372] {strides = array<i32>} : memref<128x64xf32, #tpu.memory_space<vmem>>, vector<1x16xf32>,
      %get3A_374 = vector.shape_cast %get3A_373 : vector<1x16xf32> to vector<16xf32>
      %sub3A_375 = arith.subf %get3A_370, %get3A_374 : vector<16xf32>
      %get3A_376 = arith.index_cast %scan3A_310 : i32 to index
      %get3A_377 = arith.constant 48 : index
      %get3A_378 = tpu.vector_load %arg17[%get3A_376, %get3A_377] {strides = array<i32>} : memref<128x64xf32, #tpu.memory_space<vmem>>, vector<1x16xf32>,
      %get3A_379 = vector.shape_cast %get3A_378 : vector<1x16xf32> to vector<16xf32>
      %mul3A_380 = vector.broadcast %squeeze3A : f32 to vector<16xf32>
      %mul3A_381 = arith.mulf %mul3A_380, %get3A_379 : vector<16xf32>
      %sub3A_382 = arith.subf %sub3A_375, %mul3A_381 : vector<16xf32>
      %mul3A_383 = arith.mulf %sub3A_382, %sub3A_382 : vector<16xf32>
      %add3A_384 = arith.addf %add3A_366, %mul3A_383 : vector<16xf32>
      scf.yield %add3A_384 : vector<16xf32>
    }
    %scan3A_177 = arith.constant 128 : i32
    %add3A_178 = arith.constant 128 : i32
    %add3A_179 = arith.addi %mul3A_0, %add3A_178 : i32
    "tpu.region"() ({
      %run_scoped3A_310 = tpu.sem_alloc : memref<!tpu.dma_semaphore, #tpu.memory_space<semaphore_mem>>
      %dma_start3A = arith.constant 0 : i32
      %dma_start3A_311 = tpu.memref_slice %arg3[%add3A_179, %dma_start3A] : memref<16384x64xf32, #tpu.memory_space<hbm>> -> memref<128x64xf32, #tpu.memory_space<hbm>>
      %dma_start3A_312 = arith.constant 0 : i32
      %dma_start3A_313 = tpu.memref_slice %arg3[%add3A_179, %dma_start3A_312] : memref<16384x64xf32, #tpu.memory_space<hbm>> -> memref<128x64xf32, #tpu.memory_space<hbm>>
      tpu.enqueue_dma source(%dma_start3A_313 : memref<128x64xf32, #tpu.memory_space<hbm>>) target(%arg15 : memref<128x64xf32, #tpu.memory_space<vmem>>) target_semaphore(%run_scoped3A_310 : memref<!tpu.dma_semaphore, #tpu.memory_space<semaphore_mem>>)
      %dma_wait3A = arith.constant 0 : i32
      %dma_wait3A_314 = tpu.memref_slice %arg3[%add3A_179, %dma_wait3A] : memref<16384x64xf32, #tpu.memory_space<hbm>> -> memref<128x64xf32, #tpu.memory_space<hbm>>
      %dma_wait3A_315 = arith.constant 0 : i32
      %dma_wait3A_316 = tpu.memref_slice %arg3[%add3A_179, %dma_wait3A_315] : memref<16384x64xf32, #tpu.memory_space<hbm>> -> memref<128x64xf32, #tpu.memory_space<hbm>>
      tpu.wait_dma2 semaphore(%run_scoped3A_310 : memref<!tpu.dma_semaphore, #tpu.memory_space<semaphore_mem>>) src(%dma_wait3A_316 : memref<128x64xf32, #tpu.memory_space<hbm>>) dst(%arg15 : memref<128x64xf32, #tpu.memory_space<vmem>>)
      tpu.yield
    }) : () -> ()
    %run_scoped3A_180 = arith.constant 1 : i32
    "tpu.region"() ({
      %run_scoped3A_310 = tpu.sem_alloc : memref<!tpu.dma_semaphore, #tpu.memory_space<semaphore_mem>>
      %dma_start3A = arith.constant 0 : i32
      %dma_start3A_311 = tpu.memref_slice %arg13[%run_scoped3A_180, %dma_start3A] : memref<8x128xi32, #tpu.memory_space<vmem>> -> memref<1x128xi32, #tpu.memory_space<vmem>>
      %dma_start3A_312 = tpu.memref_squeeze %dma_start3A_311 : memref<1x128xi32, #tpu.memory_space<vmem>> -> memref<128xi32, #tpu.memory_space<vmem>>
      %dma_start3A_313 = arith.constant 0 : i32
      %dma_start3A_314 = arith.constant 0 : i32
      %dma_start3A_315 = tpu.memref_slice %arg4[%dma_start3A_313, %dma_start3A_314] : memref<1000000x64xf32, #tpu.memory_space<hbm>> -> memref<1000000x64xf32, #tpu.memory_space<hbm>>
      tpu.enqueue_indirect_dma source(%dma_start3A_315 : memref<1000000x64xf32, #tpu.memory_space<hbm>>) target(%arg16 : memref<128x64xf32, #tpu.memory_space<vmem>>) offsets(%dma_start3A_312 : memref<128xi32, #tpu.memory_space<vmem>>) semaphore(%run_scoped3A_310 : memref<!tpu.dma_semaphore, #tpu.memory_space<semaphore_mem>>)
      %dma_wait3A = arith.constant 0 : i32
      %dma_wait3A_316 = tpu.memref_slice %arg13[%run_scoped3A_180, %dma_wait3A] : memref<8x128xi32, #tpu.memory_space<vmem>> -> memref<1x128xi32, #tpu.memory_space<vmem>>
      %dma_wait3A_317 = tpu.memref_squeeze %dma_wait3A_316 : memref<1x128xi32, #tpu.memory_space<vmem>> -> memref<128xi32, #tpu.memory_space<vmem>>
      %dma_wait3A_318 = arith.constant 0 : i32
      %dma_wait3A_319 = arith.constant 0 : i32
      %dma_wait3A_320 = tpu.memref_slice %arg4[%dma_wait3A_318, %dma_wait3A_319] : memref<1000000x64xf32, #tpu.memory_space<hbm>> -> memref<1000000x64xf32, #tpu.memory_space<hbm>>
      tpu.wait_indirect_dma semaphore(%run_scoped3A_310 : memref<!tpu.dma_semaphore, #tpu.memory_space<semaphore_mem>>) src(%dma_wait3A_320 : memref<1000000x64xf32, #tpu.memory_space<hbm>>) dst(%arg16 : memref<128x64xf32, #tpu.memory_space<vmem>>)
      tpu.yield
    }) : () -> ()
    %run_scoped3A_181 = arith.constant 1 : i32
    "tpu.region"() ({
      %run_scoped3A_310 = tpu.sem_alloc : memref<!tpu.dma_semaphore, #tpu.memory_space<semaphore_mem>>
      %dma_start3A = arith.constant 0 : i32
      %dma_start3A_311 = tpu.memref_slice %arg14[%run_scoped3A_181, %dma_start3A] : memref<8x128xi32, #tpu.memory_space<vmem>> -> memref<1x128xi32, #tpu.memory_space<vmem>>
      %dma_start3A_312 = tpu.memref_squeeze %dma_start3A_311 : memref<1x128xi32, #tpu.memory_space<vmem>> -> memref<128xi32, #tpu.memory_space<vmem>>
      %dma_start3A_313 = arith.constant 0 : i32
      %dma_start3A_314 = arith.constant 0 : i32
      %dma_start3A_315 = tpu.memref_slice %arg10[%dma_start3A_313, %dma_start3A_314] : memref<16384x64xf32, #tpu.memory_space<vmem_shared>> -> memref<16384x64xf32, #tpu.memory_space<vmem_shared>>
      tpu.enqueue_indirect_dma source(%dma_start3A_315 : memref<16384x64xf32, #tpu.memory_space<vmem_shared>>) target(%arg17 : memref<128x64xf32, #tpu.memory_space<vmem>>) offsets(%dma_start3A_312 : memref<128xi32, #tpu.memory_space<vmem>>) semaphore(%run_scoped3A_310 : memref<!tpu.dma_semaphore, #tpu.memory_space<semaphore_mem>>)
      %dma_wait3A = arith.constant 0 : i32
      %dma_wait3A_316 = tpu.memref_slice %arg14[%run_scoped3A_181, %dma_wait3A] : memref<8x128xi32, #tpu.memory_space<vmem>> -> memref<1x128xi32, #tpu.memory_space<vmem>>
      %dma_wait3A_317 = tpu.memref_squeeze %dma_wait3A_316 : memref<1x128xi32, #tpu.memory_space<vmem>> -> memref<128xi32, #tpu.memory_space<vmem>>
      %dma_wait3A_318 = arith.constant 0 : i32
      %dma_wait3A_319 = arith.constant 0 : i32
      %dma_wait3A_320 = tpu.memref_slice %arg10[%dma_wait3A_318, %dma_wait3A_319] : memref<16384x64xf32, #tpu.memory_space<vmem_shared>> -> memref<16384x64xf32, #tpu.memory_space<vmem_shared>>
      tpu.wait_indirect_dma semaphore(%run_scoped3A_310 : memref<!tpu.dma_semaphore, #tpu.memory_space<semaphore_mem>>) src(%dma_wait3A_320 : memref<16384x64xf32, #tpu.memory_space<vmem_shared>>) dst(%arg17 : memref<128x64xf32, #tpu.memory_space<vmem>>)
      tpu.yield
    }) : () -> ()
    %run_scoped3A_182 = arith.constant 1 : i32
    "tpu.region"() ({
      %run_scoped3A_310 = tpu.sem_alloc : memref<!tpu.dma_semaphore, #tpu.memory_space<semaphore_mem>>
      %dma_start3A = arith.constant 0 : i32
      %dma_start3A_311 = tpu.memref_slice %arg14[%run_scoped3A_182, %dma_start3A] : memref<8x128xi32, #tpu.memory_space<vmem>> -> memref<1x128xi32, #tpu.memory_space<vmem>>
      %dma_start3A_312 = tpu.memref_squeeze %dma_start3A_311 : memref<1x128xi32, #tpu.memory_space<vmem>> -> memref<128xi32, #tpu.memory_space<vmem>>
      %dma_start3A_313 = arith.constant 0 : i32
      %dma_start3A_314 = tpu.memref_slice %arg11[%dma_start3A_313] : memref<16384xf32, #tpu.memory_space<vmem_shared>> -> memref<16384xf32, #tpu.memory_space<vmem_shared>>
      tpu.enqueue_indirect_dma source(%dma_start3A_314 : memref<16384xf32, #tpu.memory_space<vmem_shared>>) target(%arg18 : memref<128xf32, #tpu.memory_space<vmem>>) offsets(%dma_start3A_312 : memref<128xi32, #tpu.memory_space<vmem>>) semaphore(%run_scoped3A_310 : memref<!tpu.dma_semaphore, #tpu.memory_space<semaphore_mem>>)
      %dma_wait3A = arith.constant 0 : i32
      %dma_wait3A_315 = tpu.memref_slice %arg14[%run_scoped3A_182, %dma_wait3A] : memref<8x128xi32, #tpu.memory_space<vmem>> -> memref<1x128xi32, #tpu.memory_space<vmem>>
      %dma_wait3A_316 = tpu.memref_squeeze %dma_wait3A_315 : memref<1x128xi32, #tpu.memory_space<vmem>> -> memref<128xi32, #tpu.memory_space<vmem>>
      %dma_wait3A_317 = arith.constant 0 : i32
      %dma_wait3A_318 = tpu.memref_slice %arg11[%dma_wait3A_317] : memref<16384xf32, #tpu.memory_space<vmem_shared>> -> memref<16384xf32, #tpu.memory_space<vmem_shared>>
      tpu.wait_indirect_dma semaphore(%run_scoped3A_310 : memref<!tpu.dma_semaphore, #tpu.memory_space<semaphore_mem>>) src(%dma_wait3A_318 : memref<16384xf32, #tpu.memory_space<vmem_shared>>) dst(%arg18 : memref<128xf32, #tpu.memory_space<vmem>>)
      tpu.yield
    }) : () -> ()
    %scan3A_183 = arith.constant 0 : i32
    %scan3A_184 = arith.constant 0 : i32
    %scan3A_185 = arith.constant 8 : i32
    %scan3A_186 = arith.addi %scan3A_184, %scan3A_185 : i32
    %scan3A_187 = arith.constant 1 : i32
    %scan3A_188 = scf.for %scan3A_310 = %scan3A_184 to %scan3A_186 step %scan3A_187 iter_args(%scan3A_311 = %scan3A_183) -> (i32)  : i32 {
      %mul3A_312 = arith.constant 16 : i32
      %mul3A_313 = arith.muli %scan3A_310, %mul3A_312 : i32
      %get3A = arith.index_cast %mul3A_313 : i32 to index
      %get3A_314 = tpu.vector_load %arg18[%get3A] {strides = array<i32>} : memref<128xf32, #tpu.memory_space<vmem>>, vector<16xf32>,
      %get3A_315 = vector.shape_cast %get3A_314 : vector<16xf32> to vector<16xf32>
      %add3A_316 = arith.constant 1.000000e+00 : f32
      %add3A_317 = vector.broadcast %add3A_316 : f32 to vector<16xf32>
      %add3A_318 = arith.addf %get3A_315, %add3A_317 : vector<16xf32>
      %div3A = arith.constant 5.000000e-01 : f32
      %div3A_319 = vector.broadcast %div3A : f32 to vector<16xf32>
      %div3A_320 = arith.divf %div3A_319, %add3A_318 : vector<16xf32>
      %swap3A_321 = arith.index_cast %mul3A_313 : i32 to index
      %swap3A_322 = tpu.vector_load %arg19[%swap3A_321] {strides = array<i32>} : memref<144xf32, #tpu.memory_space<vmem>>, vector<16xf32>,
      %swap3A_323 = vector.shape_cast %swap3A_322 : vector<16xf32> to vector<16xf32>
      %swap3A_324 = vector.shape_cast %div3A_320 : vector<16xf32> to vector<16xf32>
      tpu.vector_store %arg19[%swap3A_321], %swap3A_324 {strides = array<i32>} : memref<144xf32, #tpu.memory_space<vmem>>, vector<16xf32>,
      %scan3A_325 = arith.constant 0 : i32
      scf.yield %scan3A_325 : i32
    }
    %scan3A_189 = arith.constant 8 : i32
    %scan3A_190 = arith.constant 0 : i32
    %scan3A_191 = arith.constant 128 : i32
    %scan3A_192 = arith.addi %scan3A_190, %scan3A_191 : i32
    %scan3A_193 = arith.constant 1 : i32
    %scan3A_194 = scf.for %scan3A_310 = %scan3A_190 to %scan3A_192 step %scan3A_193 iter_args(%scan3A_311 = %scan3A_176) -> (vector<16xf32>)  : i32 {
      %get3A = arith.index_cast %scan3A_310 : i32 to index
      %get3A_312 = tpu.vector_load %arg19[%get3A] {strides = array<i32>} : memref<144xf32, #tpu.memory_space<vmem>>, vector<16xf32>,
      %get3A_313 = vector.shape_cast %get3A_312 : vector<16xf32> to vector<16xf32>
      %slice3A = vector.extract_strided_slice %get3A_313 {offsets = [0], sizes = [1], strides = [1]} : vector<16xf32> to vector<1xf32>
      %squeeze3A = vector.extract %slice3A[0] : f32 from vector<1xf32>
      %get3A_314 = arith.index_cast %scan3A_310 : i32 to index
      %get3A_315 = arith.constant 0 : index
      %get3A_316 = tpu.vector_load %arg15[%get3A_314, %get3A_315] {strides = array<i32>} : memref<128x64xf32, #tpu.memory_space<vmem>>, vector<1x16xf32>,
      %get3A_317 = vector.shape_cast %get3A_316 : vector<1x16xf32> to vector<16xf32>
      %get3A_318 = arith.index_cast %scan3A_310 : i32 to index
      %get3A_319 = arith.constant 0 : index
      %get3A_320 = tpu.vector_load %arg16[%get3A_318, %get3A_319] {strides = array<i32>} : memref<128x64xf32, #tpu.memory_space<vmem>>, vector<1x16xf32>,
      %get3A_321 = vector.shape_cast %get3A_320 : vector<1x16xf32> to vector<16xf32>
      %sub3A = arith.subf %get3A_317, %get3A_321 : vector<16xf32>
      %get3A_322 = arith.index_cast %scan3A_310 : i32 to index
      %get3A_323 = arith.constant 0 : index
      %get3A_324 = tpu.vector_load %arg17[%get3A_322, %get3A_323] {strides = array<i32>} : memref<128x64xf32, #tpu.memory_space<vmem>>, vector<1x16xf32>,
      %get3A_325 = vector.shape_cast %get3A_324 : vector<1x16xf32> to vector<16xf32>
      %mul3A_326 = vector.broadcast %squeeze3A : f32 to vector<16xf32>
      %mul3A_327 = arith.mulf %mul3A_326, %get3A_325 : vector<16xf32>
      %sub3A_328 = arith.subf %sub3A, %mul3A_327 : vector<16xf32>
      %mul3A_329 = arith.mulf %sub3A_328, %sub3A_328 : vector<16xf32>
      %add3A_330 = arith.addf %scan3A_311, %mul3A_329 : vector<16xf32>
      %get3A_331 = arith.index_cast %scan3A_310 : i32 to index
      %get3A_332 = arith.constant 16 : index
      %get3A_333 = tpu.vector_load %arg15[%get3A_331, %get3A_332] {strides = array<i32>} : memref<128x64xf32, #tpu.memory_space<vmem>>, vector<1x16xf32>,
      %get3A_334 = vector.shape_cast %get3A_333 : vector<1x16xf32> to vector<16xf32>
      %get3A_335 = arith.index_cast %scan3A_310 : i32 to index
      %get3A_336 = arith.constant 16 : index
      %get3A_337 = tpu.vector_load %arg16[%get3A_335, %get3A_336] {strides = array<i32>} : memref<128x64xf32, #tpu.memory_space<vmem>>, vector<1x16xf32>,
      %get3A_338 = vector.shape_cast %get3A_337 : vector<1x16xf32> to vector<16xf32>
      %sub3A_339 = arith.subf %get3A_334, %get3A_338 : vector<16xf32>
      %get3A_340 = arith.index_cast %scan3A_310 : i32 to index
      %get3A_341 = arith.constant 16 : index
      %get3A_342 = tpu.vector_load %arg17[%get3A_340, %get3A_341] {strides = array<i32>} : memref<128x64xf32, #tpu.memory_space<vmem>>, vector<1x16xf32>,
      %get3A_343 = vector.shape_cast %get3A_342 : vector<1x16xf32> to vector<16xf32>
      %mul3A_344 = vector.broadcast %squeeze3A : f32 to vector<16xf32>
      %mul3A_345 = arith.mulf %mul3A_344, %get3A_343 : vector<16xf32>
      %sub3A_346 = arith.subf %sub3A_339, %mul3A_345 : vector<16xf32>
      %mul3A_347 = arith.mulf %sub3A_346, %sub3A_346 : vector<16xf32>
      %add3A_348 = arith.addf %add3A_330, %mul3A_347 : vector<16xf32>
      %get3A_349 = arith.index_cast %scan3A_310 : i32 to index
      %get3A_350 = arith.constant 32 : index
      %get3A_351 = tpu.vector_load %arg15[%get3A_349, %get3A_350] {strides = array<i32>} : memref<128x64xf32, #tpu.memory_space<vmem>>, vector<1x16xf32>,
      %get3A_352 = vector.shape_cast %get3A_351 : vector<1x16xf32> to vector<16xf32>
      %get3A_353 = arith.index_cast %scan3A_310 : i32 to index
      %get3A_354 = arith.constant 32 : index
      %get3A_355 = tpu.vector_load %arg16[%get3A_353, %get3A_354] {strides = array<i32>} : memref<128x64xf32, #tpu.memory_space<vmem>>, vector<1x16xf32>,
      %get3A_356 = vector.shape_cast %get3A_355 : vector<1x16xf32> to vector<16xf32>
      %sub3A_357 = arith.subf %get3A_352, %get3A_356 : vector<16xf32>
      %get3A_358 = arith.index_cast %scan3A_310 : i32 to index
      %get3A_359 = arith.constant 32 : index
      %get3A_360 = tpu.vector_load %arg17[%get3A_358, %get3A_359] {strides = array<i32>} : memref<128x64xf32, #tpu.memory_space<vmem>>, vector<1x16xf32>,
      %get3A_361 = vector.shape_cast %get3A_360 : vector<1x16xf32> to vector<16xf32>
      %mul3A_362 = vector.broadcast %squeeze3A : f32 to vector<16xf32>
      %mul3A_363 = arith.mulf %mul3A_362, %get3A_361 : vector<16xf32>
      %sub3A_364 = arith.subf %sub3A_357, %mul3A_363 : vector<16xf32>
      %mul3A_365 = arith.mulf %sub3A_364, %sub3A_364 : vector<16xf32>
      %add3A_366 = arith.addf %add3A_348, %mul3A_365 : vector<16xf32>
      %get3A_367 = arith.index_cast %scan3A_310 : i32 to index
      %get3A_368 = arith.constant 48 : index
      %get3A_369 = tpu.vector_load %arg15[%get3A_367, %get3A_368] {strides = array<i32>} : memref<128x64xf32, #tpu.memory_space<vmem>>, vector<1x16xf32>,
      %get3A_370 = vector.shape_cast %get3A_369 : vector<1x16xf32> to vector<16xf32>
      %get3A_371 = arith.index_cast %scan3A_310 : i32 to index
      %get3A_372 = arith.constant 48 : index
      %get3A_373 = tpu.vector_load %arg16[%get3A_371, %get3A_372] {strides = array<i32>} : memref<128x64xf32, #tpu.memory_space<vmem>>, vector<1x16xf32>,
      %get3A_374 = vector.shape_cast %get3A_373 : vector<1x16xf32> to vector<16xf32>
      %sub3A_375 = arith.subf %get3A_370, %get3A_374 : vector<16xf32>
      %get3A_376 = arith.index_cast %scan3A_310 : i32 to index
      %get3A_377 = arith.constant 48 : index
      %get3A_378 = tpu.vector_load %arg17[%get3A_376, %get3A_377] {strides = array<i32>} : memref<128x64xf32, #tpu.memory_space<vmem>>, vector<1x16xf32>,
      %get3A_379 = vector.shape_cast %get3A_378 : vector<1x16xf32> to vector<16xf32>
      %mul3A_380 = vector.broadcast %squeeze3A : f32 to vector<16xf32>
      %mul3A_381 = arith.mulf %mul3A_380, %get3A_379 : vector<16xf32>
      %sub3A_382 = arith.subf %sub3A_375, %mul3A_381 : vector<16xf32>
      %mul3A_383 = arith.mulf %sub3A_382, %sub3A_382 : vector<16xf32>
      %add3A_384 = arith.addf %add3A_366, %mul3A_383 : vector<16xf32>
      scf.yield %add3A_384 : vector<16xf32>
    }
    %scan3A_195 = arith.constant 128 : i32
    %add3A_196 = arith.constant 256 : i32
    %add3A_197 = arith.addi %mul3A_0, %add3A_196 : i32
    "tpu.region"() ({
      %run_scoped3A_310 = tpu.sem_alloc : memref<!tpu.dma_semaphore, #tpu.memory_space<semaphore_mem>>
      %dma_start3A = arith.constant 0 : i32
      %dma_start3A_311 = tpu.memref_slice %arg3[%add3A_197, %dma_start3A] : memref<16384x64xf32, #tpu.memory_space<hbm>> -> memref<128x64xf32, #tpu.memory_space<hbm>>
      %dma_start3A_312 = arith.constant 0 : i32
      %dma_start3A_313 = tpu.memref_slice %arg3[%add3A_197, %dma_start3A_312] : memref<16384x64xf32, #tpu.memory_space<hbm>> -> memref<128x64xf32, #tpu.memory_space<hbm>>
      tpu.enqueue_dma source(%dma_start3A_313 : memref<128x64xf32, #tpu.memory_space<hbm>>) target(%arg15 : memref<128x64xf32, #tpu.memory_space<vmem>>) target_semaphore(%run_scoped3A_310 : memref<!tpu.dma_semaphore, #tpu.memory_space<semaphore_mem>>)
      %dma_wait3A = arith.constant 0 : i32
      %dma_wait3A_314 = tpu.memref_slice %arg3[%add3A_197, %dma_wait3A] : memref<16384x64xf32, #tpu.memory_space<hbm>> -> memref<128x64xf32, #tpu.memory_space<hbm>>
      %dma_wait3A_315 = arith.constant 0 : i32
      %dma_wait3A_316 = tpu.memref_slice %arg3[%add3A_197, %dma_wait3A_315] : memref<16384x64xf32, #tpu.memory_space<hbm>> -> memref<128x64xf32, #tpu.memory_space<hbm>>
      tpu.wait_dma2 semaphore(%run_scoped3A_310 : memref<!tpu.dma_semaphore, #tpu.memory_space<semaphore_mem>>) src(%dma_wait3A_316 : memref<128x64xf32, #tpu.memory_space<hbm>>) dst(%arg15 : memref<128x64xf32, #tpu.memory_space<vmem>>)
      tpu.yield
    }) : () -> ()
    %run_scoped3A_198 = arith.constant 2 : i32
    "tpu.region"() ({
      %run_scoped3A_310 = tpu.sem_alloc : memref<!tpu.dma_semaphore, #tpu.memory_space<semaphore_mem>>
      %dma_start3A = arith.constant 0 : i32
      %dma_start3A_311 = tpu.memref_slice %arg13[%run_scoped3A_198, %dma_start3A] : memref<8x128xi32, #tpu.memory_space<vmem>> -> memref<1x128xi32, #tpu.memory_space<vmem>>
      %dma_start3A_312 = tpu.memref_squeeze %dma_start3A_311 : memref<1x128xi32, #tpu.memory_space<vmem>> -> memref<128xi32, #tpu.memory_space<vmem>>
      %dma_start3A_313 = arith.constant 0 : i32
      %dma_start3A_314 = arith.constant 0 : i32
      %dma_start3A_315 = tpu.memref_slice %arg4[%dma_start3A_313, %dma_start3A_314] : memref<1000000x64xf32, #tpu.memory_space<hbm>> -> memref<1000000x64xf32, #tpu.memory_space<hbm>>
      tpu.enqueue_indirect_dma source(%dma_start3A_315 : memref<1000000x64xf32, #tpu.memory_space<hbm>>) target(%arg16 : memref<128x64xf32, #tpu.memory_space<vmem>>) offsets(%dma_start3A_312 : memref<128xi32, #tpu.memory_space<vmem>>) semaphore(%run_scoped3A_310 : memref<!tpu.dma_semaphore, #tpu.memory_space<semaphore_mem>>)
      %dma_wait3A = arith.constant 0 : i32
      %dma_wait3A_316 = tpu.memref_slice %arg13[%run_scoped3A_198, %dma_wait3A] : memref<8x128xi32, #tpu.memory_space<vmem>> -> memref<1x128xi32, #tpu.memory_space<vmem>>
      %dma_wait3A_317 = tpu.memref_squeeze %dma_wait3A_316 : memref<1x128xi32, #tpu.memory_space<vmem>> -> memref<128xi32, #tpu.memory_space<vmem>>
      %dma_wait3A_318 = arith.constant 0 : i32
      %dma_wait3A_319 = arith.constant 0 : i32
      %dma_wait3A_320 = tpu.memref_slice %arg4[%dma_wait3A_318, %dma_wait3A_319] : memref<1000000x64xf32, #tpu.memory_space<hbm>> -> memref<1000000x64xf32, #tpu.memory_space<hbm>>
      tpu.wait_indirect_dma semaphore(%run_scoped3A_310 : memref<!tpu.dma_semaphore, #tpu.memory_space<semaphore_mem>>) src(%dma_wait3A_320 : memref<1000000x64xf32, #tpu.memory_space<hbm>>) dst(%arg16 : memref<128x64xf32, #tpu.memory_space<vmem>>)
      tpu.yield
    }) : () -> ()
    %run_scoped3A_199 = arith.constant 2 : i32
    "tpu.region"() ({
      %run_scoped3A_310 = tpu.sem_alloc : memref<!tpu.dma_semaphore, #tpu.memory_space<semaphore_mem>>
      %dma_start3A = arith.constant 0 : i32
      %dma_start3A_311 = tpu.memref_slice %arg14[%run_scoped3A_199, %dma_start3A] : memref<8x128xi32, #tpu.memory_space<vmem>> -> memref<1x128xi32, #tpu.memory_space<vmem>>
      %dma_start3A_312 = tpu.memref_squeeze %dma_start3A_311 : memref<1x128xi32, #tpu.memory_space<vmem>> -> memref<128xi32, #tpu.memory_space<vmem>>
      %dma_start3A_313 = arith.constant 0 : i32
      %dma_start3A_314 = arith.constant 0 : i32
      %dma_start3A_315 = tpu.memref_slice %arg10[%dma_start3A_313, %dma_start3A_314] : memref<16384x64xf32, #tpu.memory_space<vmem_shared>> -> memref<16384x64xf32, #tpu.memory_space<vmem_shared>>
      tpu.enqueue_indirect_dma source(%dma_start3A_315 : memref<16384x64xf32, #tpu.memory_space<vmem_shared>>) target(%arg17 : memref<128x64xf32, #tpu.memory_space<vmem>>) offsets(%dma_start3A_312 : memref<128xi32, #tpu.memory_space<vmem>>) semaphore(%run_scoped3A_310 : memref<!tpu.dma_semaphore, #tpu.memory_space<semaphore_mem>>)
      %dma_wait3A = arith.constant 0 : i32
      %dma_wait3A_316 = tpu.memref_slice %arg14[%run_scoped3A_199, %dma_wait3A] : memref<8x128xi32, #tpu.memory_space<vmem>> -> memref<1x128xi32, #tpu.memory_space<vmem>>
      %dma_wait3A_317 = tpu.memref_squeeze %dma_wait3A_316 : memref<1x128xi32, #tpu.memory_space<vmem>> -> memref<128xi32, #tpu.memory_space<vmem>>
      %dma_wait3A_318 = arith.constant 0 : i32
      %dma_wait3A_319 = arith.constant 0 : i32
      %dma_wait3A_320 = tpu.memref_slice %arg10[%dma_wait3A_318, %dma_wait3A_319] : memref<16384x64xf32, #tpu.memory_space<vmem_shared>> -> memref<16384x64xf32, #tpu.memory_space<vmem_shared>>
      tpu.wait_indirect_dma semaphore(%run_scoped3A_310 : memref<!tpu.dma_semaphore, #tpu.memory_space<semaphore_mem>>) src(%dma_wait3A_320 : memref<16384x64xf32, #tpu.memory_space<vmem_shared>>) dst(%arg17 : memref<128x64xf32, #tpu.memory_space<vmem>>)
      tpu.yield
    }) : () -> ()
    %run_scoped3A_200 = arith.constant 2 : i32
    "tpu.region"() ({
      %run_scoped3A_310 = tpu.sem_alloc : memref<!tpu.dma_semaphore, #tpu.memory_space<semaphore_mem>>
      %dma_start3A = arith.constant 0 : i32
      %dma_start3A_311 = tpu.memref_slice %arg14[%run_scoped3A_200, %dma_start3A] : memref<8x128xi32, #tpu.memory_space<vmem>> -> memref<1x128xi32, #tpu.memory_space<vmem>>
      %dma_start3A_312 = tpu.memref_squeeze %dma_start3A_311 : memref<1x128xi32, #tpu.memory_space<vmem>> -> memref<128xi32, #tpu.memory_space<vmem>>
      %dma_start3A_313 = arith.constant 0 : i32
      %dma_start3A_314 = tpu.memref_slice %arg11[%dma_start3A_313] : memref<16384xf32, #tpu.memory_space<vmem_shared>> -> memref<16384xf32, #tpu.memory_space<vmem_shared>>
      tpu.enqueue_indirect_dma source(%dma_start3A_314 : memref<16384xf32, #tpu.memory_space<vmem_shared>>) target(%arg18 : memref<128xf32, #tpu.memory_space<vmem>>) offsets(%dma_start3A_312 : memref<128xi32, #tpu.memory_space<vmem>>) semaphore(%run_scoped3A_310 : memref<!tpu.dma_semaphore, #tpu.memory_space<semaphore_mem>>)
      %dma_wait3A = arith.constant 0 : i32
      %dma_wait3A_315 = tpu.memref_slice %arg14[%run_scoped3A_200, %dma_wait3A] : memref<8x128xi32, #tpu.memory_space<vmem>> -> memref<1x128xi32, #tpu.memory_space<vmem>>
      %dma_wait3A_316 = tpu.memref_squeeze %dma_wait3A_315 : memref<1x128xi32, #tpu.memory_space<vmem>> -> memref<128xi32, #tpu.memory_space<vmem>>
      %dma_wait3A_317 = arith.constant 0 : i32
      %dma_wait3A_318 = tpu.memref_slice %arg11[%dma_wait3A_317] : memref<16384xf32, #tpu.memory_space<vmem_shared>> -> memref<16384xf32, #tpu.memory_space<vmem_shared>>
      tpu.wait_indirect_dma semaphore(%run_scoped3A_310 : memref<!tpu.dma_semaphore, #tpu.memory_space<semaphore_mem>>) src(%dma_wait3A_318 : memref<16384xf32, #tpu.memory_space<vmem_shared>>) dst(%arg18 : memref<128xf32, #tpu.memory_space<vmem>>)
      tpu.yield
    }) : () -> ()
    %scan3A_201 = arith.constant 0 : i32
    %scan3A_202 = arith.constant 0 : i32
    %scan3A_203 = arith.constant 8 : i32
    %scan3A_204 = arith.addi %scan3A_202, %scan3A_203 : i32
    %scan3A_205 = arith.constant 1 : i32
    %scan3A_206 = scf.for %scan3A_310 = %scan3A_202 to %scan3A_204 step %scan3A_205 iter_args(%scan3A_311 = %scan3A_201) -> (i32)  : i32 {
      %mul3A_312 = arith.constant 16 : i32
      %mul3A_313 = arith.muli %scan3A_310, %mul3A_312 : i32
      %get3A = arith.index_cast %mul3A_313 : i32 to index
      %get3A_314 = tpu.vector_load %arg18[%get3A] {strides = array<i32>} : memref<128xf32, #tpu.memory_space<vmem>>, vector<16xf32>,
      %get3A_315 = vector.shape_cast %get3A_314 : vector<16xf32> to vector<16xf32>
      %add3A_316 = arith.constant 1.000000e+00 : f32
      %add3A_317 = vector.broadcast %add3A_316 : f32 to vector<16xf32>
      %add3A_318 = arith.addf %get3A_315, %add3A_317 : vector<16xf32>
      %div3A = arith.constant 5.000000e-01 : f32
      %div3A_319 = vector.broadcast %div3A : f32 to vector<16xf32>
      %div3A_320 = arith.divf %div3A_319, %add3A_318 : vector<16xf32>
      %swap3A_321 = arith.index_cast %mul3A_313 : i32 to index
      %swap3A_322 = tpu.vector_load %arg19[%swap3A_321] {strides = array<i32>} : memref<144xf32, #tpu.memory_space<vmem>>, vector<16xf32>,
      %swap3A_323 = vector.shape_cast %swap3A_322 : vector<16xf32> to vector<16xf32>
      %swap3A_324 = vector.shape_cast %div3A_320 : vector<16xf32> to vector<16xf32>
      tpu.vector_store %arg19[%swap3A_321], %swap3A_324 {strides = array<i32>} : memref<144xf32, #tpu.memory_space<vmem>>, vector<16xf32>,
      %scan3A_325 = arith.constant 0 : i32
      scf.yield %scan3A_325 : i32
    }
    %scan3A_207 = arith.constant 8 : i32
    %scan3A_208 = arith.constant 0 : i32
    %scan3A_209 = arith.constant 128 : i32
    %scan3A_210 = arith.addi %scan3A_208, %scan3A_209 : i32
    %scan3A_211 = arith.constant 1 : i32
    %scan3A_212 = scf.for %scan3A_310 = %scan3A_208 to %scan3A_210 step %scan3A_211 iter_args(%scan3A_311 = %scan3A_194) -> (vector<16xf32>)  : i32 {
      %get3A = arith.index_cast %scan3A_310 : i32 to index
      %get3A_312 = tpu.vector_load %arg19[%get3A] {strides = array<i32>} : memref<144xf32, #tpu.memory_space<vmem>>, vector<16xf32>,
      %get3A_313 = vector.shape_cast %get3A_312 : vector<16xf32> to vector<16xf32>
      %slice3A = vector.extract_strided_slice %get3A_313 {offsets = [0], sizes = [1], strides = [1]} : vector<16xf32> to vector<1xf32>
      %squeeze3A = vector.extract %slice3A[0] : f32 from vector<1xf32>
      %get3A_314 = arith.index_cast %scan3A_310 : i32 to index
      %get3A_315 = arith.constant 0 : index
      %get3A_316 = tpu.vector_load %arg15[%get3A_314, %get3A_315] {strides = array<i32>} : memref<128x64xf32, #tpu.memory_space<vmem>>, vector<1x16xf32>,
      %get3A_317 = vector.shape_cast %get3A_316 : vector<1x16xf32> to vector<16xf32>
      %get3A_318 = arith.index_cast %scan3A_310 : i32 to index
      %get3A_319 = arith.constant 0 : index
      %get3A_320 = tpu.vector_load %arg16[%get3A_318, %get3A_319] {strides = array<i32>} : memref<128x64xf32, #tpu.memory_space<vmem>>, vector<1x16xf32>,
      %get3A_321 = vector.shape_cast %get3A_320 : vector<1x16xf32> to vector<16xf32>
      %sub3A = arith.subf %get3A_317, %get3A_321 : vector<16xf32>
      %get3A_322 = arith.index_cast %scan3A_310 : i32 to index
      %get3A_323 = arith.constant 0 : index
      %get3A_324 = tpu.vector_load %arg17[%get3A_322, %get3A_323] {strides = array<i32>} : memref<128x64xf32, #tpu.memory_space<vmem>>, vector<1x16xf32>,
      %get3A_325 = vector.shape_cast %get3A_324 : vector<1x16xf32> to vector<16xf32>
      %mul3A_326 = vector.broadcast %squeeze3A : f32 to vector<16xf32>
      %mul3A_327 = arith.mulf %mul3A_326, %get3A_325 : vector<16xf32>
      %sub3A_328 = arith.subf %sub3A, %mul3A_327 : vector<16xf32>
      %mul3A_329 = arith.mulf %sub3A_328, %sub3A_328 : vector<16xf32>
      %add3A_330 = arith.addf %scan3A_311, %mul3A_329 : vector<16xf32>
      %get3A_331 = arith.index_cast %scan3A_310 : i32 to index
      %get3A_332 = arith.constant 16 : index
      %get3A_333 = tpu.vector_load %arg15[%get3A_331, %get3A_332] {strides = array<i32>} : memref<128x64xf32, #tpu.memory_space<vmem>>, vector<1x16xf32>,
      %get3A_334 = vector.shape_cast %get3A_333 : vector<1x16xf32> to vector<16xf32>
      %get3A_335 = arith.index_cast %scan3A_310 : i32 to index
      %get3A_336 = arith.constant 16 : index
      %get3A_337 = tpu.vector_load %arg16[%get3A_335, %get3A_336] {strides = array<i32>} : memref<128x64xf32, #tpu.memory_space<vmem>>, vector<1x16xf32>,
      %get3A_338 = vector.shape_cast %get3A_337 : vector<1x16xf32> to vector<16xf32>
      %sub3A_339 = arith.subf %get3A_334, %get3A_338 : vector<16xf32>
      %get3A_340 = arith.index_cast %scan3A_310 : i32 to index
      %get3A_341 = arith.constant 16 : index
      %get3A_342 = tpu.vector_load %arg17[%get3A_340, %get3A_341] {strides = array<i32>} : memref<128x64xf32, #tpu.memory_space<vmem>>, vector<1x16xf32>,
      %get3A_343 = vector.shape_cast %get3A_342 : vector<1x16xf32> to vector<16xf32>
      %mul3A_344 = vector.broadcast %squeeze3A : f32 to vector<16xf32>
      %mul3A_345 = arith.mulf %mul3A_344, %get3A_343 : vector<16xf32>
      %sub3A_346 = arith.subf %sub3A_339, %mul3A_345 : vector<16xf32>
      %mul3A_347 = arith.mulf %sub3A_346, %sub3A_346 : vector<16xf32>
      %add3A_348 = arith.addf %add3A_330, %mul3A_347 : vector<16xf32>
      %get3A_349 = arith.index_cast %scan3A_310 : i32 to index
      %get3A_350 = arith.constant 32 : index
      %get3A_351 = tpu.vector_load %arg15[%get3A_349, %get3A_350] {strides = array<i32>} : memref<128x64xf32, #tpu.memory_space<vmem>>, vector<1x16xf32>,
      %get3A_352 = vector.shape_cast %get3A_351 : vector<1x16xf32> to vector<16xf32>
      %get3A_353 = arith.index_cast %scan3A_310 : i32 to index
      %get3A_354 = arith.constant 32 : index
      %get3A_355 = tpu.vector_load %arg16[%get3A_353, %get3A_354] {strides = array<i32>} : memref<128x64xf32, #tpu.memory_space<vmem>>, vector<1x16xf32>,
      %get3A_356 = vector.shape_cast %get3A_355 : vector<1x16xf32> to vector<16xf32>
      %sub3A_357 = arith.subf %get3A_352, %get3A_356 : vector<16xf32>
      %get3A_358 = arith.index_cast %scan3A_310 : i32 to index
      %get3A_359 = arith.constant 32 : index
      %get3A_360 = tpu.vector_load %arg17[%get3A_358, %get3A_359] {strides = array<i32>} : memref<128x64xf32, #tpu.memory_space<vmem>>, vector<1x16xf32>,
      %get3A_361 = vector.shape_cast %get3A_360 : vector<1x16xf32> to vector<16xf32>
      %mul3A_362 = vector.broadcast %squeeze3A : f32 to vector<16xf32>
      %mul3A_363 = arith.mulf %mul3A_362, %get3A_361 : vector<16xf32>
      %sub3A_364 = arith.subf %sub3A_357, %mul3A_363 : vector<16xf32>
      %mul3A_365 = arith.mulf %sub3A_364, %sub3A_364 : vector<16xf32>
      %add3A_366 = arith.addf %add3A_348, %mul3A_365 : vector<16xf32>
      %get3A_367 = arith.index_cast %scan3A_310 : i32 to index
      %get3A_368 = arith.constant 48 : index
      %get3A_369 = tpu.vector_load %arg15[%get3A_367, %get3A_368] {strides = array<i32>} : memref<128x64xf32, #tpu.memory_space<vmem>>, vector<1x16xf32>,
      %get3A_370 = vector.shape_cast %get3A_369 : vector<1x16xf32> to vector<16xf32>
      %get3A_371 = arith.index_cast %scan3A_310 : i32 to index
      %get3A_372 = arith.constant 48 : index
      %get3A_373 = tpu.vector_load %arg16[%get3A_371, %get3A_372] {strides = array<i32>} : memref<128x64xf32, #tpu.memory_space<vmem>>, vector<1x16xf32>,
      %get3A_374 = vector.shape_cast %get3A_373 : vector<1x16xf32> to vector<16xf32>
      %sub3A_375 = arith.subf %get3A_370, %get3A_374 : vector<16xf32>
      %get3A_376 = arith.index_cast %scan3A_310 : i32 to index
      %get3A_377 = arith.constant 48 : index
      %get3A_378 = tpu.vector_load %arg17[%get3A_376, %get3A_377] {strides = array<i32>} : memref<128x64xf32, #tpu.memory_space<vmem>>, vector<1x16xf32>,
      %get3A_379 = vector.shape_cast %get3A_378 : vector<1x16xf32> to vector<16xf32>
      %mul3A_380 = vector.broadcast %squeeze3A : f32 to vector<16xf32>
      %mul3A_381 = arith.mulf %mul3A_380, %get3A_379 : vector<16xf32>
      %sub3A_382 = arith.subf %sub3A_375, %mul3A_381 : vector<16xf32>
      %mul3A_383 = arith.mulf %sub3A_382, %sub3A_382 : vector<16xf32>
      %add3A_384 = arith.addf %add3A_366, %mul3A_383 : vector<16xf32>
      scf.yield %add3A_384 : vector<16xf32>
    }
    %scan3A_213 = arith.constant 128 : i32
    %add3A_214 = arith.constant 384 : i32
    %add3A_215 = arith.addi %mul3A_0, %add3A_214 : i32
    "tpu.region"() ({
      %run_scoped3A_310 = tpu.sem_alloc : memref<!tpu.dma_semaphore, #tpu.memory_space<semaphore_mem>>
      %dma_start3A = arith.constant 0 : i32
      %dma_start3A_311 = tpu.memref_slice %arg3[%add3A_215, %dma_start3A] : memref<16384x64xf32, #tpu.memory_space<hbm>> -> memref<128x64xf32, #tpu.memory_space<hbm>>
      %dma_start3A_312 = arith.constant 0 : i32
      %dma_start3A_313 = tpu.memref_slice %arg3[%add3A_215, %dma_start3A_312] : memref<16384x64xf32, #tpu.memory_space<hbm>> -> memref<128x64xf32, #tpu.memory_space<hbm>>
      tpu.enqueue_dma source(%dma_start3A_313 : memref<128x64xf32, #tpu.memory_space<hbm>>) target(%arg15 : memref<128x64xf32, #tpu.memory_space<vmem>>) target_semaphore(%run_scoped3A_310 : memref<!tpu.dma_semaphore, #tpu.memory_space<semaphore_mem>>)
      %dma_wait3A = arith.constant 0 : i32
      %dma_wait3A_314 = tpu.memref_slice %arg3[%add3A_215, %dma_wait3A] : memref<16384x64xf32, #tpu.memory_space<hbm>> -> memref<128x64xf32, #tpu.memory_space<hbm>>
      %dma_wait3A_315 = arith.constant 0 : i32
      %dma_wait3A_316 = tpu.memref_slice %arg3[%add3A_215, %dma_wait3A_315] : memref<16384x64xf32, #tpu.memory_space<hbm>> -> memref<128x64xf32, #tpu.memory_space<hbm>>
      tpu.wait_dma2 semaphore(%run_scoped3A_310 : memref<!tpu.dma_semaphore, #tpu.memory_space<semaphore_mem>>) src(%dma_wait3A_316 : memref<128x64xf32, #tpu.memory_space<hbm>>) dst(%arg15 : memref<128x64xf32, #tpu.memory_space<vmem>>)
      tpu.yield
    }) : () -> ()
    %run_scoped3A_216 = arith.constant 3 : i32
    "tpu.region"() ({
      %run_scoped3A_310 = tpu.sem_alloc : memref<!tpu.dma_semaphore, #tpu.memory_space<semaphore_mem>>
      %dma_start3A = arith.constant 0 : i32
      %dma_start3A_311 = tpu.memref_slice %arg13[%run_scoped3A_216, %dma_start3A] : memref<8x128xi32, #tpu.memory_space<vmem>> -> memref<1x128xi32, #tpu.memory_space<vmem>>
      %dma_start3A_312 = tpu.memref_squeeze %dma_start3A_311 : memref<1x128xi32, #tpu.memory_space<vmem>> -> memref<128xi32, #tpu.memory_space<vmem>>
      %dma_start3A_313 = arith.constant 0 : i32
      %dma_start3A_314 = arith.constant 0 : i32
      %dma_start3A_315 = tpu.memref_slice %arg4[%dma_start3A_313, %dma_start3A_314] : memref<1000000x64xf32, #tpu.memory_space<hbm>> -> memref<1000000x64xf32, #tpu.memory_space<hbm>>
      tpu.enqueue_indirect_dma source(%dma_start3A_315 : memref<1000000x64xf32, #tpu.memory_space<hbm>>) target(%arg16 : memref<128x64xf32, #tpu.memory_space<vmem>>) offsets(%dma_start3A_312 : memref<128xi32, #tpu.memory_space<vmem>>) semaphore(%run_scoped3A_310 : memref<!tpu.dma_semaphore, #tpu.memory_space<semaphore_mem>>)
      %dma_wait3A = arith.constant 0 : i32
      %dma_wait3A_316 = tpu.memref_slice %arg13[%run_scoped3A_216, %dma_wait3A] : memref<8x128xi32, #tpu.memory_space<vmem>> -> memref<1x128xi32, #tpu.memory_space<vmem>>
      %dma_wait3A_317 = tpu.memref_squeeze %dma_wait3A_316 : memref<1x128xi32, #tpu.memory_space<vmem>> -> memref<128xi32, #tpu.memory_space<vmem>>
      %dma_wait3A_318 = arith.constant 0 : i32
      %dma_wait3A_319 = arith.constant 0 : i32
      %dma_wait3A_320 = tpu.memref_slice %arg4[%dma_wait3A_318, %dma_wait3A_319] : memref<1000000x64xf32, #tpu.memory_space<hbm>> -> memref<1000000x64xf32, #tpu.memory_space<hbm>>
      tpu.wait_indirect_dma semaphore(%run_scoped3A_310 : memref<!tpu.dma_semaphore, #tpu.memory_space<semaphore_mem>>) src(%dma_wait3A_320 : memref<1000000x64xf32, #tpu.memory_space<hbm>>) dst(%arg16 : memref<128x64xf32, #tpu.memory_space<vmem>>)
      tpu.yield
    }) : () -> ()
    %run_scoped3A_217 = arith.constant 3 : i32
    "tpu.region"() ({
      %run_scoped3A_310 = tpu.sem_alloc : memref<!tpu.dma_semaphore, #tpu.memory_space<semaphore_mem>>
      %dma_start3A = arith.constant 0 : i32
      %dma_start3A_311 = tpu.memref_slice %arg14[%run_scoped3A_217, %dma_start3A] : memref<8x128xi32, #tpu.memory_space<vmem>> -> memref<1x128xi32, #tpu.memory_space<vmem>>
      %dma_start3A_312 = tpu.memref_squeeze %dma_start3A_311 : memref<1x128xi32, #tpu.memory_space<vmem>> -> memref<128xi32, #tpu.memory_space<vmem>>
      %dma_start3A_313 = arith.constant 0 : i32
      %dma_start3A_314 = arith.constant 0 : i32
      %dma_start3A_315 = tpu.memref_slice %arg10[%dma_start3A_313, %dma_start3A_314] : memref<16384x64xf32, #tpu.memory_space<vmem_shared>> -> memref<16384x64xf32, #tpu.memory_space<vmem_shared>>
      tpu.enqueue_indirect_dma source(%dma_start3A_315 : memref<16384x64xf32, #tpu.memory_space<vmem_shared>>) target(%arg17 : memref<128x64xf32, #tpu.memory_space<vmem>>) offsets(%dma_start3A_312 : memref<128xi32, #tpu.memory_space<vmem>>) semaphore(%run_scoped3A_310 : memref<!tpu.dma_semaphore, #tpu.memory_space<semaphore_mem>>)
      %dma_wait3A = arith.constant 0 : i32
      %dma_wait3A_316 = tpu.memref_slice %arg14[%run_scoped3A_217, %dma_wait3A] : memref<8x128xi32, #tpu.memory_space<vmem>> -> memref<1x128xi32, #tpu.memory_space<vmem>>
      %dma_wait3A_317 = tpu.memref_squeeze %dma_wait3A_316 : memref<1x128xi32, #tpu.memory_space<vmem>> -> memref<128xi32, #tpu.memory_space<vmem>>
      %dma_wait3A_318 = arith.constant 0 : i32
      %dma_wait3A_319 = arith.constant 0 : i32
      %dma_wait3A_320 = tpu.memref_slice %arg10[%dma_wait3A_318, %dma_wait3A_319] : memref<16384x64xf32, #tpu.memory_space<vmem_shared>> -> memref<16384x64xf32, #tpu.memory_space<vmem_shared>>
      tpu.wait_indirect_dma semaphore(%run_scoped3A_310 : memref<!tpu.dma_semaphore, #tpu.memory_space<semaphore_mem>>) src(%dma_wait3A_320 : memref<16384x64xf32, #tpu.memory_space<vmem_shared>>) dst(%arg17 : memref<128x64xf32, #tpu.memory_space<vmem>>)
      tpu.yield
    }) : () -> ()
    %run_scoped3A_218 = arith.constant 3 : i32
    "tpu.region"() ({
      %run_scoped3A_310 = tpu.sem_alloc : memref<!tpu.dma_semaphore, #tpu.memory_space<semaphore_mem>>
      %dma_start3A = arith.constant 0 : i32
      %dma_start3A_311 = tpu.memref_slice %arg14[%run_scoped3A_218, %dma_start3A] : memref<8x128xi32, #tpu.memory_space<vmem>> -> memref<1x128xi32, #tpu.memory_space<vmem>>
      %dma_start3A_312 = tpu.memref_squeeze %dma_start3A_311 : memref<1x128xi32, #tpu.memory_space<vmem>> -> memref<128xi32, #tpu.memory_space<vmem>>
      %dma_start3A_313 = arith.constant 0 : i32
      %dma_start3A_314 = tpu.memref_slice %arg11[%dma_start3A_313] : memref<16384xf32, #tpu.memory_space<vmem_shared>> -> memref<16384xf32, #tpu.memory_space<vmem_shared>>
      tpu.enqueue_indirect_dma source(%dma_start3A_314 : memref<16384xf32, #tpu.memory_space<vmem_shared>>) target(%arg18 : memref<128xf32, #tpu.memory_space<vmem>>) offsets(%dma_start3A_312 : memref<128xi32, #tpu.memory_space<vmem>>) semaphore(%run_scoped3A_310 : memref<!tpu.dma_semaphore, #tpu.memory_space<semaphore_mem>>)
      %dma_wait3A = arith.constant 0 : i32
      %dma_wait3A_315 = tpu.memref_slice %arg14[%run_scoped3A_218, %dma_wait3A] : memref<8x128xi32, #tpu.memory_space<vmem>> -> memref<1x128xi32, #tpu.memory_space<vmem>>
      %dma_wait3A_316 = tpu.memref_squeeze %dma_wait3A_315 : memref<1x128xi32, #tpu.memory_space<vmem>> -> memref<128xi32, #tpu.memory_space<vmem>>
      %dma_wait3A_317 = arith.constant 0 : i32
      %dma_wait3A_318 = tpu.memref_slice %arg11[%dma_wait3A_317] : memref<16384xf32, #tpu.memory_space<vmem_shared>> -> memref<16384xf32, #tpu.memory_space<vmem_shared>>
      tpu.wait_indirect_dma semaphore(%run_scoped3A_310 : memref<!tpu.dma_semaphore, #tpu.memory_space<semaphore_mem>>) src(%dma_wait3A_318 : memref<16384xf32, #tpu.memory_space<vmem_shared>>) dst(%arg18 : memref<128xf32, #tpu.memory_space<vmem>>)
      tpu.yield
    }) : () -> ()
    %scan3A_219 = arith.constant 0 : i32
    %scan3A_220 = arith.constant 0 : i32
    %scan3A_221 = arith.constant 8 : i32
    %scan3A_222 = arith.addi %scan3A_220, %scan3A_221 : i32
    %scan3A_223 = arith.constant 1 : i32
    %scan3A_224 = scf.for %scan3A_310 = %scan3A_220 to %scan3A_222 step %scan3A_223 iter_args(%scan3A_311 = %scan3A_219) -> (i32)  : i32 {
      %mul3A_312 = arith.constant 16 : i32
      %mul3A_313 = arith.muli %scan3A_310, %mul3A_312 : i32
      %get3A = arith.index_cast %mul3A_313 : i32 to index
      %get3A_314 = tpu.vector_load %arg18[%get3A] {strides = array<i32>} : memref<128xf32, #tpu.memory_space<vmem>>, vector<16xf32>,
      %get3A_315 = vector.shape_cast %get3A_314 : vector<16xf32> to vector<16xf32>
      %add3A_316 = arith.constant 1.000000e+00 : f32
      %add3A_317 = vector.broadcast %add3A_316 : f32 to vector<16xf32>
      %add3A_318 = arith.addf %get3A_315, %add3A_317 : vector<16xf32>
      %div3A = arith.constant 5.000000e-01 : f32
      %div3A_319 = vector.broadcast %div3A : f32 to vector<16xf32>
      %div3A_320 = arith.divf %div3A_319, %add3A_318 : vector<16xf32>
      %swap3A_321 = arith.index_cast %mul3A_313 : i32 to index
      %swap3A_322 = tpu.vector_load %arg19[%swap3A_321] {strides = array<i32>} : memref<144xf32, #tpu.memory_space<vmem>>, vector<16xf32>,
      %swap3A_323 = vector.shape_cast %swap3A_322 : vector<16xf32> to vector<16xf32>
      %swap3A_324 = vector.shape_cast %div3A_320 : vector<16xf32> to vector<16xf32>
      tpu.vector_store %arg19[%swap3A_321], %swap3A_324 {strides = array<i32>} : memref<144xf32, #tpu.memory_space<vmem>>, vector<16xf32>,
      %scan3A_325 = arith.constant 0 : i32
      scf.yield %scan3A_325 : i32
    }
    %scan3A_225 = arith.constant 8 : i32
    %scan3A_226 = arith.constant 0 : i32
    %scan3A_227 = arith.constant 128 : i32
    %scan3A_228 = arith.addi %scan3A_226, %scan3A_227 : i32
    %scan3A_229 = arith.constant 1 : i32
    %scan3A_230 = scf.for %scan3A_310 = %scan3A_226 to %scan3A_228 step %scan3A_229 iter_args(%scan3A_311 = %scan3A_212) -> (vector<16xf32>)  : i32 {
      %get3A = arith.index_cast %scan3A_310 : i32 to index
      %get3A_312 = tpu.vector_load %arg19[%get3A] {strides = array<i32>} : memref<144xf32, #tpu.memory_space<vmem>>, vector<16xf32>,
      %get3A_313 = vector.shape_cast %get3A_312 : vector<16xf32> to vector<16xf32>
      %slice3A = vector.extract_strided_slice %get3A_313 {offsets = [0], sizes = [1], strides = [1]} : vector<16xf32> to vector<1xf32>
      %squeeze3A = vector.extract %slice3A[0] : f32 from vector<1xf32>
      %get3A_314 = arith.index_cast %scan3A_310 : i32 to index
      %get3A_315 = arith.constant 0 : index
      %get3A_316 = tpu.vector_load %arg15[%get3A_314, %get3A_315] {strides = array<i32>} : memref<128x64xf32, #tpu.memory_space<vmem>>, vector<1x16xf32>,
      %get3A_317 = vector.shape_cast %get3A_316 : vector<1x16xf32> to vector<16xf32>
      %get3A_318 = arith.index_cast %scan3A_310 : i32 to index
      %get3A_319 = arith.constant 0 : index
      %get3A_320 = tpu.vector_load %arg16[%get3A_318, %get3A_319] {strides = array<i32>} : memref<128x64xf32, #tpu.memory_space<vmem>>, vector<1x16xf32>,
      %get3A_321 = vector.shape_cast %get3A_320 : vector<1x16xf32> to vector<16xf32>
      %sub3A = arith.subf %get3A_317, %get3A_321 : vector<16xf32>
      %get3A_322 = arith.index_cast %scan3A_310 : i32 to index
      %get3A_323 = arith.constant 0 : index
      %get3A_324 = tpu.vector_load %arg17[%get3A_322, %get3A_323] {strides = array<i32>} : memref<128x64xf32, #tpu.memory_space<vmem>>, vector<1x16xf32>,
      %get3A_325 = vector.shape_cast %get3A_324 : vector<1x16xf32> to vector<16xf32>
      %mul3A_326 = vector.broadcast %squeeze3A : f32 to vector<16xf32>
      %mul3A_327 = arith.mulf %mul3A_326, %get3A_325 : vector<16xf32>
      %sub3A_328 = arith.subf %sub3A, %mul3A_327 : vector<16xf32>
      %mul3A_329 = arith.mulf %sub3A_328, %sub3A_328 : vector<16xf32>
      %add3A_330 = arith.addf %scan3A_311, %mul3A_329 : vector<16xf32>
      %get3A_331 = arith.index_cast %scan3A_310 : i32 to index
      %get3A_332 = arith.constant 16 : index
      %get3A_333 = tpu.vector_load %arg15[%get3A_331, %get3A_332] {strides = array<i32>} : memref<128x64xf32, #tpu.memory_space<vmem>>, vector<1x16xf32>,
      %get3A_334 = vector.shape_cast %get3A_333 : vector<1x16xf32> to vector<16xf32>
      %get3A_335 = arith.index_cast %scan3A_310 : i32 to index
      %get3A_336 = arith.constant 16 : index
      %get3A_337 = tpu.vector_load %arg16[%get3A_335, %get3A_336] {strides = array<i32>} : memref<128x64xf32, #tpu.memory_space<vmem>>, vector<1x16xf32>,
      %get3A_338 = vector.shape_cast %get3A_337 : vector<1x16xf32> to vector<16xf32>
      %sub3A_339 = arith.subf %get3A_334, %get3A_338 : vector<16xf32>
      %get3A_340 = arith.index_cast %scan3A_310 : i32 to index
      %get3A_341 = arith.constant 16 : index
      %get3A_342 = tpu.vector_load %arg17[%get3A_340, %get3A_341] {strides = array<i32>} : memref<128x64xf32, #tpu.memory_space<vmem>>, vector<1x16xf32>,
      %get3A_343 = vector.shape_cast %get3A_342 : vector<1x16xf32> to vector<16xf32>
      %mul3A_344 = vector.broadcast %squeeze3A : f32 to vector<16xf32>
      %mul3A_345 = arith.mulf %mul3A_344, %get3A_343 : vector<16xf32>
      %sub3A_346 = arith.subf %sub3A_339, %mul3A_345 : vector<16xf32>
      %mul3A_347 = arith.mulf %sub3A_346, %sub3A_346 : vector<16xf32>
      %add3A_348 = arith.addf %add3A_330, %mul3A_347 : vector<16xf32>
      %get3A_349 = arith.index_cast %scan3A_310 : i32 to index
      %get3A_350 = arith.constant 32 : index
      %get3A_351 = tpu.vector_load %arg15[%get3A_349, %get3A_350] {strides = array<i32>} : memref<128x64xf32, #tpu.memory_space<vmem>>, vector<1x16xf32>,
      %get3A_352 = vector.shape_cast %get3A_351 : vector<1x16xf32> to vector<16xf32>
      %get3A_353 = arith.index_cast %scan3A_310 : i32 to index
      %get3A_354 = arith.constant 32 : index
      %get3A_355 = tpu.vector_load %arg16[%get3A_353, %get3A_354] {strides = array<i32>} : memref<128x64xf32, #tpu.memory_space<vmem>>, vector<1x16xf32>,
      %get3A_356 = vector.shape_cast %get3A_355 : vector<1x16xf32> to vector<16xf32>
      %sub3A_357 = arith.subf %get3A_352, %get3A_356 : vector<16xf32>
      %get3A_358 = arith.index_cast %scan3A_310 : i32 to index
      %get3A_359 = arith.constant 32 : index
      %get3A_360 = tpu.vector_load %arg17[%get3A_358, %get3A_359] {strides = array<i32>} : memref<128x64xf32, #tpu.memory_space<vmem>>, vector<1x16xf32>,
      %get3A_361 = vector.shape_cast %get3A_360 : vector<1x16xf32> to vector<16xf32>
      %mul3A_362 = vector.broadcast %squeeze3A : f32 to vector<16xf32>
      %mul3A_363 = arith.mulf %mul3A_362, %get3A_361 : vector<16xf32>
      %sub3A_364 = arith.subf %sub3A_357, %mul3A_363 : vector<16xf32>
      %mul3A_365 = arith.mulf %sub3A_364, %sub3A_364 : vector<16xf32>
      %add3A_366 = arith.addf %add3A_348, %mul3A_365 : vector<16xf32>
      %get3A_367 = arith.index_cast %scan3A_310 : i32 to index
      %get3A_368 = arith.constant 48 : index
      %get3A_369 = tpu.vector_load %arg15[%get3A_367, %get3A_368] {strides = array<i32>} : memref<128x64xf32, #tpu.memory_space<vmem>>, vector<1x16xf32>,
      %get3A_370 = vector.shape_cast %get3A_369 : vector<1x16xf32> to vector<16xf32>
      %get3A_371 = arith.index_cast %scan3A_310 : i32 to index
      %get3A_372 = arith.constant 48 : index
      %get3A_373 = tpu.vector_load %arg16[%get3A_371, %get3A_372] {strides = array<i32>} : memref<128x64xf32, #tpu.memory_space<vmem>>, vector<1x16xf32>,
      %get3A_374 = vector.shape_cast %get3A_373 : vector<1x16xf32> to vector<16xf32>
      %sub3A_375 = arith.subf %get3A_370, %get3A_374 : vector<16xf32>
      %get3A_376 = arith.index_cast %scan3A_310 : i32 to index
      %get3A_377 = arith.constant 48 : index
      %get3A_378 = tpu.vector_load %arg17[%get3A_376, %get3A_377] {strides = array<i32>} : memref<128x64xf32, #tpu.memory_space<vmem>>, vector<1x16xf32>,
      %get3A_379 = vector.shape_cast %get3A_378 : vector<1x16xf32> to vector<16xf32>
      %mul3A_380 = vector.broadcast %squeeze3A : f32 to vector<16xf32>
      %mul3A_381 = arith.mulf %mul3A_380, %get3A_379 : vector<16xf32>
      %sub3A_382 = arith.subf %sub3A_375, %mul3A_381 : vector<16xf32>
      %mul3A_383 = arith.mulf %sub3A_382, %sub3A_382 : vector<16xf32>
      %add3A_384 = arith.addf %add3A_366, %mul3A_383 : vector<16xf32>
      scf.yield %add3A_384 : vector<16xf32>
    }
    %scan3A_231 = arith.constant 128 : i32
    %add3A_232 = arith.constant 512 : i32
    %add3A_233 = arith.addi %mul3A_0, %add3A_232 : i32
    "tpu.region"() ({
      %run_scoped3A_310 = tpu.sem_alloc : memref<!tpu.dma_semaphore, #tpu.memory_space<semaphore_mem>>
      %dma_start3A = arith.constant 0 : i32
      %dma_start3A_311 = tpu.memref_slice %arg3[%add3A_233, %dma_start3A] : memref<16384x64xf32, #tpu.memory_space<hbm>> -> memref<128x64xf32, #tpu.memory_space<hbm>>
      %dma_start3A_312 = arith.constant 0 : i32
      %dma_start3A_313 = tpu.memref_slice %arg3[%add3A_233, %dma_start3A_312] : memref<16384x64xf32, #tpu.memory_space<hbm>> -> memref<128x64xf32, #tpu.memory_space<hbm>>
      tpu.enqueue_dma source(%dma_start3A_313 : memref<128x64xf32, #tpu.memory_space<hbm>>) target(%arg15 : memref<128x64xf32, #tpu.memory_space<vmem>>) target_semaphore(%run_scoped3A_310 : memref<!tpu.dma_semaphore, #tpu.memory_space<semaphore_mem>>)
      %dma_wait3A = arith.constant 0 : i32
      %dma_wait3A_314 = tpu.memref_slice %arg3[%add3A_233, %dma_wait3A] : memref<16384x64xf32, #tpu.memory_space<hbm>> -> memref<128x64xf32, #tpu.memory_space<hbm>>
      %dma_wait3A_315 = arith.constant 0 : i32
      %dma_wait3A_316 = tpu.memref_slice %arg3[%add3A_233, %dma_wait3A_315] : memref<16384x64xf32, #tpu.memory_space<hbm>> -> memref<128x64xf32, #tpu.memory_space<hbm>>
      tpu.wait_dma2 semaphore(%run_scoped3A_310 : memref<!tpu.dma_semaphore, #tpu.memory_space<semaphore_mem>>) src(%dma_wait3A_316 : memref<128x64xf32, #tpu.memory_space<hbm>>) dst(%arg15 : memref<128x64xf32, #tpu.memory_space<vmem>>)
      tpu.yield
    }) : () -> ()
    %run_scoped3A_234 = arith.constant 4 : i32
    "tpu.region"() ({
      %run_scoped3A_310 = tpu.sem_alloc : memref<!tpu.dma_semaphore, #tpu.memory_space<semaphore_mem>>
      %dma_start3A = arith.constant 0 : i32
      %dma_start3A_311 = tpu.memref_slice %arg13[%run_scoped3A_234, %dma_start3A] : memref<8x128xi32, #tpu.memory_space<vmem>> -> memref<1x128xi32, #tpu.memory_space<vmem>>
      %dma_start3A_312 = tpu.memref_squeeze %dma_start3A_311 : memref<1x128xi32, #tpu.memory_space<vmem>> -> memref<128xi32, #tpu.memory_space<vmem>>
      %dma_start3A_313 = arith.constant 0 : i32
      %dma_start3A_314 = arith.constant 0 : i32
      %dma_start3A_315 = tpu.memref_slice %arg4[%dma_start3A_313, %dma_start3A_314] : memref<1000000x64xf32, #tpu.memory_space<hbm>> -> memref<1000000x64xf32, #tpu.memory_space<hbm>>
      tpu.enqueue_indirect_dma source(%dma_start3A_315 : memref<1000000x64xf32, #tpu.memory_space<hbm>>) target(%arg16 : memref<128x64xf32, #tpu.memory_space<vmem>>) offsets(%dma_start3A_312 : memref<128xi32, #tpu.memory_space<vmem>>) semaphore(%run_scoped3A_310 : memref<!tpu.dma_semaphore, #tpu.memory_space<semaphore_mem>>)
      %dma_wait3A = arith.constant 0 : i32
      %dma_wait3A_316 = tpu.memref_slice %arg13[%run_scoped3A_234, %dma_wait3A] : memref<8x128xi32, #tpu.memory_space<vmem>> -> memref<1x128xi32, #tpu.memory_space<vmem>>
      %dma_wait3A_317 = tpu.memref_squeeze %dma_wait3A_316 : memref<1x128xi32, #tpu.memory_space<vmem>> -> memref<128xi32, #tpu.memory_space<vmem>>
      %dma_wait3A_318 = arith.constant 0 : i32
      %dma_wait3A_319 = arith.constant 0 : i32
      %dma_wait3A_320 = tpu.memref_slice %arg4[%dma_wait3A_318, %dma_wait3A_319] : memref<1000000x64xf32, #tpu.memory_space<hbm>> -> memref<1000000x64xf32, #tpu.memory_space<hbm>>
      tpu.wait_indirect_dma semaphore(%run_scoped3A_310 : memref<!tpu.dma_semaphore, #tpu.memory_space<semaphore_mem>>) src(%dma_wait3A_320 : memref<1000000x64xf32, #tpu.memory_space<hbm>>) dst(%arg16 : memref<128x64xf32, #tpu.memory_space<vmem>>)
      tpu.yield
    }) : () -> ()
    %run_scoped3A_235 = arith.constant 4 : i32
    "tpu.region"() ({
      %run_scoped3A_310 = tpu.sem_alloc : memref<!tpu.dma_semaphore, #tpu.memory_space<semaphore_mem>>
      %dma_start3A = arith.constant 0 : i32
      %dma_start3A_311 = tpu.memref_slice %arg14[%run_scoped3A_235, %dma_start3A] : memref<8x128xi32, #tpu.memory_space<vmem>> -> memref<1x128xi32, #tpu.memory_space<vmem>>
      %dma_start3A_312 = tpu.memref_squeeze %dma_start3A_311 : memref<1x128xi32, #tpu.memory_space<vmem>> -> memref<128xi32, #tpu.memory_space<vmem>>
      %dma_start3A_313 = arith.constant 0 : i32
      %dma_start3A_314 = arith.constant 0 : i32
      %dma_start3A_315 = tpu.memref_slice %arg10[%dma_start3A_313, %dma_start3A_314] : memref<16384x64xf32, #tpu.memory_space<vmem_shared>> -> memref<16384x64xf32, #tpu.memory_space<vmem_shared>>
      tpu.enqueue_indirect_dma source(%dma_start3A_315 : memref<16384x64xf32, #tpu.memory_space<vmem_shared>>) target(%arg17 : memref<128x64xf32, #tpu.memory_space<vmem>>) offsets(%dma_start3A_312 : memref<128xi32, #tpu.memory_space<vmem>>) semaphore(%run_scoped3A_310 : memref<!tpu.dma_semaphore, #tpu.memory_space<semaphore_mem>>)
      %dma_wait3A = arith.constant 0 : i32
      %dma_wait3A_316 = tpu.memref_slice %arg14[%run_scoped3A_235, %dma_wait3A] : memref<8x128xi32, #tpu.memory_space<vmem>> -> memref<1x128xi32, #tpu.memory_space<vmem>>
      %dma_wait3A_317 = tpu.memref_squeeze %dma_wait3A_316 : memref<1x128xi32, #tpu.memory_space<vmem>> -> memref<128xi32, #tpu.memory_space<vmem>>
      %dma_wait3A_318 = arith.constant 0 : i32
      %dma_wait3A_319 = arith.constant 0 : i32
      %dma_wait3A_320 = tpu.memref_slice %arg10[%dma_wait3A_318, %dma_wait3A_319] : memref<16384x64xf32, #tpu.memory_space<vmem_shared>> -> memref<16384x64xf32, #tpu.memory_space<vmem_shared>>
      tpu.wait_indirect_dma semaphore(%run_scoped3A_310 : memref<!tpu.dma_semaphore, #tpu.memory_space<semaphore_mem>>) src(%dma_wait3A_320 : memref<16384x64xf32, #tpu.memory_space<vmem_shared>>) dst(%arg17 : memref<128x64xf32, #tpu.memory_space<vmem>>)
      tpu.yield
    }) : () -> ()
    %run_scoped3A_236 = arith.constant 4 : i32
    "tpu.region"() ({
      %run_scoped3A_310 = tpu.sem_alloc : memref<!tpu.dma_semaphore, #tpu.memory_space<semaphore_mem>>
      %dma_start3A = arith.constant 0 : i32
      %dma_start3A_311 = tpu.memref_slice %arg14[%run_scoped3A_236, %dma_start3A] : memref<8x128xi32, #tpu.memory_space<vmem>> -> memref<1x128xi32, #tpu.memory_space<vmem>>
      %dma_start3A_312 = tpu.memref_squeeze %dma_start3A_311 : memref<1x128xi32, #tpu.memory_space<vmem>> -> memref<128xi32, #tpu.memory_space<vmem>>
      %dma_start3A_313 = arith.constant 0 : i32
      %dma_start3A_314 = tpu.memref_slice %arg11[%dma_start3A_313] : memref<16384xf32, #tpu.memory_space<vmem_shared>> -> memref<16384xf32, #tpu.memory_space<vmem_shared>>
      tpu.enqueue_indirect_dma source(%dma_start3A_314 : memref<16384xf32, #tpu.memory_space<vmem_shared>>) target(%arg18 : memref<128xf32, #tpu.memory_space<vmem>>) offsets(%dma_start3A_312 : memref<128xi32, #tpu.memory_space<vmem>>) semaphore(%run_scoped3A_310 : memref<!tpu.dma_semaphore, #tpu.memory_space<semaphore_mem>>)
      %dma_wait3A = arith.constant 0 : i32
      %dma_wait3A_315 = tpu.memref_slice %arg14[%run_scoped3A_236, %dma_wait3A] : memref<8x128xi32, #tpu.memory_space<vmem>> -> memref<1x128xi32, #tpu.memory_space<vmem>>
      %dma_wait3A_316 = tpu.memref_squeeze %dma_wait3A_315 : memref<1x128xi32, #tpu.memory_space<vmem>> -> memref<128xi32, #tpu.memory_space<vmem>>
      %dma_wait3A_317 = arith.constant 0 : i32
      %dma_wait3A_318 = tpu.memref_slice %arg11[%dma_wait3A_317] : memref<16384xf32, #tpu.memory_space<vmem_shared>> -> memref<16384xf32, #tpu.memory_space<vmem_shared>>
      tpu.wait_indirect_dma semaphore(%run_scoped3A_310 : memref<!tpu.dma_semaphore, #tpu.memory_space<semaphore_mem>>) src(%dma_wait3A_318 : memref<16384xf32, #tpu.memory_space<vmem_shared>>) dst(%arg18 : memref<128xf32, #tpu.memory_space<vmem>>)
      tpu.yield
    }) : () -> ()
    %scan3A_237 = arith.constant 0 : i32
    %scan3A_238 = arith.constant 0 : i32
    %scan3A_239 = arith.constant 8 : i32
    %scan3A_240 = arith.addi %scan3A_238, %scan3A_239 : i32
    %scan3A_241 = arith.constant 1 : i32
    %scan3A_242 = scf.for %scan3A_310 = %scan3A_238 to %scan3A_240 step %scan3A_241 iter_args(%scan3A_311 = %scan3A_237) -> (i32)  : i32 {
      %mul3A_312 = arith.constant 16 : i32
      %mul3A_313 = arith.muli %scan3A_310, %mul3A_312 : i32
      %get3A = arith.index_cast %mul3A_313 : i32 to index
      %get3A_314 = tpu.vector_load %arg18[%get3A] {strides = array<i32>} : memref<128xf32, #tpu.memory_space<vmem>>, vector<16xf32>,
      %get3A_315 = vector.shape_cast %get3A_314 : vector<16xf32> to vector<16xf32>
      %add3A_316 = arith.constant 1.000000e+00 : f32
      %add3A_317 = vector.broadcast %add3A_316 : f32 to vector<16xf32>
      %add3A_318 = arith.addf %get3A_315, %add3A_317 : vector<16xf32>
      %div3A = arith.constant 5.000000e-01 : f32
      %div3A_319 = vector.broadcast %div3A : f32 to vector<16xf32>
      %div3A_320 = arith.divf %div3A_319, %add3A_318 : vector<16xf32>
      %swap3A_321 = arith.index_cast %mul3A_313 : i32 to index
      %swap3A_322 = tpu.vector_load %arg19[%swap3A_321] {strides = array<i32>} : memref<144xf32, #tpu.memory_space<vmem>>, vector<16xf32>,
      %swap3A_323 = vector.shape_cast %swap3A_322 : vector<16xf32> to vector<16xf32>
      %swap3A_324 = vector.shape_cast %div3A_320 : vector<16xf32> to vector<16xf32>
      tpu.vector_store %arg19[%swap3A_321], %swap3A_324 {strides = array<i32>} : memref<144xf32, #tpu.memory_space<vmem>>, vector<16xf32>,
      %scan3A_325 = arith.constant 0 : i32
      scf.yield %scan3A_325 : i32
    }
    %scan3A_243 = arith.constant 8 : i32
    %scan3A_244 = arith.constant 0 : i32
    %scan3A_245 = arith.constant 128 : i32
    %scan3A_246 = arith.addi %scan3A_244, %scan3A_245 : i32
    %scan3A_247 = arith.constant 1 : i32
    %scan3A_248 = scf.for %scan3A_310 = %scan3A_244 to %scan3A_246 step %scan3A_247 iter_args(%scan3A_311 = %scan3A_230) -> (vector<16xf32>)  : i32 {
      %get3A = arith.index_cast %scan3A_310 : i32 to index
      %get3A_312 = tpu.vector_load %arg19[%get3A] {strides = array<i32>} : memref<144xf32, #tpu.memory_space<vmem>>, vector<16xf32>,
      %get3A_313 = vector.shape_cast %get3A_312 : vector<16xf32> to vector<16xf32>
      %slice3A = vector.extract_strided_slice %get3A_313 {offsets = [0], sizes = [1], strides = [1]} : vector<16xf32> to vector<1xf32>
      %squeeze3A = vector.extract %slice3A[0] : f32 from vector<1xf32>
      %get3A_314 = arith.index_cast %scan3A_310 : i32 to index
      %get3A_315 = arith.constant 0 : index
      %get3A_316 = tpu.vector_load %arg15[%get3A_314, %get3A_315] {strides = array<i32>} : memref<128x64xf32, #tpu.memory_space<vmem>>, vector<1x16xf32>,
      %get3A_317 = vector.shape_cast %get3A_316 : vector<1x16xf32> to vector<16xf32>
      %get3A_318 = arith.index_cast %scan3A_310 : i32 to index
      %get3A_319 = arith.constant 0 : index
      %get3A_320 = tpu.vector_load %arg16[%get3A_318, %get3A_319] {strides = array<i32>} : memref<128x64xf32, #tpu.memory_space<vmem>>, vector<1x16xf32>,
      %get3A_321 = vector.shape_cast %get3A_320 : vector<1x16xf32> to vector<16xf32>
      %sub3A = arith.subf %get3A_317, %get3A_321 : vector<16xf32>
      %get3A_322 = arith.index_cast %scan3A_310 : i32 to index
      %get3A_323 = arith.constant 0 : index
      %get3A_324 = tpu.vector_load %arg17[%get3A_322, %get3A_323] {strides = array<i32>} : memref<128x64xf32, #tpu.memory_space<vmem>>, vector<1x16xf32>,
      %get3A_325 = vector.shape_cast %get3A_324 : vector<1x16xf32> to vector<16xf32>
      %mul3A_326 = vector.broadcast %squeeze3A : f32 to vector<16xf32>
      %mul3A_327 = arith.mulf %mul3A_326, %get3A_325 : vector<16xf32>
      %sub3A_328 = arith.subf %sub3A, %mul3A_327 : vector<16xf32>
      %mul3A_329 = arith.mulf %sub3A_328, %sub3A_328 : vector<16xf32>
      %add3A_330 = arith.addf %scan3A_311, %mul3A_329 : vector<16xf32>
      %get3A_331 = arith.index_cast %scan3A_310 : i32 to index
      %get3A_332 = arith.constant 16 : index
      %get3A_333 = tpu.vector_load %arg15[%get3A_331, %get3A_332] {strides = array<i32>} : memref<128x64xf32, #tpu.memory_space<vmem>>, vector<1x16xf32>,
      %get3A_334 = vector.shape_cast %get3A_333 : vector<1x16xf32> to vector<16xf32>
      %get3A_335 = arith.index_cast %scan3A_310 : i32 to index
      %get3A_336 = arith.constant 16 : index
      %get3A_337 = tpu.vector_load %arg16[%get3A_335, %get3A_336] {strides = array<i32>} : memref<128x64xf32, #tpu.memory_space<vmem>>, vector<1x16xf32>,
      %get3A_338 = vector.shape_cast %get3A_337 : vector<1x16xf32> to vector<16xf32>
      %sub3A_339 = arith.subf %get3A_334, %get3A_338 : vector<16xf32>
      %get3A_340 = arith.index_cast %scan3A_310 : i32 to index
      %get3A_341 = arith.constant 16 : index
      %get3A_342 = tpu.vector_load %arg17[%get3A_340, %get3A_341] {strides = array<i32>} : memref<128x64xf32, #tpu.memory_space<vmem>>, vector<1x16xf32>,
      %get3A_343 = vector.shape_cast %get3A_342 : vector<1x16xf32> to vector<16xf32>
      %mul3A_344 = vector.broadcast %squeeze3A : f32 to vector<16xf32>
      %mul3A_345 = arith.mulf %mul3A_344, %get3A_343 : vector<16xf32>
      %sub3A_346 = arith.subf %sub3A_339, %mul3A_345 : vector<16xf32>
      %mul3A_347 = arith.mulf %sub3A_346, %sub3A_346 : vector<16xf32>
      %add3A_348 = arith.addf %add3A_330, %mul3A_347 : vector<16xf32>
      %get3A_349 = arith.index_cast %scan3A_310 : i32 to index
      %get3A_350 = arith.constant 32 : index
      %get3A_351 = tpu.vector_load %arg15[%get3A_349, %get3A_350] {strides = array<i32>} : memref<128x64xf32, #tpu.memory_space<vmem>>, vector<1x16xf32>,
      %get3A_352 = vector.shape_cast %get3A_351 : vector<1x16xf32> to vector<16xf32>
      %get3A_353 = arith.index_cast %scan3A_310 : i32 to index
      %get3A_354 = arith.constant 32 : index
      %get3A_355 = tpu.vector_load %arg16[%get3A_353, %get3A_354] {strides = array<i32>} : memref<128x64xf32, #tpu.memory_space<vmem>>, vector<1x16xf32>,
      %get3A_356 = vector.shape_cast %get3A_355 : vector<1x16xf32> to vector<16xf32>
      %sub3A_357 = arith.subf %get3A_352, %get3A_356 : vector<16xf32>
      %get3A_358 = arith.index_cast %scan3A_310 : i32 to index
      %get3A_359 = arith.constant 32 : index
      %get3A_360 = tpu.vector_load %arg17[%get3A_358, %get3A_359] {strides = array<i32>} : memref<128x64xf32, #tpu.memory_space<vmem>>, vector<1x16xf32>,
      %get3A_361 = vector.shape_cast %get3A_360 : vector<1x16xf32> to vector<16xf32>
      %mul3A_362 = vector.broadcast %squeeze3A : f32 to vector<16xf32>
      %mul3A_363 = arith.mulf %mul3A_362, %get3A_361 : vector<16xf32>
      %sub3A_364 = arith.subf %sub3A_357, %mul3A_363 : vector<16xf32>
      %mul3A_365 = arith.mulf %sub3A_364, %sub3A_364 : vector<16xf32>
      %add3A_366 = arith.addf %add3A_348, %mul3A_365 : vector<16xf32>
      %get3A_367 = arith.index_cast %scan3A_310 : i32 to index
      %get3A_368 = arith.constant 48 : index
      %get3A_369 = tpu.vector_load %arg15[%get3A_367, %get3A_368] {strides = array<i32>} : memref<128x64xf32, #tpu.memory_space<vmem>>, vector<1x16xf32>,
      %get3A_370 = vector.shape_cast %get3A_369 : vector<1x16xf32> to vector<16xf32>
      %get3A_371 = arith.index_cast %scan3A_310 : i32 to index
      %get3A_372 = arith.constant 48 : index
      %get3A_373 = tpu.vector_load %arg16[%get3A_371, %get3A_372] {strides = array<i32>} : memref<128x64xf32, #tpu.memory_space<vmem>>, vector<1x16xf32>,
      %get3A_374 = vector.shape_cast %get3A_373 : vector<1x16xf32> to vector<16xf32>
      %sub3A_375 = arith.subf %get3A_370, %get3A_374 : vector<16xf32>
      %get3A_376 = arith.index_cast %scan3A_310 : i32 to index
      %get3A_377 = arith.constant 48 : index
      %get3A_378 = tpu.vector_load %arg17[%get3A_376, %get3A_377] {strides = array<i32>} : memref<128x64xf32, #tpu.memory_space<vmem>>, vector<1x16xf32>,
      %get3A_379 = vector.shape_cast %get3A_378 : vector<1x16xf32> to vector<16xf32>
      %mul3A_380 = vector.broadcast %squeeze3A : f32 to vector<16xf32>
      %mul3A_381 = arith.mulf %mul3A_380, %get3A_379 : vector<16xf32>
      %sub3A_382 = arith.subf %sub3A_375, %mul3A_381 : vector<16xf32>
      %mul3A_383 = arith.mulf %sub3A_382, %sub3A_382 : vector<16xf32>
      %add3A_384 = arith.addf %add3A_366, %mul3A_383 : vector<16xf32>
      scf.yield %add3A_384 : vector<16xf32>
    }
    %scan3A_249 = arith.constant 128 : i32
    %add3A_250 = arith.constant 640 : i32
    %add3A_251 = arith.addi %mul3A_0, %add3A_250 : i32
    "tpu.region"() ({
      %run_scoped3A_310 = tpu.sem_alloc : memref<!tpu.dma_semaphore, #tpu.memory_space<semaphore_mem>>
      %dma_start3A = arith.constant 0 : i32
      %dma_start3A_311 = tpu.memref_slice %arg3[%add3A_251, %dma_start3A] : memref<16384x64xf32, #tpu.memory_space<hbm>> -> memref<128x64xf32, #tpu.memory_space<hbm>>
      %dma_start3A_312 = arith.constant 0 : i32
      %dma_start3A_313 = tpu.memref_slice %arg3[%add3A_251, %dma_start3A_312] : memref<16384x64xf32, #tpu.memory_space<hbm>> -> memref<128x64xf32, #tpu.memory_space<hbm>>
      tpu.enqueue_dma source(%dma_start3A_313 : memref<128x64xf32, #tpu.memory_space<hbm>>) target(%arg15 : memref<128x64xf32, #tpu.memory_space<vmem>>) target_semaphore(%run_scoped3A_310 : memref<!tpu.dma_semaphore, #tpu.memory_space<semaphore_mem>>)
      %dma_wait3A = arith.constant 0 : i32
      %dma_wait3A_314 = tpu.memref_slice %arg3[%add3A_251, %dma_wait3A] : memref<16384x64xf32, #tpu.memory_space<hbm>> -> memref<128x64xf32, #tpu.memory_space<hbm>>
      %dma_wait3A_315 = arith.constant 0 : i32
      %dma_wait3A_316 = tpu.memref_slice %arg3[%add3A_251, %dma_wait3A_315] : memref<16384x64xf32, #tpu.memory_space<hbm>> -> memref<128x64xf32, #tpu.memory_space<hbm>>
      tpu.wait_dma2 semaphore(%run_scoped3A_310 : memref<!tpu.dma_semaphore, #tpu.memory_space<semaphore_mem>>) src(%dma_wait3A_316 : memref<128x64xf32, #tpu.memory_space<hbm>>) dst(%arg15 : memref<128x64xf32, #tpu.memory_space<vmem>>)
      tpu.yield
    }) : () -> ()
    %run_scoped3A_252 = arith.constant 5 : i32
    "tpu.region"() ({
      %run_scoped3A_310 = tpu.sem_alloc : memref<!tpu.dma_semaphore, #tpu.memory_space<semaphore_mem>>
      %dma_start3A = arith.constant 0 : i32
      %dma_start3A_311 = tpu.memref_slice %arg13[%run_scoped3A_252, %dma_start3A] : memref<8x128xi32, #tpu.memory_space<vmem>> -> memref<1x128xi32, #tpu.memory_space<vmem>>
      %dma_start3A_312 = tpu.memref_squeeze %dma_start3A_311 : memref<1x128xi32, #tpu.memory_space<vmem>> -> memref<128xi32, #tpu.memory_space<vmem>>
      %dma_start3A_313 = arith.constant 0 : i32
      %dma_start3A_314 = arith.constant 0 : i32
      %dma_start3A_315 = tpu.memref_slice %arg4[%dma_start3A_313, %dma_start3A_314] : memref<1000000x64xf32, #tpu.memory_space<hbm>> -> memref<1000000x64xf32, #tpu.memory_space<hbm>>
      tpu.enqueue_indirect_dma source(%dma_start3A_315 : memref<1000000x64xf32, #tpu.memory_space<hbm>>) target(%arg16 : memref<128x64xf32, #tpu.memory_space<vmem>>) offsets(%dma_start3A_312 : memref<128xi32, #tpu.memory_space<vmem>>) semaphore(%run_scoped3A_310 : memref<!tpu.dma_semaphore, #tpu.memory_space<semaphore_mem>>)
      %dma_wait3A = arith.constant 0 : i32
      %dma_wait3A_316 = tpu.memref_slice %arg13[%run_scoped3A_252, %dma_wait3A] : memref<8x128xi32, #tpu.memory_space<vmem>> -> memref<1x128xi32, #tpu.memory_space<vmem>>
      %dma_wait3A_317 = tpu.memref_squeeze %dma_wait3A_316 : memref<1x128xi32, #tpu.memory_space<vmem>> -> memref<128xi32, #tpu.memory_space<vmem>>
      %dma_wait3A_318 = arith.constant 0 : i32
      %dma_wait3A_319 = arith.constant 0 : i32
      %dma_wait3A_320 = tpu.memref_slice %arg4[%dma_wait3A_318, %dma_wait3A_319] : memref<1000000x64xf32, #tpu.memory_space<hbm>> -> memref<1000000x64xf32, #tpu.memory_space<hbm>>
      tpu.wait_indirect_dma semaphore(%run_scoped3A_310 : memref<!tpu.dma_semaphore, #tpu.memory_space<semaphore_mem>>) src(%dma_wait3A_320 : memref<1000000x64xf32, #tpu.memory_space<hbm>>) dst(%arg16 : memref<128x64xf32, #tpu.memory_space<vmem>>)
      tpu.yield
    }) : () -> ()
    %run_scoped3A_253 = arith.constant 5 : i32
    "tpu.region"() ({
      %run_scoped3A_310 = tpu.sem_alloc : memref<!tpu.dma_semaphore, #tpu.memory_space<semaphore_mem>>
      %dma_start3A = arith.constant 0 : i32
      %dma_start3A_311 = tpu.memref_slice %arg14[%run_scoped3A_253, %dma_start3A] : memref<8x128xi32, #tpu.memory_space<vmem>> -> memref<1x128xi32, #tpu.memory_space<vmem>>
      %dma_start3A_312 = tpu.memref_squeeze %dma_start3A_311 : memref<1x128xi32, #tpu.memory_space<vmem>> -> memref<128xi32, #tpu.memory_space<vmem>>
      %dma_start3A_313 = arith.constant 0 : i32
      %dma_start3A_314 = arith.constant 0 : i32
      %dma_start3A_315 = tpu.memref_slice %arg10[%dma_start3A_313, %dma_start3A_314] : memref<16384x64xf32, #tpu.memory_space<vmem_shared>> -> memref<16384x64xf32, #tpu.memory_space<vmem_shared>>
      tpu.enqueue_indirect_dma source(%dma_start3A_315 : memref<16384x64xf32, #tpu.memory_space<vmem_shared>>) target(%arg17 : memref<128x64xf32, #tpu.memory_space<vmem>>) offsets(%dma_start3A_312 : memref<128xi32, #tpu.memory_space<vmem>>) semaphore(%run_scoped3A_310 : memref<!tpu.dma_semaphore, #tpu.memory_space<semaphore_mem>>)
      %dma_wait3A = arith.constant 0 : i32
      %dma_wait3A_316 = tpu.memref_slice %arg14[%run_scoped3A_253, %dma_wait3A] : memref<8x128xi32, #tpu.memory_space<vmem>> -> memref<1x128xi32, #tpu.memory_space<vmem>>
      %dma_wait3A_317 = tpu.memref_squeeze %dma_wait3A_316 : memref<1x128xi32, #tpu.memory_space<vmem>> -> memref<128xi32, #tpu.memory_space<vmem>>
      %dma_wait3A_318 = arith.constant 0 : i32
      %dma_wait3A_319 = arith.constant 0 : i32
      %dma_wait3A_320 = tpu.memref_slice %arg10[%dma_wait3A_318, %dma_wait3A_319] : memref<16384x64xf32, #tpu.memory_space<vmem_shared>> -> memref<16384x64xf32, #tpu.memory_space<vmem_shared>>
      tpu.wait_indirect_dma semaphore(%run_scoped3A_310 : memref<!tpu.dma_semaphore, #tpu.memory_space<semaphore_mem>>) src(%dma_wait3A_320 : memref<16384x64xf32, #tpu.memory_space<vmem_shared>>) dst(%arg17 : memref<128x64xf32, #tpu.memory_space<vmem>>)
      tpu.yield
    }) : () -> ()
    %run_scoped3A_254 = arith.constant 5 : i32
    "tpu.region"() ({
      %run_scoped3A_310 = tpu.sem_alloc : memref<!tpu.dma_semaphore, #tpu.memory_space<semaphore_mem>>
      %dma_start3A = arith.constant 0 : i32
      %dma_start3A_311 = tpu.memref_slice %arg14[%run_scoped3A_254, %dma_start3A] : memref<8x128xi32, #tpu.memory_space<vmem>> -> memref<1x128xi32, #tpu.memory_space<vmem>>
      %dma_start3A_312 = tpu.memref_squeeze %dma_start3A_311 : memref<1x128xi32, #tpu.memory_space<vmem>> -> memref<128xi32, #tpu.memory_space<vmem>>
      %dma_start3A_313 = arith.constant 0 : i32
      %dma_start3A_314 = tpu.memref_slice %arg11[%dma_start3A_313] : memref<16384xf32, #tpu.memory_space<vmem_shared>> -> memref<16384xf32, #tpu.memory_space<vmem_shared>>
      tpu.enqueue_indirect_dma source(%dma_start3A_314 : memref<16384xf32, #tpu.memory_space<vmem_shared>>) target(%arg18 : memref<128xf32, #tpu.memory_space<vmem>>) offsets(%dma_start3A_312 : memref<128xi32, #tpu.memory_space<vmem>>) semaphore(%run_scoped3A_310 : memref<!tpu.dma_semaphore, #tpu.memory_space<semaphore_mem>>)
      %dma_wait3A = arith.constant 0 : i32
      %dma_wait3A_315 = tpu.memref_slice %arg14[%run_scoped3A_254, %dma_wait3A] : memref<8x128xi32, #tpu.memory_space<vmem>> -> memref<1x128xi32, #tpu.memory_space<vmem>>
      %dma_wait3A_316 = tpu.memref_squeeze %dma_wait3A_315 : memref<1x128xi32, #tpu.memory_space<vmem>> -> memref<128xi32, #tpu.memory_space<vmem>>
      %dma_wait3A_317 = arith.constant 0 : i32
      %dma_wait3A_318 = tpu.memref_slice %arg11[%dma_wait3A_317] : memref<16384xf32, #tpu.memory_space<vmem_shared>> -> memref<16384xf32, #tpu.memory_space<vmem_shared>>
      tpu.wait_indirect_dma semaphore(%run_scoped3A_310 : memref<!tpu.dma_semaphore, #tpu.memory_space<semaphore_mem>>) src(%dma_wait3A_318 : memref<16384xf32, #tpu.memory_space<vmem_shared>>) dst(%arg18 : memref<128xf32, #tpu.memory_space<vmem>>)
      tpu.yield
    }) : () -> ()
    %scan3A_255 = arith.constant 0 : i32
    %scan3A_256 = arith.constant 0 : i32
    %scan3A_257 = arith.constant 8 : i32
    %scan3A_258 = arith.addi %scan3A_256, %scan3A_257 : i32
    %scan3A_259 = arith.constant 1 : i32
    %scan3A_260 = scf.for %scan3A_310 = %scan3A_256 to %scan3A_258 step %scan3A_259 iter_args(%scan3A_311 = %scan3A_255) -> (i32)  : i32 {
      %mul3A_312 = arith.constant 16 : i32
      %mul3A_313 = arith.muli %scan3A_310, %mul3A_312 : i32
      %get3A = arith.index_cast %mul3A_313 : i32 to index
      %get3A_314 = tpu.vector_load %arg18[%get3A] {strides = array<i32>} : memref<128xf32, #tpu.memory_space<vmem>>, vector<16xf32>,
      %get3A_315 = vector.shape_cast %get3A_314 : vector<16xf32> to vector<16xf32>
      %add3A_316 = arith.constant 1.000000e+00 : f32
      %add3A_317 = vector.broadcast %add3A_316 : f32 to vector<16xf32>
      %add3A_318 = arith.addf %get3A_315, %add3A_317 : vector<16xf32>
      %div3A = arith.constant 5.000000e-01 : f32
      %div3A_319 = vector.broadcast %div3A : f32 to vector<16xf32>
      %div3A_320 = arith.divf %div3A_319, %add3A_318 : vector<16xf32>
      %swap3A_321 = arith.index_cast %mul3A_313 : i32 to index
      %swap3A_322 = tpu.vector_load %arg19[%swap3A_321] {strides = array<i32>} : memref<144xf32, #tpu.memory_space<vmem>>, vector<16xf32>,
      %swap3A_323 = vector.shape_cast %swap3A_322 : vector<16xf32> to vector<16xf32>
      %swap3A_324 = vector.shape_cast %div3A_320 : vector<16xf32> to vector<16xf32>
      tpu.vector_store %arg19[%swap3A_321], %swap3A_324 {strides = array<i32>} : memref<144xf32, #tpu.memory_space<vmem>>, vector<16xf32>,
      %scan3A_325 = arith.constant 0 : i32
      scf.yield %scan3A_325 : i32
    }
    %scan3A_261 = arith.constant 8 : i32
    %scan3A_262 = arith.constant 0 : i32
    %scan3A_263 = arith.constant 128 : i32
    %scan3A_264 = arith.addi %scan3A_262, %scan3A_263 : i32
    %scan3A_265 = arith.constant 1 : i32
    %scan3A_266 = scf.for %scan3A_310 = %scan3A_262 to %scan3A_264 step %scan3A_265 iter_args(%scan3A_311 = %scan3A_248) -> (vector<16xf32>)  : i32 {
      %get3A = arith.index_cast %scan3A_310 : i32 to index
      %get3A_312 = tpu.vector_load %arg19[%get3A] {strides = array<i32>} : memref<144xf32, #tpu.memory_space<vmem>>, vector<16xf32>,
      %get3A_313 = vector.shape_cast %get3A_312 : vector<16xf32> to vector<16xf32>
      %slice3A = vector.extract_strided_slice %get3A_313 {offsets = [0], sizes = [1], strides = [1]} : vector<16xf32> to vector<1xf32>
      %squeeze3A = vector.extract %slice3A[0] : f32 from vector<1xf32>
      %get3A_314 = arith.index_cast %scan3A_310 : i32 to index
      %get3A_315 = arith.constant 0 : index
      %get3A_316 = tpu.vector_load %arg15[%get3A_314, %get3A_315] {strides = array<i32>} : memref<128x64xf32, #tpu.memory_space<vmem>>, vector<1x16xf32>,
      %get3A_317 = vector.shape_cast %get3A_316 : vector<1x16xf32> to vector<16xf32>
      %get3A_318 = arith.index_cast %scan3A_310 : i32 to index
      %get3A_319 = arith.constant 0 : index
      %get3A_320 = tpu.vector_load %arg16[%get3A_318, %get3A_319] {strides = array<i32>} : memref<128x64xf32, #tpu.memory_space<vmem>>, vector<1x16xf32>,
      %get3A_321 = vector.shape_cast %get3A_320 : vector<1x16xf32> to vector<16xf32>
      %sub3A = arith.subf %get3A_317, %get3A_321 : vector<16xf32>
      %get3A_322 = arith.index_cast %scan3A_310 : i32 to index
      %get3A_323 = arith.constant 0 : index
      %get3A_324 = tpu.vector_load %arg17[%get3A_322, %get3A_323] {strides = array<i32>} : memref<128x64xf32, #tpu.memory_space<vmem>>, vector<1x16xf32>,
      %get3A_325 = vector.shape_cast %get3A_324 : vector<1x16xf32> to vector<16xf32>
      %mul3A_326 = vector.broadcast %squeeze3A : f32 to vector<16xf32>
      %mul3A_327 = arith.mulf %mul3A_326, %get3A_325 : vector<16xf32>
      %sub3A_328 = arith.subf %sub3A, %mul3A_327 : vector<16xf32>
      %mul3A_329 = arith.mulf %sub3A_328, %sub3A_328 : vector<16xf32>
      %add3A_330 = arith.addf %scan3A_311, %mul3A_329 : vector<16xf32>
      %get3A_331 = arith.index_cast %scan3A_310 : i32 to index
      %get3A_332 = arith.constant 16 : index
      %get3A_333 = tpu.vector_load %arg15[%get3A_331, %get3A_332] {strides = array<i32>} : memref<128x64xf32, #tpu.memory_space<vmem>>, vector<1x16xf32>,
      %get3A_334 = vector.shape_cast %get3A_333 : vector<1x16xf32> to vector<16xf32>
      %get3A_335 = arith.index_cast %scan3A_310 : i32 to index
      %get3A_336 = arith.constant 16 : index
      %get3A_337 = tpu.vector_load %arg16[%get3A_335, %get3A_336] {strides = array<i32>} : memref<128x64xf32, #tpu.memory_space<vmem>>, vector<1x16xf32>,
      %get3A_338 = vector.shape_cast %get3A_337 : vector<1x16xf32> to vector<16xf32>
      %sub3A_339 = arith.subf %get3A_334, %get3A_338 : vector<16xf32>
      %get3A_340 = arith.index_cast %scan3A_310 : i32 to index
      %get3A_341 = arith.constant 16 : index
      %get3A_342 = tpu.vector_load %arg17[%get3A_340, %get3A_341] {strides = array<i32>} : memref<128x64xf32, #tpu.memory_space<vmem>>, vector<1x16xf32>,
      %get3A_343 = vector.shape_cast %get3A_342 : vector<1x16xf32> to vector<16xf32>
      %mul3A_344 = vector.broadcast %squeeze3A : f32 to vector<16xf32>
      %mul3A_345 = arith.mulf %mul3A_344, %get3A_343 : vector<16xf32>
      %sub3A_346 = arith.subf %sub3A_339, %mul3A_345 : vector<16xf32>
      %mul3A_347 = arith.mulf %sub3A_346, %sub3A_346 : vector<16xf32>
      %add3A_348 = arith.addf %add3A_330, %mul3A_347 : vector<16xf32>
      %get3A_349 = arith.index_cast %scan3A_310 : i32 to index
      %get3A_350 = arith.constant 32 : index
      %get3A_351 = tpu.vector_load %arg15[%get3A_349, %get3A_350] {strides = array<i32>} : memref<128x64xf32, #tpu.memory_space<vmem>>, vector<1x16xf32>,
      %get3A_352 = vector.shape_cast %get3A_351 : vector<1x16xf32> to vector<16xf32>
      %get3A_353 = arith.index_cast %scan3A_310 : i32 to index
      %get3A_354 = arith.constant 32 : index
      %get3A_355 = tpu.vector_load %arg16[%get3A_353, %get3A_354] {strides = array<i32>} : memref<128x64xf32, #tpu.memory_space<vmem>>, vector<1x16xf32>,
      %get3A_356 = vector.shape_cast %get3A_355 : vector<1x16xf32> to vector<16xf32>
      %sub3A_357 = arith.subf %get3A_352, %get3A_356 : vector<16xf32>
      %get3A_358 = arith.index_cast %scan3A_310 : i32 to index
      %get3A_359 = arith.constant 32 : index
      %get3A_360 = tpu.vector_load %arg17[%get3A_358, %get3A_359] {strides = array<i32>} : memref<128x64xf32, #tpu.memory_space<vmem>>, vector<1x16xf32>,
      %get3A_361 = vector.shape_cast %get3A_360 : vector<1x16xf32> to vector<16xf32>
      %mul3A_362 = vector.broadcast %squeeze3A : f32 to vector<16xf32>
      %mul3A_363 = arith.mulf %mul3A_362, %get3A_361 : vector<16xf32>
      %sub3A_364 = arith.subf %sub3A_357, %mul3A_363 : vector<16xf32>
      %mul3A_365 = arith.mulf %sub3A_364, %sub3A_364 : vector<16xf32>
      %add3A_366 = arith.addf %add3A_348, %mul3A_365 : vector<16xf32>
      %get3A_367 = arith.index_cast %scan3A_310 : i32 to index
      %get3A_368 = arith.constant 48 : index
      %get3A_369 = tpu.vector_load %arg15[%get3A_367, %get3A_368] {strides = array<i32>} : memref<128x64xf32, #tpu.memory_space<vmem>>, vector<1x16xf32>,
      %get3A_370 = vector.shape_cast %get3A_369 : vector<1x16xf32> to vector<16xf32>
      %get3A_371 = arith.index_cast %scan3A_310 : i32 to index
      %get3A_372 = arith.constant 48 : index
      %get3A_373 = tpu.vector_load %arg16[%get3A_371, %get3A_372] {strides = array<i32>} : memref<128x64xf32, #tpu.memory_space<vmem>>, vector<1x16xf32>,
      %get3A_374 = vector.shape_cast %get3A_373 : vector<1x16xf32> to vector<16xf32>
      %sub3A_375 = arith.subf %get3A_370, %get3A_374 : vector<16xf32>
      %get3A_376 = arith.index_cast %scan3A_310 : i32 to index
      %get3A_377 = arith.constant 48 : index
      %get3A_378 = tpu.vector_load %arg17[%get3A_376, %get3A_377] {strides = array<i32>} : memref<128x64xf32, #tpu.memory_space<vmem>>, vector<1x16xf32>,
      %get3A_379 = vector.shape_cast %get3A_378 : vector<1x16xf32> to vector<16xf32>
      %mul3A_380 = vector.broadcast %squeeze3A : f32 to vector<16xf32>
      %mul3A_381 = arith.mulf %mul3A_380, %get3A_379 : vector<16xf32>
      %sub3A_382 = arith.subf %sub3A_375, %mul3A_381 : vector<16xf32>
      %mul3A_383 = arith.mulf %sub3A_382, %sub3A_382 : vector<16xf32>
      %add3A_384 = arith.addf %add3A_366, %mul3A_383 : vector<16xf32>
      scf.yield %add3A_384 : vector<16xf32>
    }
    %scan3A_267 = arith.constant 128 : i32
    %add3A_268 = arith.constant 768 : i32
    %add3A_269 = arith.addi %mul3A_0, %add3A_268 : i32
    "tpu.region"() ({
      %run_scoped3A_310 = tpu.sem_alloc : memref<!tpu.dma_semaphore, #tpu.memory_space<semaphore_mem>>
      %dma_start3A = arith.constant 0 : i32
      %dma_start3A_311 = tpu.memref_slice %arg3[%add3A_269, %dma_start3A] : memref<16384x64xf32, #tpu.memory_space<hbm>> -> memref<128x64xf32, #tpu.memory_space<hbm>>
      %dma_start3A_312 = arith.constant 0 : i32
      %dma_start3A_313 = tpu.memref_slice %arg3[%add3A_269, %dma_start3A_312] : memref<16384x64xf32, #tpu.memory_space<hbm>> -> memref<128x64xf32, #tpu.memory_space<hbm>>
      tpu.enqueue_dma source(%dma_start3A_313 : memref<128x64xf32, #tpu.memory_space<hbm>>) target(%arg15 : memref<128x64xf32, #tpu.memory_space<vmem>>) target_semaphore(%run_scoped3A_310 : memref<!tpu.dma_semaphore, #tpu.memory_space<semaphore_mem>>)
      %dma_wait3A = arith.constant 0 : i32
      %dma_wait3A_314 = tpu.memref_slice %arg3[%add3A_269, %dma_wait3A] : memref<16384x64xf32, #tpu.memory_space<hbm>> -> memref<128x64xf32, #tpu.memory_space<hbm>>
      %dma_wait3A_315 = arith.constant 0 : i32
      %dma_wait3A_316 = tpu.memref_slice %arg3[%add3A_269, %dma_wait3A_315] : memref<16384x64xf32, #tpu.memory_space<hbm>> -> memref<128x64xf32, #tpu.memory_space<hbm>>
      tpu.wait_dma2 semaphore(%run_scoped3A_310 : memref<!tpu.dma_semaphore, #tpu.memory_space<semaphore_mem>>) src(%dma_wait3A_316 : memref<128x64xf32, #tpu.memory_space<hbm>>) dst(%arg15 : memref<128x64xf32, #tpu.memory_space<vmem>>)
      tpu.yield
    }) : () -> ()
    %run_scoped3A_270 = arith.constant 6 : i32
    "tpu.region"() ({
      %run_scoped3A_310 = tpu.sem_alloc : memref<!tpu.dma_semaphore, #tpu.memory_space<semaphore_mem>>
      %dma_start3A = arith.constant 0 : i32
      %dma_start3A_311 = tpu.memref_slice %arg13[%run_scoped3A_270, %dma_start3A] : memref<8x128xi32, #tpu.memory_space<vmem>> -> memref<1x128xi32, #tpu.memory_space<vmem>>
      %dma_start3A_312 = tpu.memref_squeeze %dma_start3A_311 : memref<1x128xi32, #tpu.memory_space<vmem>> -> memref<128xi32, #tpu.memory_space<vmem>>
      %dma_start3A_313 = arith.constant 0 : i32
      %dma_start3A_314 = arith.constant 0 : i32
      %dma_start3A_315 = tpu.memref_slice %arg4[%dma_start3A_313, %dma_start3A_314] : memref<1000000x64xf32, #tpu.memory_space<hbm>> -> memref<1000000x64xf32, #tpu.memory_space<hbm>>
      tpu.enqueue_indirect_dma source(%dma_start3A_315 : memref<1000000x64xf32, #tpu.memory_space<hbm>>) target(%arg16 : memref<128x64xf32, #tpu.memory_space<vmem>>) offsets(%dma_start3A_312 : memref<128xi32, #tpu.memory_space<vmem>>) semaphore(%run_scoped3A_310 : memref<!tpu.dma_semaphore, #tpu.memory_space<semaphore_mem>>)
      %dma_wait3A = arith.constant 0 : i32
      %dma_wait3A_316 = tpu.memref_slice %arg13[%run_scoped3A_270, %dma_wait3A] : memref<8x128xi32, #tpu.memory_space<vmem>> -> memref<1x128xi32, #tpu.memory_space<vmem>>
      %dma_wait3A_317 = tpu.memref_squeeze %dma_wait3A_316 : memref<1x128xi32, #tpu.memory_space<vmem>> -> memref<128xi32, #tpu.memory_space<vmem>>
      %dma_wait3A_318 = arith.constant 0 : i32
      %dma_wait3A_319 = arith.constant 0 : i32
      %dma_wait3A_320 = tpu.memref_slice %arg4[%dma_wait3A_318, %dma_wait3A_319] : memref<1000000x64xf32, #tpu.memory_space<hbm>> -> memref<1000000x64xf32, #tpu.memory_space<hbm>>
      tpu.wait_indirect_dma semaphore(%run_scoped3A_310 : memref<!tpu.dma_semaphore, #tpu.memory_space<semaphore_mem>>) src(%dma_wait3A_320 : memref<1000000x64xf32, #tpu.memory_space<hbm>>) dst(%arg16 : memref<128x64xf32, #tpu.memory_space<vmem>>)
      tpu.yield
    }) : () -> ()
    %run_scoped3A_271 = arith.constant 6 : i32
    "tpu.region"() ({
      %run_scoped3A_310 = tpu.sem_alloc : memref<!tpu.dma_semaphore, #tpu.memory_space<semaphore_mem>>
      %dma_start3A = arith.constant 0 : i32
      %dma_start3A_311 = tpu.memref_slice %arg14[%run_scoped3A_271, %dma_start3A] : memref<8x128xi32, #tpu.memory_space<vmem>> -> memref<1x128xi32, #tpu.memory_space<vmem>>
      %dma_start3A_312 = tpu.memref_squeeze %dma_start3A_311 : memref<1x128xi32, #tpu.memory_space<vmem>> -> memref<128xi32, #tpu.memory_space<vmem>>
      %dma_start3A_313 = arith.constant 0 : i32
      %dma_start3A_314 = arith.constant 0 : i32
      %dma_start3A_315 = tpu.memref_slice %arg10[%dma_start3A_313, %dma_start3A_314] : memref<16384x64xf32, #tpu.memory_space<vmem_shared>> -> memref<16384x64xf32, #tpu.memory_space<vmem_shared>>
      tpu.enqueue_indirect_dma source(%dma_start3A_315 : memref<16384x64xf32, #tpu.memory_space<vmem_shared>>) target(%arg17 : memref<128x64xf32, #tpu.memory_space<vmem>>) offsets(%dma_start3A_312 : memref<128xi32, #tpu.memory_space<vmem>>) semaphore(%run_scoped3A_310 : memref<!tpu.dma_semaphore, #tpu.memory_space<semaphore_mem>>)
      %dma_wait3A = arith.constant 0 : i32
      %dma_wait3A_316 = tpu.memref_slice %arg14[%run_scoped3A_271, %dma_wait3A] : memref<8x128xi32, #tpu.memory_space<vmem>> -> memref<1x128xi32, #tpu.memory_space<vmem>>
      %dma_wait3A_317 = tpu.memref_squeeze %dma_wait3A_316 : memref<1x128xi32, #tpu.memory_space<vmem>> -> memref<128xi32, #tpu.memory_space<vmem>>
      %dma_wait3A_318 = arith.constant 0 : i32
      %dma_wait3A_319 = arith.constant 0 : i32
      %dma_wait3A_320 = tpu.memref_slice %arg10[%dma_wait3A_318, %dma_wait3A_319] : memref<16384x64xf32, #tpu.memory_space<vmem_shared>> -> memref<16384x64xf32, #tpu.memory_space<vmem_shared>>
      tpu.wait_indirect_dma semaphore(%run_scoped3A_310 : memref<!tpu.dma_semaphore, #tpu.memory_space<semaphore_mem>>) src(%dma_wait3A_320 : memref<16384x64xf32, #tpu.memory_space<vmem_shared>>) dst(%arg17 : memref<128x64xf32, #tpu.memory_space<vmem>>)
      tpu.yield
    }) : () -> ()
    %run_scoped3A_272 = arith.constant 6 : i32
    "tpu.region"() ({
      %run_scoped3A_310 = tpu.sem_alloc : memref<!tpu.dma_semaphore, #tpu.memory_space<semaphore_mem>>
      %dma_start3A = arith.constant 0 : i32
      %dma_start3A_311 = tpu.memref_slice %arg14[%run_scoped3A_272, %dma_start3A] : memref<8x128xi32, #tpu.memory_space<vmem>> -> memref<1x128xi32, #tpu.memory_space<vmem>>
      %dma_start3A_312 = tpu.memref_squeeze %dma_start3A_311 : memref<1x128xi32, #tpu.memory_space<vmem>> -> memref<128xi32, #tpu.memory_space<vmem>>
      %dma_start3A_313 = arith.constant 0 : i32
      %dma_start3A_314 = tpu.memref_slice %arg11[%dma_start3A_313] : memref<16384xf32, #tpu.memory_space<vmem_shared>> -> memref<16384xf32, #tpu.memory_space<vmem_shared>>
      tpu.enqueue_indirect_dma source(%dma_start3A_314 : memref<16384xf32, #tpu.memory_space<vmem_shared>>) target(%arg18 : memref<128xf32, #tpu.memory_space<vmem>>) offsets(%dma_start3A_312 : memref<128xi32, #tpu.memory_space<vmem>>) semaphore(%run_scoped3A_310 : memref<!tpu.dma_semaphore, #tpu.memory_space<semaphore_mem>>)
      %dma_wait3A = arith.constant 0 : i32
      %dma_wait3A_315 = tpu.memref_slice %arg14[%run_scoped3A_272, %dma_wait3A] : memref<8x128xi32, #tpu.memory_space<vmem>> -> memref<1x128xi32, #tpu.memory_space<vmem>>
      %dma_wait3A_316 = tpu.memref_squeeze %dma_wait3A_315 : memref<1x128xi32, #tpu.memory_space<vmem>> -> memref<128xi32, #tpu.memory_space<vmem>>
      %dma_wait3A_317 = arith.constant 0 : i32
      %dma_wait3A_318 = tpu.memref_slice %arg11[%dma_wait3A_317] : memref<16384xf32, #tpu.memory_space<vmem_shared>> -> memref<16384xf32, #tpu.memory_space<vmem_shared>>
      tpu.wait_indirect_dma semaphore(%run_scoped3A_310 : memref<!tpu.dma_semaphore, #tpu.memory_space<semaphore_mem>>) src(%dma_wait3A_318 : memref<16384xf32, #tpu.memory_space<vmem_shared>>) dst(%arg18 : memref<128xf32, #tpu.memory_space<vmem>>)
      tpu.yield
    }) : () -> ()
    %scan3A_273 = arith.constant 0 : i32
    %scan3A_274 = arith.constant 0 : i32
    %scan3A_275 = arith.constant 8 : i32
    %scan3A_276 = arith.addi %scan3A_274, %scan3A_275 : i32
    %scan3A_277 = arith.constant 1 : i32
    %scan3A_278 = scf.for %scan3A_310 = %scan3A_274 to %scan3A_276 step %scan3A_277 iter_args(%scan3A_311 = %scan3A_273) -> (i32)  : i32 {
      %mul3A_312 = arith.constant 16 : i32
      %mul3A_313 = arith.muli %scan3A_310, %mul3A_312 : i32
      %get3A = arith.index_cast %mul3A_313 : i32 to index
      %get3A_314 = tpu.vector_load %arg18[%get3A] {strides = array<i32>} : memref<128xf32, #tpu.memory_space<vmem>>, vector<16xf32>,
      %get3A_315 = vector.shape_cast %get3A_314 : vector<16xf32> to vector<16xf32>
      %add3A_316 = arith.constant 1.000000e+00 : f32
      %add3A_317 = vector.broadcast %add3A_316 : f32 to vector<16xf32>
      %add3A_318 = arith.addf %get3A_315, %add3A_317 : vector<16xf32>
      %div3A = arith.constant 5.000000e-01 : f32
      %div3A_319 = vector.broadcast %div3A : f32 to vector<16xf32>
      %div3A_320 = arith.divf %div3A_319, %add3A_318 : vector<16xf32>
      %swap3A_321 = arith.index_cast %mul3A_313 : i32 to index
      %swap3A_322 = tpu.vector_load %arg19[%swap3A_321] {strides = array<i32>} : memref<144xf32, #tpu.memory_space<vmem>>, vector<16xf32>,
      %swap3A_323 = vector.shape_cast %swap3A_322 : vector<16xf32> to vector<16xf32>
      %swap3A_324 = vector.shape_cast %div3A_320 : vector<16xf32> to vector<16xf32>
      tpu.vector_store %arg19[%swap3A_321], %swap3A_324 {strides = array<i32>} : memref<144xf32, #tpu.memory_space<vmem>>, vector<16xf32>,
      %scan3A_325 = arith.constant 0 : i32
      scf.yield %scan3A_325 : i32
    }
    %scan3A_279 = arith.constant 8 : i32
    %scan3A_280 = arith.constant 0 : i32
    %scan3A_281 = arith.constant 128 : i32
    %scan3A_282 = arith.addi %scan3A_280, %scan3A_281 : i32
    %scan3A_283 = arith.constant 1 : i32
    %scan3A_284 = scf.for %scan3A_310 = %scan3A_280 to %scan3A_282 step %scan3A_283 iter_args(%scan3A_311 = %scan3A_266) -> (vector<16xf32>)  : i32 {
      %get3A = arith.index_cast %scan3A_310 : i32 to index
      %get3A_312 = tpu.vector_load %arg19[%get3A] {strides = array<i32>} : memref<144xf32, #tpu.memory_space<vmem>>, vector<16xf32>,
      %get3A_313 = vector.shape_cast %get3A_312 : vector<16xf32> to vector<16xf32>
      %slice3A = vector.extract_strided_slice %get3A_313 {offsets = [0], sizes = [1], strides = [1]} : vector<16xf32> to vector<1xf32>
      %squeeze3A = vector.extract %slice3A[0] : f32 from vector<1xf32>
      %get3A_314 = arith.index_cast %scan3A_310 : i32 to index
      %get3A_315 = arith.constant 0 : index
      %get3A_316 = tpu.vector_load %arg15[%get3A_314, %get3A_315] {strides = array<i32>} : memref<128x64xf32, #tpu.memory_space<vmem>>, vector<1x16xf32>,
      %get3A_317 = vector.shape_cast %get3A_316 : vector<1x16xf32> to vector<16xf32>
      %get3A_318 = arith.index_cast %scan3A_310 : i32 to index
      %get3A_319 = arith.constant 0 : index
      %get3A_320 = tpu.vector_load %arg16[%get3A_318, %get3A_319] {strides = array<i32>} : memref<128x64xf32, #tpu.memory_space<vmem>>, vector<1x16xf32>,
      %get3A_321 = vector.shape_cast %get3A_320 : vector<1x16xf32> to vector<16xf32>
      %sub3A = arith.subf %get3A_317, %get3A_321 : vector<16xf32>
      %get3A_322 = arith.index_cast %scan3A_310 : i32 to index
      %get3A_323 = arith.constant 0 : index
      %get3A_324 = tpu.vector_load %arg17[%get3A_322, %get3A_323] {strides = array<i32>} : memref<128x64xf32, #tpu.memory_space<vmem>>, vector<1x16xf32>,
      %get3A_325 = vector.shape_cast %get3A_324 : vector<1x16xf32> to vector<16xf32>
      %mul3A_326 = vector.broadcast %squeeze3A : f32 to vector<16xf32>
      %mul3A_327 = arith.mulf %mul3A_326, %get3A_325 : vector<16xf32>
      %sub3A_328 = arith.subf %sub3A, %mul3A_327 : vector<16xf32>
      %mul3A_329 = arith.mulf %sub3A_328, %sub3A_328 : vector<16xf32>
      %add3A_330 = arith.addf %scan3A_311, %mul3A_329 : vector<16xf32>
      %get3A_331 = arith.index_cast %scan3A_310 : i32 to index
      %get3A_332 = arith.constant 16 : index
      %get3A_333 = tpu.vector_load %arg15[%get3A_331, %get3A_332] {strides = array<i32>} : memref<128x64xf32, #tpu.memory_space<vmem>>, vector<1x16xf32>,
      %get3A_334 = vector.shape_cast %get3A_333 : vector<1x16xf32> to vector<16xf32>
      %get3A_335 = arith.index_cast %scan3A_310 : i32 to index
      %get3A_336 = arith.constant 16 : index
      %get3A_337 = tpu.vector_load %arg16[%get3A_335, %get3A_336] {strides = array<i32>} : memref<128x64xf32, #tpu.memory_space<vmem>>, vector<1x16xf32>,
      %get3A_338 = vector.shape_cast %get3A_337 : vector<1x16xf32> to vector<16xf32>
      %sub3A_339 = arith.subf %get3A_334, %get3A_338 : vector<16xf32>
      %get3A_340 = arith.index_cast %scan3A_310 : i32 to index
      %get3A_341 = arith.constant 16 : index
      %get3A_342 = tpu.vector_load %arg17[%get3A_340, %get3A_341] {strides = array<i32>} : memref<128x64xf32, #tpu.memory_space<vmem>>, vector<1x16xf32>,
      %get3A_343 = vector.shape_cast %get3A_342 : vector<1x16xf32> to vector<16xf32>
      %mul3A_344 = vector.broadcast %squeeze3A : f32 to vector<16xf32>
      %mul3A_345 = arith.mulf %mul3A_344, %get3A_343 : vector<16xf32>
      %sub3A_346 = arith.subf %sub3A_339, %mul3A_345 : vector<16xf32>
      %mul3A_347 = arith.mulf %sub3A_346, %sub3A_346 : vector<16xf32>
      %add3A_348 = arith.addf %add3A_330, %mul3A_347 : vector<16xf32>
      %get3A_349 = arith.index_cast %scan3A_310 : i32 to index
      %get3A_350 = arith.constant 32 : index
      %get3A_351 = tpu.vector_load %arg15[%get3A_349, %get3A_350] {strides = array<i32>} : memref<128x64xf32, #tpu.memory_space<vmem>>, vector<1x16xf32>,
      %get3A_352 = vector.shape_cast %get3A_351 : vector<1x16xf32> to vector<16xf32>
      %get3A_353 = arith.index_cast %scan3A_310 : i32 to index
      %get3A_354 = arith.constant 32 : index
      %get3A_355 = tpu.vector_load %arg16[%get3A_353, %get3A_354] {strides = array<i32>} : memref<128x64xf32, #tpu.memory_space<vmem>>, vector<1x16xf32>,
      %get3A_356 = vector.shape_cast %get3A_355 : vector<1x16xf32> to vector<16xf32>
      %sub3A_357 = arith.subf %get3A_352, %get3A_356 : vector<16xf32>
      %get3A_358 = arith.index_cast %scan3A_310 : i32 to index
      %get3A_359 = arith.constant 32 : index
      %get3A_360 = tpu.vector_load %arg17[%get3A_358, %get3A_359] {strides = array<i32>} : memref<128x64xf32, #tpu.memory_space<vmem>>, vector<1x16xf32>,
      %get3A_361 = vector.shape_cast %get3A_360 : vector<1x16xf32> to vector<16xf32>
      %mul3A_362 = vector.broadcast %squeeze3A : f32 to vector<16xf32>
      %mul3A_363 = arith.mulf %mul3A_362, %get3A_361 : vector<16xf32>
      %sub3A_364 = arith.subf %sub3A_357, %mul3A_363 : vector<16xf32>
      %mul3A_365 = arith.mulf %sub3A_364, %sub3A_364 : vector<16xf32>
      %add3A_366 = arith.addf %add3A_348, %mul3A_365 : vector<16xf32>
      %get3A_367 = arith.index_cast %scan3A_310 : i32 to index
      %get3A_368 = arith.constant 48 : index
      %get3A_369 = tpu.vector_load %arg15[%get3A_367, %get3A_368] {strides = array<i32>} : memref<128x64xf32, #tpu.memory_space<vmem>>, vector<1x16xf32>,
      %get3A_370 = vector.shape_cast %get3A_369 : vector<1x16xf32> to vector<16xf32>
      %get3A_371 = arith.index_cast %scan3A_310 : i32 to index
      %get3A_372 = arith.constant 48 : index
      %get3A_373 = tpu.vector_load %arg16[%get3A_371, %get3A_372] {strides = array<i32>} : memref<128x64xf32, #tpu.memory_space<vmem>>, vector<1x16xf32>,
      %get3A_374 = vector.shape_cast %get3A_373 : vector<1x16xf32> to vector<16xf32>
      %sub3A_375 = arith.subf %get3A_370, %get3A_374 : vector<16xf32>
      %get3A_376 = arith.index_cast %scan3A_310 : i32 to index
      %get3A_377 = arith.constant 48 : index
      %get3A_378 = tpu.vector_load %arg17[%get3A_376, %get3A_377] {strides = array<i32>} : memref<128x64xf32, #tpu.memory_space<vmem>>, vector<1x16xf32>,
      %get3A_379 = vector.shape_cast %get3A_378 : vector<1x16xf32> to vector<16xf32>
      %mul3A_380 = vector.broadcast %squeeze3A : f32 to vector<16xf32>
      %mul3A_381 = arith.mulf %mul3A_380, %get3A_379 : vector<16xf32>
      %sub3A_382 = arith.subf %sub3A_375, %mul3A_381 : vector<16xf32>
      %mul3A_383 = arith.mulf %sub3A_382, %sub3A_382 : vector<16xf32>
      %add3A_384 = arith.addf %add3A_366, %mul3A_383 : vector<16xf32>
      scf.yield %add3A_384 : vector<16xf32>
    }
    %scan3A_285 = arith.constant 128 : i32
    %add3A_286 = arith.constant 896 : i32
    %add3A_287 = arith.addi %mul3A_0, %add3A_286 : i32
    "tpu.region"() ({
      %run_scoped3A_310 = tpu.sem_alloc : memref<!tpu.dma_semaphore, #tpu.memory_space<semaphore_mem>>
      %dma_start3A = arith.constant 0 : i32
      %dma_start3A_311 = tpu.memref_slice %arg3[%add3A_287, %dma_start3A] : memref<16384x64xf32, #tpu.memory_space<hbm>> -> memref<128x64xf32, #tpu.memory_space<hbm>>
      %dma_start3A_312 = arith.constant 0 : i32
      %dma_start3A_313 = tpu.memref_slice %arg3[%add3A_287, %dma_start3A_312] : memref<16384x64xf32, #tpu.memory_space<hbm>> -> memref<128x64xf32, #tpu.memory_space<hbm>>
      tpu.enqueue_dma source(%dma_start3A_313 : memref<128x64xf32, #tpu.memory_space<hbm>>) target(%arg15 : memref<128x64xf32, #tpu.memory_space<vmem>>) target_semaphore(%run_scoped3A_310 : memref<!tpu.dma_semaphore, #tpu.memory_space<semaphore_mem>>)
      %dma_wait3A = arith.constant 0 : i32
      %dma_wait3A_314 = tpu.memref_slice %arg3[%add3A_287, %dma_wait3A] : memref<16384x64xf32, #tpu.memory_space<hbm>> -> memref<128x64xf32, #tpu.memory_space<hbm>>
      %dma_wait3A_315 = arith.constant 0 : i32
      %dma_wait3A_316 = tpu.memref_slice %arg3[%add3A_287, %dma_wait3A_315] : memref<16384x64xf32, #tpu.memory_space<hbm>> -> memref<128x64xf32, #tpu.memory_space<hbm>>
      tpu.wait_dma2 semaphore(%run_scoped3A_310 : memref<!tpu.dma_semaphore, #tpu.memory_space<semaphore_mem>>) src(%dma_wait3A_316 : memref<128x64xf32, #tpu.memory_space<hbm>>) dst(%arg15 : memref<128x64xf32, #tpu.memory_space<vmem>>)
      tpu.yield
    }) : () -> ()
    %run_scoped3A_288 = arith.constant 7 : i32
    "tpu.region"() ({
      %run_scoped3A_310 = tpu.sem_alloc : memref<!tpu.dma_semaphore, #tpu.memory_space<semaphore_mem>>
      %dma_start3A = arith.constant 0 : i32
      %dma_start3A_311 = tpu.memref_slice %arg13[%run_scoped3A_288, %dma_start3A] : memref<8x128xi32, #tpu.memory_space<vmem>> -> memref<1x128xi32, #tpu.memory_space<vmem>>
      %dma_start3A_312 = tpu.memref_squeeze %dma_start3A_311 : memref<1x128xi32, #tpu.memory_space<vmem>> -> memref<128xi32, #tpu.memory_space<vmem>>
      %dma_start3A_313 = arith.constant 0 : i32
      %dma_start3A_314 = arith.constant 0 : i32
      %dma_start3A_315 = tpu.memref_slice %arg4[%dma_start3A_313, %dma_start3A_314] : memref<1000000x64xf32, #tpu.memory_space<hbm>> -> memref<1000000x64xf32, #tpu.memory_space<hbm>>
      tpu.enqueue_indirect_dma source(%dma_start3A_315 : memref<1000000x64xf32, #tpu.memory_space<hbm>>) target(%arg16 : memref<128x64xf32, #tpu.memory_space<vmem>>) offsets(%dma_start3A_312 : memref<128xi32, #tpu.memory_space<vmem>>) semaphore(%run_scoped3A_310 : memref<!tpu.dma_semaphore, #tpu.memory_space<semaphore_mem>>)
      %dma_wait3A = arith.constant 0 : i32
      %dma_wait3A_316 = tpu.memref_slice %arg13[%run_scoped3A_288, %dma_wait3A] : memref<8x128xi32, #tpu.memory_space<vmem>> -> memref<1x128xi32, #tpu.memory_space<vmem>>
      %dma_wait3A_317 = tpu.memref_squeeze %dma_wait3A_316 : memref<1x128xi32, #tpu.memory_space<vmem>> -> memref<128xi32, #tpu.memory_space<vmem>>
      %dma_wait3A_318 = arith.constant 0 : i32
      %dma_wait3A_319 = arith.constant 0 : i32
      %dma_wait3A_320 = tpu.memref_slice %arg4[%dma_wait3A_318, %dma_wait3A_319] : memref<1000000x64xf32, #tpu.memory_space<hbm>> -> memref<1000000x64xf32, #tpu.memory_space<hbm>>
      tpu.wait_indirect_dma semaphore(%run_scoped3A_310 : memref<!tpu.dma_semaphore, #tpu.memory_space<semaphore_mem>>) src(%dma_wait3A_320 : memref<1000000x64xf32, #tpu.memory_space<hbm>>) dst(%arg16 : memref<128x64xf32, #tpu.memory_space<vmem>>)
      tpu.yield
    }) : () -> ()
    %run_scoped3A_289 = arith.constant 7 : i32
    "tpu.region"() ({
      %run_scoped3A_310 = tpu.sem_alloc : memref<!tpu.dma_semaphore, #tpu.memory_space<semaphore_mem>>
      %dma_start3A = arith.constant 0 : i32
      %dma_start3A_311 = tpu.memref_slice %arg14[%run_scoped3A_289, %dma_start3A] : memref<8x128xi32, #tpu.memory_space<vmem>> -> memref<1x128xi32, #tpu.memory_space<vmem>>
      %dma_start3A_312 = tpu.memref_squeeze %dma_start3A_311 : memref<1x128xi32, #tpu.memory_space<vmem>> -> memref<128xi32, #tpu.memory_space<vmem>>
      %dma_start3A_313 = arith.constant 0 : i32
      %dma_start3A_314 = arith.constant 0 : i32
      %dma_start3A_315 = tpu.memref_slice %arg10[%dma_start3A_313, %dma_start3A_314] : memref<16384x64xf32, #tpu.memory_space<vmem_shared>> -> memref<16384x64xf32, #tpu.memory_space<vmem_shared>>
      tpu.enqueue_indirect_dma source(%dma_start3A_315 : memref<16384x64xf32, #tpu.memory_space<vmem_shared>>) target(%arg17 : memref<128x64xf32, #tpu.memory_space<vmem>>) offsets(%dma_start3A_312 : memref<128xi32, #tpu.memory_space<vmem>>) semaphore(%run_scoped3A_310 : memref<!tpu.dma_semaphore, #tpu.memory_space<semaphore_mem>>)
      %dma_wait3A = arith.constant 0 : i32
      %dma_wait3A_316 = tpu.memref_slice %arg14[%run_scoped3A_289, %dma_wait3A] : memref<8x128xi32, #tpu.memory_space<vmem>> -> memref<1x128xi32, #tpu.memory_space<vmem>>
      %dma_wait3A_317 = tpu.memref_squeeze %dma_wait3A_316 : memref<1x128xi32, #tpu.memory_space<vmem>> -> memref<128xi32, #tpu.memory_space<vmem>>
      %dma_wait3A_318 = arith.constant 0 : i32
      %dma_wait3A_319 = arith.constant 0 : i32
      %dma_wait3A_320 = tpu.memref_slice %arg10[%dma_wait3A_318, %dma_wait3A_319] : memref<16384x64xf32, #tpu.memory_space<vmem_shared>> -> memref<16384x64xf32, #tpu.memory_space<vmem_shared>>
      tpu.wait_indirect_dma semaphore(%run_scoped3A_310 : memref<!tpu.dma_semaphore, #tpu.memory_space<semaphore_mem>>) src(%dma_wait3A_320 : memref<16384x64xf32, #tpu.memory_space<vmem_shared>>) dst(%arg17 : memref<128x64xf32, #tpu.memory_space<vmem>>)
      tpu.yield
    }) : () -> ()
    %run_scoped3A_290 = arith.constant 7 : i32
    "tpu.region"() ({
      %run_scoped3A_310 = tpu.sem_alloc : memref<!tpu.dma_semaphore, #tpu.memory_space<semaphore_mem>>
      %dma_start3A = arith.constant 0 : i32
      %dma_start3A_311 = tpu.memref_slice %arg14[%run_scoped3A_290, %dma_start3A] : memref<8x128xi32, #tpu.memory_space<vmem>> -> memref<1x128xi32, #tpu.memory_space<vmem>>
      %dma_start3A_312 = tpu.memref_squeeze %dma_start3A_311 : memref<1x128xi32, #tpu.memory_space<vmem>> -> memref<128xi32, #tpu.memory_space<vmem>>
      %dma_start3A_313 = arith.constant 0 : i32
      %dma_start3A_314 = tpu.memref_slice %arg11[%dma_start3A_313] : memref<16384xf32, #tpu.memory_space<vmem_shared>> -> memref<16384xf32, #tpu.memory_space<vmem_shared>>
      tpu.enqueue_indirect_dma source(%dma_start3A_314 : memref<16384xf32, #tpu.memory_space<vmem_shared>>) target(%arg18 : memref<128xf32, #tpu.memory_space<vmem>>) offsets(%dma_start3A_312 : memref<128xi32, #tpu.memory_space<vmem>>) semaphore(%run_scoped3A_310 : memref<!tpu.dma_semaphore, #tpu.memory_space<semaphore_mem>>)
      %dma_wait3A = arith.constant 0 : i32
      %dma_wait3A_315 = tpu.memref_slice %arg14[%run_scoped3A_290, %dma_wait3A] : memref<8x128xi32, #tpu.memory_space<vmem>> -> memref<1x128xi32, #tpu.memory_space<vmem>>
      %dma_wait3A_316 = tpu.memref_squeeze %dma_wait3A_315 : memref<1x128xi32, #tpu.memory_space<vmem>> -> memref<128xi32, #tpu.memory_space<vmem>>
      %dma_wait3A_317 = arith.constant 0 : i32
      %dma_wait3A_318 = tpu.memref_slice %arg11[%dma_wait3A_317] : memref<16384xf32, #tpu.memory_space<vmem_shared>> -> memref<16384xf32, #tpu.memory_space<vmem_shared>>
      tpu.wait_indirect_dma semaphore(%run_scoped3A_310 : memref<!tpu.dma_semaphore, #tpu.memory_space<semaphore_mem>>) src(%dma_wait3A_318 : memref<16384xf32, #tpu.memory_space<vmem_shared>>) dst(%arg18 : memref<128xf32, #tpu.memory_space<vmem>>)
      tpu.yield
    }) : () -> ()
    %scan3A_291 = arith.constant 0 : i32
    %scan3A_292 = arith.constant 0 : i32
    %scan3A_293 = arith.constant 8 : i32
    %scan3A_294 = arith.addi %scan3A_292, %scan3A_293 : i32
    %scan3A_295 = arith.constant 1 : i32
    %scan3A_296 = scf.for %scan3A_310 = %scan3A_292 to %scan3A_294 step %scan3A_295 iter_args(%scan3A_311 = %scan3A_291) -> (i32)  : i32 {
      %mul3A_312 = arith.constant 16 : i32
      %mul3A_313 = arith.muli %scan3A_310, %mul3A_312 : i32
      %get3A = arith.index_cast %mul3A_313 : i32 to index
      %get3A_314 = tpu.vector_load %arg18[%get3A] {strides = array<i32>} : memref<128xf32, #tpu.memory_space<vmem>>, vector<16xf32>,
      %get3A_315 = vector.shape_cast %get3A_314 : vector<16xf32> to vector<16xf32>
      %add3A_316 = arith.constant 1.000000e+00 : f32
      %add3A_317 = vector.broadcast %add3A_316 : f32 to vector<16xf32>
      %add3A_318 = arith.addf %get3A_315, %add3A_317 : vector<16xf32>
      %div3A = arith.constant 5.000000e-01 : f32
      %div3A_319 = vector.broadcast %div3A : f32 to vector<16xf32>
      %div3A_320 = arith.divf %div3A_319, %add3A_318 : vector<16xf32>
      %swap3A_321 = arith.index_cast %mul3A_313 : i32 to index
      %swap3A_322 = tpu.vector_load %arg19[%swap3A_321] {strides = array<i32>} : memref<144xf32, #tpu.memory_space<vmem>>, vector<16xf32>,
      %swap3A_323 = vector.shape_cast %swap3A_322 : vector<16xf32> to vector<16xf32>
      %swap3A_324 = vector.shape_cast %div3A_320 : vector<16xf32> to vector<16xf32>
      tpu.vector_store %arg19[%swap3A_321], %swap3A_324 {strides = array<i32>} : memref<144xf32, #tpu.memory_space<vmem>>, vector<16xf32>,
      %scan3A_325 = arith.constant 0 : i32
      scf.yield %scan3A_325 : i32
    }
    %scan3A_297 = arith.constant 8 : i32
    %scan3A_298 = arith.constant 0 : i32
    %scan3A_299 = arith.constant 128 : i32
    %scan3A_300 = arith.addi %scan3A_298, %scan3A_299 : i32
    %scan3A_301 = arith.constant 1 : i32
    %scan3A_302 = scf.for %scan3A_310 = %scan3A_298 to %scan3A_300 step %scan3A_301 iter_args(%scan3A_311 = %scan3A_284) -> (vector<16xf32>)  : i32 {
      %get3A = arith.index_cast %scan3A_310 : i32 to index
      %get3A_312 = tpu.vector_load %arg19[%get3A] {strides = array<i32>} : memref<144xf32, #tpu.memory_space<vmem>>, vector<16xf32>,
      %get3A_313 = vector.shape_cast %get3A_312 : vector<16xf32> to vector<16xf32>
      %slice3A = vector.extract_strided_slice %get3A_313 {offsets = [0], sizes = [1], strides = [1]} : vector<16xf32> to vector<1xf32>
      %squeeze3A = vector.extract %slice3A[0] : f32 from vector<1xf32>
      %get3A_314 = arith.index_cast %scan3A_310 : i32 to index
      %get3A_315 = arith.constant 0 : index
      %get3A_316 = tpu.vector_load %arg15[%get3A_314, %get3A_315] {strides = array<i32>} : memref<128x64xf32, #tpu.memory_space<vmem>>, vector<1x16xf32>,
      %get3A_317 = vector.shape_cast %get3A_316 : vector<1x16xf32> to vector<16xf32>
      %get3A_318 = arith.index_cast %scan3A_310 : i32 to index
      %get3A_319 = arith.constant 0 : index
      %get3A_320 = tpu.vector_load %arg16[%get3A_318, %get3A_319] {strides = array<i32>} : memref<128x64xf32, #tpu.memory_space<vmem>>, vector<1x16xf32>,
      %get3A_321 = vector.shape_cast %get3A_320 : vector<1x16xf32> to vector<16xf32>
      %sub3A = arith.subf %get3A_317, %get3A_321 : vector<16xf32>
      %get3A_322 = arith.index_cast %scan3A_310 : i32 to index
      %get3A_323 = arith.constant 0 : index
      %get3A_324 = tpu.vector_load %arg17[%get3A_322, %get3A_323] {strides = array<i32>} : memref<128x64xf32, #tpu.memory_space<vmem>>, vector<1x16xf32>,
      %get3A_325 = vector.shape_cast %get3A_324 : vector<1x16xf32> to vector<16xf32>
      %mul3A_326 = vector.broadcast %squeeze3A : f32 to vector<16xf32>
      %mul3A_327 = arith.mulf %mul3A_326, %get3A_325 : vector<16xf32>
      %sub3A_328 = arith.subf %sub3A, %mul3A_327 : vector<16xf32>
      %mul3A_329 = arith.mulf %sub3A_328, %sub3A_328 : vector<16xf32>
      %add3A_330 = arith.addf %scan3A_311, %mul3A_329 : vector<16xf32>
      %get3A_331 = arith.index_cast %scan3A_310 : i32 to index
      %get3A_332 = arith.constant 16 : index
      %get3A_333 = tpu.vector_load %arg15[%get3A_331, %get3A_332] {strides = array<i32>} : memref<128x64xf32, #tpu.memory_space<vmem>>, vector<1x16xf32>,
      %get3A_334 = vector.shape_cast %get3A_333 : vector<1x16xf32> to vector<16xf32>
      %get3A_335 = arith.index_cast %scan3A_310 : i32 to index
      %get3A_336 = arith.constant 16 : index
      %get3A_337 = tpu.vector_load %arg16[%get3A_335, %get3A_336] {strides = array<i32>} : memref<128x64xf32, #tpu.memory_space<vmem>>, vector<1x16xf32>,
      %get3A_338 = vector.shape_cast %get3A_337 : vector<1x16xf32> to vector<16xf32>
      %sub3A_339 = arith.subf %get3A_334, %get3A_338 : vector<16xf32>
      %get3A_340 = arith.index_cast %scan3A_310 : i32 to index
      %get3A_341 = arith.constant 16 : index
      %get3A_342 = tpu.vector_load %arg17[%get3A_340, %get3A_341] {strides = array<i32>} : memref<128x64xf32, #tpu.memory_space<vmem>>, vector<1x16xf32>,
      %get3A_343 = vector.shape_cast %get3A_342 : vector<1x16xf32> to vector<16xf32>
      %mul3A_344 = vector.broadcast %squeeze3A : f32 to vector<16xf32>
      %mul3A_345 = arith.mulf %mul3A_344, %get3A_343 : vector<16xf32>
      %sub3A_346 = arith.subf %sub3A_339, %mul3A_345 : vector<16xf32>
      %mul3A_347 = arith.mulf %sub3A_346, %sub3A_346 : vector<16xf32>
      %add3A_348 = arith.addf %add3A_330, %mul3A_347 : vector<16xf32>
      %get3A_349 = arith.index_cast %scan3A_310 : i32 to index
      %get3A_350 = arith.constant 32 : index
      %get3A_351 = tpu.vector_load %arg15[%get3A_349, %get3A_350] {strides = array<i32>} : memref<128x64xf32, #tpu.memory_space<vmem>>, vector<1x16xf32>,
      %get3A_352 = vector.shape_cast %get3A_351 : vector<1x16xf32> to vector<16xf32>
      %get3A_353 = arith.index_cast %scan3A_310 : i32 to index
      %get3A_354 = arith.constant 32 : index
      %get3A_355 = tpu.vector_load %arg16[%get3A_353, %get3A_354] {strides = array<i32>} : memref<128x64xf32, #tpu.memory_space<vmem>>, vector<1x16xf32>,
      %get3A_356 = vector.shape_cast %get3A_355 : vector<1x16xf32> to vector<16xf32>
      %sub3A_357 = arith.subf %get3A_352, %get3A_356 : vector<16xf32>
      %get3A_358 = arith.index_cast %scan3A_310 : i32 to index
      %get3A_359 = arith.constant 32 : index
      %get3A_360 = tpu.vector_load %arg17[%get3A_358, %get3A_359] {strides = array<i32>} : memref<128x64xf32, #tpu.memory_space<vmem>>, vector<1x16xf32>,
      %get3A_361 = vector.shape_cast %get3A_360 : vector<1x16xf32> to vector<16xf32>
      %mul3A_362 = vector.broadcast %squeeze3A : f32 to vector<16xf32>
      %mul3A_363 = arith.mulf %mul3A_362, %get3A_361 : vector<16xf32>
      %sub3A_364 = arith.subf %sub3A_357, %mul3A_363 : vector<16xf32>
      %mul3A_365 = arith.mulf %sub3A_364, %sub3A_364 : vector<16xf32>
      %add3A_366 = arith.addf %add3A_348, %mul3A_365 : vector<16xf32>
      %get3A_367 = arith.index_cast %scan3A_310 : i32 to index
      %get3A_368 = arith.constant 48 : index
      %get3A_369 = tpu.vector_load %arg15[%get3A_367, %get3A_368] {strides = array<i32>} : memref<128x64xf32, #tpu.memory_space<vmem>>, vector<1x16xf32>,
      %get3A_370 = vector.shape_cast %get3A_369 : vector<1x16xf32> to vector<16xf32>
      %get3A_371 = arith.index_cast %scan3A_310 : i32 to index
      %get3A_372 = arith.constant 48 : index
      %get3A_373 = tpu.vector_load %arg16[%get3A_371, %get3A_372] {strides = array<i32>} : memref<128x64xf32, #tpu.memory_space<vmem>>, vector<1x16xf32>,
      %get3A_374 = vector.shape_cast %get3A_373 : vector<1x16xf32> to vector<16xf32>
      %sub3A_375 = arith.subf %get3A_370, %get3A_374 : vector<16xf32>
      %get3A_376 = arith.index_cast %scan3A_310 : i32 to index
      %get3A_377 = arith.constant 48 : index
      %get3A_378 = tpu.vector_load %arg17[%get3A_376, %get3A_377] {strides = array<i32>} : memref<128x64xf32, #tpu.memory_space<vmem>>, vector<1x16xf32>,
      %get3A_379 = vector.shape_cast %get3A_378 : vector<1x16xf32> to vector<16xf32>
      %mul3A_380 = vector.broadcast %squeeze3A : f32 to vector<16xf32>
      %mul3A_381 = arith.mulf %mul3A_380, %get3A_379 : vector<16xf32>
      %sub3A_382 = arith.subf %sub3A_375, %mul3A_381 : vector<16xf32>
      %mul3A_383 = arith.mulf %sub3A_382, %sub3A_382 : vector<16xf32>
      %add3A_384 = arith.addf %add3A_366, %mul3A_383 : vector<16xf32>
      scf.yield %add3A_384 : vector<16xf32>
    }
    %scan3A_303 = arith.constant 128 : i32
    %swap3A = arith.constant 0 : index
    %swap3A_304 = tpu.vector_load %arg22[%swap3A] {strides = array<i32>} : memref<16xf32, #tpu.memory_space<vmem>>, vector<16xf32>,
    %swap3A_305 = vector.shape_cast %swap3A_304 : vector<16xf32> to vector<16xf32>
    %swap3A_306 = vector.shape_cast %scan3A_302 : vector<16xf32> to vector<16xf32>
    tpu.vector_store %arg22[%swap3A], %swap3A_306 {strides = array<i32>} : memref<16xf32, #tpu.memory_space<vmem>>, vector<16xf32>,
    "tpu.region"() ({
      %run_scoped3A_310 = tpu.sem_alloc : memref<!tpu.dma_semaphore, #tpu.memory_space<semaphore_mem>>
      %dma_start3A = arith.constant 0 : i32
      %dma_start3A_311 = tpu.memref_slice %arg12[%arg1, %dma_start3A] : memref<16x16xf32, #tpu.memory_space<vmem_shared>> -> memref<1x16xf32, #tpu.memory_space<vmem_shared>>
      %dma_start3A_312 = tpu.memref_squeeze %dma_start3A_311 : memref<1x16xf32, #tpu.memory_space<vmem_shared>> -> memref<16xf32, #tpu.memory_space<vmem_shared>>
      %dma_start3A_313 = arith.constant 0 : i32
      %dma_start3A_314 = tpu.memref_slice %arg12[%arg1, %dma_start3A_313] : memref<16x16xf32, #tpu.memory_space<vmem_shared>> -> memref<1x16xf32, #tpu.memory_space<vmem_shared>>
      %dma_start3A_315 = tpu.memref_squeeze %dma_start3A_314 : memref<1x16xf32, #tpu.memory_space<vmem_shared>> -> memref<16xf32, #tpu.memory_space<vmem_shared>>
      tpu.enqueue_dma source(%arg22 : memref<16xf32, #tpu.memory_space<vmem>>) target(%dma_start3A_315 : memref<16xf32, #tpu.memory_space<vmem_shared>>) target_semaphore(%run_scoped3A_310 : memref<!tpu.dma_semaphore, #tpu.memory_space<semaphore_mem>>)
      %dma_wait3A = arith.constant 0 : i32
      %dma_wait3A_316 = tpu.memref_slice %arg12[%arg1, %dma_wait3A] : memref<16x16xf32, #tpu.memory_space<vmem_shared>> -> memref<1x16xf32, #tpu.memory_space<vmem_shared>>
      %dma_wait3A_317 = tpu.memref_squeeze %dma_wait3A_316 : memref<1x16xf32, #tpu.memory_space<vmem_shared>> -> memref<16xf32, #tpu.memory_space<vmem_shared>>
      %dma_wait3A_318 = arith.constant 0 : i32
      %dma_wait3A_319 = tpu.memref_slice %arg12[%arg1, %dma_wait3A_318] : memref<16x16xf32, #tpu.memory_space<vmem_shared>> -> memref<1x16xf32, #tpu.memory_space<vmem_shared>>
      %dma_wait3A_320 = tpu.memref_squeeze %dma_wait3A_319 : memref<1x16xf32, #tpu.memory_space<vmem_shared>> -> memref<16xf32, #tpu.memory_space<vmem_shared>>
      tpu.wait_dma2 semaphore(%run_scoped3A_310 : memref<!tpu.dma_semaphore, #tpu.memory_space<semaphore_mem>>) src(%arg22 : memref<16xf32, #tpu.memory_space<vmem>>) dst(%dma_wait3A_320 : memref<16xf32, #tpu.memory_space<vmem_shared>>)
      tpu.yield
    }) : () -> ()
    %barrier3A_307 = arith.constant 0 : index
    tpu.barrier barrier_id(%barrier3A_307)
    %eq3A = arith.constant 0 : i32
    %eq3A_308 = arith.cmpi eq, %arg1, %eq3A : i32
    %convert_element_type3A = arith.extui %eq3A_308 : i1 to i32
    %cond3A = arith.constant 0 : i32
    %cond3A_309 = arith.cmpi ne, %convert_element_type3A, %cond3A : i32
    scf.if %cond3A_309 {
      "tpu.region"() ({
        %run_scoped3A_478 = tpu.sem_alloc : memref<!tpu.dma_semaphore, #tpu.memory_space<semaphore_mem>>
        tpu.enqueue_dma source(%arg12 : memref<16x16xf32, #tpu.memory_space<vmem_shared>>) target(%arg21 : memref<16x16xf32, #tpu.memory_space<vmem>>) target_semaphore(%run_scoped3A_478 : memref<!tpu.dma_semaphore, #tpu.memory_space<semaphore_mem>>)
        tpu.wait_dma2 semaphore(%run_scoped3A_478 : memref<!tpu.dma_semaphore, #tpu.memory_space<semaphore_mem>>) src(%arg12 : memref<16x16xf32, #tpu.memory_space<vmem_shared>>) dst(%arg21 : memref<16x16xf32, #tpu.memory_space<vmem>>)
        tpu.yield
      }) : () -> ()
      %broadcast_in_dim3A_310 = arith.constant 0.000000e+00 : f32
      %broadcast_in_dim3A_311 = vector.broadcast %broadcast_in_dim3A_310 : f32 to vector<16xf32>
      %get3A = arith.constant 0 : i32
      %get3A_312 = arith.index_cast %get3A : i32 to index
      %get3A_313 = arith.constant 0 : index
      %get3A_314 = tpu.vector_load %arg21[%get3A_312, %get3A_313] {strides = array<i32>} : memref<16x16xf32, #tpu.memory_space<vmem>>, vector<1x16xf32>,
      %get3A_315 = vector.shape_cast %get3A_314 : vector<1x16xf32> to vector<16xf32>
      %add3A_316 = arith.addf %broadcast_in_dim3A_311, %get3A_315 : vector<16xf32>
      %get3A_317 = arith.constant 1 : i32
      %get3A_318 = arith.index_cast %get3A_317 : i32 to index
      %get3A_319 = arith.constant 0 : index
      %get3A_320 = tpu.vector_load %arg21[%get3A_318, %get3A_319] {strides = array<i32>} : memref<16x16xf32, #tpu.memory_space<vmem>>, vector<1x16xf32>,
      %get3A_321 = vector.shape_cast %get3A_320 : vector<1x16xf32> to vector<16xf32>
      %add3A_322 = arith.addf %add3A_316, %get3A_321 : vector<16xf32>
      %get3A_323 = arith.constant 2 : i32
      %get3A_324 = arith.index_cast %get3A_323 : i32 to index
      %get3A_325 = arith.constant 0 : index
      %get3A_326 = tpu.vector_load %arg21[%get3A_324, %get3A_325] {strides = array<i32>} : memref<16x16xf32, #tpu.memory_space<vmem>>, vector<1x16xf32>,
      %get3A_327 = vector.shape_cast %get3A_326 : vector<1x16xf32> to vector<16xf32>
      %add3A_328 = arith.addf %add3A_322, %get3A_327 : vector<16xf32>
      %get3A_329 = arith.constant 3 : i32
      %get3A_330 = arith.index_cast %get3A_329 : i32 to index
      %get3A_331 = arith.constant 0 : index
      %get3A_332 = tpu.vector_load %arg21[%get3A_330, %get3A_331] {strides = array<i32>} : memref<16x16xf32, #tpu.memory_space<vmem>>, vector<1x16xf32>,
      %get3A_333 = vector.shape_cast %get3A_332 : vector<1x16xf32> to vector<16xf32>
      %add3A_334 = arith.addf %add3A_328, %get3A_333 : vector<16xf32>
      %get3A_335 = arith.constant 4 : i32
      %get3A_336 = arith.index_cast %get3A_335 : i32 to index
      %get3A_337 = arith.constant 0 : index
      %get3A_338 = tpu.vector_load %arg21[%get3A_336, %get3A_337] {strides = array<i32>} : memref<16x16xf32, #tpu.memory_space<vmem>>, vector<1x16xf32>,
      %get3A_339 = vector.shape_cast %get3A_338 : vector<1x16xf32> to vector<16xf32>
      %add3A_340 = arith.addf %add3A_334, %get3A_339 : vector<16xf32>
      %get3A_341 = arith.constant 5 : i32
      %get3A_342 = arith.index_cast %get3A_341 : i32 to index
      %get3A_343 = arith.constant 0 : index
      %get3A_344 = tpu.vector_load %arg21[%get3A_342, %get3A_343] {strides = array<i32>} : memref<16x16xf32, #tpu.memory_space<vmem>>, vector<1x16xf32>,
      %get3A_345 = vector.shape_cast %get3A_344 : vector<1x16xf32> to vector<16xf32>
      %add3A_346 = arith.addf %add3A_340, %get3A_345 : vector<16xf32>
      %get3A_347 = arith.constant 6 : i32
      %get3A_348 = arith.index_cast %get3A_347 : i32 to index
      %get3A_349 = arith.constant 0 : index
      %get3A_350 = tpu.vector_load %arg21[%get3A_348, %get3A_349] {strides = array<i32>} : memref<16x16xf32, #tpu.memory_space<vmem>>, vector<1x16xf32>,
      %get3A_351 = vector.shape_cast %get3A_350 : vector<1x16xf32> to vector<16xf32>
      %add3A_352 = arith.addf %add3A_346, %get3A_351 : vector<16xf32>
      %get3A_353 = arith.constant 7 : i32
      %get3A_354 = arith.index_cast %get3A_353 : i32 to index
      %get3A_355 = arith.constant 0 : index
      %get3A_356 = tpu.vector_load %arg21[%get3A_354, %get3A_355] {strides = array<i32>} : memref<16x16xf32, #tpu.memory_space<vmem>>, vector<1x16xf32>,
      %get3A_357 = vector.shape_cast %get3A_356 : vector<1x16xf32> to vector<16xf32>
      %add3A_358 = arith.addf %add3A_352, %get3A_357 : vector<16xf32>
      %get3A_359 = arith.constant 8 : i32
      %get3A_360 = arith.index_cast %get3A_359 : i32 to index
      %get3A_361 = arith.constant 0 : index
      %get3A_362 = tpu.vector_load %arg21[%get3A_360, %get3A_361] {strides = array<i32>} : memref<16x16xf32, #tpu.memory_space<vmem>>, vector<1x16xf32>,
      %get3A_363 = vector.shape_cast %get3A_362 : vector<1x16xf32> to vector<16xf32>
      %add3A_364 = arith.addf %add3A_358, %get3A_363 : vector<16xf32>
      %get3A_365 = arith.constant 9 : i32
      %get3A_366 = arith.index_cast %get3A_365 : i32 to index
      %get3A_367 = arith.constant 0 : index
      %get3A_368 = tpu.vector_load %arg21[%get3A_366, %get3A_367] {strides = array<i32>} : memref<16x16xf32, #tpu.memory_space<vmem>>, vector<1x16xf32>,
      %get3A_369 = vector.shape_cast %get3A_368 : vector<1x16xf32> to vector<16xf32>
      %add3A_370 = arith.addf %add3A_364, %get3A_369 : vector<16xf32>
      %get3A_371 = arith.constant 10 : i32
      %get3A_372 = arith.index_cast %get3A_371 : i32 to index
      %get3A_373 = arith.constant 0 : index
      %get3A_374 = tpu.vector_load %arg21[%get3A_372, %get3A_373] {strides = array<i32>} : memref<16x16xf32, #tpu.memory_space<vmem>>, vector<1x16xf32>,
      %get3A_375 = vector.shape_cast %get3A_374 : vector<1x16xf32> to vector<16xf32>
      %add3A_376 = arith.addf %add3A_370, %get3A_375 : vector<16xf32>
      %get3A_377 = arith.constant 11 : i32
      %get3A_378 = arith.index_cast %get3A_377 : i32 to index
      %get3A_379 = arith.constant 0 : index
      %get3A_380 = tpu.vector_load %arg21[%get3A_378, %get3A_379] {strides = array<i32>} : memref<16x16xf32, #tpu.memory_space<vmem>>, vector<1x16xf32>,
      %get3A_381 = vector.shape_cast %get3A_380 : vector<1x16xf32> to vector<16xf32>
      %add3A_382 = arith.addf %add3A_376, %get3A_381 : vector<16xf32>
      %get3A_383 = arith.constant 12 : i32
      %get3A_384 = arith.index_cast %get3A_383 : i32 to index
      %get3A_385 = arith.constant 0 : index
      %get3A_386 = tpu.vector_load %arg21[%get3A_384, %get3A_385] {strides = array<i32>} : memref<16x16xf32, #tpu.memory_space<vmem>>, vector<1x16xf32>,
      %get3A_387 = vector.shape_cast %get3A_386 : vector<1x16xf32> to vector<16xf32>
      %add3A_388 = arith.addf %add3A_382, %get3A_387 : vector<16xf32>
      %get3A_389 = arith.constant 13 : i32
      %get3A_390 = arith.index_cast %get3A_389 : i32 to index
      %get3A_391 = arith.constant 0 : index
      %get3A_392 = tpu.vector_load %arg21[%get3A_390, %get3A_391] {strides = array<i32>} : memref<16x16xf32, #tpu.memory_space<vmem>>, vector<1x16xf32>,
      %get3A_393 = vector.shape_cast %get3A_392 : vector<1x16xf32> to vector<16xf32>
      %add3A_394 = arith.addf %add3A_388, %get3A_393 : vector<16xf32>
      %get3A_395 = arith.constant 14 : i32
      %get3A_396 = arith.index_cast %get3A_395 : i32 to index
      %get3A_397 = arith.constant 0 : index
      %get3A_398 = tpu.vector_load %arg21[%get3A_396, %get3A_397] {strides = array<i32>} : memref<16x16xf32, #tpu.memory_space<vmem>>, vector<1x16xf32>,
      %get3A_399 = vector.shape_cast %get3A_398 : vector<1x16xf32> to vector<16xf32>
      %add3A_400 = arith.addf %add3A_394, %get3A_399 : vector<16xf32>
      %get3A_401 = arith.constant 15 : i32
      %get3A_402 = arith.index_cast %get3A_401 : i32 to index
      %get3A_403 = arith.constant 0 : index
      %get3A_404 = tpu.vector_load %arg21[%get3A_402, %get3A_403] {strides = array<i32>} : memref<16x16xf32, #tpu.memory_space<vmem>>, vector<1x16xf32>,
      %get3A_405 = vector.shape_cast %get3A_404 : vector<1x16xf32> to vector<16xf32>
      %add3A_406 = arith.addf %add3A_400, %get3A_405 : vector<16xf32>
      %iota3A = tpu.iota {dimensions = array<i32: 0>} : vector<16xi32>
      %add3A_407 = arith.constant 8 : i32
      %add3A_408 = vector.broadcast %add3A_407 : i32 to vector<16xi32>
      %add3A_409 = arith.addi %iota3A, %add3A_408 : vector<16xi32>
      %and3A = arith.constant 15 : i32
      %and3A_410 = vector.broadcast %and3A : i32 to vector<16xi32>
      %and3A_411 = arith.andi %add3A_409, %and3A_410 : vector<16xi32>
      %lt3A = arith.constant 0 : i32
      %lt3A_412 = vector.broadcast %lt3A : i32 to vector<16xi32>
      %lt3A_413 = arith.cmpi slt, %and3A_411, %lt3A_412 : vector<16xi32>
      %add3A_414 = arith.constant 16 : i32
      %add3A_415 = vector.broadcast %add3A_414 : i32 to vector<16xi32>
      %add3A_416 = arith.addi %and3A_411, %add3A_415 : vector<16xi32>
      %select_n3A = arith.select %lt3A_413, %add3A_416, %and3A_411 : vector<16xi1>, vector<16xi32>
      %broadcast_in_dim3A_417 = vector.shape_cast %select_n3A : vector<16xi32> to vector<16x1xi32>
      %gather3A = vector.shape_cast %broadcast_in_dim3A_417 : vector<16x1xi32> to vector<16xi32>
      %gather3A_418 = tpu.dynamic_gather %add3A_406[%gather3A] in [0] : vector<16xf32>, vector<16xi32> -> vector<16xf32>
      %add3A_419 = arith.addf %add3A_406, %gather3A_418 : vector<16xf32>
      %add3A_420 = arith.constant 4 : i32
      %add3A_421 = vector.broadcast %add3A_420 : i32 to vector<16xi32>
      %add3A_422 = arith.addi %iota3A, %add3A_421 : vector<16xi32>
      %and3A_423 = arith.constant 15 : i32
      %and3A_424 = vector.broadcast %and3A_423 : i32 to vector<16xi32>
      %and3A_425 = arith.andi %add3A_422, %and3A_424 : vector<16xi32>
      %lt3A_426 = arith.constant 0 : i32
      %lt3A_427 = vector.broadcast %lt3A_426 : i32 to vector<16xi32>
      %lt3A_428 = arith.cmpi slt, %and3A_425, %lt3A_427 : vector<16xi32>
      %add3A_429 = arith.constant 16 : i32
      %add3A_430 = vector.broadcast %add3A_429 : i32 to vector<16xi32>
      %add3A_431 = arith.addi %and3A_425, %add3A_430 : vector<16xi32>
      %select_n3A_432 = arith.select %lt3A_428, %add3A_431, %and3A_425 : vector<16xi1>, vector<16xi32>
      %broadcast_in_dim3A_433 = vector.shape_cast %select_n3A_432 : vector<16xi32> to vector<16x1xi32>
      %gather3A_434 = vector.shape_cast %broadcast_in_dim3A_433 : vector<16x1xi32> to vector<16xi32>
      %gather3A_435 = tpu.dynamic_gather %add3A_419[%gather3A_434] in [0] : vector<16xf32>, vector<16xi32> -> vector<16xf32>
      %add3A_436 = arith.addf %add3A_419, %gather3A_435 : vector<16xf32>
      %add3A_437 = arith.constant 2 : i32
      %add3A_438 = vector.broadcast %add3A_437 : i32 to vector<16xi32>
      %add3A_439 = arith.addi %iota3A, %add3A_438 : vector<16xi32>
      %and3A_440 = arith.constant 15 : i32
      %and3A_441 = vector.broadcast %and3A_440 : i32 to vector<16xi32>
      %and3A_442 = arith.andi %add3A_439, %and3A_441 : vector<16xi32>
      %lt3A_443 = arith.constant 0 : i32
      %lt3A_444 = vector.broadcast %lt3A_443 : i32 to vector<16xi32>
      %lt3A_445 = arith.cmpi slt, %and3A_442, %lt3A_444 : vector<16xi32>
      %add3A_446 = arith.constant 16 : i32
      %add3A_447 = vector.broadcast %add3A_446 : i32 to vector<16xi32>
      %add3A_448 = arith.addi %and3A_442, %add3A_447 : vector<16xi32>
      %select_n3A_449 = arith.select %lt3A_445, %add3A_448, %and3A_442 : vector<16xi1>, vector<16xi32>
      %broadcast_in_dim3A_450 = vector.shape_cast %select_n3A_449 : vector<16xi32> to vector<16x1xi32>
      %gather3A_451 = vector.shape_cast %broadcast_in_dim3A_450 : vector<16x1xi32> to vector<16xi32>
      %gather3A_452 = tpu.dynamic_gather %add3A_436[%gather3A_451] in [0] : vector<16xf32>, vector<16xi32> -> vector<16xf32>
      %add3A_453 = arith.addf %add3A_436, %gather3A_452 : vector<16xf32>
      %add3A_454 = arith.constant 1 : i32
      %add3A_455 = vector.broadcast %add3A_454 : i32 to vector<16xi32>
      %add3A_456 = arith.addi %iota3A, %add3A_455 : vector<16xi32>
      %and3A_457 = arith.constant 15 : i32
      %and3A_458 = vector.broadcast %and3A_457 : i32 to vector<16xi32>
      %and3A_459 = arith.andi %add3A_456, %and3A_458 : vector<16xi32>
      %lt3A_460 = arith.constant 0 : i32
      %lt3A_461 = vector.broadcast %lt3A_460 : i32 to vector<16xi32>
      %lt3A_462 = arith.cmpi slt, %and3A_459, %lt3A_461 : vector<16xi32>
      %add3A_463 = arith.constant 16 : i32
      %add3A_464 = vector.broadcast %add3A_463 : i32 to vector<16xi32>
      %add3A_465 = arith.addi %and3A_459, %add3A_464 : vector<16xi32>
      %select_n3A_466 = arith.select %lt3A_462, %add3A_465, %and3A_459 : vector<16xi1>, vector<16xi32>
      %broadcast_in_dim3A_467 = vector.shape_cast %select_n3A_466 : vector<16xi32> to vector<16x1xi32>
      %gather3A_468 = vector.shape_cast %broadcast_in_dim3A_467 : vector<16x1xi32> to vector<16xi32>
      %gather3A_469 = tpu.dynamic_gather %add3A_453[%gather3A_468] in [0] : vector<16xf32>, vector<16xi32> -> vector<16xf32>
      %add3A_470 = arith.addf %add3A_453, %gather3A_469 : vector<16xf32>
      %mul3A_471 = arith.constant 9.53674316E-7 : f32
      %mul3A_472 = vector.broadcast %mul3A_471 : f32 to vector<16xf32>
      %mul3A_473 = arith.mulf %add3A_470, %mul3A_472 : vector<16xf32>
      %swap3A_474 = arith.constant 0 : index
      %swap3A_475 = tpu.vector_load %arg23[%swap3A_474] {strides = array<i32>} : memref<16xf32, #tpu.memory_space<vmem>>, vector<16xf32>,
      %swap3A_476 = vector.shape_cast %swap3A_475 : vector<16xf32> to vector<16xf32>
      %swap3A_477 = vector.shape_cast %mul3A_473 : vector<16xf32> to vector<16xf32>
      tpu.vector_store %arg23[%swap3A_474], %swap3A_477 {strides = array<i32>} : memref<16xf32, #tpu.memory_space<vmem>>, vector<16xf32>,
      "tpu.region"() ({
        %run_scoped3A_478 = tpu.sem_alloc : memref<!tpu.dma_semaphore, #tpu.memory_space<semaphore_mem>>
        tpu.enqueue_dma source(%arg23 : memref<16xf32, #tpu.memory_space<vmem>>) target(%arg9 : memref<16xf32, #tpu.memory_space<hbm>>) target_semaphore(%run_scoped3A_478 : memref<!tpu.dma_semaphore, #tpu.memory_space<semaphore_mem>>)
        tpu.wait_dma2 semaphore(%run_scoped3A_478 : memref<!tpu.dma_semaphore, #tpu.memory_space<semaphore_mem>>) src(%arg23 : memref<16xf32, #tpu.memory_space<vmem>>) dst(%arg9 : memref<16xf32, #tpu.memory_space<hbm>>)
        tpu.yield
      }) : () -> ()
    } else {
    }
    return
  }
}

</mosaic_0001>

<sc_bundles>
// kernel: kernel.4.cloned.1.call-start
scs
__scs_entry_jumppad:
0x0: {  	(pc) =	sbr.rel $0x88, $3  }
0x1: {  	(tag) =	ssettag $0x0;
	lr =	simm.s32 $0x1  }
0x2: {  	[smem:$0x3F9E] =	sst lr;
	_ =	strace $0xD0000000  }
0x3: {  	_ = 	snop  }
0x4: {  	_ = 	snop  }
0x5: {  	_ = 	snop  }
0x6: {  	_ = 	snop  }
0x7: {  	_ = 	snop  }
__scs_overlays_trampoline_lowered:
0x8: {  	[smem:$0x3FAD] =	sst s0  }
0x9: {  	[smem:$0x3FAE] =	sst s1  }
0xa: {  	[smem:$0x3FAF] =	sst s2  }
0xb: {  	[smem:$0x3FB0] =	sst s3  }
0xc: {  	[smem:$0x3FB1] =	sst s4  }
0xd: {  	[smem:$0x3FB2] =	sst s5  }
0xe: {  	[smem:$0x3FB3] =	sst s6  }
0xf: {  	[smem:$0x3FB4] =	sst s7  }
0x10: {  	[smem:$0x3FB5] =	sst s8  }
0x11: {  	[smem:$0x3FB6] =	sst s9;
	s0 =	simm.s32 @!p0 $0x0  }
0x12: {  	s1 =	sld [smem:$0x3F9C];
	s0 =	simm.s32 @p0 $0x1  }
0x13: {  	[smem:$0x3FB7] =	sst s0;
	s0 =	simm.s32 @!p1 $0x0  }
0x14: {  	s2 =	sld [smem:$0x3F9B];
	s0 =	simm.s32 @p1 $0x1  }
0x15: {  	[smem:$0x3FB8] =	sst s0;
	s0 =	simm.s32 @!p2 $0x0  }
0x16: {  	s3 =	sld [smem:$0x3FDB];
	s0 =	simm.s32 @p2 $0x1  }
0x17: {  	s4 =	simm.s32 $0x1BF5;
	[smem:$0x3FBA] =	sst s0  }
0x18: {  	s0 =	sld [smem:$0x3F9D];
	_ =	swait.ge [sflag:s4], $0x0  }
0x19: {  	s7 =	sld [smem:$0x3F9E]  }
0x1a: {  	s8 =	sadd.s32 $0xFFFFE003, lr  }
0x1b: {  	s9 =	sadd.s32 $0xFFFFFEF7, lr;
	s5 =	simm.s32 $0xFFFFFFFF;
	p2 =	slt.u32 s8, $0xFFFFF086  }
0x1c: {  	p1 =	slt.u32 s9, $0xF7A;
	s5 =	simm.s32 @!p2 $0x0  }
0x1d: {  	s5 =	simm.s32 @p1 $0x1;
	p0 =	seq.s32 s7, s2  }
0x1e: {  	s7 =	smul.u32 @!p0 $0xF7A, s2;
	p2 =	seq.s32 @!p0 s5, $0x0  }
0x1f: {  	s9 =	smul.u32 $0xF7A, s1;
	s8 =	simm.s32 @!p0 $0x1BF5;
	p2 =	por !p2, p0  }
0x20: {  	[sflag:s8] =	ssyncset.s32 @!p0 $0xFFFFF086;
	s6 =	sadd.s32 @!p0 s3, s7;
	s7 =	simm.s32 @!p0 $0x108  }
0x21: {  	s3 =	sadd.s32 s3, s9;
	s6 =	sadd.s32 @!p0 $0x88, s6;
	s7 =	simm.s32 @p2 $0x1082  }
0x22: {  	[simem:s7], [sflag:s8] =	dma.local @!p0 [hbm:s6], $0xF7A  }
0x23: {  	s9 =	sor.u32 $0xD0000000, s2;
	s6 =	simm.s32 $0x108;
	_ =	swait.ge @!p0 [sflag:s8], $0x0  }
0x24: {  	s3 =	sadd.s32 $0x88, s3;
	s6 =	simm.s32 @!p1 $0x1082;
	[sflag:s4] =	ssyncset.s32 $0xFFFFF086  }
0x25: {  	[simem:s6], [sflag:s4] =	dma.local [hbm:s3], $0xF7A  }
0x26: {  	[smem:$0x3F9E] =	sst s1;
	(tag) =	ssettag s2;
	_ =	strace s9  }
0x27: {  	s1 =	sld [smem:$0x3FAE]  }
0x28: {  	s2 =	sld [smem:$0x3FAF]  }
0x29: {  	s4 =	sld [smem:$0x3FB1]  }
0x2a: {  	p0 =	seq.s32 s5, $0x0;
	s5 =	sld [smem:$0x3FB2]  }
0x2b: {  	s6 =	sld [smem:$0x3FB3]  }
0x2c: {  	s7 =	sld [smem:$0x3FB4]  }
0x2d: {  	s3 =	simm.s32 $0x108;
	s8 =	sld [smem:$0x3FB5]  }
0x2e: {  	s3 =	simm.s32 @!p0 $0x1082;
	s9 =	sld [smem:$0x3FB6]  }
0x2f: {  	lr =	sadd.s32 s0, s3;
	s0 =	sld [smem:$0x3FAD]  }
0x30: {  	s3 =	sld [smem:$0x3FB0]  }
0x31: {  	[smem:$0x3FB9] =	sst s10  }
0x32: {  	s10 =	sld [smem:$0x3FB7];
	_ =	sdelay $0x3  }
0x33: {  	p0 =	seq.s32 s10, $0x1;
	s10 =	sld [smem:$0x3FB9];
	_ =	sdelay $0x3  }
0x34: {  	[smem:$0x3FB9] =	sst s10  }
0x35: {  	s10 =	sld [smem:$0x3FB8];
	_ =	sdelay $0x3  }
0x36: {  	p1 =	seq.s32 s10, $0x1;
	s10 =	sld [smem:$0x3FB9];
	_ =	sdelay $0x3  }
0x37: {  	[smem:$0x3FB9] =	sst s10  }
0x38: {  	s10 =	sld [smem:$0x3FBA]  }
0x39: {  	_ = 	snop;
	(pc) =	sbr.ind lr, $3  }
0x3a: {  	_ = 	snop  }
0x3b: {  	_ = 	snop  }
0x3c: {  	p2 =	seq.s32 s10, $0x1;
	s10 =	sld [smem:$0x3FB9]  }
0x3d: {  	_ =	shalt  }
0x3e: {  	_ =	shalt  }
0x3f: {  	_ =	shalt  }
0x40: {  	_ =	shalt  }
0x41: {  	_ =	shalt  }
0x42: {  	_ =	shalt  }
0x43: {  	_ =	shalt  }
0x44: {  	_ =	shalt  }
0x45: {  	_ =	shalt  }
0x46: {  	_ =	shalt  }
0x47: {  	_ =	shalt  }
0x48: {  	_ =	shalt  }
0x49: {  	_ =	shalt  }
0x4a: {  	_ =	shalt  }
0x4b: {  	_ =	shalt  }
0x4c: {  	_ =	shalt  }
0x4d: {  	_ =	shalt  }
0x4e: {  	_ =	shalt  }
0x4f: {  	_ =	shalt  }
0x50: {  	_ =	shalt  }
0x51: {  	_ =	shalt  }
0x52: {  	_ =	shalt  }
0x53: {  	_ =	shalt  }
0x54: {  	_ =	shalt  }
0x55: {  	_ =	shalt  }
0x56: {  	_ =	shalt  }
0x57: {  	_ =	shalt  }
0x58: {  	_ =	shalt  }
0x59: {  	_ =	shalt  }
0x5a: {  	_ =	shalt  }
0x5b: {  	_ =	shalt  }
0x5c: {  	_ =	shalt  }
0x5d: {  	_ =	shalt  }
0x5e: {  	_ =	shalt  }
0x5f: {  	_ =	shalt  }
0x60: {  	_ =	shalt  }
0x61: {  	_ =	shalt  }
0x62: {  	_ =	shalt  }
0x63: {  	_ =	shalt  }
0x64: {  	_ =	shalt  }
0x65: {  	_ =	shalt  }
0x66: {  	_ =	shalt  }
0x67: {  	_ =	shalt  }
0x68: {  	_ =	shalt  }
0x69: {  	_ =	shalt  }
0x6a: {  	_ =	shalt  }
0x6b: {  	_ =	shalt  }
0x6c: {  	_ =	shalt  }
0x6d: {  	_ =	shalt  }
0x6e: {  	_ =	shalt  }
0x6f: {  	_ =	shalt  }
0x70: {  	_ =	shalt  }
0x71: {  	_ =	shalt  }
0x72: {  	_ =	shalt  }
0x73: {  	_ =	shalt  }
0x74: {  	_ =	shalt  }
0x75: {  	_ =	shalt  }
0x76: {  	_ =	shalt  }
0x77: {  	_ =	shalt  }
0x78: {  	_ =	shalt  }
0x79: {  	_ =	shalt  }
0x7a: {  	_ =	shalt  }
0x7b: {  	_ =	shalt  }
0x7c: {  	_ =	shalt  }
0x7d: {  	_ =	shalt  }
0x7e: {  	_ =	shalt  }
0x7f: {  	_ =	shalt  }
0x80: {  	_ =	shalt  }
0x81: {  	_ =	shalt  }
0x82: {  	_ =	shalt  }
0x83: {  	_ =	shalt  }
0x84: {  	_ =	shalt  }
0x85: {  	_ =	shalt  }
0x86: {  	_ =	shalt  }
0x87: {  	_ =	shalt  }
.Lfunc_end0:
.L_simem_size_0:
called_computation_lowered:
.L_overlay_start_0:
0x88: {  	s0 =	sld [smem:$0x3FD9]  }
0x89: {  	s1 =	sld [smem:$0x3FFE];
	_ =	sdelay $0x3  }
0x8a: {  	s0 =	sadd.s32 s1, s0  }
0x8b: {  	[smem:$0x3FC5] =	sst s0  }
0x8c: {  	_ = 	snop  }
0x8d: {  	s0 =	sld [smem:$0x3FC9];
	(tm) =	ssettm $0x1  }
0x8e: {  	s16 =	sld [smem:$0x3FFB];
	_ =	sdelay $0x3  }
0x8f: {  	_ =	strace s16  }
0x90: {  	s1 =	sld [smem:$0x3FFC];
	_ =	sdelay $0x3  }
0x91: {  	_ =	strace s1  }
0x92: {  	s1 =	sld [smem:$0x3FFD];
	_ =	sdelay $0x3  }
0x93: {  	_ =	strace s1  }
0x94: {  	_ =	strace $0x8FFFFFFF  }
0x95: {  	s17 =	sld [smem:$0x3FDB];
	_ =	sdelay $0x1  }
0x96: {  	s2 =	simm.s32 $_scs_section_size  }
0x97: {  	s3 =	simm.s32 $_size__tile_overlayer_lowered;
	s4 =	simm.s32 $_tile_overlayer_lowered  }
0x98: {  	s20 =	simm.s32 $0x1BFF;
	s19 =	sshll.u32 s4, $0x1;
	s1 =	sadd.s32 s2, s17  }
0x99: {  	s5 =	simm.s32 $0x0;
	s18 =	sshll.u32 s3, $0x1;
	s3 =	sadd.s32 s19, s1  }
0x9a: {  	[timem:s5], [sflag:s20] =	dma.local [hbm:s3], s18  }
0x9b: {  	_ =	swait.ge [sflag:s20], s18  }
0x9c: {  	s2 =	ssub.s32 $0x0, s18;
	[sflag:s20] =	ssyncset.done $0x0  }
0x9d: {  	[sflag:s20] =	ssyncadd.s32 s2;
	_ =	sdelay $0x1  }
0x9e: {  	s21 =	simm.s32 $0x1B8B  }
0x9f: {  	_ =	swait.ge [sflag:s21], $0x1  }
0xa0: {  	[sflag:s21] =	ssyncset.done $0x0  }
0xa1: {  	s23 =	simm.s32 $0x1B8E;
	s22 =	sld [smem:$0x3FFE];
	[sflag:s21] =	ssyncadd.s32 $0xFFFFFFFF  }
0xa2: {  	s24 =	simm.s32 $execute0_lowered;
	[smem:$0x3FD2] =	sst s23  }
0xa3: {  	s3 =	sshll.u32 s24, $0x1;
	_ =	strace $0x80000046;
	[dreg:$0x1] =	wrdreg $0xFFFFFFFF  }
0xa4: {  	s25 =	simm.s32 $_size_execute0_lowered;
	s1 =	sadd.s32 s1, s3;
	[dreg:$0x0] =	wrdreg $0x0  }
0xa5: {  	s3 =	sshll.u32 s25, $0x1;
	[dreg:$0x2] =	wrdreg s1  }
0xa6: {  	[dreg:$0x3] =	wrdreg s3  }
0xa7: {  	[dreg:$0x4] =	wrdreg $0xC0  }
0xa8: {  	_ =	task [dreg:s5], $0x5FFFF  }
0xa9: {  	[dreg:$0x1] =	wrdreg $0xFFFFFFFF  }
0xaa: {  	[dreg:$0x0] =	wrdreg $0x60  }
0xab: {  	[dreg:$0x2] =	wrdreg s0  }
0xac: {  	[dreg:$0x3] =	wrdreg s22  }
0xad: {  	[dreg:$0x4] =	wrdreg $0x9  }
0xae: {  	_ =	task.clear_ibuf [dreg:s5], $0x5FFFF;
	_ =	strace $0x90000046  }
0xaf: {  	s26 =	simm.s32 $0x9;
	_ =	strace $0x80000048  }
0xb0: {  	_ =	swait.ge [sflag:s26], $0x1  }
0xb1: {  	[sflag:s26] =	ssyncadd.s32 $0xFFFFFFFF  }
0xb2: {  	_ =	strace $0x90000048  }
0xb3: {  	_ =	sfence  }
0xb4: {  	s28 =	sld [smem:$0x0];
	_ =	sdelay $0x1  }
0xb5: {  	s29 =	srdreg.scid  }
0xb6: {  	s30 =	sshll.u32 s29, $0xD;
	s31 =	sshrl.u32 s29, $0x2  }
0xb7: {  	s2 =	sand.u32 $0x4000, s30;
	s1 =	sand.u32 $0x1, s29;
	s0 =	sadd.s32 s31, s28  }
0xb8: {  	s1 =	sor.u32 s2, s1;
	s0 =	sshll.u32 s0, $0x11  }
0xb9: {  	s0 =	sor.u32 s0, s1  }
0xba: {  	s0 =	sadd.s32 $0x8F2B, s0  }
0xbb: {  	[sflag:s0] =	ssyncadd.remote.s32 $0x1  }
0xbc: {  	_ =	sfence.sel $0xFFFF  }
0xbd: {  	[dreg:$0x0] =	wrdreg $0xFFFFFFFF;
	(pc) =	sbr.abs _section_cstart, $3  }
0xbe: {  	[dreg:$0x1] =	wrdreg $0xFFFFFFFF  }
0xbf: {  	_ =	task.clear_ibuf [dreg:s5], $0x2FFFF;
	_ =	strace $0x9FFFFFFF  }
0xc0: {  	(tm) =	ssettm $0x7FFFFFFF  }
0xc1: {  	_ =	shalt  }
tec
execute0_lowered:
.L_overlay_start_1:
0x0: {  	(tag) =	ssettag $0x1  }
0x1: {  	s2 =	rddreg [dreg:$0x0]  }
0x2: {  	s4 =	rddreg [dreg:$0x1]  }
0x3: {  	s0 =	rddreg [dreg:$0x2];
	s3 =	simm.s32 $0x0;
	s1 =	stileid.u32  }
0x4: {  	[smem:$0x7FF] =	sst s3;
	s5 =	sshll.u32 s1, $0x7  }
0x5: {  	s31 =	simm.s32 $0x1;
	_ =	strace $0x80000047;
	s2 =	sadd.s32 s2, s5  }
0x6: {  	[tilespmem:s3], [sflag:$0x1] =	stream.linear.gather [hbm4b:s2+s3], $0x400, $0x38;
	[tilespmem:$0x800] =	vst v63  }
0x7: {  	_ =	swait.ge [sflag:s31], $0x400  }
0x8: {  	s5 =	sadd.s32 s5, s4;
	[sflag:s31] =	ssyncset.done $0x0  }
0x9: {  	s6 =	simm.s32 $0x400;
	s5 =	sadd.s32 $0xA00, s5;
	[sflag:s31] =	ssyncadd.s32 $0xFFFFFC00  }
0xa: {  	[tilespmem:s6], [sflag:$0x1] =	stream.linear.gather [hbm4b:s5+s3], $0x400, $0x38;
	[tilespmem:$0x800] =	vst v63  }
0xb: {  	_ =	swait.ge [sflag:s31], $0x400  }
0xc: {  	[sflag:s31] =	ssyncset.done $0x0  }
0xd: {  	s3 =	simm.s32 $0x0;
	[sflag:s31] =	ssyncadd.s32 $0xFFFFFC00  }
0xe: {  	v1 =	vld [tilespmem:s3+$0x0]  }
0xf: {  	v5 =	vld [tilespmem:s3+$0x10]  }
0x10: {  	v4 =	vld [tilespmem:s3+$0x20]  }
0x11: {  	v3 =	vld [tilespmem:s3+$0x30]  }
0x12: {  	v2 =	vld [tilespmem:s3+$0x40]  }
0x13: {  	v0 =	vld [tilespmem:s3+$0x50];
	vm0 =	vgt.s32 v1, $0x0  }
0x14: {  	s2 =	sadd.s32 $0x1200, s4;
	s4 =	simm.s32 $0x200;
	v6 =	vnsel vm0, $0x0, v1;
	vm0 =	vgt.s32 v5, $0x0;
	v1 =	vld [tilespmem:s3+$0x60]  }
.LBB2_1:
0x15: {  	p0 =	sne.s32 s4, $0xE00;
	v6 =	vmin.u32 v6, $0xF423F;
	v5 =	vnsel vm0, $0x0, v5;
	vm0 =	vgt.s32 v4, $0x0;
	v7 =	vld [tilespmem:s3+$0x70]  }
0x16: {  	s5 =	sshra.s32 s4, $0x2;
	[tilespmem:s3+$0x0] =	vst v6;
	v5 =	vmin.u32 v5, $0xF423F;
	v4 =	vnsel vm0, $0x0, v4;
	vm0 =	vgt.s32 v3, $0x0  }
0x17: {  	v6 =	vld [tilespmem:s5+$0x0];
	[tilespmem:s3+$0x10] =	vst v5;
	v4 =	vmin.u32 v4, $0xF423F;
	v3 =	vnsel vm0, $0x0, v3;
	vm0 =	vgt.s32 v2, $0x0  }
0x18: {  	v5 =	vld [tilespmem:s5+$0x10];
	[tilespmem:s3+$0x20] =	vst v4;
	v3 =	vmin.u32 v3, $0xF423F;
	v2 =	vnsel vm0, $0x0, v2;
	vm0 =	vgt.s32 v0, $0x0  }
.Ltmp0:
0x19: {  	v4 =	vld [tilespmem:s5+$0x20];
	[tilespmem:s3+$0x30] =	vst v3;
	v2 =	vmin.u32 v2, $0xF423F;
	v0 =	vnsel vm0, $0x0, v0;
	vm0 =	vgt.s32 v1, $0x0;
	(pc) =	sbr.rel @p0 .LBB2_1-.Ltmp0, $4  }
0x1a: {  	v3 =	vld [tilespmem:s5+$0x30];
	[tilespmem:s3+$0x40] =	vst v2;
	v0 =	vmin.u32 v0, $0xF423F;
	v1 =	vnsel vm0, $0x0, v1;
	vm0 =	vgt.s32 v7, $0x0  }
0x1b: {  	v2 =	vld [tilespmem:s5+$0x40];
	[tilespmem:s3+$0x50] =	vst v0;
	v1 =	vmin.u32 v1, $0xF423F;
	v7 =	vnsel vm0, $0x0, v7  }
0x1c: {  	vm0 =	vgt.s32 v6, $0x0;
	v0 =	vld [tilespmem:s5+$0x50];
	[tilespmem:s3+$0x60] =	vst v1;
	v7 =	vmin.u32 v7, $0xF423F  }
0x1d: {  	s4 =	sadd.s32 $0x200, s4;
	v6 =	vnsel vm0, $0x0, v6;
	vm0 =	vgt.s32 v5, $0x0;
	v1 =	vld [tilespmem:s5+$0x60];
	[tilespmem:s3+$0x70] =	vst v7;
	s3 =	smov.u32 s5  }
0x1e: {  	v6 =	vmin.u32 v6, $0xF423F;
	v5 =	vnsel vm0, $0x0, v5;
	vm10 =	vgt.s32 v4, $0x0;
	v7 =	vld [tilespmem:s3+$0x70]  }
0x1f: {  	[tilespmem:s3+$0x0] =	vst v6;
	v5 =	vmin.u32 v5, $0xF423F;
	v4 =	vnsel vm10, $0x0, v4;
	vm11 =	vgt.s32 v3, $0x0  }
0x20: {  	[tilespmem:s3+$0x10] =	vst v5;
	v4 =	vmin.u32 v4, $0xF423F;
	v3 =	vnsel vm11, $0x0, v3;
	vm12 =	vgt.s32 v2, $0x0  }
0x21: {  	[tilespmem:s3+$0x20] =	vst v4;
	v3 =	vmin.u32 v3, $0xF423F;
	v2 =	vnsel vm12, $0x0, v2;
	vm13 =	vgt.s32 v0, $0x0  }
0x22: {  	[tilespmem:s3+$0x30] =	vst v3;
	v2 =	vmin.u32 v2, $0xF423F;
	v0 =	vnsel vm13, $0x0, v0;
	vm14 =	vgt.s32 v1, $0x0  }
0x23: {  	[tilespmem:s3+$0x40] =	vst v2;
	v0 =	vmin.u32 v0, $0xF423F;
	v1 =	vnsel vm14, $0x0, v1;
	vm15 =	vgt.s32 v7, $0x0  }
0x24: {  	[tilespmem:s3+$0x50] =	vst v0;
	v61 =	vmin.u32 v1, $0xF423F;
	v62 =	vnsel vm15, $0x0, v7  }
0x25: {  	s17 =	simm.s32 $0x80;
	[tilespmem:s3+$0x60] =	vst v61;
	v63 =	vmin.u32 v62, $0xF423F  }
0x26: {  	s4 =	simm.s32 $0x0;
	s5 =	simm.s32 $0x400;
	s18 =	simm.s32 $0x1;
	[tilespmem:s3+$0x70] =	vst v63  }
0x27: {  	[hbm4b:s2+s17] =	stream.indirect.scatter [tilespmem:s5], [sflag:$0x1], $0x1, s4, s17, $0xb8;
	[tilespmem:$0x800] =	vst v63  }
0x28: {  	_ =	swait.ge [sflag:s18], $0x80  }
0x29: {  	[sflag:s18] =	ssyncset.done $0x0  }
0x2a: {  	s19 =	simm.s32 $0x480;
	[sflag:s18] =	ssyncadd.s32 $0xFFFFFF80  }
0x2b: {  	[hbm4b:s2+s17] =	stream.indirect.scatter [tilespmem:s19], [sflag:$0x1], $0x1, s17, s17, $0xb8;
	[tilespmem:$0x800] =	vst v63  }
0x2c: {  	_ =	swait.ge [sflag:s18], $0x80  }
0x2d: {  	[sflag:s18] =	ssyncset.done $0x0  }
0x2e: {  	s20 =	simm.s32 $0x100;
	s6 =	simm.s32 $0x500;
	[sflag:s18] =	ssyncadd.s32 $0xFFFFFF80  }
0x2f: {  	[hbm4b:s2+s17] =	stream.indirect.scatter [tilespmem:s6], [sflag:$0x1], $0x1, s20, s17, $0xb8;
	[tilespmem:$0x800] =	vst v63  }
0x30: {  	_ =	swait.ge [sflag:s18], $0x80  }
0x31: {  	[sflag:s18] =	ssyncset.done $0x0  }
0x32: {  	s21 =	simm.s32 $0x180;
	s22 =	simm.s32 $0x580;
	[sflag:s18] =	ssyncadd.s32 $0xFFFFFF80  }
0x33: {  	[hbm4b:s2+s17] =	stream.indirect.scatter [tilespmem:s22], [sflag:$0x1], $0x1, s21, s17, $0xb8;
	[tilespmem:$0x800] =	vst v63  }
0x34: {  	_ =	swait.ge [sflag:s18], $0x80  }
0x35: {  	[sflag:s18] =	ssyncset.done $0x0  }
0x36: {  	s23 =	simm.s32 $0x200;
	s24 =	simm.s32 $0x600;
	[sflag:s18] =	ssyncadd.s32 $0xFFFFFF80  }
0x37: {  	[hbm4b:s2+s17] =	stream.indirect.scatter [tilespmem:s24], [sflag:$0x1], $0x1, s23, s17, $0xb8;
	[tilespmem:$0x800] =	vst v63  }
0x38: {  	_ =	swait.ge [sflag:s18], $0x80  }
0x39: {  	[sflag:s18] =	ssyncset.done $0x0  }
0x3a: {  	s25 =	simm.s32 $0x280;
	s26 =	simm.s32 $0x680;
	[sflag:s18] =	ssyncadd.s32 $0xFFFFFF80  }
0x3b: {  	[hbm4b:s2+s17] =	stream.indirect.scatter [tilespmem:s26], [sflag:$0x1], $0x1, s25, s17, $0xb8;
	[tilespmem:$0x800] =	vst v63  }
0x3c: {  	_ =	swait.ge [sflag:s18], $0x80  }
0x3d: {  	[sflag:s18] =	ssyncset.done $0x0  }
0x3e: {  	s28 =	simm.s32 $0x300;
	s29 =	simm.s32 $0x700;
	[sflag:s18] =	ssyncadd.s32 $0xFFFFFF80  }
0x3f: {  	[hbm4b:s2+s17] =	stream.indirect.scatter [tilespmem:s29], [sflag:$0x1], $0x1, s28, s17, $0xb8;
	[tilespmem:$0x800] =	vst v63  }
0x40: {  	_ =	swait.ge [sflag:s18], $0x80  }
0x41: {  	[sflag:s18] =	ssyncset.done $0x0  }
0x42: {  	s30 =	simm.s32 $0x380;
	s31 =	simm.s32 $0x780;
	[sflag:s18] =	ssyncadd.s32 $0xFFFFFF80  }
0x43: {  	[hbm4b:s2+s17] =	stream.indirect.scatter [tilespmem:s31], [sflag:$0x1], $0x1, s30, s17, $0xb8;
	[tilespmem:$0x800] =	vst v63  }
0x44: {  	_ =	swait.ge [sflag:s18], $0x80  }
0x45: {  	[sflag:s18] =	ssyncset.done $0x0  }
0x46: {  	[sflag:s18] =	ssyncadd.s32 $0xFFFFFF80  }
0x47: {  	_ =	sfence.sel $0x180000  }
0x48: {  	[bflag:$0x0] =	sbarrier.arrive $0xFFFF  }
0x49: {  	p0 =	sne.s32 s1, $0x0;
	_ =	strace $0x90000047  }
0x4a: {  	s0 =	sadd.s32 @!p0 $0x100000, s0;
	[bflag:$0x2] =	sbarrier.arrive $0xFFFF  }
0x4b: {  	[sflag:s0] =	ssyncadd.tile.s32 @!p0 $0x1;
	_ =	shalt  }
.Lfunc_end2:
_tile_overlayer_lowered:
.L_overlay_start_2:
0x4c: {  	(tag) =	ssettag $0x2  }
0x4d: {  	s0 =	rddreg [dreg:$0x0];
	s2 =	stileid.u32  }
0x4e: {  	s1 =	rddreg [dreg:$0x1];
	p0 =	sne.s32 s2, $0x0  }
0x4f: {  	s3 =	rddreg [dreg:$0x2];
	[bflag:$0x3] =	sbarrier.arrive $0xFFFF;
	s2 =	simm.s32 @!p0 $0x1C01  }
0x50: {  	[timem:s3], [sflag:s2] =	dma.local @!p0 [hbm:s0], s1  }
0x51: {  	s0 =	simm.s32 @!p0 $0x1  }
0x52: {  	_ =	swait.ge @!p0 [sflag:s0], s1  }
0x53: {  	s1 =	ssub.s32 @!p0 $0x0, s1;
	[sflag:s0] =	ssyncset.done @!p0 $0x0  }
0x54: {  	[sflag:s0] =	ssyncadd.s32 @!p0 s1  }
0x55: {  	[bflag:$0x3] =	sbarrier.arrive $0xFFFF  }
0x56: {  	_ =	shalt  }

// kernel: kernel.7.cloned.1.call-start
scs
__scs_entry_jumppad:
0x0: {  	(pc) =	sbr.rel $0x88, $3  }
0x1: {  	(tag) =	ssettag $0x0;
	lr =	simm.s32 $0x1  }
0x2: {  	[smem:$0x3F9E] =	sst lr;
	_ =	strace $0xD0000000  }
0x3: {  	_ = 	snop  }
0x4: {  	_ = 	snop  }
0x5: {  	_ = 	snop  }
0x6: {  	_ = 	snop  }
0x7: {  	_ = 	snop  }
__scs_overlays_trampoline_lowered:
0x8: {  	[smem:$0x3FAD] =	sst s0  }
0x9: {  	[smem:$0x3FAE] =	sst s1  }
0xa: {  	[smem:$0x3FAF] =	sst s2  }
0xb: {  	[smem:$0x3FB0] =	sst s3  }
0xc: {  	[smem:$0x3FB1] =	sst s4  }
0xd: {  	[smem:$0x3FB2] =	sst s5  }
0xe: {  	[smem:$0x3FB3] =	sst s6  }
0xf: {  	[smem:$0x3FB4] =	sst s7  }
0x10: {  	[smem:$0x3FB5] =	sst s8  }
0x11: {  	[smem:$0x3FB6] =	sst s9;
	s0 =	simm.s32 @!p0 $0x0  }
0x12: {  	s1 =	sld [smem:$0x3F9C];
	s0 =	simm.s32 @p0 $0x1  }
0x13: {  	[smem:$0x3FB7] =	sst s0;
	s0 =	simm.s32 @!p1 $0x0  }
0x14: {  	s2 =	sld [smem:$0x3F9B];
	s0 =	simm.s32 @p1 $0x1  }
0x15: {  	[smem:$0x3FB8] =	sst s0;
	s0 =	simm.s32 @!p2 $0x0  }
0x16: {  	s3 =	sld [smem:$0x3FDB];
	s0 =	simm.s32 @p2 $0x1  }
0x17: {  	s4 =	simm.s32 $0x1BF5;
	[smem:$0x3FBA] =	sst s0  }
0x18: {  	s0 =	sld [smem:$0x3F9D];
	_ =	swait.ge [sflag:s4], $0x0  }
0x19: {  	s7 =	sld [smem:$0x3F9E]  }
0x1a: {  	s8 =	sadd.s32 $0xFFFFE003, lr  }
0x1b: {  	s9 =	sadd.s32 $0xFFFFFEF7, lr;
	s5 =	simm.s32 $0xFFFFFFFF;
	p2 =	slt.u32 s8, $0xFFFFF086  }
0x1c: {  	p1 =	slt.u32 s9, $0xF7A;
	s5 =	simm.s32 @!p2 $0x0  }
0x1d: {  	s5 =	simm.s32 @p1 $0x1;
	p0 =	seq.s32 s7, s2  }
0x1e: {  	s7 =	smul.u32 @!p0 $0xF7A, s2;
	p2 =	seq.s32 @!p0 s5, $0x0  }
0x1f: {  	s9 =	smul.u32 $0xF7A, s1;
	s8 =	simm.s32 @!p0 $0x1BF5;
	p2 =	por !p2, p0  }
0x20: {  	[sflag:s8] =	ssyncset.s32 @!p0 $0xFFFFF086;
	s6 =	sadd.s32 @!p0 s3, s7;
	s7 =	simm.s32 @!p0 $0x108  }
0x21: {  	s3 =	sadd.s32 s3, s9;
	s6 =	sadd.s32 @!p0 $0x88, s6;
	s7 =	simm.s32 @p2 $0x1082  }
0x22: {  	[simem:s7], [sflag:s8] =	dma.local @!p0 [hbm:s6], $0xF7A  }
0x23: {  	s9 =	sor.u32 $0xD0000000, s2;
	s6 =	simm.s32 $0x108;
	_ =	swait.ge @!p0 [sflag:s8], $0x0  }
0x24: {  	s3 =	sadd.s32 $0x88, s3;
	s6 =	simm.s32 @!p1 $0x1082;
	[sflag:s4] =	ssyncset.s32 $0xFFFFF086  }
0x25: {  	[simem:s6], [sflag:s4] =	dma.local [hbm:s3], $0xF7A  }
0x26: {  	[smem:$0x3F9E] =	sst s1;
	(tag) =	ssettag s2;
	_ =	strace s9  }
0x27: {  	s1 =	sld [smem:$0x3FAE]  }
0x28: {  	s2 =	sld [smem:$0x3FAF]  }
0x29: {  	s4 =	sld [smem:$0x3FB1]  }
0x2a: {  	p0 =	seq.s32 s5, $0x0;
	s5 =	sld [smem:$0x3FB2]  }
0x2b: {  	s6 =	sld [smem:$0x3FB3]  }
0x2c: {  	s7 =	sld [smem:$0x3FB4]  }
0x2d: {  	s3 =	simm.s32 $0x108;
	s8 =	sld [smem:$0x3FB5]  }
0x2e: {  	s3 =	simm.s32 @!p0 $0x1082;
	s9 =	sld [smem:$0x3FB6]  }
0x2f: {  	lr =	sadd.s32 s0, s3;
	s0 =	sld [smem:$0x3FAD]  }
0x30: {  	s3 =	sld [smem:$0x3FB0]  }
0x31: {  	[smem:$0x3FB9] =	sst s10  }
0x32: {  	s10 =	sld [smem:$0x3FB7];
	_ =	sdelay $0x3  }
0x33: {  	p0 =	seq.s32 s10, $0x1;
	s10 =	sld [smem:$0x3FB9];
	_ =	sdelay $0x3  }
0x34: {  	[smem:$0x3FB9] =	sst s10  }
0x35: {  	s10 =	sld [smem:$0x3FB8];
	_ =	sdelay $0x3  }
0x36: {  	p1 =	seq.s32 s10, $0x1;
	s10 =	sld [smem:$0x3FB9];
	_ =	sdelay $0x3  }
0x37: {  	[smem:$0x3FB9] =	sst s10  }
0x38: {  	s10 =	sld [smem:$0x3FBA]  }
0x39: {  	_ = 	snop;
	(pc) =	sbr.ind lr, $3  }
0x3a: {  	_ = 	snop  }
0x3b: {  	_ = 	snop  }
0x3c: {  	p2 =	seq.s32 s10, $0x1;
	s10 =	sld [smem:$0x3FB9]  }
0x3d: {  	_ =	shalt  }
0x3e: {  	_ =	shalt  }
0x3f: {  	_ =	shalt  }
0x40: {  	_ =	shalt  }
0x41: {  	_ =	shalt  }
0x42: {  	_ =	shalt  }
0x43: {  	_ =	shalt  }
0x44: {  	_ =	shalt  }
0x45: {  	_ =	shalt  }
0x46: {  	_ =	shalt  }
0x47: {  	_ =	shalt  }
0x48: {  	_ =	shalt  }
0x49: {  	_ =	shalt  }
0x4a: {  	_ =	shalt  }
0x4b: {  	_ =	shalt  }
0x4c: {  	_ =	shalt  }
0x4d: {  	_ =	shalt  }
0x4e: {  	_ =	shalt  }
0x4f: {  	_ =	shalt  }
0x50: {  	_ =	shalt  }
0x51: {  	_ =	shalt  }
0x52: {  	_ =	shalt  }
0x53: {  	_ =	shalt  }
0x54: {  	_ =	shalt  }
0x55: {  	_ =	shalt  }
0x56: {  	_ =	shalt  }
0x57: {  	_ =	shalt  }
0x58: {  	_ =	shalt  }
0x59: {  	_ =	shalt  }
0x5a: {  	_ =	shalt  }
0x5b: {  	_ =	shalt  }
0x5c: {  	_ =	shalt  }
0x5d: {  	_ =	shalt  }
0x5e: {  	_ =	shalt  }
0x5f: {  	_ =	shalt  }
0x60: {  	_ =	shalt  }
0x61: {  	_ =	shalt  }
0x62: {  	_ =	shalt  }
0x63: {  	_ =	shalt  }
0x64: {  	_ =	shalt  }
0x65: {  	_ =	shalt  }
0x66: {  	_ =	shalt  }
0x67: {  	_ =	shalt  }
0x68: {  	_ =	shalt  }
0x69: {  	_ =	shalt  }
0x6a: {  	_ =	shalt  }
0x6b: {  	_ =	shalt  }
0x6c: {  	_ =	shalt  }
0x6d: {  	_ =	shalt  }
0x6e: {  	_ =	shalt  }
0x6f: {  	_ =	shalt  }
0x70: {  	_ =	shalt  }
0x71: {  	_ =	shalt  }
0x72: {  	_ =	shalt  }
0x73: {  	_ =	shalt  }
0x74: {  	_ =	shalt  }
0x75: {  	_ =	shalt  }
0x76: {  	_ =	shalt  }
0x77: {  	_ =	shalt  }
0x78: {  	_ =	shalt  }
0x79: {  	_ =	shalt  }
0x7a: {  	_ =	shalt  }
0x7b: {  	_ =	shalt  }
0x7c: {  	_ =	shalt  }
0x7d: {  	_ =	shalt  }
0x7e: {  	_ =	shalt  }
0x7f: {  	_ =	shalt  }
0x80: {  	_ =	shalt  }
0x81: {  	_ =	shalt  }
0x82: {  	_ =	shalt  }
0x83: {  	_ =	shalt  }
0x84: {  	_ =	shalt  }
0x85: {  	_ =	shalt  }
0x86: {  	_ =	shalt  }
0x87: {  	_ =	shalt  }
.Lfunc_end0:
.L_simem_size_0:
called_computation.1_lowered:
.L_overlay_start_0:
0x88: {  	s0 =	sld [smem:$0x3FD9]  }
0x89: {  	s1 =	sld [smem:$0x3FFE];
	_ =	sdelay $0x3  }
0x8a: {  	s0 =	sadd.s32 s1, s0  }
0x8b: {  	[smem:$0x3FC5] =	sst s0  }
0x8c: {  	_ = 	snop  }
0x8d: {  	s0 =	sld [smem:$0x3FC9]  }
0x8e: {  	s16 =	sld [smem:$0x3FD0];
	(tm) =	ssettm $0x1  }
0x8f: {  	s2 =	sld [smem:$0x3FFB];
	_ =	sdelay $0x3  }
0x90: {  	_ =	strace s2  }
0x91: {  	s2 =	sld [smem:$0x3FFC];
	_ =	sdelay $0x3  }
0x92: {  	_ =	strace s2  }
0x93: {  	s2 =	sld [smem:$0x3FFD];
	_ =	sdelay $0x3  }
0x94: {  	_ =	strace s2  }
0x95: {  	_ =	strace $0x8FFFFFFF  }
0x96: {  	s17 =	sld [smem:$0x3FDB];
	_ =	sdelay $0x1  }
0x97: {  	s3 =	simm.s32 $_scs_section_size  }
0x98: {  	s4 =	simm.s32 $_size__tile_overlayer_lowered;
	s5 =	simm.s32 $_tile_overlayer_lowered  }
0x99: {  	s20 =	simm.s32 $0x1BFF;
	s19 =	sshll.u32 s5, $0x1;
	s2 =	sadd.s32 s3, s17  }
0x9a: {  	s6 =	simm.s32 $0x0;
	s18 =	sshll.u32 s4, $0x1;
	s4 =	sadd.s32 s19, s2  }
0x9b: {  	[timem:s6], [sflag:s20] =	dma.local [hbm:s4], s18  }
0x9c: {  	_ =	swait.ge [sflag:s20], s18  }
0x9d: {  	s3 =	ssub.s32 $0x0, s18;
	[sflag:s20] =	ssyncset.done $0x0  }
0x9e: {  	[sflag:s20] =	ssyncadd.s32 s3;
	_ =	sdelay $0x1  }
0x9f: {  	s21 =	simm.s32 $0x1B8B  }
0xa0: {  	_ =	swait.ge [sflag:s21], $0x1  }
0xa1: {  	[sflag:s21] =	ssyncset.done $0x0  }
0xa2: {  	s23 =	simm.s32 $0x1B8E;
	s22 =	sld [smem:$0x3FFE];
	[sflag:s21] =	ssyncadd.s32 $0xFFFFFFFF  }
0xa3: {  	s24 =	simm.s32 $execute0_lowered;
	[smem:$0x3FD2] =	sst s23  }
0xa4: {  	s4 =	sshll.u32 s24, $0x1;
	_ =	strace $0x80000049;
	[dreg:$0x1] =	wrdreg $0xFFFFFFFF  }
0xa5: {  	s25 =	simm.s32 $_size_execute0_lowered;
	s2 =	sadd.s32 s2, s4;
	[dreg:$0x0] =	wrdreg $0x0  }
0xa6: {  	s4 =	sshll.u32 s25, $0x1;
	[dreg:$0x2] =	wrdreg s2  }
0xa7: {  	[dreg:$0x3] =	wrdreg s4  }
0xa8: {  	[dreg:$0x4] =	wrdreg $0xC0  }
0xa9: {  	_ =	task [dreg:s6], $0x5FFFF  }
0xaa: {  	[dreg:$0x1] =	wrdreg $0xFFFFFFFF  }
0xab: {  	[dreg:$0x0] =	wrdreg $0x60  }
0xac: {  	[dreg:$0x2] =	wrdreg s0  }
0xad: {  	[dreg:$0x3] =	wrdreg s22  }
0xae: {  	[dreg:$0x4] =	wrdreg s16  }
0xaf: {  	[dreg:$0x5] =	wrdreg $0x0  }
0xb0: {  	[dreg:$0x6] =	wrdreg $0x100000  }
0xb1: {  	[dreg:$0x7] =	wrdreg $0x104000  }
0xb2: {  	[dreg:$0x8] =	wrdreg $0x9  }
0xb3: {  	_ =	task.clear_ibuf [dreg:s6], $0x9FFFF;
	_ =	strace $0x90000049  }
0xb4: {  	s26 =	simm.s32 $0x9;
	_ =	strace $0x8000004B  }
0xb5: {  	_ =	swait.ge [sflag:s26], $0x1  }
0xb6: {  	[sflag:s26] =	ssyncadd.s32 $0xFFFFFFFF  }
0xb7: {  	_ =	strace $0x9000004B  }
0xb8: {  	_ =	sfence  }
0xb9: {  	s28 =	sld [smem:$0x0];
	_ =	sdelay $0x1  }
0xba: {  	s29 =	srdreg.scid  }
0xbb: {  	s30 =	sshll.u32 s29, $0xD;
	s31 =	sshrl.u32 s29, $0x2  }
0xbc: {  	s1 =	sand.u32 $0x1, s29;
	s2 =	sand.u32 $0x4000, s30;
	s0 =	sadd.s32 s31, s28  }
0xbd: {  	s1 =	sor.u32 s2, s1;
	s0 =	sshll.u32 s0, $0x11  }
0xbe: {  	s0 =	sor.u32 s0, s1  }
0xbf: {  	s0 =	sadd.s32 $0x8F2B, s0  }
0xc0: {  	[sflag:s0] =	ssyncadd.remote.s32 $0x1  }
0xc1: {  	_ =	sfence.sel $0xFFFF  }
0xc2: {  	[dreg:$0x0] =	wrdreg $0xFFFFFFFF;
	(pc) =	sbr.abs _section_cstart, $3  }
0xc3: {  	[dreg:$0x1] =	wrdreg $0xFFFFFFFF  }
0xc4: {  	_ =	task.clear_ibuf [dreg:s6], $0x2FFFF;
	_ =	strace $0x9FFFFFFF  }
0xc5: {  	(tm) =	ssettm $0x7FFFFFFF  }
tec
execute0_lowered:
.L_overlay_start_1:
0x0: {  	(tag) =	ssettag $0x1  }
0x1: {  	s6 =	rddreg [dreg:$0x0]  }
0x2: {  	s8 =	rddreg [dreg:$0x1]  }
0x3: {  	s1 =	rddreg [dreg:$0x2]  }
0x4: {  	s5 =	rddreg [dreg:$0x3]  }
0x5: {  	s4 =	rddreg [dreg:$0x4]  }
0x6: {  	s2 =	rddreg [dreg:$0x5]  }
0x7: {  	s0 =	rddreg [dreg:$0x6];
	s7 =	simm.s32 $0x0;
	s3 =	stileid.u32  }
0x8: {  	s30 =	simm.s32 $0x10410;
	[smem:$0x7FF] =	sst s7;
	s9 =	sshll.u32 s3, $0x7  }
0x9: {  	s31 =	simm.s32 $0x1;
	_ =	strace $0x8000004A;
	s6 =	sadd.s32 s6, s9  }
0xa: {  	[tilespmem:s30], [sflag:$0x1] =	stream.linear.gather [hbm4b:s6+s7], $0x400, $0x38;
	[tilespmem:$0x16EC0] =	vst v63  }
0xb: {  	_ =	swait.ge [sflag:s31], $0x400  }
0xc: {  	[sflag:s31] =	ssyncset.done $0x0  }
0xd: {  	s9 =	simm.s32 $0x0;
	[sflag:s31] =	ssyncadd.s32 $0xFFFFFC00  }
0xe: {  	v3 =	vld [tilespmem:s9+$0x10410]  }
0xf: {  	v5 =	vld [tilespmem:s9+$0x10420]  }
0x10: {  	v4 =	vld [tilespmem:s9+$0x10430]  }
0x11: {  	v2 =	vld [tilespmem:s9+$0x10440]  }
0x12: {  	s12 =	simm.s32 $0x200;
	v0 =	vld [tilespmem:s9+$0x10450]  }
0x13: {  	s15 =	sadd.s32 $0x1200, s8;
	s11 =	sadd.s32 $0xA00, s8;
	s10 =	sadd.s32 $0x1000, s8;
	v1 =	vld [tilespmem:s9+$0x10460];
	vm0 =	vgt.s32 v3, $0x0  }
0x14: {  	s7 =	sadd.s32 $0x1FC00, s8;
	s6 =	sadd.s32 $0xF62000, s8;
	s8 =	sadd.s32 $0xE00, s8;
	v6 =	vnsel vm0, $0x0, v3;
	vm0 =	vgt.s32 v5, $0x0;
	v3 =	vld [tilespmem:s9+$0x10470]  }
.LBB2_1:
0x15: {  	p0 =	sne.s32 s12, $0xE00;
	v6 =	vmin.u32 v6, $0xF423F;
	v5 =	vnsel vm0, $0x0, v5;
	vm0 =	vgt.s32 v4, $0x0;
	v7 =	vld [tilespmem:s9+$0x10480]  }
0x16: {  	s13 =	sshra.s32 s12, $0x2;
	[tilespmem:s9+$0x10410] =	vst v6;
	v5 =	vmin.u32 v5, $0xF423F;
	v4 =	vnsel vm0, $0x0, v4;
	vm0 =	vgt.s32 v2, $0x0  }
0x17: {  	v6 =	vld [tilespmem:s13+$0x10410];
	[tilespmem:s9+$0x10420] =	vst v5;
	v4 =	vmin.u32 v4, $0xF423F;
	v2 =	vnsel vm0, $0x0, v2;
	vm0 =	vgt.s32 v0, $0x0  }
0x18: {  	v5 =	vld [tilespmem:s13+$0x10420];
	[tilespmem:s9+$0x10430] =	vst v4;
	v2 =	vmin.u32 v2, $0xF423F;
	v0 =	vnsel vm0, $0x0, v0;
	vm0 =	vgt.s32 v1, $0x0  }
.Ltmp0:
0x19: {  	v4 =	vld [tilespmem:s13+$0x10430];
	[tilespmem:s9+$0x10440] =	vst v2;
	v0 =	vmin.u32 v0, $0xF423F;
	v1 =	vnsel vm0, $0x0, v1;
	vm0 =	vgt.s32 v3, $0x0;
	(pc) =	sbr.rel @p0 .LBB2_1-.Ltmp0, $4  }
0x1a: {  	v2 =	vld [tilespmem:s13+$0x10440];
	[tilespmem:s9+$0x10450] =	vst v0;
	v1 =	vmin.u32 v1, $0xF423F;
	v3 =	vnsel vm0, $0x0, v3;
	vm0 =	vgt.s32 v7, $0x0  }
0x1b: {  	v0 =	vld [tilespmem:s13+$0x10450];
	[tilespmem:s9+$0x10460] =	vst v1;
	v3 =	vmin.u32 v3, $0xF423F;
	v7 =	vnsel vm0, $0x0, v7  }
0x1c: {  	vm0 =	vgt.s32 v6, $0x0;
	v1 =	vld [tilespmem:s13+$0x10460];
	[tilespmem:s9+$0x10470] =	vst v3;
	v7 =	vmin.u32 v7, $0xF423F  }
0x1d: {  	s12 =	sadd.s32 $0x200, s12;
	v6 =	vnsel vm0, $0x0, v6;
	vm0 =	vgt.s32 v5, $0x0;
	v3 =	vld [tilespmem:s13+$0x10470];
	[tilespmem:s9+$0x10480] =	vst v7;
	s9 =	smov.u32 s13  }
0x1e: {  	v6 =	vmin.u32 v6, $0xF423F;
	v5 =	vnsel vm0, $0x0, v5;
	vm0 =	vgt.s32 v4, $0x0;
	v7 =	vld [tilespmem:s9+$0x10480]  }
0x1f: {  	[tilespmem:s9+$0x10410] =	vst v6;
	v5 =	vmin.u32 v5, $0xF423F;
	v4 =	vnsel vm0, $0x0, v4;
	vm0 =	vgt.s32 v2, $0x0  }
0x20: {  	[tilespmem:s9+$0x10420] =	vst v5;
	v4 =	vmin.u32 v4, $0xF423F;
	v2 =	vnsel vm0, $0x0, v2;
	vm0 =	vgt.s32 v0, $0x0  }
0x21: {  	[tilespmem:s9+$0x10430] =	vst v4;
	v2 =	vmin.u32 v2, $0xF423F;
	v0 =	vnsel vm0, $0x0, v0;
	vm0 =	vgt.s32 v1, $0x0  }
0x22: {  	[tilespmem:s9+$0x10440] =	vst v2;
	v0 =	vmin.u32 v0, $0xF423F;
	v1 =	vnsel vm0, $0x0, v1;
	vm0 =	vgt.s32 v3, $0x0  }
0x23: {  	[tilespmem:s9+$0x10450] =	vst v0;
	v0 =	vmin.u32 v1, $0xF423F;
	v1 =	vnsel vm0, $0x0, v3;
	vm0 =	vgt.s32 v7, $0x0  }
0x24: {  	[tilespmem:s9+$0x10460] =	vst v0;
	v0 =	vmin.u32 v1, $0xF423F;
	v1 =	vnsel vm0, $0x0, v7  }
0x25: {  	[tilespmem:s9+$0x10470] =	vst v0;
	v0 =	vmin.u32 v1, $0xF423F  }
0x26: {  	s24 =	simm.s32 $0x0;
	s17 =	simm.s32 $0x14C10;
	s16 =	simm.s32 $0x1;
	[tilespmem:s9+$0x10480] =	vst v0  }
0x27: {  	[tilespmem:s17], [sflag:$0x1] =	stream.linear.gather [hbm4b:s11+s24], $0x2000, $0x38;
	[tilespmem:$0x16EC0] =	vst v63  }
0x28: {  	_ =	swait.ge [sflag:s16], $0x2000  }
0x29: {  	[sflag:s16] =	ssyncset.done $0x0  }
0x2a: {  	s18 =	simm.s32 $0x16C10;
	[sflag:s16] =	ssyncadd.s32 $0xFFFFE000  }
0x2b: {  	[tilespmem:s18], [sflag:$0x1] =	stream.linear.gather [hbm4b:s10+s24], $0x80, $0x38;
	[tilespmem:$0x16EC0] =	vst v63  }
0x2c: {  	_ =	swait.ge [sflag:s16], $0x80  }
0x2d: {  	[sflag:s16] =	ssyncset.done $0x0  }
0x2e: {  	s25 =	simm.s32 $0x16D20;
	[sflag:s16] =	ssyncadd.s32 $0xFFFFFF80  }
0x2f: {  	[tilespmem:s25], [sflag:$0x1] =	stream.linear.gather [hbm4b:s8+s24], $0x80, $0x38;
	[tilespmem:$0x16EC0] =	vst v63  }
0x30: {  	_ =	swait.ge [sflag:s16], $0x80  }
0x31: {  	s26 =	sshll.u32 s3, $0x10;
	[sflag:s16] =	ssyncset.done $0x0  }
0x32: {  	s8 =	sadd.s32 s26, s5;
	[sflag:s16] =	ssyncadd.s32 $0xFFFFFF80  }
0x33: {  	[spmem:s8] =	stream.linear.scatter [tilespmem:s17], [sflag:$0x1], $0x2000, $0x38;
	[tilespmem:$0x16EC0] =	vst v63  }
0x34: {  	_ =	swait.ge [sflag:s16], $0x2000  }
0x35: {  	s14 =	sshll.u32 s3, $0xA;
	[sflag:s16] =	ssyncset.done $0x0  }
0x36: {  	s28 =	sadd.s32 s14, s4;
	[sflag:s16] =	ssyncadd.s32 $0xFFFFE000  }
0x37: {  	[spmem:s28] =	stream.linear.scatter [tilespmem:s18], [sflag:$0x1], $0x80, $0x38;
	[tilespmem:$0x16EC0] =	vst v63  }
0x38: {  	s13 =	sor.u32 $0x80, s14;
	_ =	swait.ge [sflag:s16], $0x80  }
0x39: {  	s29 =	sshll.u32 s13, $0x6;
	[sflag:s16] =	ssyncset.done $0x0  }
0x3a: {  	s8 =	sadd.s32 s29, s5;
	[sflag:s16] =	ssyncadd.s32 $0xFFFFFF80  }
0x3b: {  	[spmem:s8] =	stream.linear.scatter [tilespmem:s17], [sflag:$0x1], $0x2000, $0x38;
	[tilespmem:$0x16EC0] =	vst v63  }
0x3c: {  	_ =	swait.ge [sflag:s16], $0x2000  }
0x3d: {  	[sflag:s16] =	ssyncset.done $0x0  }
0x3e: {  	s30 =	sadd.s32 s13, s4;
	[sflag:s16] =	ssyncadd.s32 $0xFFFFE000  }
0x3f: {  	[spmem:s30] =	stream.linear.scatter [tilespmem:s18], [sflag:$0x1], $0x80, $0x38;
	[tilespmem:$0x16EC0] =	vst v63  }
0x40: {  	s12 =	sor.u32 $0x100, s14;
	_ =	swait.ge [sflag:s16], $0x80  }
0x41: {  	s31 =	sshll.u32 s12, $0x6;
	[sflag:s16] =	ssyncset.done $0x0  }
0x42: {  	s8 =	sadd.s32 s31, s5;
	[sflag:s16] =	ssyncadd.s32 $0xFFFFFF80  }
0x43: {  	[spmem:s8] =	stream.linear.scatter [tilespmem:s17], [sflag:$0x1], $0x2000, $0x38;
	[tilespmem:$0x16EC0] =	vst v63  }
0x44: {  	_ =	swait.ge [sflag:s16], $0x2000  }
0x45: {  	[sflag:s16] =	ssyncset.done $0x0  }
0x46: {  	s9 =	sadd.s32 s12, s4;
	[sflag:s16] =	ssyncadd.s32 $0xFFFFE000  }
0x47: {  	[spmem:s9] =	stream.linear.scatter [tilespmem:s18], [sflag:$0x1], $0x80, $0x38;
	[tilespmem:$0x16EC0] =	vst v63  }
0x48: {  	s11 =	sor.u32 $0x180, s14;
	_ =	swait.ge [sflag:s16], $0x80  }
0x49: {  	s10 =	sshll.u32 s11, $0x6;
	[sflag:s16] =	ssyncset.done $0x0  }
0x4a: {  	s8 =	sadd.s32 s10, s5;
	[sflag:s16] =	ssyncadd.s32 $0xFFFFFF80  }
0x4b: {  	[spmem:s8] =	stream.linear.scatter [tilespmem:s17], [sflag:$0x1], $0x2000, $0x38;
	[tilespmem:$0x16EC0] =	vst v63  }
0x4c: {  	_ =	swait.ge [sflag:s16], $0x2000  }
0x4d: {  	[sflag:s16] =	ssyncset.done $0x0  }
0x4e: {  	s19 =	sadd.s32 s11, s4;
	[sflag:s16] =	ssyncadd.s32 $0xFFFFE000  }
0x4f: {  	[spmem:s19] =	stream.linear.scatter [tilespmem:s18], [sflag:$0x1], $0x80, $0x38;
	[tilespmem:$0x16EC0] =	vst v63  }
0x50: {  	s10 =	sor.u32 $0x200, s14;
	_ =	swait.ge [sflag:s16], $0x80  }
0x51: {  	s20 =	sshll.u32 s10, $0x6;
	[sflag:s16] =	ssyncset.done $0x0  }
0x52: {  	s8 =	sadd.s32 s20, s5;
	[sflag:s16] =	ssyncadd.s32 $0xFFFFFF80  }
0x53: {  	[spmem:s8] =	stream.linear.scatter [tilespmem:s17], [sflag:$0x1], $0x2000, $0x38;
	[tilespmem:$0x16EC0] =	vst v63  }
0x54: {  	_ =	swait.ge [sflag:s16], $0x2000  }
0x55: {  	[sflag:s16] =	ssyncset.done $0x0  }
0x56: {  	s21 =	sadd.s32 s10, s4;
	[sflag:s16] =	ssyncadd.s32 $0xFFFFE000  }
0x57: {  	[spmem:s21] =	stream.linear.scatter [tilespmem:s18], [sflag:$0x1], $0x80, $0x38;
	[tilespmem:$0x16EC0] =	vst v63  }
0x58: {  	s9 =	sor.u32 $0x280, s14;
	_ =	swait.ge [sflag:s16], $0x80  }
0x59: {  	s22 =	sshll.u32 s9, $0x6;
	[sflag:s16] =	ssyncset.done $0x0  }
0x5a: {  	s8 =	sadd.s32 s22, s5;
	[sflag:s16] =	ssyncadd.s32 $0xFFFFFF80  }
0x5b: {  	[spmem:s8] =	stream.linear.scatter [tilespmem:s17], [sflag:$0x1], $0x2000, $0x38;
	[tilespmem:$0x16EC0] =	vst v63  }
0x5c: {  	_ =	swait.ge [sflag:s16], $0x2000  }
0x5d: {  	[sflag:s16] =	ssyncset.done $0x0  }
0x5e: {  	s23 =	sadd.s32 s9, s4;
	[sflag:s16] =	ssyncadd.s32 $0xFFFFE000  }
0x5f: {  	[spmem:s23] =	stream.linear.scatter [tilespmem:s18], [sflag:$0x1], $0x80, $0x38;
	[tilespmem:$0x16EC0] =	vst v63  }
0x60: {  	s8 =	sor.u32 $0x300, s14;
	_ =	swait.ge [sflag:s16], $0x80  }
0x61: {  	s19 =	sshll.u32 s8, $0x6;
	[sflag:s16] =	ssyncset.done $0x0  }
0x62: {  	s19 =	sadd.s32 s19, s5;
	[sflag:s16] =	ssyncadd.s32 $0xFFFFFF80  }
0x63: {  	[spmem:s19] =	stream.linear.scatter [tilespmem:s17], [sflag:$0x1], $0x2000, $0x38;
	[tilespmem:$0x16EC0] =	vst v63  }
0x64: {  	_ =	swait.ge [sflag:s16], $0x2000  }
0x65: {  	[sflag:s16] =	ssyncset.done $0x0  }
0x66: {  	s24 =	sadd.s32 s8, s4;
	[sflag:s16] =	ssyncadd.s32 $0xFFFFE000  }
0x67: {  	[spmem:s24] =	stream.linear.scatter [tilespmem:s18], [sflag:$0x1], $0x80, $0x38;
	[tilespmem:$0x16EC0] =	vst v63  }
0x68: {  	s14 =	sor.u32 $0x380, s14;
	_ =	swait.ge [sflag:s16], $0x80  }
0x69: {  	s25 =	sshll.u32 s14, $0x6;
	[sflag:s16] =	ssyncset.done $0x0  }
0x6a: {  	s19 =	sadd.s32 s25, s5;
	[sflag:s16] =	ssyncadd.s32 $0xFFFFFF80  }
0x6b: {  	[spmem:s19] =	stream.linear.scatter [tilespmem:s17], [sflag:$0x1], $0x2000, $0x38;
	[tilespmem:$0x16EC0] =	vst v63  }
0x6c: {  	_ =	swait.ge [sflag:s16], $0x2000  }
0x6d: {  	[sflag:s16] =	ssyncset.done $0x0  }
0x6e: {  	s26 =	sadd.s32 s14, s4;
	[sflag:s16] =	ssyncadd.s32 $0xFFFFE000  }
0x6f: {  	[spmem:s26] =	stream.linear.scatter [tilespmem:s18], [sflag:$0x1], $0x80, $0x38;
	[tilespmem:$0x16EC0] =	vst v63  }
0x70: {  	_ =	swait.ge [sflag:s16], $0x80  }
0x71: {  	s29 =	simm.s32 $0x10810;
	[sflag:s16] =	ssyncset.done $0x0  }
0x72: {  	s28 =	simm.s32 $0x10410;
	s17 =	simm.s32 $0x80;
	[sflag:s16] =	ssyncadd.s32 $0xFFFFFF80  }
0x73: {  	[tilespmem:s29], [sflag:$0x1] =	stream.indirect.gather [hbm4b:s15+s17], $0x1, s28, s17, $0xb8;
	[tilespmem:$0x16EC0] =	vst v63  }
0x74: {  	_ =	swait.ge [sflag:s16], $0x80  }
0x75: {  	[sflag:s16] =	ssyncset.done $0x0  }
0x76: {  	s31 =	simm.s32 $0x10890;
	s30 =	simm.s32 $0x10490;
	[sflag:s16] =	ssyncadd.s32 $0xFFFFFF80  }
0x77: {  	[tilespmem:s31], [sflag:$0x1] =	stream.indirect.gather [hbm4b:s15+s17], $0x1, s30, s17, $0xb8;
	[tilespmem:$0x16EC0] =	vst v63  }
0x78: {  	_ =	swait.ge [sflag:s16], $0x80  }
0x79: {  	[sflag:s16] =	ssyncset.done $0x0  }
0x7a: {  	s20 =	simm.s32 $0x10910;
	s19 =	simm.s32 $0x10510;
	[sflag:s16] =	ssyncadd.s32 $0xFFFFFF80  }
0x7b: {  	[tilespmem:s20], [sflag:$0x1] =	stream.indirect.gather [hbm4b:s15+s17], $0x1, s19, s17, $0xb8;
	[tilespmem:$0x16EC0] =	vst v63  }
0x7c: {  	_ =	swait.ge [sflag:s16], $0x80  }
0x7d: {  	[sflag:s16] =	ssyncset.done $0x0  }
0x7e: {  	s22 =	simm.s32 $0x10990;
	s21 =	simm.s32 $0x10590;
	[sflag:s16] =	ssyncadd.s32 $0xFFFFFF80  }
0x7f: {  	[tilespmem:s22], [sflag:$0x1] =	stream.indirect.gather [hbm4b:s15+s17], $0x1, s21, s17, $0xb8;
	[tilespmem:$0x16EC0] =	vst v63  }
0x80: {  	_ =	swait.ge [sflag:s16], $0x80  }
0x81: {  	[sflag:s16] =	ssyncset.done $0x0  }
0x82: {  	s23 =	simm.s32 $0x10610;
	s24 =	simm.s32 $0x10A10;
	[sflag:s16] =	ssyncadd.s32 $0xFFFFFF80  }
0x83: {  	[tilespmem:s24], [sflag:$0x1] =	stream.indirect.gather [hbm4b:s15+s17], $0x1, s23, s17, $0xb8;
	[tilespmem:$0x16EC0] =	vst v63  }
0x84: {  	_ =	swait.ge [sflag:s16], $0x80  }
0x85: {  	[sflag:s16] =	ssyncset.done $0x0  }
0x86: {  	s25 =	simm.s32 $0x10690;
	s26 =	simm.s32 $0x10A90;
	[sflag:s16] =	ssyncadd.s32 $0xFFFFFF80  }
0x87: {  	[tilespmem:s26], [sflag:$0x1] =	stream.indirect.gather [hbm4b:s15+s17], $0x1, s25, s17, $0xb8;
	[tilespmem:$0x16EC0] =	vst v63  }
0x88: {  	_ =	swait.ge [sflag:s16], $0x80  }
0x89: {  	[sflag:s16] =	ssyncset.done $0x0  }
0x8a: {  	s28 =	simm.s32 $0x10710;
	s29 =	simm.s32 $0x10B10;
	[sflag:s16] =	ssyncadd.s32 $0xFFFFFF80  }
0x8b: {  	[tilespmem:s29], [sflag:$0x1] =	stream.indirect.gather [hbm4b:s15+s17], $0x1, s28, s17, $0xb8;
	[tilespmem:$0x16EC0] =	vst v63  }
0x8c: {  	_ =	swait.ge [sflag:s16], $0x80  }
0x8d: {  	[sflag:s16] =	ssyncset.done $0x0  }
0x8e: {  	s30 =	simm.s32 $0x10790;
	s31 =	simm.s32 $0x10B90;
	[sflag:s16] =	ssyncadd.s32 $0xFFFFFF80  }
0x8f: {  	[tilespmem:s31], [sflag:$0x1] =	stream.indirect.gather [hbm4b:s15+s17], $0x1, s30, s17, $0xb8;
	[tilespmem:$0x16EC0] =	vst v63  }
0x90: {  	_ =	swait.ge [sflag:s16], $0x80  }
0x91: {  	[sflag:s16] =	ssyncset.done $0x0  }
0x92: {  	s15 =	simm.s32 $0x0;
	[sflag:s16] =	ssyncadd.s32 $0xFFFFFF80  }
0x93: {  	v0 =	vld [tilespmem:s15+$0x10810]  }
0x94: {  	v5 =	vld [tilespmem:s15+$0x10820]  }
0x95: {  	v4 =	vld [tilespmem:s15+$0x10830]  }
0x96: {  	v3 =	vld [tilespmem:s15+$0x10840]  }
0x97: {  	v2 =	vld [tilespmem:s15+$0x10850]  }
0x98: {  	v1 =	vld [tilespmem:s15+$0x10860];
	vm0 =	vgt.s32 v0, $0x0  }
0x99: {  	s16 =	simm.s32 $0x200;
	v6 =	vnsel vm0, $0x0, v0;
	vm0 =	vgt.s32 v5, $0x0;
	v0 =	vld [tilespmem:s15+$0x10870]  }
.LBB2_3:
0x9a: {  	p0 =	sne.s32 s16, $0xE00;
	v6 =	vmin.u32 v6, $0x3FFF;
	v5 =	vnsel vm0, $0x0, v5;
	vm0 =	vgt.s32 v4, $0x0;
	v7 =	vld [tilespmem:s15+$0x10880]  }
0x9b: {  	s17 =	sshra.s32 s16, $0x2;
	[tilespmem:s15+$0x10810] =	vst v6;
	v5 =	vmin.u32 v5, $0x3FFF;
	v4 =	vnsel vm0, $0x0, v4;
	vm0 =	vgt.s32 v3, $0x0  }
0x9c: {  	v6 =	vld [tilespmem:s17+$0x10810];
	[tilespmem:s15+$0x10820] =	vst v5;
	v4 =	vmin.u32 v4, $0x3FFF;
	v3 =	vnsel vm0, $0x0, v3;
	vm0 =	vgt.s32 v2, $0x0  }
0x9d: {  	v5 =	vld [tilespmem:s17+$0x10820];
	[tilespmem:s15+$0x10830] =	vst v4;
	v3 =	vmin.u32 v3, $0x3FFF;
	v2 =	vnsel vm0, $0x0, v2;
	vm0 =	vgt.s32 v1, $0x0  }
.Ltmp1:
0x9e: {  	v4 =	vld [tilespmem:s17+$0x10830];
	[tilespmem:s15+$0x10840] =	vst v3;
	v2 =	vmin.u32 v2, $0x3FFF;
	v1 =	vnsel vm0, $0x0, v1;
	vm0 =	vgt.s32 v0, $0x0;
	(pc) =	sbr.rel @p0 .LBB2_3-.Ltmp1, $4  }
0x9f: {  	v3 =	vld [tilespmem:s17+$0x10840];
	[tilespmem:s15+$0x10850] =	vst v2;
	v1 =	vmin.u32 v1, $0x3FFF;
	v0 =	vnsel vm0, $0x0, v0;
	vm0 =	vgt.s32 v7, $0x0  }
0xa0: {  	v2 =	vld [tilespmem:s17+$0x10850];
	[tilespmem:s15+$0x10860] =	vst v1;
	v0 =	vmin.u32 v0, $0x3FFF;
	v7 =	vnsel vm0, $0x0, v7  }
0xa1: {  	vm0 =	vgt.s32 v6, $0x0;
	v1 =	vld [tilespmem:s17+$0x10860];
	[tilespmem:s15+$0x10870] =	vst v0;
	v7 =	vmin.u32 v7, $0x3FFF  }
0xa2: {  	s16 =	sadd.s32 $0x200, s16;
	v6 =	vnsel vm0, $0x0, v6;
	vm0 =	vgt.s32 v5, $0x0;
	v0 =	vld [tilespmem:s17+$0x10870];
	[tilespmem:s15+$0x10880] =	vst v7;
	s15 =	smov.u32 s17  }
0xa3: {  	v6 =	vmin.u32 v6, $0x3FFF;
	v5 =	vnsel vm0, $0x0, v5;
	vm10 =	vgt.s32 v4, $0x0;
	v7 =	vld [tilespmem:s15+$0x10880]  }
0xa4: {  	[tilespmem:s15+$0x10810] =	vst v6;
	v5 =	vmin.u32 v5, $0x3FFF;
	v4 =	vnsel vm10, $0x0, v4;
	vm11 =	vgt.s32 v3, $0x0  }
0xa5: {  	[tilespmem:s15+$0x10820] =	vst v5;
	v4 =	vmin.u32 v4, $0x3FFF;
	v3 =	vnsel vm11, $0x0, v3;
	vm12 =	vgt.s32 v2, $0x0  }
0xa6: {  	[tilespmem:s15+$0x10830] =	vst v4;
	v3 =	vmin.u32 v3, $0x3FFF;
	v2 =	vnsel vm12, $0x0, v2;
	vm13 =	vgt.s32 v1, $0x0  }
0xa7: {  	[tilespmem:s15+$0x10840] =	vst v3;
	v2 =	vmin.u32 v2, $0x3FFF;
	v1 =	vnsel vm13, $0x0, v1;
	vm14 =	vgt.s32 v0, $0x0  }
0xa8: {  	[tilespmem:s15+$0x10850] =	vst v2;
	v1 =	vmin.u32 v1, $0x3FFF;
	v0 =	vnsel vm14, $0x0, v0;
	vm15 =	vgt.s32 v7, $0x0  }
0xa9: {  	[tilespmem:s15+$0x10860] =	vst v1;
	v0 =	vmin.u32 v0, $0x3FFF;
	v1 =	vnsel vm15, $0x0, v7  }
0xaa: {  	[tilespmem:s15+$0x10870] =	vst v0;
	v0 =	vmin.u32 v1, $0x3FFF  }
0xab: {  	s16 =	sshll.u32 s3, $0xD;
	s29 =	simm.s32 $0x0;
	s17 =	simm.s32 $0x10C10;
	[tilespmem:s15+$0x10880] =	vst v0  }
0xac: {  	s30 =	simm.s32 $0x1;
	s15 =	sadd.s32 s7, s16;
	[bflag:$0x0] =	sbarrier.arrive $0xFFFF  }
0xad: {  	[tilespmem:s17], [sflag:$0x1] =	stream.linear.gather [hbm4b:s15+s29], $0x2000, $0x38;
	[tilespmem:$0x16EC0] =	vst v63  }
0xae: {  	_ =	swait.ge [sflag:s30], $0x2000  }
0xaf: {  	s31 =	simm.s32 $0x80;
	[sflag:s30] =	ssyncset.done $0x0  }
0xb0: {  	s18 =	simm.s32 $0x10410;
	s19 =	simm.s32 $0x12C10;
	[sflag:s30] =	ssyncadd.s32 $0xFFFFE000  }
0xb1: {  	[tilespmem:s19], [sflag:$0x1] =	stream.indirect.gather [hbm4b:s6+s31], $0x40, s18, s31, $0xb8;
	[tilespmem:$0x16EC0] =	vst v63  }
0xb2: {  	_ =	swait.ge [sflag:s30], $0x2000  }
0xb3: {  	[sflag:s30] =	ssyncset.done $0x0  }
0xb4: {  	s16 =	simm.s32 $0x0;
	[sflag:s30] =	ssyncadd.s32 $0xFFFFE000  }
0xb5: {  	v2 =	vld [tilespmem:s16+$0x10C40]  }
0xb6: {  	v4 =	vld [tilespmem:s16+$0x12C40]  }
0xb7: {  	v5 =	vld [tilespmem:s16+$0x10C10]  }
0xb8: {  	v6 =	vld [tilespmem:s16+$0x12C10]  }
0xb9: {  	v1 =	vld [tilespmem:s16+$0x10C20]  }
0xba: {  	v3 =	vld [tilespmem:s16+$0x12C20]  }
0xbb: {  	v0 =	vld [tilespmem:s16+$0x10C30];
	v7 =	vsub.f32 v2, v4  }
0xbc: {  	s17 =	simm.s32 $0x40;
	v4 =	vld [tilespmem:s16+$0x12C30]  }
0xbd: {  	s18 =	simm.s32 $0x200;
	v2 =	vld [tilespmem:s17+$0x10C40];
	v5 =	vsub.f32 v5, v6;
	[tilespmem:s16+$0x14C40] =	vst v7  }
.LBB2_5:
0xbe: {  	p0 =	sne.s32 s18, $0x7F00;
	v6 =	vld [tilespmem:s17+$0x12C40]  }
0xbf: {  	v7 =	vld [tilespmem:s17+$0x10C10];
	[tilespmem:s16+$0x14C10] =	vst v5;
	v3 =	vsub.f32 v1, v3  }
0xc0: {  	v5 =	vld [tilespmem:s17+$0x12C10]  }
.Ltmp2:
0xc1: {  	v1 =	vld [tilespmem:s17+$0x10C20];
	[tilespmem:s16+$0x14C20] =	vst v3;
	v4 =	vsub.f32 v0, v4;
	(pc) =	sbr.rel @p0 .LBB2_5-.Ltmp2, $4  }
0xc2: {  	v3 =	vld [tilespmem:s17+$0x12C20]  }
0xc3: {  	v0 =	vld [tilespmem:s17+$0x10C30];
	v6 =	vsub.f32 v2, v6;
	[tilespmem:s16+$0x14C30] =	vst v4;
	s16 =	smov.u32 s17  }
0xc4: {  	s17 =	sshra.s32 s18, $0x2;
	v4 =	vld [tilespmem:s16+$0x12C30]  }
0xc5: {  	s18 =	sadd.s32 $0x100, s18;
	v2 =	vld [tilespmem:s17+$0x10C40];
	v5 =	vsub.f32 v7, v5;
	[tilespmem:s16+$0x14C40] =	vst v6  }
0xc6: {  	v6 =	vld [tilespmem:s17+$0x12C40]  }
0xc7: {  	v7 =	vld [tilespmem:s17+$0x10C10];
	[tilespmem:s16+$0x14C10] =	vst v5;
	v1 =	vsub.f32 v1, v3  }
0xc8: {  	v3 =	vld [tilespmem:s17+$0x12C10]  }
0xc9: {  	v5 =	vld [tilespmem:s17+$0x10C20];
	[tilespmem:s16+$0x14C20] =	vst v1;
	v0 =	vsub.f32 v0, v4  }
0xca: {  	v1 =	vld [tilespmem:s17+$0x12C20]  }
0xcb: {  	v4 =	vld [tilespmem:s17+$0x10C30];
	[tilespmem:s16+$0x14C30] =	vst v0  }
0xcc: {  	v0 =	vld [tilespmem:s17+$0x12C30];
	_ =	sdelay $0x1  }
0xcd: {  	v2 =	vsub.f32 v2, v6  }
0xce: {  	v3 =	vsub.f32 v7, v3  }
0xcf: {  	[tilespmem:s17+$0x14C40] =	vst v2;
	v1 =	vsub.f32 v5, v1  }
0xd0: {  	[tilespmem:s17+$0x14C10] =	vst v3;
	v0 =	vsub.f32 v4, v0  }
0xd1: {  	s24 =	simm.s32 $0x80;
	[tilespmem:s17+$0x14C20] =	vst v1  }
0xd2: {  	s25 =	simm.s32 $0x10810;
	s18 =	simm.s32 $0x14C10;
	s26 =	simm.s32 $0x1;
	[tilespmem:s17+$0x14C30] =	vst v0  }
0xd3: {  	[spmem:s5] =	stream.indirect.scatter.add.f32 [tilespmem:s18], [sflag:$0x1], $0x40, s25, s24, $0xb8;
	[tilespmem:$0x16EC0] =	vst v63  }
0xd4: {  	_ =	swait.ge [sflag:s26], $0x2000  }
0xd5: {  	[sflag:s26] =	ssyncset.done $0x0  }
0xd6: {  	s19 =	simm.s32 $0x16D20;
	[sflag:s26] =	ssyncadd.s32 $0xFFFFE000  }
0xd7: {  	[spmem:s4] =	stream.indirect.scatter.add.f32 [tilespmem:s19], [sflag:$0x1], $0x1, s25, s24, $0xb8;
	[tilespmem:$0x16EC0] =	vst v63  }
0xd8: {  	_ =	swait.ge [sflag:s26], $0x80  }
0xd9: {  	s13 =	sshll.u32 s13, $0x3;
	s28 =	simm.s32 $0x0;
	[sflag:s26] =	ssyncset.done $0x0  }
0xda: {  	s29 =	simm.s32 $0x10C10;
	s13 =	sadd.s32 s7, s13;
	[sflag:s26] =	ssyncadd.s32 $0xFFFFFF80  }
0xdb: {  	[tilespmem:s29], [sflag:$0x1] =	stream.linear.gather [hbm4b:s13+s28], $0x2000, $0x38;
	[tilespmem:$0x16EC0] =	vst v63  }
0xdc: {  	_ =	swait.ge [sflag:s26], $0x2000  }
0xdd: {  	[sflag:s26] =	ssyncset.done $0x0  }
0xde: {  	s30 =	simm.s32 $0x10490;
	s31 =	simm.s32 $0x12C10;
	[sflag:s26] =	ssyncadd.s32 $0xFFFFE000  }
0xdf: {  	[tilespmem:s31], [sflag:$0x1] =	stream.indirect.gather [hbm4b:s6+s24], $0x40, s30, s24, $0xb8;
	[tilespmem:$0x16EC0] =	vst v63  }
0xe0: {  	_ =	swait.ge [sflag:s26], $0x2000  }
0xe1: {  	[sflag:s26] =	ssyncset.done $0x0  }
0xe2: {  	s16 =	simm.s32 $0x0;
	[sflag:s26] =	ssyncadd.s32 $0xFFFFE000  }
0xe3: {  	v2 =	vld [tilespmem:s16+$0x10C40]  }
0xe4: {  	v4 =	vld [tilespmem:s16+$0x12C40]  }
0xe5: {  	v5 =	vld [tilespmem:s16+$0x10C10]  }
0xe6: {  	v6 =	vld [tilespmem:s16+$0x12C10]  }
0xe7: {  	v1 =	vld [tilespmem:s16+$0x10C20]  }
0xe8: {  	v3 =	vld [tilespmem:s16+$0x12C20]  }
0xe9: {  	v0 =	vld [tilespmem:s16+$0x10C30];
	v7 =	vsub.f32 v2, v4  }
0xea: {  	s17 =	simm.s32 $0x40;
	v4 =	vld [tilespmem:s16+$0x12C30]  }
0xeb: {  	s18 =	simm.s32 $0x200;
	v2 =	vld [tilespmem:s17+$0x10C40];
	v5 =	vsub.f32 v5, v6;
	[tilespmem:s16+$0x14C40] =	vst v7  }
.LBB2_7:
0xec: {  	p0 =	sne.s32 s18, $0x7F00;
	v6 =	vld [tilespmem:s17+$0x12C40]  }
0xed: {  	v7 =	vld [tilespmem:s17+$0x10C10];
	[tilespmem:s16+$0x14C10] =	vst v5;
	v3 =	vsub.f32 v1, v3  }
0xee: {  	v5 =	vld [tilespmem:s17+$0x12C10]  }
.Ltmp3:
0xef: {  	v1 =	vld [tilespmem:s17+$0x10C20];
	[tilespmem:s16+$0x14C20] =	vst v3;
	v4 =	vsub.f32 v0, v4;
	(pc) =	sbr.rel @p0 .LBB2_7-.Ltmp3, $4  }
0xf0: {  	v3 =	vld [tilespmem:s17+$0x12C20]  }
0xf1: {  	v0 =	vld [tilespmem:s17+$0x10C30];
	v6 =	vsub.f32 v2, v6;
	[tilespmem:s16+$0x14C30] =	vst v4;
	s16 =	smov.u32 s17  }
0xf2: {  	s17 =	sshra.s32 s18, $0x2;
	v4 =	vld [tilespmem:s16+$0x12C30]  }
0xf3: {  	s18 =	sadd.s32 $0x100, s18;
	v2 =	vld [tilespmem:s17+$0x10C40];
	v5 =	vsub.f32 v7, v5;
	[tilespmem:s16+$0x14C40] =	vst v6  }
0xf4: {  	v6 =	vld [tilespmem:s17+$0x12C40]  }
0xf5: {  	v7 =	vld [tilespmem:s17+$0x10C10];
	[tilespmem:s16+$0x14C10] =	vst v5;
	v1 =	vsub.f32 v1, v3  }
0xf6: {  	v3 =	vld [tilespmem:s17+$0x12C10]  }
0xf7: {  	v5 =	vld [tilespmem:s17+$0x10C20];
	[tilespmem:s16+$0x14C20] =	vst v1;
	v0 =	vsub.f32 v0, v4  }
0xf8: {  	v1 =	vld [tilespmem:s17+$0x12C20]  }
0xf9: {  	v4 =	vld [tilespmem:s17+$0x10C30];
	[tilespmem:s16+$0x14C30] =	vst v0  }
0xfa: {  	v0 =	vld [tilespmem:s17+$0x12C30];
	_ =	sdelay $0x1  }
0xfb: {  	v2 =	vsub.f32 v2, v6  }
0xfc: {  	v3 =	vsub.f32 v7, v3  }
0xfd: {  	[tilespmem:s17+$0x14C40] =	vst v2;
	v1 =	vsub.f32 v5, v1  }
0xfe: {  	[tilespmem:s17+$0x14C10] =	vst v3;
	v0 =	vsub.f32 v4, v0  }
0xff: {  	s24 =	simm.s32 $0x80;
	[tilespmem:s17+$0x14C20] =	vst v1  }
0x100: {  	s25 =	simm.s32 $0x10890;
	s18 =	simm.s32 $0x14C10;
	s26 =	simm.s32 $0x1;
	[tilespmem:s17+$0x14C30] =	vst v0  }
0x101: {  	[spmem:s5] =	stream.indirect.scatter.add.f32 [tilespmem:s18], [sflag:$0x1], $0x40, s25, s24, $0xb8;
	[tilespmem:$0x16EC0] =	vst v63  }
0x102: {  	_ =	swait.ge [sflag:s26], $0x2000  }
0x103: {  	[sflag:s26] =	ssyncset.done $0x0  }
0x104: {  	s19 =	simm.s32 $0x16D20;
	[sflag:s26] =	ssyncadd.s32 $0xFFFFE000  }
0x105: {  	[spmem:s4] =	stream.indirect.scatter.add.f32 [tilespmem:s19], [sflag:$0x1], $0x1, s25, s24, $0xb8;
	[tilespmem:$0x16EC0] =	vst v63  }
0x106: {  	_ =	swait.ge [sflag:s26], $0x80  }
0x107: {  	s12 =	sshll.u32 s12, $0x3;
	s28 =	simm.s32 $0x0;
	[sflag:s26] =	ssyncset.done $0x0  }
0x108: {  	s29 =	simm.s32 $0x10C10;
	s12 =	sadd.s32 s7, s12;
	[sflag:s26] =	ssyncadd.s32 $0xFFFFFF80  }
0x109: {  	[tilespmem:s29], [sflag:$0x1] =	stream.linear.gather [hbm4b:s12+s28], $0x2000, $0x38;
	[tilespmem:$0x16EC0] =	vst v63  }
0x10a: {  	_ =	swait.ge [sflag:s26], $0x2000  }
0x10b: {  	[sflag:s26] =	ssyncset.done $0x0  }
0x10c: {  	s30 =	simm.s32 $0x10510;
	s31 =	simm.s32 $0x12C10;
	[sflag:s26] =	ssyncadd.s32 $0xFFFFE000  }
0x10d: {  	[tilespmem:s31], [sflag:$0x1] =	stream.indirect.gather [hbm4b:s6+s24], $0x40, s30, s24, $0xb8;
	[tilespmem:$0x16EC0] =	vst v63  }
0x10e: {  	_ =	swait.ge [sflag:s26], $0x2000  }
0x10f: {  	[sflag:s26] =	ssyncset.done $0x0  }
0x110: {  	s16 =	simm.s32 $0x0;
	[sflag:s26] =	ssyncadd.s32 $0xFFFFE000  }
0x111: {  	v2 =	vld [tilespmem:s16+$0x10C40]  }
0x112: {  	v4 =	vld [tilespmem:s16+$0x12C40]  }
0x113: {  	v5 =	vld [tilespmem:s16+$0x10C10]  }
0x114: {  	v6 =	vld [tilespmem:s16+$0x12C10]  }
0x115: {  	v1 =	vld [tilespmem:s16+$0x10C20]  }
0x116: {  	v3 =	vld [tilespmem:s16+$0x12C20]  }
0x117: {  	v0 =	vld [tilespmem:s16+$0x10C30];
	v7 =	vsub.f32 v2, v4  }
0x118: {  	s17 =	simm.s32 $0x40;
	v4 =	vld [tilespmem:s16+$0x12C30]  }
0x119: {  	s18 =	simm.s32 $0x200;
	v2 =	vld [tilespmem:s17+$0x10C40];
	v5 =	vsub.f32 v5, v6;
	[tilespmem:s16+$0x14C40] =	vst v7  }
.LBB2_9:
0x11a: {  	p0 =	sne.s32 s18, $0x7F00;
	v6 =	vld [tilespmem:s17+$0x12C40]  }
0x11b: {  	v7 =	vld [tilespmem:s17+$0x10C10];
	[tilespmem:s16+$0x14C10] =	vst v5;
	v3 =	vsub.f32 v1, v3  }
0x11c: {  	v5 =	vld [tilespmem:s17+$0x12C10]  }
.Ltmp4:
0x11d: {  	v1 =	vld [tilespmem:s17+$0x10C20];
	[tilespmem:s16+$0x14C20] =	vst v3;
	v4 =	vsub.f32 v0, v4;
	(pc) =	sbr.rel @p0 .LBB2_9-.Ltmp4, $4  }
0x11e: {  	v3 =	vld [tilespmem:s17+$0x12C20]  }
0x11f: {  	v0 =	vld [tilespmem:s17+$0x10C30];
	v6 =	vsub.f32 v2, v6;
	[tilespmem:s16+$0x14C30] =	vst v4;
	s16 =	smov.u32 s17  }
0x120: {  	s17 =	sshra.s32 s18, $0x2;
	v4 =	vld [tilespmem:s16+$0x12C30]  }
0x121: {  	s18 =	sadd.s32 $0x100, s18;
	v2 =	vld [tilespmem:s17+$0x10C40];
	v5 =	vsub.f32 v7, v5;
	[tilespmem:s16+$0x14C40] =	vst v6  }
0x122: {  	v6 =	vld [tilespmem:s17+$0x12C40]  }
0x123: {  	v7 =	vld [tilespmem:s17+$0x10C10];
	[tilespmem:s16+$0x14C10] =	vst v5;
	v1 =	vsub.f32 v1, v3  }
0x124: {  	v3 =	vld [tilespmem:s17+$0x12C10]  }
0x125: {  	v5 =	vld [tilespmem:s17+$0x10C20];
	[tilespmem:s16+$0x14C20] =	vst v1;
	v0 =	vsub.f32 v0, v4  }
0x126: {  	v1 =	vld [tilespmem:s17+$0x12C20]  }
0x127: {  	v4 =	vld [tilespmem:s17+$0x10C30];
	[tilespmem:s16+$0x14C30] =	vst v0  }
0x128: {  	v0 =	vld [tilespmem:s17+$0x12C30];
	_ =	sdelay $0x1  }
0x129: {  	v2 =	vsub.f32 v2, v6  }
0x12a: {  	v3 =	vsub.f32 v7, v3  }
0x12b: {  	[tilespmem:s17+$0x14C40] =	vst v2;
	v1 =	vsub.f32 v5, v1  }
0x12c: {  	[tilespmem:s17+$0x14C10] =	vst v3;
	v0 =	vsub.f32 v4, v0  }
0x12d: {  	s24 =	simm.s32 $0x80;
	[tilespmem:s17+$0x14C20] =	vst v1  }
0x12e: {  	s25 =	simm.s32 $0x10910;
	s18 =	simm.s32 $0x14C10;
	s26 =	simm.s32 $0x1;
	[tilespmem:s17+$0x14C30] =	vst v0  }
0x12f: {  	[spmem:s5] =	stream.indirect.scatter.add.f32 [tilespmem:s18], [sflag:$0x1], $0x40, s25, s24, $0xb8;
	[tilespmem:$0x16EC0] =	vst v63  }
0x130: {  	_ =	swait.ge [sflag:s26], $0x2000  }
0x131: {  	[sflag:s26] =	ssyncset.done $0x0  }
0x132: {  	s19 =	simm.s32 $0x16D20;
	[sflag:s26] =	ssyncadd.s32 $0xFFFFE000  }
0x133: {  	[spmem:s4] =	stream.indirect.scatter.add.f32 [tilespmem:s19], [sflag:$0x1], $0x1, s25, s24, $0xb8;
	[tilespmem:$0x16EC0] =	vst v63  }
0x134: {  	_ =	swait.ge [sflag:s26], $0x80  }
0x135: {  	s11 =	sshll.u32 s11, $0x3;
	s28 =	simm.s32 $0x0;
	[sflag:s26] =	ssyncset.done $0x0  }
0x136: {  	s29 =	simm.s32 $0x10C10;
	s11 =	sadd.s32 s7, s11;
	[sflag:s26] =	ssyncadd.s32 $0xFFFFFF80  }
0x137: {  	[tilespmem:s29], [sflag:$0x1] =	stream.linear.gather [hbm4b:s11+s28], $0x2000, $0x38;
	[tilespmem:$0x16EC0] =	vst v63  }
0x138: {  	_ =	swait.ge [sflag:s26], $0x2000  }
0x139: {  	[sflag:s26] =	ssyncset.done $0x0  }
0x13a: {  	s30 =	simm.s32 $0x10590;
	s31 =	simm.s32 $0x12C10;
	[sflag:s26] =	ssyncadd.s32 $0xFFFFE000  }
0x13b: {  	[tilespmem:s31], [sflag:$0x1] =	stream.indirect.gather [hbm4b:s6+s24], $0x40, s30, s24, $0xb8;
	[tilespmem:$0x16EC0] =	vst v63  }
0x13c: {  	_ =	swait.ge [sflag:s26], $0x2000  }
0x13d: {  	[sflag:s26] =	ssyncset.done $0x0  }
0x13e: {  	s16 =	simm.s32 $0x0;
	[sflag:s26] =	ssyncadd.s32 $0xFFFFE000  }
0x13f: {  	v2 =	vld [tilespmem:s16+$0x10C40]  }
0x140: {  	v4 =	vld [tilespmem:s16+$0x12C40]  }
0x141: {  	v5 =	vld [tilespmem:s16+$0x10C10]  }
0x142: {  	v6 =	vld [tilespmem:s16+$0x12C10]  }
0x143: {  	v1 =	vld [tilespmem:s16+$0x10C20]  }
0x144: {  	v3 =	vld [tilespmem:s16+$0x12C20]  }
0x145: {  	v0 =	vld [tilespmem:s16+$0x10C30];
	v7 =	vsub.f32 v2, v4  }
0x146: {  	s17 =	simm.s32 $0x40;
	v4 =	vld [tilespmem:s16+$0x12C30]  }
0x147: {  	s18 =	simm.s32 $0x200;
	v2 =	vld [tilespmem:s17+$0x10C40];
	v5 =	vsub.f32 v5, v6;
	[tilespmem:s16+$0x14C40] =	vst v7  }
.LBB2_11:
0x148: {  	p0 =	sne.s32 s18, $0x7F00;
	v6 =	vld [tilespmem:s17+$0x12C40]  }
0x149: {  	v7 =	vld [tilespmem:s17+$0x10C10];
	[tilespmem:s16+$0x14C10] =	vst v5;
	v3 =	vsub.f32 v1, v3  }
0x14a: {  	v5 =	vld [tilespmem:s17+$0x12C10]  }
.Ltmp5:
0x14b: {  	v1 =	vld [tilespmem:s17+$0x10C20];
	[tilespmem:s16+$0x14C20] =	vst v3;
	v4 =	vsub.f32 v0, v4;
	(pc) =	sbr.rel @p0 .LBB2_11-.Ltmp5, $4  }
0x14c: {  	v3 =	vld [tilespmem:s17+$0x12C20]  }
0x14d: {  	v0 =	vld [tilespmem:s17+$0x10C30];
	v6 =	vsub.f32 v2, v6;
	[tilespmem:s16+$0x14C30] =	vst v4;
	s16 =	smov.u32 s17  }
0x14e: {  	s17 =	sshra.s32 s18, $0x2;
	v4 =	vld [tilespmem:s16+$0x12C30]  }
0x14f: {  	s18 =	sadd.s32 $0x100, s18;
	v2 =	vld [tilespmem:s17+$0x10C40];
	v5 =	vsub.f32 v7, v5;
	[tilespmem:s16+$0x14C40] =	vst v6  }
0x150: {  	v6 =	vld [tilespmem:s17+$0x12C40]  }
0x151: {  	v7 =	vld [tilespmem:s17+$0x10C10];
	[tilespmem:s16+$0x14C10] =	vst v5;
	v1 =	vsub.f32 v1, v3  }
0x152: {  	v3 =	vld [tilespmem:s17+$0x12C10]  }
0x153: {  	v5 =	vld [tilespmem:s17+$0x10C20];
	[tilespmem:s16+$0x14C20] =	vst v1;
	v0 =	vsub.f32 v0, v4  }
0x154: {  	v1 =	vld [tilespmem:s17+$0x12C20]  }
0x155: {  	v4 =	vld [tilespmem:s17+$0x10C30];
	[tilespmem:s16+$0x14C30] =	vst v0  }
0x156: {  	v0 =	vld [tilespmem:s17+$0x12C30];
	_ =	sdelay $0x1  }
0x157: {  	v2 =	vsub.f32 v2, v6  }
0x158: {  	v3 =	vsub.f32 v7, v3  }
0x159: {  	[tilespmem:s17+$0x14C40] =	vst v2;
	v1 =	vsub.f32 v5, v1  }
0x15a: {  	[tilespmem:s17+$0x14C10] =	vst v3;
	v0 =	vsub.f32 v4, v0  }
0x15b: {  	s24 =	simm.s32 $0x80;
	[tilespmem:s17+$0x14C20] =	vst v1  }
0x15c: {  	s25 =	simm.s32 $0x10990;
	s18 =	simm.s32 $0x14C10;
	s26 =	simm.s32 $0x1;
	[tilespmem:s17+$0x14C30] =	vst v0  }
0x15d: {  	[spmem:s5] =	stream.indirect.scatter.add.f32 [tilespmem:s18], [sflag:$0x1], $0x40, s25, s24, $0xb8;
	[tilespmem:$0x16EC0] =	vst v63  }
0x15e: {  	_ =	swait.ge [sflag:s26], $0x2000  }
0x15f: {  	[sflag:s26] =	ssyncset.done $0x0  }
0x160: {  	s19 =	simm.s32 $0x16D20;
	[sflag:s26] =	ssyncadd.s32 $0xFFFFE000  }
0x161: {  	[spmem:s4] =	stream.indirect.scatter.add.f32 [tilespmem:s19], [sflag:$0x1], $0x1, s25, s24, $0xb8;
	[tilespmem:$0x16EC0] =	vst v63  }
0x162: {  	_ =	swait.ge [sflag:s26], $0x80  }
0x163: {  	s10 =	sshll.u32 s10, $0x3;
	s28 =	simm.s32 $0x0;
	[sflag:s26] =	ssyncset.done $0x0  }
0x164: {  	s29 =	simm.s32 $0x10C10;
	s10 =	sadd.s32 s7, s10;
	[sflag:s26] =	ssyncadd.s32 $0xFFFFFF80  }
0x165: {  	[tilespmem:s29], [sflag:$0x1] =	stream.linear.gather [hbm4b:s10+s28], $0x2000, $0x38;
	[tilespmem:$0x16EC0] =	vst v63  }
0x166: {  	_ =	swait.ge [sflag:s26], $0x2000  }
0x167: {  	[sflag:s26] =	ssyncset.done $0x0  }
0x168: {  	s30 =	simm.s32 $0x10610;
	s31 =	simm.s32 $0x12C10;
	[sflag:s26] =	ssyncadd.s32 $0xFFFFE000  }
0x169: {  	[tilespmem:s31], [sflag:$0x1] =	stream.indirect.gather [hbm4b:s6+s24], $0x40, s30, s24, $0xb8;
	[tilespmem:$0x16EC0] =	vst v63  }
0x16a: {  	_ =	swait.ge [sflag:s26], $0x2000  }
0x16b: {  	[sflag:s26] =	ssyncset.done $0x0  }
0x16c: {  	s16 =	simm.s32 $0x0;
	[sflag:s26] =	ssyncadd.s32 $0xFFFFE000  }
0x16d: {  	v2 =	vld [tilespmem:s16+$0x10C40]  }
0x16e: {  	v4 =	vld [tilespmem:s16+$0x12C40]  }
0x16f: {  	v5 =	vld [tilespmem:s16+$0x10C10]  }
0x170: {  	v6 =	vld [tilespmem:s16+$0x12C10]  }
0x171: {  	v1 =	vld [tilespmem:s16+$0x10C20]  }
0x172: {  	v3 =	vld [tilespmem:s16+$0x12C20]  }
0x173: {  	v0 =	vld [tilespmem:s16+$0x10C30];
	v7 =	vsub.f32 v2, v4  }
0x174: {  	s17 =	simm.s32 $0x40;
	v4 =	vld [tilespmem:s16+$0x12C30]  }
0x175: {  	s18 =	simm.s32 $0x200;
	v2 =	vld [tilespmem:s17+$0x10C40];
	v5 =	vsub.f32 v5, v6;
	[tilespmem:s16+$0x14C40] =	vst v7  }
.LBB2_13:
0x176: {  	p0 =	sne.s32 s18, $0x7F00;
	v6 =	vld [tilespmem:s17+$0x12C40]  }
0x177: {  	v7 =	vld [tilespmem:s17+$0x10C10];
	[tilespmem:s16+$0x14C10] =	vst v5;
	v3 =	vsub.f32 v1, v3  }
0x178: {  	v5 =	vld [tilespmem:s17+$0x12C10]  }
.Ltmp6:
0x179: {  	v1 =	vld [tilespmem:s17+$0x10C20];
	[tilespmem:s16+$0x14C20] =	vst v3;
	v4 =	vsub.f32 v0, v4;
	(pc) =	sbr.rel @p0 .LBB2_13-.Ltmp6, $4  }
0x17a: {  	v3 =	vld [tilespmem:s17+$0x12C20]  }
0x17b: {  	v0 =	vld [tilespmem:s17+$0x10C30];
	v6 =	vsub.f32 v2, v6;
	[tilespmem:s16+$0x14C30] =	vst v4;
	s16 =	smov.u32 s17  }
0x17c: {  	s17 =	sshra.s32 s18, $0x2;
	v4 =	vld [tilespmem:s16+$0x12C30]  }
0x17d: {  	s18 =	sadd.s32 $0x100, s18;
	v2 =	vld [tilespmem:s17+$0x10C40];
	v5 =	vsub.f32 v7, v5;
	[tilespmem:s16+$0x14C40] =	vst v6  }
0x17e: {  	v6 =	vld [tilespmem:s17+$0x12C40]  }
0x17f: {  	v7 =	vld [tilespmem:s17+$0x10C10];
	[tilespmem:s16+$0x14C10] =	vst v5;
	v1 =	vsub.f32 v1, v3  }
0x180: {  	v3 =	vld [tilespmem:s17+$0x12C10]  }
0x181: {  	v5 =	vld [tilespmem:s17+$0x10C20];
	[tilespmem:s16+$0x14C20] =	vst v1;
	v0 =	vsub.f32 v0, v4  }
0x182: {  	v1 =	vld [tilespmem:s17+$0x12C20]  }
0x183: {  	v4 =	vld [tilespmem:s17+$0x10C30];
	[tilespmem:s16+$0x14C30] =	vst v0  }
0x184: {  	v0 =	vld [tilespmem:s17+$0x12C30];
	_ =	sdelay $0x1  }
0x185: {  	v2 =	vsub.f32 v2, v6  }
0x186: {  	v3 =	vsub.f32 v7, v3  }
0x187: {  	[tilespmem:s17+$0x14C40] =	vst v2;
	v1 =	vsub.f32 v5, v1  }
0x188: {  	[tilespmem:s17+$0x14C10] =	vst v3;
	v0 =	vsub.f32 v4, v0  }
0x189: {  	s24 =	simm.s32 $0x80;
	[tilespmem:s17+$0x14C20] =	vst v1  }
0x18a: {  	s25 =	simm.s32 $0x10A10;
	s18 =	simm.s32 $0x14C10;
	s26 =	simm.s32 $0x1;
	[tilespmem:s17+$0x14C30] =	vst v0  }
0x18b: {  	[spmem:s5] =	stream.indirect.scatter.add.f32 [tilespmem:s18], [sflag:$0x1], $0x40, s25, s24, $0xb8;
	[tilespmem:$0x16EC0] =	vst v63  }
0x18c: {  	_ =	swait.ge [sflag:s26], $0x2000  }
0x18d: {  	[sflag:s26] =	ssyncset.done $0x0  }
0x18e: {  	s19 =	simm.s32 $0x16D20;
	[sflag:s26] =	ssyncadd.s32 $0xFFFFE000  }
0x18f: {  	[spmem:s4] =	stream.indirect.scatter.add.f32 [tilespmem:s19], [sflag:$0x1], $0x1, s25, s24, $0xb8;
	[tilespmem:$0x16EC0] =	vst v63  }
0x190: {  	_ =	swait.ge [sflag:s26], $0x80  }
0x191: {  	s9 =	sshll.u32 s9, $0x3;
	s28 =	simm.s32 $0x0;
	[sflag:s26] =	ssyncset.done $0x0  }
0x192: {  	s29 =	simm.s32 $0x10C10;
	s9 =	sadd.s32 s7, s9;
	[sflag:s26] =	ssyncadd.s32 $0xFFFFFF80  }
0x193: {  	[tilespmem:s29], [sflag:$0x1] =	stream.linear.gather [hbm4b:s9+s28], $0x2000, $0x38;
	[tilespmem:$0x16EC0] =	vst v63  }
0x194: {  	_ =	swait.ge [sflag:s26], $0x2000  }
0x195: {  	[sflag:s26] =	ssyncset.done $0x0  }
0x196: {  	s30 =	simm.s32 $0x10690;
	s31 =	simm.s32 $0x12C10;
	[sflag:s26] =	ssyncadd.s32 $0xFFFFE000  }
0x197: {  	[tilespmem:s31], [sflag:$0x1] =	stream.indirect.gather [hbm4b:s6+s24], $0x40, s30, s24, $0xb8;
	[tilespmem:$0x16EC0] =	vst v63  }
0x198: {  	_ =	swait.ge [sflag:s26], $0x2000  }
0x199: {  	[sflag:s26] =	ssyncset.done $0x0  }
0x19a: {  	s16 =	simm.s32 $0x0;
	[sflag:s26] =	ssyncadd.s32 $0xFFFFE000  }
0x19b: {  	v2 =	vld [tilespmem:s16+$0x10C40]  }
0x19c: {  	v4 =	vld [tilespmem:s16+$0x12C40]  }
0x19d: {  	v5 =	vld [tilespmem:s16+$0x10C10]  }
0x19e: {  	v6 =	vld [tilespmem:s16+$0x12C10]  }
0x19f: {  	v1 =	vld [tilespmem:s16+$0x10C20]  }
0x1a0: {  	v3 =	vld [tilespmem:s16+$0x12C20]  }
0x1a1: {  	v0 =	vld [tilespmem:s16+$0x10C30];
	v7 =	vsub.f32 v2, v4  }
0x1a2: {  	s17 =	simm.s32 $0x40;
	v4 =	vld [tilespmem:s16+$0x12C30]  }
0x1a3: {  	s18 =	simm.s32 $0x200;
	v2 =	vld [tilespmem:s17+$0x10C40];
	v5 =	vsub.f32 v5, v6;
	[tilespmem:s16+$0x14C40] =	vst v7  }
.LBB2_15:
0x1a4: {  	p0 =	sne.s32 s18, $0x7F00;
	v6 =	vld [tilespmem:s17+$0x12C40]  }
0x1a5: {  	v7 =	vld [tilespmem:s17+$0x10C10];
	[tilespmem:s16+$0x14C10] =	vst v5;
	v3 =	vsub.f32 v1, v3  }
0x1a6: {  	v5 =	vld [tilespmem:s17+$0x12C10]  }
.Ltmp7:
0x1a7: {  	v1 =	vld [tilespmem:s17+$0x10C20];
	[tilespmem:s16+$0x14C20] =	vst v3;
	v4 =	vsub.f32 v0, v4;
	(pc) =	sbr.rel @p0 .LBB2_15-.Ltmp7, $4  }
0x1a8: {  	v3 =	vld [tilespmem:s17+$0x12C20]  }
0x1a9: {  	v0 =	vld [tilespmem:s17+$0x10C30];
	v6 =	vsub.f32 v2, v6;
	[tilespmem:s16+$0x14C30] =	vst v4;
	s16 =	smov.u32 s17  }
0x1aa: {  	s17 =	sshra.s32 s18, $0x2;
	v4 =	vld [tilespmem:s16+$0x12C30]  }
0x1ab: {  	s18 =	sadd.s32 $0x100, s18;
	v2 =	vld [tilespmem:s17+$0x10C40];
	v5 =	vsub.f32 v7, v5;
	[tilespmem:s16+$0x14C40] =	vst v6  }
0x1ac: {  	v6 =	vld [tilespmem:s17+$0x12C40]  }
0x1ad: {  	v7 =	vld [tilespmem:s17+$0x10C10];
	[tilespmem:s16+$0x14C10] =	vst v5;
	v1 =	vsub.f32 v1, v3  }
0x1ae: {  	v3 =	vld [tilespmem:s17+$0x12C10]  }
0x1af: {  	v5 =	vld [tilespmem:s17+$0x10C20];
	[tilespmem:s16+$0x14C20] =	vst v1;
	v0 =	vsub.f32 v0, v4  }
0x1b0: {  	v1 =	vld [tilespmem:s17+$0x12C20]  }
0x1b1: {  	v4 =	vld [tilespmem:s17+$0x10C30];
	[tilespmem:s16+$0x14C30] =	vst v0  }
0x1b2: {  	v0 =	vld [tilespmem:s17+$0x12C30];
	_ =	sdelay $0x1  }
0x1b3: {  	v2 =	vsub.f32 v2, v6  }
0x1b4: {  	v3 =	vsub.f32 v7, v3  }
0x1b5: {  	[tilespmem:s17+$0x14C40] =	vst v2;
	v1 =	vsub.f32 v5, v1  }
0x1b6: {  	[tilespmem:s17+$0x14C10] =	vst v3;
	v0 =	vsub.f32 v4, v0  }
0x1b7: {  	s24 =	simm.s32 $0x80;
	[tilespmem:s17+$0x14C20] =	vst v1  }
0x1b8: {  	s25 =	simm.s32 $0x10A90;
	s18 =	simm.s32 $0x14C10;
	s26 =	simm.s32 $0x1;
	[tilespmem:s17+$0x14C30] =	vst v0  }
0x1b9: {  	[spmem:s5] =	stream.indirect.scatter.add.f32 [tilespmem:s18], [sflag:$0x1], $0x40, s25, s24, $0xb8;
	[tilespmem:$0x16EC0] =	vst v63  }
0x1ba: {  	_ =	swait.ge [sflag:s26], $0x2000  }
0x1bb: {  	[sflag:s26] =	ssyncset.done $0x0  }
0x1bc: {  	s19 =	simm.s32 $0x16D20;
	[sflag:s26] =	ssyncadd.s32 $0xFFFFE000  }
0x1bd: {  	[spmem:s4] =	stream.indirect.scatter.add.f32 [tilespmem:s19], [sflag:$0x1], $0x1, s25, s24, $0xb8;
	[tilespmem:$0x16EC0] =	vst v63  }
0x1be: {  	_ =	swait.ge [sflag:s26], $0x80  }
0x1bf: {  	s8 =	sshll.u32 s8, $0x3;
	s28 =	simm.s32 $0x0;
	[sflag:s26] =	ssyncset.done $0x0  }
0x1c0: {  	s29 =	simm.s32 $0x10C10;
	s8 =	sadd.s32 s7, s8;
	[sflag:s26] =	ssyncadd.s32 $0xFFFFFF80  }
0x1c1: {  	[tilespmem:s29], [sflag:$0x1] =	stream.linear.gather [hbm4b:s8+s28], $0x2000, $0x38;
	[tilespmem:$0x16EC0] =	vst v63  }
0x1c2: {  	_ =	swait.ge [sflag:s26], $0x2000  }
0x1c3: {  	[sflag:s26] =	ssyncset.done $0x0  }
0x1c4: {  	s30 =	simm.s32 $0x10710;
	s31 =	simm.s32 $0x12C10;
	[sflag:s26] =	ssyncadd.s32 $0xFFFFE000  }
0x1c5: {  	[tilespmem:s31], [sflag:$0x1] =	stream.indirect.gather [hbm4b:s6+s24], $0x40, s30, s24, $0xb8;
	[tilespmem:$0x16EC0] =	vst v63  }
0x1c6: {  	_ =	swait.ge [sflag:s26], $0x2000  }
0x1c7: {  	[sflag:s26] =	ssyncset.done $0x0  }
0x1c8: {  	s16 =	simm.s32 $0x0;
	[sflag:s26] =	ssyncadd.s32 $0xFFFFE000  }
0x1c9: {  	v2 =	vld [tilespmem:s16+$0x10C40]  }
0x1ca: {  	v4 =	vld [tilespmem:s16+$0x12C40]  }
0x1cb: {  	v5 =	vld [tilespmem:s16+$0x10C10]  }
0x1cc: {  	v6 =	vld [tilespmem:s16+$0x12C10]  }
0x1cd: {  	v1 =	vld [tilespmem:s16+$0x10C20]  }
0x1ce: {  	v3 =	vld [tilespmem:s16+$0x12C20]  }
0x1cf: {  	v0 =	vld [tilespmem:s16+$0x10C30];
	v7 =	vsub.f32 v2, v4  }
0x1d0: {  	s17 =	simm.s32 $0x40;
	v4 =	vld [tilespmem:s16+$0x12C30]  }
0x1d1: {  	s18 =	simm.s32 $0x200;
	v2 =	vld [tilespmem:s17+$0x10C40];
	v5 =	vsub.f32 v5, v6;
	[tilespmem:s16+$0x14C40] =	vst v7  }
.LBB2_17:
0x1d2: {  	p0 =	sne.s32 s18, $0x7F00;
	v6 =	vld [tilespmem:s17+$0x12C40]  }
0x1d3: {  	v7 =	vld [tilespmem:s17+$0x10C10];
	[tilespmem:s16+$0x14C10] =	vst v5;
	v3 =	vsub.f32 v1, v3  }
0x1d4: {  	v5 =	vld [tilespmem:s17+$0x12C10]  }
.Ltmp8:
0x1d5: {  	v1 =	vld [tilespmem:s17+$0x10C20];
	[tilespmem:s16+$0x14C20] =	vst v3;
	v4 =	vsub.f32 v0, v4;
	(pc) =	sbr.rel @p0 .LBB2_17-.Ltmp8, $4  }
0x1d6: {  	v3 =	vld [tilespmem:s17+$0x12C20]  }
0x1d7: {  	v0 =	vld [tilespmem:s17+$0x10C30];
	v6 =	vsub.f32 v2, v6;
	[tilespmem:s16+$0x14C30] =	vst v4;
	s16 =	smov.u32 s17  }
0x1d8: {  	s17 =	sshra.s32 s18, $0x2;
	v4 =	vld [tilespmem:s16+$0x12C30]  }
0x1d9: {  	s18 =	sadd.s32 $0x100, s18;
	v2 =	vld [tilespmem:s17+$0x10C40];
	v5 =	vsub.f32 v7, v5;
	[tilespmem:s16+$0x14C40] =	vst v6  }
0x1da: {  	v6 =	vld [tilespmem:s17+$0x12C40]  }
0x1db: {  	v7 =	vld [tilespmem:s17+$0x10C10];
	[tilespmem:s16+$0x14C10] =	vst v5;
	v1 =	vsub.f32 v1, v3  }
0x1dc: {  	v3 =	vld [tilespmem:s17+$0x12C10]  }
0x1dd: {  	v5 =	vld [tilespmem:s17+$0x10C20];
	[tilespmem:s16+$0x14C20] =	vst v1;
	v0 =	vsub.f32 v0, v4  }
0x1de: {  	v1 =	vld [tilespmem:s17+$0x12C20]  }
0x1df: {  	v4 =	vld [tilespmem:s17+$0x10C30];
	[tilespmem:s16+$0x14C30] =	vst v0  }
0x1e0: {  	v0 =	vld [tilespmem:s17+$0x12C30];
	_ =	sdelay $0x1  }
0x1e1: {  	v2 =	vsub.f32 v2, v6  }
0x1e2: {  	v3 =	vsub.f32 v7, v3  }
0x1e3: {  	[tilespmem:s17+$0x14C40] =	vst v2;
	v1 =	vsub.f32 v5, v1  }
0x1e4: {  	[tilespmem:s17+$0x14C10] =	vst v3;
	v0 =	vsub.f32 v4, v0  }
0x1e5: {  	s24 =	simm.s32 $0x80;
	[tilespmem:s17+$0x14C20] =	vst v1  }
0x1e6: {  	s25 =	simm.s32 $0x10B10;
	s18 =	simm.s32 $0x14C10;
	s26 =	simm.s32 $0x1;
	[tilespmem:s17+$0x14C30] =	vst v0  }
0x1e7: {  	[spmem:s5] =	stream.indirect.scatter.add.f32 [tilespmem:s18], [sflag:$0x1], $0x40, s25, s24, $0xb8;
	[tilespmem:$0x16EC0] =	vst v63  }
0x1e8: {  	_ =	swait.ge [sflag:s26], $0x2000  }
0x1e9: {  	[sflag:s26] =	ssyncset.done $0x0  }
0x1ea: {  	s19 =	simm.s32 $0x16D20;
	[sflag:s26] =	ssyncadd.s32 $0xFFFFE000  }
0x1eb: {  	[spmem:s4] =	stream.indirect.scatter.add.f32 [tilespmem:s19], [sflag:$0x1], $0x1, s25, s24, $0xb8;
	[tilespmem:$0x16EC0] =	vst v63  }
0x1ec: {  	_ =	swait.ge [sflag:s26], $0x80  }
0x1ed: {  	s14 =	sshll.u32 s14, $0x3;
	s28 =	simm.s32 $0x0;
	[sflag:s26] =	ssyncset.done $0x0  }
0x1ee: {  	s29 =	simm.s32 $0x10C10;
	s7 =	sadd.s32 s7, s14;
	[sflag:s26] =	ssyncadd.s32 $0xFFFFFF80  }
0x1ef: {  	[tilespmem:s29], [sflag:$0x1] =	stream.linear.gather [hbm4b:s7+s28], $0x2000, $0x38;
	[tilespmem:$0x16EC0] =	vst v63  }
0x1f0: {  	_ =	swait.ge [sflag:s26], $0x2000  }
0x1f1: {  	[sflag:s26] =	ssyncset.done $0x0  }
0x1f2: {  	s30 =	simm.s32 $0x10790;
	s31 =	simm.s32 $0x12C10;
	[sflag:s26] =	ssyncadd.s32 $0xFFFFE000  }
0x1f3: {  	[tilespmem:s31], [sflag:$0x1] =	stream.indirect.gather [hbm4b:s6+s24], $0x40, s30, s24, $0xb8;
	[tilespmem:$0x16EC0] =	vst v63  }
0x1f4: {  	_ =	swait.ge [sflag:s26], $0x2000  }
0x1f5: {  	[sflag:s26] =	ssyncset.done $0x0  }
0x1f6: {  	s14 =	simm.s32 $0x0;
	[sflag:s26] =	ssyncadd.s32 $0xFFFFE000  }
0x1f7: {  	v2 =	vld [tilespmem:s14+$0x10C40]  }
0x1f8: {  	v4 =	vld [tilespmem:s14+$0x12C40]  }
0x1f9: {  	v5 =	vld [tilespmem:s14+$0x10C10]  }
0x1fa: {  	v6 =	vld [tilespmem:s14+$0x12C10]  }
0x1fb: {  	v1 =	vld [tilespmem:s14+$0x10C20]  }
0x1fc: {  	v3 =	vld [tilespmem:s14+$0x12C20]  }
0x1fd: {  	v0 =	vld [tilespmem:s14+$0x10C30];
	v7 =	vsub.f32 v2, v4  }
0x1fe: {  	s16 =	simm.s32 $0x40;
	v4 =	vld [tilespmem:s14+$0x12C30]  }
0x1ff: {  	s17 =	simm.s32 $0x200;
	v2 =	vld [tilespmem:s16+$0x10C40];
	v5 =	vsub.f32 v5, v6;
	[tilespmem:s14+$0x14C40] =	vst v7  }
.LBB2_19:
0x200: {  	p0 =	sne.s32 s17, $0x7F00;
	v6 =	vld [tilespmem:s16+$0x12C40]  }
0x201: {  	v7 =	vld [tilespmem:s16+$0x10C10];
	[tilespmem:s14+$0x14C10] =	vst v5;
	v3 =	vsub.f32 v1, v3  }
0x202: {  	v5 =	vld [tilespmem:s16+$0x12C10]  }
.Ltmp9:
0x203: {  	v1 =	vld [tilespmem:s16+$0x10C20];
	[tilespmem:s14+$0x14C20] =	vst v3;
	v4 =	vsub.f32 v0, v4;
	(pc) =	sbr.rel @p0 .LBB2_19-.Ltmp9, $4  }
0x204: {  	v3 =	vld [tilespmem:s16+$0x12C20]  }
0x205: {  	v0 =	vld [tilespmem:s16+$0x10C30];
	v6 =	vsub.f32 v2, v6;
	[tilespmem:s14+$0x14C30] =	vst v4;
	s14 =	smov.u32 s16  }
0x206: {  	s16 =	sshra.s32 s17, $0x2;
	v4 =	vld [tilespmem:s14+$0x12C30]  }
0x207: {  	s17 =	sadd.s32 $0x100, s17;
	v2 =	vld [tilespmem:s16+$0x10C40];
	v5 =	vsub.f32 v7, v5;
	[tilespmem:s14+$0x14C40] =	vst v6  }
0x208: {  	v6 =	vld [tilespmem:s16+$0x12C40]  }
0x209: {  	v7 =	vld [tilespmem:s16+$0x10C10];
	[tilespmem:s14+$0x14C10] =	vst v5;
	v1 =	vsub.f32 v1, v3  }
0x20a: {  	v3 =	vld [tilespmem:s16+$0x12C10]  }
0x20b: {  	v5 =	vld [tilespmem:s16+$0x10C20];
	[tilespmem:s14+$0x14C20] =	vst v1;
	v0 =	vsub.f32 v0, v4  }
0x20c: {  	v1 =	vld [tilespmem:s16+$0x12C20]  }
0x20d: {  	v4 =	vld [tilespmem:s16+$0x10C30];
	[tilespmem:s14+$0x14C30] =	vst v0  }
0x20e: {  	v0 =	vld [tilespmem:s16+$0x12C30];
	_ =	sdelay $0x1  }
0x20f: {  	v2 =	vsub.f32 v2, v6  }
0x210: {  	v3 =	vsub.f32 v7, v3  }
0x211: {  	[tilespmem:s16+$0x14C40] =	vst v2;
	v1 =	vsub.f32 v5, v1  }
0x212: {  	[tilespmem:s16+$0x14C10] =	vst v3;
	v0 =	vsub.f32 v4, v0  }
0x213: {  	s21 =	simm.s32 $0x80;
	[tilespmem:s16+$0x14C20] =	vst v1  }
0x214: {  	s22 =	simm.s32 $0x10B90;
	s17 =	simm.s32 $0x14C10;
	s18 =	simm.s32 $0x1;
	[tilespmem:s16+$0x14C30] =	vst v0  }
0x215: {  	[spmem:s5] =	stream.indirect.scatter.add.f32 [tilespmem:s17], [sflag:$0x1], $0x40, s22, s21, $0xb8;
	[tilespmem:$0x16EC0] =	vst v63  }
0x216: {  	_ =	swait.ge [sflag:s18], $0x2000  }
0x217: {  	[sflag:s18] =	ssyncset.done $0x0  }
0x218: {  	s19 =	simm.s32 $0x16D20;
	[sflag:s18] =	ssyncadd.s32 $0xFFFFE000  }
0x219: {  	[spmem:s4] =	stream.indirect.scatter.add.f32 [tilespmem:s19], [sflag:$0x1], $0x1, s22, s21, $0xb8;
	[tilespmem:$0x16EC0] =	vst v63  }
0x21a: {  	_ =	swait.ge [sflag:s18], $0x80  }
0x21b: {  	[sflag:s18] =	ssyncset.done $0x0  }
0x21c: {  	[sflag:s18] =	ssyncadd.s32 $0xFFFFFF80  }
0x21d: {  	s23 =	simm.s32 $0x0;
	s24 =	simm.s32 $0x10C10;
	[bflag:$0x0] =	sbarrier.arrive $0xFFFF  }
0x21e: {  	[tilespmem:s24], [sflag:$0x1] =	stream.linear.gather [hbm4b:s15+s23], $0x2000, $0x38;
	[tilespmem:$0x16EC0] =	vst v63  }
0x21f: {  	_ =	swait.ge [sflag:s18], $0x2000  }
0x220: {  	[sflag:s18] =	ssyncset.done $0x0  }
0x221: {  	s25 =	simm.s32 $0x10410;
	s26 =	simm.s32 $0x12C10;
	[sflag:s18] =	ssyncadd.s32 $0xFFFFE000  }
0x222: {  	[tilespmem:s26], [sflag:$0x1] =	stream.indirect.gather [hbm4b:s6+s21], $0x40, s25, s21, $0xb8;
	[tilespmem:$0x16EC0] =	vst v63  }
0x223: {  	_ =	swait.ge [sflag:s18], $0x2000  }
0x224: {  	[sflag:s18] =	ssyncset.done $0x0  }
0x225: {  	s28 =	simm.s32 $0x10810;
	[sflag:s18] =	ssyncadd.s32 $0xFFFFE000  }
0x226: {  	[tilespmem:s17], [sflag:$0x1] =	stream.indirect.gather [spmem:s5], $0x40, s28, s21, $0xb8;
	[tilespmem:$0x16EC0] =	vst v63  }
0x227: {  	_ =	swait.ge [sflag:s18], $0x2000  }
0x228: {  	[sflag:s18] =	ssyncset.done $0x0  }
0x229: {  	s29 =	simm.s32 $0x16C10;
	[sflag:s18] =	ssyncadd.s32 $0xFFFFE000  }
0x22a: {  	[tilespmem:s29], [sflag:$0x1] =	stream.indirect.gather [spmem:s4], $0x1, s28, s21, $0xb8;
	[tilespmem:$0x16EC0] =	vst v63  }
0x22b: {  	_ =	swait.ge [sflag:s18], $0x80  }
0x22c: {  	[sflag:s18] =	ssyncset.done $0x0  }
0x22d: {  	[sflag:s18] =	ssyncadd.s32 $0xFFFFFF80  }
0x22e: {  	v0 =	vld [tilespmem:$0x16C10]  }
0x22f: {  	v1 =	vld [tilespmem:$0x16C20]  }
0x230: {  	v2 =	vld [tilespmem:$0x16C30]  }
0x231: {  	v3 =	vld [tilespmem:$0x16C40]  }
0x232: {  	v4 =	vld [tilespmem:$0x16C50]  }
0x233: {  	v5 =	vld [tilespmem:$0x16C60];
	v0 =	vadd.f32 $1.000000000e+00, v0  }
0x234: {  	v6 =	vld [tilespmem:$0x16C70];
	v1 =	vadd.f32 $1.000000000e+00, v1  }
0x235: {  	(erf) = vrcp.f32 v0;
	v0 =	vadd.f32 $1.000000000e+00, v2;
	v2 =	vld [tilespmem:$0x16C80]  }
0x236: {  	(erf) = vrcp.f32 v1;
	v1 =	vadd.f32 $1.000000000e+00, v3  }
0x237: {  	(erf) = vrcp.f32 v0;
	v0 =	vadd.f32 $1.000000000e+00, v4  }
0x238: {  	(erf) = vrcp.f32 v1;
	v1 =	vadd.f32 $1.000000000e+00, v5  }
0x239: {  	(erf) = vrcp.f32 v0;
	v0 =	vadd.f32 $1.000000000e+00, v6  }
0x23a: {  	(erf) = vrcp.f32 v1;
	v1 =	vadd.f32 $1.000000000e+00, v2  }
0x23b: {  	(erf) = vrcp.f32 v0  }
0x23c: {  	(erf) = vrcp.f32 v1;
	_ =	sdelay $0x1  }
0x23d: {  	v0 =	vpop (erf)  }
0x23e: {  	v1 =	vpop (erf);
	v0 =	vmul.f32 $5.000000000e-01, v0  }
0x23f: {  	v2 =	vpop (erf);
	v1 =	vmul.f32 $5.000000000e-01, v1  }
0x240: {  	v3 =	vpop (erf);
	[tilespmem:$0x16C90] =	vst v0;
	v0 =	vmul.f32 $5.000000000e-01, v2  }
0x241: {  	v2 =	vpop (erf);
	[tilespmem:$0x16CA0] =	vst v1;
	v1 =	vmul.f32 $5.000000000e-01, v3  }
0x242: {  	v3 =	vpop (erf);
	[tilespmem:$0x16CB0] =	vst v0;
	v0 =	vmul.f32 $5.000000000e-01, v2  }
0x243: {  	v2 =	vpop (erf);
	[tilespmem:$0x16CC0] =	vst v1;
	v1 =	vmul.f32 $5.000000000e-01, v3  }
0x244: {  	[tilespmem:$0x16CD0] =	vst v0;
	v0 =	vmul.f32 $5.000000000e-01, v2;
	v2 =	vpop (erf)  }
0x245: {  	[tilespmem:$0x16CE0] =	vst v1;
	v1 =	vmul.f32 $5.000000000e-01, v2  }
0x246: {  	[tilespmem:$0x16CF0] =	vst v0  }
0x247: {  	s30 =	simm.s32 $0x0;
	[tilespmem:$0x16D00] =	vst v1  }
0x248: {  	v4 =	vld [tilespmem:s30+$0x10C40]  }
0x249: {  	v6 =	vld [tilespmem:s30+$0x12C40]  }
0x24a: {  	v3 =	vld [tilespmem:s30+$0x10C30]  }
0x24b: {  	v1 =	vld [tilespmem:s30+$0x10C20]  }
0x24c: {  	v0 =	vld [tilespmem:s30+$0x10C10]  }
0x24d: {  	s31 =	simm.s32 $0x16C90;
	v2 =	vld [tilespmem:s30+$0x12C10]  }
0x24e: {  	v8 =	vld.msk [tilespmem:s31+$0x0 ss:$0x0], $0xffff  }
0x24f: {  	v5 =	vld [tilespmem:s30+$0x14C10]  }
0x250: {  	v7 =	vld [tilespmem:s30+$0x12C20]  }
0x251: {  	v9 =	vld [tilespmem:s30+$0x14C20]  }
0x252: {  	v10 =	vld [tilespmem:s30+$0x12C30]  }
0x253: {  	v11 =	vld [tilespmem:s30+$0x14C30]  }
0x254: {  	s14 =	simm.s32 $0x40;
	v12 =	vld [tilespmem:s30+$0x14C40];
	v13 =	vsub.f32 v0, v2;
	v5 =	vmul.f32 v5, v8  }
0x255: {  	v0 =	vld [tilespmem:s14+$0x10C40]  }
0x256: {  	v2 =	vld [tilespmem:s14+$0x12C40];
	v7 =	vsub.f32 v1, v7;
	v9 =	vmul.f32 v9, v8;
	v5 =	vsub.f32 v13, v5  }
0x257: {  	v1 =	vld [tilespmem:s14+$0x10C30];
	v63 =	vsub.f32 v3, v10  }
0x258: {  	v3 =	vld [tilespmem:s14+$0x10C20];
	v11 =	vmul.f32 v11, v8;
	v14 =	vsub.f32 v7, v9;
	v10 =	vmul.f32 v5, v5  }
0x259: {  	s15 =	simm.s32 $0x16C91;
	v8 =	vmul.f32 v12, v8;
	v9 =	vimm.f32 $0.0e+00;
	v7 =	vsub.f32 v4, v6;
	v6 =	vld [tilespmem:s14+$0x12C10]  }
0x25a: {  	v11 =	vsub.f32 v63, v11;
	v4 =	vld.msk [tilespmem:s15+$0x0 ss:$0x0], $0xffff;
	v9 =	vadd.f32 v10, v9;
	v10 =	vmul.f32 v14, v14  }
0x25b: {  	s16 =	simm.s32 $0x200;
	v5 =	vld [tilespmem:s14+$0x10C10]  }
.LBB2_21:
0x25c: {  	p0 =	sne.s32 s16, $0x7F00;
	v12 =	vld [tilespmem:s14+$0x14C10];
	v9 =	vadd.f32 v10, v9;
	v10 =	vmul.f32 v11, v11;
	v7 =	vsub.f32 v7, v8  }
0x25d: {  	v8 =	vld [tilespmem:s14+$0x12C20]  }
0x25e: {  	v11 =	vld [tilespmem:s14+$0x14C20];
	v9 =	vadd.f32 v10, v9;
	v7 =	vmul.f32 v7, v7  }
0x25f: {  	v10 =	vld [tilespmem:s14+$0x12C30]  }
0x260: {  	v13 =	vld [tilespmem:s14+$0x14C30];
	v9 =	vadd.f32 v7, v9  }
0x261: {  	v5 =	vsub.f32 v5, v6;
	v6 =	vmul.f32 v12, v4;
	v12 =	vld [tilespmem:s14+$0x14C40];
	s14 =	sshra.s32 s16, $0x2  }
0x262: {  	v14 =	vld [tilespmem:s14+$0x10C40]  }
0x263: {  	v15 =	vld [tilespmem:s14+$0x12C40];
	v5 =	vsub.f32 v5, v6;
	v6 =	vsub.f32 v3, v8;
	v7 =	vmul.f32 v11, v4  }
.Ltmp10:
0x264: {  	v11 =	vsub.f32 v1, v10;
	v1 =	vld [tilespmem:s14+$0x10C30];
	(pc) =	sbr.rel @p0 .LBB2_21-.Ltmp10, $4  }
0x265: {  	v3 =	vld [tilespmem:s14+$0x10C20];
	v10 =	vmul.f32 v5, v5;
	v16 =	vsub.f32 v6, v7;
	v13 =	vmul.f32 v13, v4  }
0x266: {  	v7 =	vsub.f32 v0, v2;
	v5 =	vld [tilespmem:s14+$0x10C10];
	v8 =	vmul.f32 v12, v4  }
0x267: {  	s15 =	sadd.s32 $0x1, s15;
	v6 =	vld [tilespmem:s14+$0x12C10];
	v9 =	vadd.f32 v10, v9;
	v10 =	vmul.f32 v16, v16;
	v11 =	vsub.f32 v11, v13;
	v0 =	vmovc v14  }
0x268: {  	s16 =	sadd.s32 $0x100, s16;
	v4 =	vld.msk [tilespmem:s15+$0x0 ss:$0x0], $0xffff;
	v2 =	vmov v15  }
0x269: {  	v12 =	vld [tilespmem:s14+$0x14C10]  }
0x26a: {  	v13 =	vld [tilespmem:s14+$0x12C20]  }
0x26b: {  	v14 =	vld [tilespmem:s14+$0x14C20]  }
0x26c: {  	v15 =	vld [tilespmem:s14+$0x12C30]  }
0x26d: {  	v16 =	vld [tilespmem:s14+$0x14C30];
	s22 =	simm.s32 $0x0;
	s15 =	simm.s32 $0x10C10;
	s23 =	simm.s32 $0x1  }
0x26e: {  	v17 =	vld [tilespmem:s14+$0x14C40];
	[tilespmem:s15], [sflag:$0x1] =	stream.linear.gather [hbm4b:s13+s22], $0x2000, $0x38  }
0x26f: {  	_ =	swait.ge [sflag:s23], $0x2000  }
0x270: {  	s24 =	simm.s32 $0x80;
	[sflag:s23] =	ssyncset.done $0x0  }
0x271: {  	s25 =	simm.s32 $0x10490;
	s16 =	simm.s32 $0x12C10;
	[sflag:s23] =	ssyncadd.s32 $0xFFFFE000  }
0x272: {  	[tilespmem:s16], [sflag:$0x1] =	stream.indirect.gather [hbm4b:s6+s24], $0x40, s25, s24, $0xb8;
	[tilespmem:$0x16EC0] =	vst v63  }
0x273: {  	_ =	swait.ge [sflag:s23], $0x2000  }
0x274: {  	[sflag:s23] =	ssyncset.done $0x0  }
0x275: {  	s26 =	simm.s32 $0x10890;
	s28 =	simm.s32 $0x14C10;
	[sflag:s23] =	ssyncadd.s32 $0xFFFFE000  }
0x276: {  	[tilespmem:s28], [sflag:$0x1] =	stream.indirect.gather [spmem:s5], $0x40, s26, s24, $0xb8;
	[tilespmem:$0x16EC0] =	vst v63  }
0x277: {  	_ =	swait.ge [sflag:s23], $0x2000  }
0x278: {  	[sflag:s23] =	ssyncset.done $0x0  }
0x279: {  	s29 =	simm.s32 $0x16C10;
	[sflag:s23] =	ssyncadd.s32 $0xFFFFE000  }
0x27a: {  	[tilespmem:s29], [sflag:$0x1] =	stream.indirect.gather [spmem:s4], $0x1, s26, s24, $0xb8;
	[tilespmem:$0x16EC0] =	vst v63  }
0x27b: {  	_ =	swait.ge [sflag:s23], $0x80  }
0x27c: {  	[sflag:s23] =	ssyncset.done $0x0  }
0x27d: {  	[sflag:s23] =	ssyncadd.s32 $0xFFFFFF80  }
0x27e: {  	v18 =	vld [tilespmem:$0x16C10]  }
0x27f: {  	v19 =	vld [tilespmem:$0x16C20]  }
0x280: {  	v20 =	vld [tilespmem:$0x16C30]  }
0x281: {  	v21 =	vld [tilespmem:$0x16C40]  }
0x282: {  	v22 =	vld [tilespmem:$0x16C50]  }
0x283: {  	v23 =	vld [tilespmem:$0x16C60];
	v18 =	vadd.f32 $1.000000000e+00, v18  }
0x284: {  	v24 =	vld [tilespmem:$0x16C70];
	v19 =	vadd.f32 $1.000000000e+00, v19  }
0x285: {  	v39 =	vld [tilespmem:$0x16C80];
	v38 =	vadd.f32 $1.000000000e+00, v20;
	(erf) = vrcp.f32 v18  }
0x286: {  	v40 =	vadd.f32 $1.000000000e+00, v21;
	(erf) = vrcp.f32 v19  }
0x287: {  	v41 =	vadd.f32 $1.000000000e+00, v22;
	(erf) = vrcp.f32 v38  }
0x288: {  	v42 =	vadd.f32 $1.000000000e+00, v23;
	(erf) = vrcp.f32 v40  }
0x289: {  	v43 =	vadd.f32 $1.000000000e+00, v24;
	(erf) = vrcp.f32 v41  }
0x28a: {  	v44 =	vadd.f32 $1.000000000e+00, v39;
	(erf) = vrcp.f32 v42  }
0x28b: {  	(erf) = vrcp.f32 v43  }
0x28c: {  	(erf) = vrcp.f32 v44;
	_ =	sdelay $0x1  }
0x28d: {  	v45 =	vpop (erf)  }
0x28e: {  	v46 =	vpop (erf);
	v18 =	vmul.f32 $5.000000000e-01, v45  }
0x28f: {  	v47 =	vpop (erf);
	v19 =	vmul.f32 $5.000000000e-01, v46  }
0x290: {  	v48 =	vpop (erf);
	[tilespmem:$0x16C90] =	vst v18;
	v49 =	vmul.f32 $5.000000000e-01, v47  }
0x291: {  	v50 =	vpop (erf);
	[tilespmem:$0x16CA0] =	vst v19;
	v51 =	vmul.f32 $5.000000000e-01, v48  }
0x292: {  	v52 =	vpop (erf);
	[tilespmem:$0x16CB0] =	vst v49;
	v53 =	vmul.f32 $5.000000000e-01, v50  }
0x293: {  	v54 =	vpop (erf);
	[tilespmem:$0x16CC0] =	vst v51;
	v55 =	vmul.f32 $5.000000000e-01, v52  }
0x294: {  	[tilespmem:$0x16CD0] =	vst v53;
	v56 =	vmul.f32 $5.000000000e-01, v54;
	v57 =	vpop (erf)  }
0x295: {  	[tilespmem:$0x16CE0] =	vst v55;
	v58 =	vmul.f32 $5.000000000e-01, v57  }
0x296: {  	[tilespmem:$0x16CF0] =	vst v56  }
0x297: {  	s30 =	simm.s32 $0x0;
	[tilespmem:$0x16D00] =	vst v58  }
0x298: {  	v18 =	vld [tilespmem:s30+$0x10C40]  }
0x299: {  	v59 =	vld [tilespmem:s30+$0x10C30]  }
0x29a: {  	v9 =	vadd.f32 v10, v9;
	v10 =	vmul.f32 v11, v11;
	v7 =	vsub.f32 v7, v8;
	v8 =	vld [tilespmem:s30+$0x10C20]  }
0x29b: {  	v5 =	vsub.f32 v5, v6;
	v6 =	vmul.f32 v12, v4;
	v11 =	vld [tilespmem:s30+$0x10C10]  }
0x29c: {  	s31 =	simm.s32 $0x16C90;
	v9 =	vadd.f32 v10, v9;
	v7 =	vmul.f32 v7, v7;
	v10 =	vld [tilespmem:s30+$0x12C10]  }
0x29d: {  	v3 =	vsub.f32 v3, v13;
	v5 =	vsub.f32 v5, v6;
	v6 =	vmul.f32 v14, v4;
	v60 =	vld.msk [tilespmem:s31+$0x0 ss:$0x0], $0xffff  }
0x29e: {  	v7 =	vadd.f32 v7, v9;
	v1 =	vsub.f32 v1, v15;
	v9 =	vld [tilespmem:s30+$0x14C10]  }
0x29f: {  	v5 =	vmul.f32 v5, v5;
	v3 =	vsub.f32 v3, v6;
	v6 =	vmul.f32 v16, v4;
	v61 =	vld [tilespmem:s30+$0x12C20]  }
0x2a0: {  	v0 =	vsub.f32 v0, v2;
	v2 =	vmul.f32 v17, v4;
	v4 =	vld [tilespmem:s30+$0x14C20]  }
0x2a1: {  	v5 =	vadd.f32 v5, v7;
	v3 =	vmul.f32 v3, v3;
	v1 =	vsub.f32 v1, v6;
	v6 =	vld [tilespmem:s30+$0x12C30]  }
0x2a2: {  	v7 =	vld [tilespmem:s30+$0x14C30]  }
0x2a3: {  	v2 =	vsub.f32 v0, v2;
	v3 =	vadd.f32 v3, v5;
	v1 =	vmul.f32 v1, v1;
	v19 =	vld [tilespmem:s30+$0x12C40]  }
0x2a4: {  	s13 =	simm.s32 $0x40;
	v62 =	vld [tilespmem:s30+$0x14C40];
	v5 =	vsub.f32 v11, v10;
	v9 =	vmul.f32 v9, v60  }
0x2a5: {  	v3 =	vadd.f32 v1, v3;
	v0 =	vld [tilespmem:s13+$0x10C40];
	v10 =	vmul.f32 v2, v2  }
0x2a6: {  	v1 =	vld [tilespmem:s13+$0x10C30];
	v8 =	vsub.f32 v8, v61;
	v4 =	vmul.f32 v4, v60;
	v5 =	vsub.f32 v5, v9  }
0x2a7: {  	v2 =	vld [tilespmem:s13+$0x12C40];
	v11 =	vsub.f32 v59, v6;
	v63 =	vmul.f32 v7, v60  }
0x2a8: {  	v6 =	vld [tilespmem:s13+$0x12C10];
	v9 =	vadd.f32 v10, v3;
	v4 =	vsub.f32 v8, v4;
	v10 =	vmul.f32 v5, v5  }
0x2a9: {  	v7 =	vsub.f32 v18, v19;
	v3 =	vld [tilespmem:s13+$0x10C20];
	v8 =	vmul.f32 v62, v60  }
0x2aa: {  	s14 =	simm.s32 $0x16C91;
	v11 =	vsub.f32 v11, v63;
	v5 =	vld [tilespmem:s13+$0x10C10];
	v9 =	vadd.f32 v10, v9;
	v10 =	vmul.f32 v4, v4  }
0x2ab: {  	s15 =	simm.s32 $0x200;
	v4 =	vld.msk [tilespmem:s14+$0x0 ss:$0x0], $0xffff  }
.LBB2_23:
0x2ac: {  	p0 =	sne.s32 s15, $0x7F00;
	v12 =	vld [tilespmem:s13+$0x14C10];
	v9 =	vadd.f32 v10, v9;
	v10 =	vmul.f32 v11, v11;
	v7 =	vsub.f32 v7, v8  }
0x2ad: {  	v8 =	vld [tilespmem:s13+$0x12C20]  }
0x2ae: {  	v11 =	vld [tilespmem:s13+$0x14C20];
	v9 =	vadd.f32 v10, v9;
	v7 =	vmul.f32 v7, v7  }
0x2af: {  	v10 =	vld [tilespmem:s13+$0x12C30]  }
0x2b0: {  	v13 =	vld [tilespmem:s13+$0x14C30];
	v9 =	vadd.f32 v7, v9  }
0x2b1: {  	v5 =	vsub.f32 v5, v6;
	v6 =	vmul.f32 v12, v4;
	v12 =	vld [tilespmem:s13+$0x14C40];
	s13 =	sshra.s32 s15, $0x2  }
0x2b2: {  	v14 =	vld [tilespmem:s13+$0x10C40]  }
0x2b3: {  	v15 =	vld [tilespmem:s13+$0x12C40];
	v5 =	vsub.f32 v5, v6;
	v6 =	vsub.f32 v3, v8;
	v7 =	vmul.f32 v11, v4  }
.Ltmp11:
0x2b4: {  	v11 =	vsub.f32 v1, v10;
	v1 =	vld [tilespmem:s13+$0x10C30];
	(pc) =	sbr.rel @p0 .LBB2_23-.Ltmp11, $4  }
0x2b5: {  	v3 =	vld [tilespmem:s13+$0x10C20];
	v10 =	vmul.f32 v5, v5;
	v16 =	vsub.f32 v6, v7;
	v13 =	vmul.f32 v13, v4  }
0x2b6: {  	v7 =	vsub.f32 v0, v2;
	v5 =	vld [tilespmem:s13+$0x10C10];
	v8 =	vmul.f32 v12, v4  }
0x2b7: {  	s14 =	sadd.s32 $0x1, s14;
	v6 =	vld [tilespmem:s13+$0x12C10];
	v9 =	vadd.f32 v10, v9;
	v10 =	vmul.f32 v16, v16;
	v11 =	vsub.f32 v11, v13;
	v0 =	vmovc v14  }
0x2b8: {  	s15 =	sadd.s32 $0x100, s15;
	v4 =	vld.msk [tilespmem:s14+$0x0 ss:$0x0], $0xffff;
	v2 =	vmov v15  }
0x2b9: {  	v12 =	vld [tilespmem:s13+$0x14C10]  }
0x2ba: {  	v13 =	vld [tilespmem:s13+$0x12C20]  }
0x2bb: {  	v14 =	vld [tilespmem:s13+$0x14C20]  }
0x2bc: {  	v15 =	vld [tilespmem:s13+$0x12C30]  }
0x2bd: {  	v16 =	vld [tilespmem:s13+$0x14C30];
	s22 =	simm.s32 $0x0;
	s14 =	simm.s32 $0x10C10;
	s23 =	simm.s32 $0x1  }
0x2be: {  	v17 =	vld [tilespmem:s13+$0x14C40];
	[tilespmem:s14], [sflag:$0x1] =	stream.linear.gather [hbm4b:s12+s22], $0x2000, $0x38  }
0x2bf: {  	_ =	swait.ge [sflag:s23], $0x2000  }
0x2c0: {  	s24 =	simm.s32 $0x80;
	[sflag:s23] =	ssyncset.done $0x0  }
0x2c1: {  	s25 =	simm.s32 $0x10510;
	s15 =	simm.s32 $0x12C10;
	[sflag:s23] =	ssyncadd.s32 $0xFFFFE000  }
0x2c2: {  	[tilespmem:s15], [sflag:$0x1] =	stream.indirect.gather [hbm4b:s6+s24], $0x40, s25, s24, $0xb8;
	[tilespmem:$0x16EC0] =	vst v63  }
0x2c3: {  	_ =	swait.ge [sflag:s23], $0x2000  }
0x2c4: {  	[sflag:s23] =	ssyncset.done $0x0  }
0x2c5: {  	s26 =	simm.s32 $0x10910;
	s28 =	simm.s32 $0x14C10;
	[sflag:s23] =	ssyncadd.s32 $0xFFFFE000  }
0x2c6: {  	[tilespmem:s28], [sflag:$0x1] =	stream.indirect.gather [spmem:s5], $0x40, s26, s24, $0xb8;
	[tilespmem:$0x16EC0] =	vst v63  }
0x2c7: {  	_ =	swait.ge [sflag:s23], $0x2000  }
0x2c8: {  	[sflag:s23] =	ssyncset.done $0x0  }
0x2c9: {  	s29 =	simm.s32 $0x16C10;
	[sflag:s23] =	ssyncadd.s32 $0xFFFFE000  }
0x2ca: {  	[tilespmem:s29], [sflag:$0x1] =	stream.indirect.gather [spmem:s4], $0x1, s26, s24, $0xb8;
	[tilespmem:$0x16EC0] =	vst v63  }
0x2cb: {  	_ =	swait.ge [sflag:s23], $0x80  }
0x2cc: {  	[sflag:s23] =	ssyncset.done $0x0  }
0x2cd: {  	[sflag:s23] =	ssyncadd.s32 $0xFFFFFF80  }
0x2ce: {  	v18 =	vld [tilespmem:$0x16C10]  }
0x2cf: {  	v19 =	vld [tilespmem:$0x16C20]  }
0x2d0: {  	v20 =	vld [tilespmem:$0x16C30]  }
0x2d1: {  	v21 =	vld [tilespmem:$0x16C40]  }
0x2d2: {  	v22 =	vld [tilespmem:$0x16C50]  }
0x2d3: {  	v23 =	vld [tilespmem:$0x16C60];
	v18 =	vadd.f32 $1.000000000e+00, v18  }
0x2d4: {  	v24 =	vld [tilespmem:$0x16C70];
	v19 =	vadd.f32 $1.000000000e+00, v19  }
0x2d5: {  	v39 =	vld [tilespmem:$0x16C80];
	v38 =	vadd.f32 $1.000000000e+00, v20;
	(erf) = vrcp.f32 v18  }
0x2d6: {  	v40 =	vadd.f32 $1.000000000e+00, v21;
	(erf) = vrcp.f32 v19  }
0x2d7: {  	v41 =	vadd.f32 $1.000000000e+00, v22;
	(erf) = vrcp.f32 v38  }
0x2d8: {  	v42 =	vadd.f32 $1.000000000e+00, v23;
	(erf) = vrcp.f32 v40  }
0x2d9: {  	v43 =	vadd.f32 $1.000000000e+00, v24;
	(erf) = vrcp.f32 v41  }
0x2da: {  	v44 =	vadd.f32 $1.000000000e+00, v39;
	(erf) = vrcp.f32 v42  }
0x2db: {  	(erf) = vrcp.f32 v43  }
0x2dc: {  	(erf) = vrcp.f32 v44;
	_ =	sdelay $0x1  }
0x2dd: {  	v45 =	vpop (erf)  }
0x2de: {  	v46 =	vpop (erf);
	v18 =	vmul.f32 $5.000000000e-01, v45  }
0x2df: {  	v47 =	vpop (erf);
	v19 =	vmul.f32 $5.000000000e-01, v46  }
0x2e0: {  	v48 =	vpop (erf);
	[tilespmem:$0x16C90] =	vst v18;
	v49 =	vmul.f32 $5.000000000e-01, v47  }
0x2e1: {  	v50 =	vpop (erf);
	[tilespmem:$0x16CA0] =	vst v19;
	v51 =	vmul.f32 $5.000000000e-01, v48  }
0x2e2: {  	v52 =	vpop (erf);
	[tilespmem:$0x16CB0] =	vst v49;
	v53 =	vmul.f32 $5.000000000e-01, v50  }
0x2e3: {  	v54 =	vpop (erf);
	[tilespmem:$0x16CC0] =	vst v51;
	v55 =	vmul.f32 $5.000000000e-01, v52  }
0x2e4: {  	[tilespmem:$0x16CD0] =	vst v53;
	v56 =	vmul.f32 $5.000000000e-01, v54;
	v57 =	vpop (erf)  }
0x2e5: {  	[tilespmem:$0x16CE0] =	vst v55;
	v58 =	vmul.f32 $5.000000000e-01, v57  }
0x2e6: {  	[tilespmem:$0x16CF0] =	vst v56  }
0x2e7: {  	s30 =	simm.s32 $0x0;
	[tilespmem:$0x16D00] =	vst v58  }
0x2e8: {  	v18 =	vld [tilespmem:s30+$0x10C40]  }
0x2e9: {  	v59 =	vld [tilespmem:s30+$0x10C30]  }
0x2ea: {  	v9 =	vadd.f32 v10, v9;
	v10 =	vmul.f32 v11, v11;
	v7 =	vsub.f32 v7, v8;
	v8 =	vld [tilespmem:s30+$0x10C20]  }
0x2eb: {  	v5 =	vsub.f32 v5, v6;
	v6 =	vmul.f32 v12, v4;
	v11 =	vld [tilespmem:s30+$0x10C10]  }
0x2ec: {  	s31 =	simm.s32 $0x16C90;
	v9 =	vadd.f32 v10, v9;
	v7 =	vmul.f32 v7, v7;
	v10 =	vld [tilespmem:s30+$0x12C10]  }
0x2ed: {  	v3 =	vsub.f32 v3, v13;
	v5 =	vsub.f32 v5, v6;
	v6 =	vmul.f32 v14, v4;
	v60 =	vld.msk [tilespmem:s31+$0x0 ss:$0x0], $0xffff  }
0x2ee: {  	v7 =	vadd.f32 v7, v9;
	v1 =	vsub.f32 v1, v15;
	v9 =	vld [tilespmem:s30+$0x14C10]  }
0x2ef: {  	v5 =	vmul.f32 v5, v5;
	v3 =	vsub.f32 v3, v6;
	v6 =	vmul.f32 v16, v4;
	v61 =	vld [tilespmem:s30+$0x12C20]  }
0x2f0: {  	v0 =	vsub.f32 v0, v2;
	v2 =	vmul.f32 v17, v4;
	v4 =	vld [tilespmem:s30+$0x14C20]  }
0x2f1: {  	v5 =	vadd.f32 v5, v7;
	v3 =	vmul.f32 v3, v3;
	v1 =	vsub.f32 v1, v6;
	v6 =	vld [tilespmem:s30+$0x12C30]  }
0x2f2: {  	v7 =	vld [tilespmem:s30+$0x14C30]  }
0x2f3: {  	v2 =	vsub.f32 v0, v2;
	v3 =	vadd.f32 v3, v5;
	v1 =	vmul.f32 v1, v1;
	v19 =	vld [tilespmem:s30+$0x12C40]  }
0x2f4: {  	s12 =	simm.s32 $0x40;
	v62 =	vld [tilespmem:s30+$0x14C40];
	v5 =	vsub.f32 v11, v10;
	v9 =	vmul.f32 v9, v60  }
0x2f5: {  	v3 =	vadd.f32 v1, v3;
	v0 =	vld [tilespmem:s12+$0x10C40];
	v10 =	vmul.f32 v2, v2  }
0x2f6: {  	v1 =	vld [tilespmem:s12+$0x10C30];
	v8 =	vsub.f32 v8, v61;
	v4 =	vmul.f32 v4, v60;
	v5 =	vsub.f32 v5, v9  }
0x2f7: {  	v2 =	vld [tilespmem:s12+$0x12C40];
	v11 =	vsub.f32 v59, v6;
	v63 =	vmul.f32 v7, v60  }
0x2f8: {  	v6 =	vld [tilespmem:s12+$0x12C10];
	v9 =	vadd.f32 v10, v3;
	v4 =	vsub.f32 v8, v4;
	v10 =	vmul.f32 v5, v5  }
0x2f9: {  	v7 =	vsub.f32 v18, v19;
	v3 =	vld [tilespmem:s12+$0x10C20];
	v8 =	vmul.f32 v62, v60  }
0x2fa: {  	s13 =	simm.s32 $0x16C91;
	v11 =	vsub.f32 v11, v63;
	v5 =	vld [tilespmem:s12+$0x10C10];
	v9 =	vadd.f32 v10, v9;
	v10 =	vmul.f32 v4, v4  }
0x2fb: {  	s14 =	simm.s32 $0x200;
	v4 =	vld.msk [tilespmem:s13+$0x0 ss:$0x0], $0xffff  }
.LBB2_25:
0x2fc: {  	p0 =	sne.s32 s14, $0x7F00;
	v12 =	vld [tilespmem:s12+$0x14C10];
	v9 =	vadd.f32 v10, v9;
	v10 =	vmul.f32 v11, v11;
	v7 =	vsub.f32 v7, v8  }
0x2fd: {  	v8 =	vld [tilespmem:s12+$0x12C20]  }
0x2fe: {  	v11 =	vld [tilespmem:s12+$0x14C20];
	v9 =	vadd.f32 v10, v9;
	v7 =	vmul.f32 v7, v7  }
0x2ff: {  	v10 =	vld [tilespmem:s12+$0x12C30]  }
0x300: {  	v13 =	vld [tilespmem:s12+$0x14C30];
	v9 =	vadd.f32 v7, v9  }
0x301: {  	v5 =	vsub.f32 v5, v6;
	v6 =	vmul.f32 v12, v4;
	v12 =	vld [tilespmem:s12+$0x14C40];
	s12 =	sshra.s32 s14, $0x2  }
0x302: {  	v14 =	vld [tilespmem:s12+$0x10C40]  }
0x303: {  	v15 =	vld [tilespmem:s12+$0x12C40];
	v5 =	vsub.f32 v5, v6;
	v6 =	vsub.f32 v3, v8;
	v7 =	vmul.f32 v11, v4  }
.Ltmp12:
0x304: {  	v11 =	vsub.f32 v1, v10;
	v1 =	vld [tilespmem:s12+$0x10C30];
	(pc) =	sbr.rel @p0 .LBB2_25-.Ltmp12, $4  }
0x305: {  	v3 =	vld [tilespmem:s12+$0x10C20];
	v10 =	vmul.f32 v5, v5;
	v16 =	vsub.f32 v6, v7;
	v13 =	vmul.f32 v13, v4  }
0x306: {  	v7 =	vsub.f32 v0, v2;
	v5 =	vld [tilespmem:s12+$0x10C10];
	v8 =	vmul.f32 v12, v4  }
0x307: {  	s13 =	sadd.s32 $0x1, s13;
	v6 =	vld [tilespmem:s12+$0x12C10];
	v9 =	vadd.f32 v10, v9;
	v10 =	vmul.f32 v16, v16;
	v11 =	vsub.f32 v11, v13;
	v0 =	vmovc v14  }
0x308: {  	s14 =	sadd.s32 $0x100, s14;
	v4 =	vld.msk [tilespmem:s13+$0x0 ss:$0x0], $0xffff;
	v2 =	vmov v15  }
0x309: {  	v12 =	vld [tilespmem:s12+$0x14C10]  }
0x30a: {  	v13 =	vld [tilespmem:s12+$0x12C20]  }
0x30b: {  	v14 =	vld [tilespmem:s12+$0x14C20]  }
0x30c: {  	v15 =	vld [tilespmem:s12+$0x12C30]  }
0x30d: {  	v16 =	vld [tilespmem:s12+$0x14C30];
	s22 =	simm.s32 $0x0;
	s13 =	simm.s32 $0x10C10;
	s23 =	simm.s32 $0x1  }
0x30e: {  	v17 =	vld [tilespmem:s12+$0x14C40];
	[tilespmem:s13], [sflag:$0x1] =	stream.linear.gather [hbm4b:s11+s22], $0x2000, $0x38  }
0x30f: {  	_ =	swait.ge [sflag:s23], $0x2000  }
0x310: {  	s24 =	simm.s32 $0x80;
	[sflag:s23] =	ssyncset.done $0x0  }
0x311: {  	s25 =	simm.s32 $0x10590;
	s14 =	simm.s32 $0x12C10;
	[sflag:s23] =	ssyncadd.s32 $0xFFFFE000  }
0x312: {  	[tilespmem:s14], [sflag:$0x1] =	stream.indirect.gather [hbm4b:s6+s24], $0x40, s25, s24, $0xb8;
	[tilespmem:$0x16EC0] =	vst v63  }
0x313: {  	_ =	swait.ge [sflag:s23], $0x2000  }
0x314: {  	[sflag:s23] =	ssyncset.done $0x0  }
0x315: {  	s26 =	simm.s32 $0x10990;
	s28 =	simm.s32 $0x14C10;
	[sflag:s23] =	ssyncadd.s32 $0xFFFFE000  }
0x316: {  	[tilespmem:s28], [sflag:$0x1] =	stream.indirect.gather [spmem:s5], $0x40, s26, s24, $0xb8;
	[tilespmem:$0x16EC0] =	vst v63  }
0x317: {  	_ =	swait.ge [sflag:s23], $0x2000  }
0x318: {  	[sflag:s23] =	ssyncset.done $0x0  }
0x319: {  	s29 =	simm.s32 $0x16C10;
	[sflag:s23] =	ssyncadd.s32 $0xFFFFE000  }
0x31a: {  	[tilespmem:s29], [sflag:$0x1] =	stream.indirect.gather [spmem:s4], $0x1, s26, s24, $0xb8;
	[tilespmem:$0x16EC0] =	vst v63  }
0x31b: {  	_ =	swait.ge [sflag:s23], $0x80  }
0x31c: {  	[sflag:s23] =	ssyncset.done $0x0  }
0x31d: {  	[sflag:s23] =	ssyncadd.s32 $0xFFFFFF80  }
0x31e: {  	v18 =	vld [tilespmem:$0x16C10]  }
0x31f: {  	v19 =	vld [tilespmem:$0x16C20]  }
0x320: {  	v20 =	vld [tilespmem:$0x16C30]  }
0x321: {  	v21 =	vld [tilespmem:$0x16C40]  }
0x322: {  	v22 =	vld [tilespmem:$0x16C50]  }
0x323: {  	v23 =	vld [tilespmem:$0x16C60];
	v18 =	vadd.f32 $1.000000000e+00, v18  }
0x324: {  	v24 =	vld [tilespmem:$0x16C70];
	v19 =	vadd.f32 $1.000000000e+00, v19  }
0x325: {  	v39 =	vld [tilespmem:$0x16C80];
	v38 =	vadd.f32 $1.000000000e+00, v20;
	(erf) = vrcp.f32 v18  }
0x326: {  	v40 =	vadd.f32 $1.000000000e+00, v21;
	(erf) = vrcp.f32 v19  }
0x327: {  	v41 =	vadd.f32 $1.000000000e+00, v22;
	(erf) = vrcp.f32 v38  }
0x328: {  	v42 =	vadd.f32 $1.000000000e+00, v23;
	(erf) = vrcp.f32 v40  }
0x329: {  	v43 =	vadd.f32 $1.000000000e+00, v24;
	(erf) = vrcp.f32 v41  }
0x32a: {  	v44 =	vadd.f32 $1.000000000e+00, v39;
	(erf) = vrcp.f32 v42  }
0x32b: {  	(erf) = vrcp.f32 v43  }
0x32c: {  	(erf) = vrcp.f32 v44;
	_ =	sdelay $0x1  }
0x32d: {  	v45 =	vpop (erf)  }
0x32e: {  	v46 =	vpop (erf);
	v18 =	vmul.f32 $5.000000000e-01, v45  }
0x32f: {  	v47 =	vpop (erf);
	v19 =	vmul.f32 $5.000000000e-01, v46  }
0x330: {  	v48 =	vpop (erf);
	[tilespmem:$0x16C90] =	vst v18;
	v49 =	vmul.f32 $5.000000000e-01, v47  }
0x331: {  	v50 =	vpop (erf);
	[tilespmem:$0x16CA0] =	vst v19;
	v51 =	vmul.f32 $5.000000000e-01, v48  }
0x332: {  	v52 =	vpop (erf);
	[tilespmem:$0x16CB0] =	vst v49;
	v53 =	vmul.f32 $5.000000000e-01, v50  }
0x333: {  	v54 =	vpop (erf);
	[tilespmem:$0x16CC0] =	vst v51;
	v55 =	vmul.f32 $5.000000000e-01, v52  }
0x334: {  	[tilespmem:$0x16CD0] =	vst v53;
	v56 =	vmul.f32 $5.000000000e-01, v54;
	v57 =	vpop (erf)  }
0x335: {  	[tilespmem:$0x16CE0] =	vst v55;
	v58 =	vmul.f32 $5.000000000e-01, v57  }
0x336: {  	[tilespmem:$0x16CF0] =	vst v56  }
0x337: {  	s30 =	simm.s32 $0x0;
	[tilespmem:$0x16D00] =	vst v58  }
0x338: {  	v18 =	vld [tilespmem:s30+$0x10C40]  }
0x339: {  	v59 =	vld [tilespmem:s30+$0x10C30]  }
0x33a: {  	v9 =	vadd.f32 v10, v9;
	v10 =	vmul.f32 v11, v11;
	v7 =	vsub.f32 v7, v8;
	v8 =	vld [tilespmem:s30+$0x10C20]  }
0x33b: {  	v5 =	vsub.f32 v5, v6;
	v6 =	vmul.f32 v12, v4;
	v11 =	vld [tilespmem:s30+$0x10C10]  }
0x33c: {  	s31 =	simm.s32 $0x16C90;
	v9 =	vadd.f32 v10, v9;
	v7 =	vmul.f32 v7, v7;
	v10 =	vld [tilespmem:s30+$0x12C10]  }
0x33d: {  	v3 =	vsub.f32 v3, v13;
	v5 =	vsub.f32 v5, v6;
	v6 =	vmul.f32 v14, v4;
	v60 =	vld.msk [tilespmem:s31+$0x0 ss:$0x0], $0xffff  }
0x33e: {  	v7 =	vadd.f32 v7, v9;
	v1 =	vsub.f32 v1, v15;
	v9 =	vld [tilespmem:s30+$0x14C10]  }
0x33f: {  	v5 =	vmul.f32 v5, v5;
	v3 =	vsub.f32 v3, v6;
	v6 =	vmul.f32 v16, v4;
	v61 =	vld [tilespmem:s30+$0x12C20]  }
0x340: {  	v0 =	vsub.f32 v0, v2;
	v2 =	vmul.f32 v17, v4;
	v4 =	vld [tilespmem:s30+$0x14C20]  }
0x341: {  	v5 =	vadd.f32 v5, v7;
	v3 =	vmul.f32 v3, v3;
	v1 =	vsub.f32 v1, v6;
	v6 =	vld [tilespmem:s30+$0x12C30]  }
0x342: {  	v7 =	vld [tilespmem:s30+$0x14C30]  }
0x343: {  	v2 =	vsub.f32 v0, v2;
	v3 =	vadd.f32 v3, v5;
	v1 =	vmul.f32 v1, v1;
	v19 =	vld [tilespmem:s30+$0x12C40]  }
0x344: {  	s11 =	simm.s32 $0x40;
	v62 =	vld [tilespmem:s30+$0x14C40];
	v5 =	vsub.f32 v11, v10;
	v9 =	vmul.f32 v9, v60  }
0x345: {  	v3 =	vadd.f32 v1, v3;
	v0 =	vld [tilespmem:s11+$0x10C40];
	v10 =	vmul.f32 v2, v2  }
0x346: {  	v1 =	vld [tilespmem:s11+$0x10C30];
	v8 =	vsub.f32 v8, v61;
	v4 =	vmul.f32 v4, v60;
	v5 =	vsub.f32 v5, v9  }
0x347: {  	v2 =	vld [tilespmem:s11+$0x12C40];
	v11 =	vsub.f32 v59, v6;
	v63 =	vmul.f32 v7, v60  }
0x348: {  	v6 =	vld [tilespmem:s11+$0x12C10];
	v9 =	vadd.f32 v10, v3;
	v4 =	vsub.f32 v8, v4;
	v10 =	vmul.f32 v5, v5  }
0x349: {  	v7 =	vsub.f32 v18, v19;
	v3 =	vld [tilespmem:s11+$0x10C20];
	v8 =	vmul.f32 v62, v60  }
0x34a: {  	s12 =	simm.s32 $0x16C91;
	v11 =	vsub.f32 v11, v63;
	v5 =	vld [tilespmem:s11+$0x10C10];
	v9 =	vadd.f32 v10, v9;
	v10 =	vmul.f32 v4, v4  }
0x34b: {  	s13 =	simm.s32 $0x200;
	v4 =	vld.msk [tilespmem:s12+$0x0 ss:$0x0], $0xffff  }
.LBB2_27:
0x34c: {  	p0 =	sne.s32 s13, $0x7F00;
	v12 =	vld [tilespmem:s11+$0x14C10];
	v9 =	vadd.f32 v10, v9;
	v10 =	vmul.f32 v11, v11;
	v7 =	vsub.f32 v7, v8  }
0x34d: {  	v8 =	vld [tilespmem:s11+$0x12C20]  }
0x34e: {  	v11 =	vld [tilespmem:s11+$0x14C20];
	v9 =	vadd.f32 v10, v9;
	v7 =	vmul.f32 v7, v7  }
0x34f: {  	v10 =	vld [tilespmem:s11+$0x12C30]  }
0x350: {  	v13 =	vld [tilespmem:s11+$0x14C30];
	v9 =	vadd.f32 v7, v9  }
0x351: {  	v5 =	vsub.f32 v5, v6;
	v6 =	vmul.f32 v12, v4;
	v12 =	vld [tilespmem:s11+$0x14C40];
	s11 =	sshra.s32 s13, $0x2  }
0x352: {  	v14 =	vld [tilespmem:s11+$0x10C40]  }
0x353: {  	v15 =	vld [tilespmem:s11+$0x12C40];
	v5 =	vsub.f32 v5, v6;
	v6 =	vsub.f32 v3, v8;
	v7 =	vmul.f32 v11, v4  }
.Ltmp13:
0x354: {  	v11 =	vsub.f32 v1, v10;
	v1 =	vld [tilespmem:s11+$0x10C30];
	(pc) =	sbr.rel @p0 .LBB2_27-.Ltmp13, $4  }
0x355: {  	v3 =	vld [tilespmem:s11+$0x10C20];
	v10 =	vmul.f32 v5, v5;
	v16 =	vsub.f32 v6, v7;
	v13 =	vmul.f32 v13, v4  }
0x356: {  	v7 =	vsub.f32 v0, v2;
	v5 =	vld [tilespmem:s11+$0x10C10];
	v8 =	vmul.f32 v12, v4  }
0x357: {  	s12 =	sadd.s32 $0x1, s12;
	v6 =	vld [tilespmem:s11+$0x12C10];
	v9 =	vadd.f32 v10, v9;
	v10 =	vmul.f32 v16, v16;
	v11 =	vsub.f32 v11, v13;
	v0 =	vmovc v14  }
0x358: {  	s13 =	sadd.s32 $0x100, s13;
	v4 =	vld.msk [tilespmem:s12+$0x0 ss:$0x0], $0xffff;
	v2 =	vmov v15  }
0x359: {  	v12 =	vld [tilespmem:s11+$0x14C10]  }
0x35a: {  	v13 =	vld [tilespmem:s11+$0x12C20]  }
0x35b: {  	v14 =	vld [tilespmem:s11+$0x14C20]  }
0x35c: {  	v15 =	vld [tilespmem:s11+$0x12C30]  }
0x35d: {  	v16 =	vld [tilespmem:s11+$0x14C30];
	s22 =	simm.s32 $0x0;
	s12 =	simm.s32 $0x10C10;
	s23 =	simm.s32 $0x1  }
0x35e: {  	v17 =	vld [tilespmem:s11+$0x14C40];
	[tilespmem:s12], [sflag:$0x1] =	stream.linear.gather [hbm4b:s10+s22], $0x2000, $0x38  }
0x35f: {  	_ =	swait.ge [sflag:s23], $0x2000  }
0x360: {  	s24 =	simm.s32 $0x80;
	[sflag:s23] =	ssyncset.done $0x0  }
0x361: {  	s25 =	simm.s32 $0x10610;
	s13 =	simm.s32 $0x12C10;
	[sflag:s23] =	ssyncadd.s32 $0xFFFFE000  }
0x362: {  	[tilespmem:s13], [sflag:$0x1] =	stream.indirect.gather [hbm4b:s6+s24], $0x40, s25, s24, $0xb8;
	[tilespmem:$0x16EC0] =	vst v63  }
0x363: {  	_ =	swait.ge [sflag:s23], $0x2000  }
0x364: {  	[sflag:s23] =	ssyncset.done $0x0  }
0x365: {  	s26 =	simm.s32 $0x10A10;
	s28 =	simm.s32 $0x14C10;
	[sflag:s23] =	ssyncadd.s32 $0xFFFFE000  }
0x366: {  	[tilespmem:s28], [sflag:$0x1] =	stream.indirect.gather [spmem:s5], $0x40, s26, s24, $0xb8;
	[tilespmem:$0x16EC0] =	vst v63  }
0x367: {  	_ =	swait.ge [sflag:s23], $0x2000  }
0x368: {  	[sflag:s23] =	ssyncset.done $0x0  }
0x369: {  	s29 =	simm.s32 $0x16C10;
	[sflag:s23] =	ssyncadd.s32 $0xFFFFE000  }
0x36a: {  	[tilespmem:s29], [sflag:$0x1] =	stream.indirect.gather [spmem:s4], $0x1, s26, s24, $0xb8;
	[tilespmem:$0x16EC0] =	vst v63  }
0x36b: {  	_ =	swait.ge [sflag:s23], $0x80  }
0x36c: {  	[sflag:s23] =	ssyncset.done $0x0  }
0x36d: {  	[sflag:s23] =	ssyncadd.s32 $0xFFFFFF80  }
0x36e: {  	v18 =	vld [tilespmem:$0x16C10]  }
0x36f: {  	v19 =	vld [tilespmem:$0x16C20]  }
0x370: {  	v20 =	vld [tilespmem:$0x16C30]  }
0x371: {  	v21 =	vld [tilespmem:$0x16C40]  }
0x372: {  	v22 =	vld [tilespmem:$0x16C50]  }
0x373: {  	v23 =	vld [tilespmem:$0x16C60];
	v18 =	vadd.f32 $1.000000000e+00, v18  }
0x374: {  	v24 =	vld [tilespmem:$0x16C70];
	v19 =	vadd.f32 $1.000000000e+00, v19  }
0x375: {  	v39 =	vld [tilespmem:$0x16C80];
	v38 =	vadd.f32 $1.000000000e+00, v20;
	(erf) = vrcp.f32 v18  }
0x376: {  	v40 =	vadd.f32 $1.000000000e+00, v21;
	(erf) = vrcp.f32 v19  }
0x377: {  	v41 =	vadd.f32 $1.000000000e+00, v22;
	(erf) = vrcp.f32 v38  }
0x378: {  	v42 =	vadd.f32 $1.000000000e+00, v23;
	(erf) = vrcp.f32 v40  }
0x379: {  	v43 =	vadd.f32 $1.000000000e+00, v24;
	(erf) = vrcp.f32 v41  }
0x37a: {  	v44 =	vadd.f32 $1.000000000e+00, v39;
	(erf) = vrcp.f32 v42  }
0x37b: {  	(erf) = vrcp.f32 v43  }
0x37c: {  	(erf) = vrcp.f32 v44;
	_ =	sdelay $0x1  }
0x37d: {  	v45 =	vpop (erf)  }
0x37e: {  	v46 =	vpop (erf);
	v18 =	vmul.f32 $5.000000000e-01, v45  }
0x37f: {  	v47 =	vpop (erf);
	v19 =	vmul.f32 $5.000000000e-01, v46  }
0x380: {  	v48 =	vpop (erf);
	[tilespmem:$0x16C90] =	vst v18;
	v49 =	vmul.f32 $5.000000000e-01, v47  }
0x381: {  	v50 =	vpop (erf);
	[tilespmem:$0x16CA0] =	vst v19;
	v51 =	vmul.f32 $5.000000000e-01, v48  }
0x382: {  	v52 =	vpop (erf);
	[tilespmem:$0x16CB0] =	vst v49;
	v53 =	vmul.f32 $5.000000000e-01, v50  }
0x383: {  	v54 =	vpop (erf);
	[tilespmem:$0x16CC0] =	vst v51;
	v55 =	vmul.f32 $5.000000000e-01, v52  }
0x384: {  	[tilespmem:$0x16CD0] =	vst v53;
	v56 =	vmul.f32 $5.000000000e-01, v54;
	v57 =	vpop (erf)  }
0x385: {  	[tilespmem:$0x16CE0] =	vst v55;
	v58 =	vmul.f32 $5.000000000e-01, v57  }
0x386: {  	[tilespmem:$0x16CF0] =	vst v56  }
0x387: {  	s30 =	simm.s32 $0x0;
	[tilespmem:$0x16D00] =	vst v58  }
0x388: {  	v18 =	vld [tilespmem:s30+$0x10C40]  }
0x389: {  	v59 =	vld [tilespmem:s30+$0x10C30]  }
0x38a: {  	v9 =	vadd.f32 v10, v9;
	v10 =	vmul.f32 v11, v11;
	v7 =	vsub.f32 v7, v8;
	v8 =	vld [tilespmem:s30+$0x10C20]  }
0x38b: {  	v5 =	vsub.f32 v5, v6;
	v6 =	vmul.f32 v12, v4;
	v11 =	vld [tilespmem:s30+$0x10C10]  }
0x38c: {  	s31 =	simm.s32 $0x16C90;
	v9 =	vadd.f32 v10, v9;
	v7 =	vmul.f32 v7, v7;
	v10 =	vld [tilespmem:s30+$0x12C10]  }
0x38d: {  	v3 =	vsub.f32 v3, v13;
	v5 =	vsub.f32 v5, v6;
	v6 =	vmul.f32 v14, v4;
	v60 =	vld.msk [tilespmem:s31+$0x0 ss:$0x0], $0xffff  }
0x38e: {  	v7 =	vadd.f32 v7, v9;
	v1 =	vsub.f32 v1, v15;
	v9 =	vld [tilespmem:s30+$0x14C10]  }
0x38f: {  	v5 =	vmul.f32 v5, v5;
	v3 =	vsub.f32 v3, v6;
	v6 =	vmul.f32 v16, v4;
	v61 =	vld [tilespmem:s30+$0x12C20]  }
0x390: {  	v0 =	vsub.f32 v0, v2;
	v2 =	vmul.f32 v17, v4;
	v4 =	vld [tilespmem:s30+$0x14C20]  }
0x391: {  	v5 =	vadd.f32 v5, v7;
	v3 =	vmul.f32 v3, v3;
	v1 =	vsub.f32 v1, v6;
	v6 =	vld [tilespmem:s30+$0x12C30]  }
0x392: {  	v7 =	vld [tilespmem:s30+$0x14C30]  }
0x393: {  	v2 =	vsub.f32 v0, v2;
	v3 =	vadd.f32 v3, v5;
	v1 =	vmul.f32 v1, v1;
	v19 =	vld [tilespmem:s30+$0x12C40]  }
0x394: {  	s10 =	simm.s32 $0x40;
	v62 =	vld [tilespmem:s30+$0x14C40];
	v5 =	vsub.f32 v11, v10;
	v9 =	vmul.f32 v9, v60  }
0x395: {  	v3 =	vadd.f32 v1, v3;
	v0 =	vld [tilespmem:s10+$0x10C40];
	v10 =	vmul.f32 v2, v2  }
0x396: {  	v1 =	vld [tilespmem:s10+$0x10C30];
	v8 =	vsub.f32 v8, v61;
	v4 =	vmul.f32 v4, v60;
	v5 =	vsub.f32 v5, v9  }
0x397: {  	v2 =	vld [tilespmem:s10+$0x12C40];
	v11 =	vsub.f32 v59, v6;
	v63 =	vmul.f32 v7, v60  }
0x398: {  	v6 =	vld [tilespmem:s10+$0x12C10];
	v9 =	vadd.f32 v10, v3;
	v4 =	vsub.f32 v8, v4;
	v10 =	vmul.f32 v5, v5  }
0x399: {  	v7 =	vsub.f32 v18, v19;
	v3 =	vld [tilespmem:s10+$0x10C20];
	v8 =	vmul.f32 v62, v60  }
0x39a: {  	s11 =	simm.s32 $0x16C91;
	v11 =	vsub.f32 v11, v63;
	v5 =	vld [tilespmem:s10+$0x10C10];
	v9 =	vadd.f32 v10, v9;
	v10 =	vmul.f32 v4, v4  }
0x39b: {  	s12 =	simm.s32 $0x200;
	v4 =	vld.msk [tilespmem:s11+$0x0 ss:$0x0], $0xffff  }
.LBB2_29:
0x39c: {  	p0 =	sne.s32 s12, $0x7F00;
	v12 =	vld [tilespmem:s10+$0x14C10];
	v9 =	vadd.f32 v10, v9;
	v10 =	vmul.f32 v11, v11;
	v7 =	vsub.f32 v7, v8  }
0x39d: {  	v8 =	vld [tilespmem:s10+$0x12C20]  }
0x39e: {  	v11 =	vld [tilespmem:s10+$0x14C20];
	v9 =	vadd.f32 v10, v9;
	v7 =	vmul.f32 v7, v7  }
0x39f: {  	v10 =	vld [tilespmem:s10+$0x12C30]  }
0x3a0: {  	v13 =	vld [tilespmem:s10+$0x14C30];
	v9 =	vadd.f32 v7, v9  }
0x3a1: {  	v5 =	vsub.f32 v5, v6;
	v6 =	vmul.f32 v12, v4;
	v12 =	vld [tilespmem:s10+$0x14C40];
	s10 =	sshra.s32 s12, $0x2  }
0x3a2: {  	v14 =	vld [tilespmem:s10+$0x10C40]  }
0x3a3: {  	v15 =	vld [tilespmem:s10+$0x12C40];
	v5 =	vsub.f32 v5, v6;
	v6 =	vsub.f32 v3, v8;
	v7 =	vmul.f32 v11, v4  }
.Ltmp14:
0x3a4: {  	v11 =	vsub.f32 v1, v10;
	v1 =	vld [tilespmem:s10+$0x10C30];
	(pc) =	sbr.rel @p0 .LBB2_29-.Ltmp14, $4  }
0x3a5: {  	v3 =	vld [tilespmem:s10+$0x10C20];
	v10 =	vmul.f32 v5, v5;
	v16 =	vsub.f32 v6, v7;
	v13 =	vmul.f32 v13, v4  }
0x3a6: {  	v7 =	vsub.f32 v0, v2;
	v5 =	vld [tilespmem:s10+$0x10C10];
	v8 =	vmul.f32 v12, v4  }
0x3a7: {  	s11 =	sadd.s32 $0x1, s11;
	v6 =	vld [tilespmem:s10+$0x12C10];
	v9 =	vadd.f32 v10, v9;
	v10 =	vmul.f32 v16, v16;
	v11 =	vsub.f32 v11, v13;
	v0 =	vmovc v14  }
0x3a8: {  	s12 =	sadd.s32 $0x100, s12;
	v4 =	vld.msk [tilespmem:s11+$0x0 ss:$0x0], $0xffff;
	v2 =	vmov v15  }
0x3a9: {  	v12 =	vld [tilespmem:s10+$0x14C10]  }
0x3aa: {  	v13 =	vld [tilespmem:s10+$0x12C20]  }
0x3ab: {  	v14 =	vld [tilespmem:s10+$0x14C20]  }
0x3ac: {  	v15 =	vld [tilespmem:s10+$0x12C30]  }
0x3ad: {  	v16 =	vld [tilespmem:s10+$0x14C30];
	s22 =	simm.s32 $0x0;
	s11 =	simm.s32 $0x10C10;
	s23 =	simm.s32 $0x1  }
0x3ae: {  	v17 =	vld [tilespmem:s10+$0x14C40];
	[tilespmem:s11], [sflag:$0x1] =	stream.linear.gather [hbm4b:s9+s22], $0x2000, $0x38  }
0x3af: {  	_ =	swait.ge [sflag:s23], $0x2000  }
0x3b0: {  	s24 =	simm.s32 $0x80;
	[sflag:s23] =	ssyncset.done $0x0  }
0x3b1: {  	s25 =	simm.s32 $0x10690;
	s12 =	simm.s32 $0x12C10;
	[sflag:s23] =	ssyncadd.s32 $0xFFFFE000  }
0x3b2: {  	[tilespmem:s12], [sflag:$0x1] =	stream.indirect.gather [hbm4b:s6+s24], $0x40, s25, s24, $0xb8;
	[tilespmem:$0x16EC0] =	vst v63  }
0x3b3: {  	_ =	swait.ge [sflag:s23], $0x2000  }
0x3b4: {  	[sflag:s23] =	ssyncset.done $0x0  }
0x3b5: {  	s26 =	simm.s32 $0x10A90;
	s28 =	simm.s32 $0x14C10;
	[sflag:s23] =	ssyncadd.s32 $0xFFFFE000  }
0x3b6: {  	[tilespmem:s28], [sflag:$0x1] =	stream.indirect.gather [spmem:s5], $0x40, s26, s24, $0xb8;
	[tilespmem:$0x16EC0] =	vst v63  }
0x3b7: {  	_ =	swait.ge [sflag:s23], $0x2000  }
0x3b8: {  	[sflag:s23] =	ssyncset.done $0x0  }
0x3b9: {  	s29 =	simm.s32 $0x16C10;
	[sflag:s23] =	ssyncadd.s32 $0xFFFFE000  }
0x3ba: {  	[tilespmem:s29], [sflag:$0x1] =	stream.indirect.gather [spmem:s4], $0x1, s26, s24, $0xb8;
	[tilespmem:$0x16EC0] =	vst v63  }
0x3bb: {  	_ =	swait.ge [sflag:s23], $0x80  }
0x3bc: {  	[sflag:s23] =	ssyncset.done $0x0  }
0x3bd: {  	[sflag:s23] =	ssyncadd.s32 $0xFFFFFF80  }
0x3be: {  	v18 =	vld [tilespmem:$0x16C10]  }
0x3bf: {  	v19 =	vld [tilespmem:$0x16C20]  }
0x3c0: {  	v20 =	vld [tilespmem:$0x16C30]  }
0x3c1: {  	v21 =	vld [tilespmem:$0x16C40]  }
0x3c2: {  	v22 =	vld [tilespmem:$0x16C50]  }
0x3c3: {  	v23 =	vld [tilespmem:$0x16C60];
	v18 =	vadd.f32 $1.000000000e+00, v18  }
0x3c4: {  	v24 =	vld [tilespmem:$0x16C70];
	v19 =	vadd.f32 $1.000000000e+00, v19  }
0x3c5: {  	v39 =	vld [tilespmem:$0x16C80];
	v38 =	vadd.f32 $1.000000000e+00, v20;
	(erf) = vrcp.f32 v18  }
0x3c6: {  	v40 =	vadd.f32 $1.000000000e+00, v21;
	(erf) = vrcp.f32 v19  }
0x3c7: {  	v41 =	vadd.f32 $1.000000000e+00, v22;
	(erf) = vrcp.f32 v38  }
0x3c8: {  	v42 =	vadd.f32 $1.000000000e+00, v23;
	(erf) = vrcp.f32 v40  }
0x3c9: {  	v43 =	vadd.f32 $1.000000000e+00, v24;
	(erf) = vrcp.f32 v41  }
0x3ca: {  	v44 =	vadd.f32 $1.000000000e+00, v39;
	(erf) = vrcp.f32 v42  }
0x3cb: {  	(erf) = vrcp.f32 v43  }
0x3cc: {  	(erf) = vrcp.f32 v44;
	_ =	sdelay $0x1  }
0x3cd: {  	v45 =	vpop (erf)  }
0x3ce: {  	v46 =	vpop (erf);
	v18 =	vmul.f32 $5.000000000e-01, v45  }
0x3cf: {  	v47 =	vpop (erf);
	v19 =	vmul.f32 $5.000000000e-01, v46  }
0x3d0: {  	v48 =	vpop (erf);
	[tilespmem:$0x16C90] =	vst v18;
	v49 =	vmul.f32 $5.000000000e-01, v47  }
0x3d1: {  	v50 =	vpop (erf);
	[tilespmem:$0x16CA0] =	vst v19;
	v51 =	vmul.f32 $5.000000000e-01, v48  }
0x3d2: {  	v52 =	vpop (erf);
	[tilespmem:$0x16CB0] =	vst v49;
	v53 =	vmul.f32 $5.000000000e-01, v50  }
0x3d3: {  	v54 =	vpop (erf);
	[tilespmem:$0x16CC0] =	vst v51;
	v55 =	vmul.f32 $5.000000000e-01, v52  }
0x3d4: {  	[tilespmem:$0x16CD0] =	vst v53;
	v56 =	vmul.f32 $5.000000000e-01, v54;
	v57 =	vpop (erf)  }
0x3d5: {  	[tilespmem:$0x16CE0] =	vst v55;
	v58 =	vmul.f32 $5.000000000e-01, v57  }
0x3d6: {  	[tilespmem:$0x16CF0] =	vst v56  }
0x3d7: {  	s30 =	simm.s32 $0x0;
	[tilespmem:$0x16D00] =	vst v58  }
0x3d8: {  	v18 =	vld [tilespmem:s30+$0x10C40]  }
0x3d9: {  	v59 =	vld [tilespmem:s30+$0x10C30]  }
0x3da: {  	v9 =	vadd.f32 v10, v9;
	v10 =	vmul.f32 v11, v11;
	v7 =	vsub.f32 v7, v8;
	v8 =	vld [tilespmem:s30+$0x10C20]  }
0x3db: {  	v5 =	vsub.f32 v5, v6;
	v6 =	vmul.f32 v12, v4;
	v11 =	vld [tilespmem:s30+$0x10C10]  }
0x3dc: {  	s31 =	simm.s32 $0x16C90;
	v9 =	vadd.f32 v10, v9;
	v7 =	vmul.f32 v7, v7;
	v10 =	vld [tilespmem:s30+$0x12C10]  }
0x3dd: {  	v3 =	vsub.f32 v3, v13;
	v5 =	vsub.f32 v5, v6;
	v6 =	vmul.f32 v14, v4;
	v60 =	vld.msk [tilespmem:s31+$0x0 ss:$0x0], $0xffff  }
0x3de: {  	v7 =	vadd.f32 v7, v9;
	v1 =	vsub.f32 v1, v15;
	v9 =	vld [tilespmem:s30+$0x14C10]  }
0x3df: {  	v5 =	vmul.f32 v5, v5;
	v3 =	vsub.f32 v3, v6;
	v6 =	vmul.f32 v16, v4;
	v61 =	vld [tilespmem:s30+$0x12C20]  }
0x3e0: {  	v0 =	vsub.f32 v0, v2;
	v2 =	vmul.f32 v17, v4;
	v4 =	vld [tilespmem:s30+$0x14C20]  }
0x3e1: {  	v5 =	vadd.f32 v5, v7;
	v3 =	vmul.f32 v3, v3;
	v1 =	vsub.f32 v1, v6;
	v6 =	vld [tilespmem:s30+$0x12C30]  }
0x3e2: {  	v7 =	vld [tilespmem:s30+$0x14C30]  }
0x3e3: {  	v2 =	vsub.f32 v0, v2;
	v3 =	vadd.f32 v3, v5;
	v1 =	vmul.f32 v1, v1;
	v19 =	vld [tilespmem:s30+$0x12C40]  }
0x3e4: {  	s9 =	simm.s32 $0x40;
	v62 =	vld [tilespmem:s30+$0x14C40];
	v5 =	vsub.f32 v11, v10;
	v9 =	vmul.f32 v9, v60  }
0x3e5: {  	v3 =	vadd.f32 v1, v3;
	v0 =	vld [tilespmem:s9+$0x10C40];
	v10 =	vmul.f32 v2, v2  }
0x3e6: {  	v1 =	vld [tilespmem:s9+$0x10C30];
	v8 =	vsub.f32 v8, v61;
	v4 =	vmul.f32 v4, v60;
	v5 =	vsub.f32 v5, v9  }
0x3e7: {  	v2 =	vld [tilespmem:s9+$0x12C40];
	v11 =	vsub.f32 v59, v6;
	v63 =	vmul.f32 v7, v60  }
0x3e8: {  	v6 =	vld [tilespmem:s9+$0x12C10];
	v9 =	vadd.f32 v10, v3;
	v4 =	vsub.f32 v8, v4;
	v10 =	vmul.f32 v5, v5  }
0x3e9: {  	v7 =	vsub.f32 v18, v19;
	v3 =	vld [tilespmem:s9+$0x10C20];
	v8 =	vmul.f32 v62, v60  }
0x3ea: {  	s10 =	simm.s32 $0x16C91;
	v11 =	vsub.f32 v11, v63;
	v5 =	vld [tilespmem:s9+$0x10C10];
	v9 =	vadd.f32 v10, v9;
	v10 =	vmul.f32 v4, v4  }
0x3eb: {  	s11 =	simm.s32 $0x200;
	v4 =	vld.msk [tilespmem:s10+$0x0 ss:$0x0], $0xffff  }
.LBB2_31:
0x3ec: {  	p0 =	sne.s32 s11, $0x7F00;
	v12 =	vld [tilespmem:s9+$0x14C10];
	v9 =	vadd.f32 v10, v9;
	v10 =	vmul.f32 v11, v11;
	v7 =	vsub.f32 v7, v8  }
0x3ed: {  	v8 =	vld [tilespmem:s9+$0x12C20]  }
0x3ee: {  	v11 =	vld [tilespmem:s9+$0x14C20];
	v9 =	vadd.f32 v10, v9;
	v7 =	vmul.f32 v7, v7  }
0x3ef: {  	v10 =	vld [tilespmem:s9+$0x12C30]  }
0x3f0: {  	v13 =	vld [tilespmem:s9+$0x14C30];
	v9 =	vadd.f32 v7, v9  }
0x3f1: {  	v5 =	vsub.f32 v5, v6;
	v6 =	vmul.f32 v12, v4;
	v12 =	vld [tilespmem:s9+$0x14C40];
	s9 =	sshra.s32 s11, $0x2  }
0x3f2: {  	v14 =	vld [tilespmem:s9+$0x10C40]  }
0x3f3: {  	v15 =	vld [tilespmem:s9+$0x12C40];
	v5 =	vsub.f32 v5, v6;
	v6 =	vsub.f32 v3, v8;
	v7 =	vmul.f32 v11, v4  }
.Ltmp15:
0x3f4: {  	v11 =	vsub.f32 v1, v10;
	v1 =	vld [tilespmem:s9+$0x10C30];
	(pc) =	sbr.rel @p0 .LBB2_31-.Ltmp15, $4  }
0x3f5: {  	v3 =	vld [tilespmem:s9+$0x10C20];
	v10 =	vmul.f32 v5, v5;
	v16 =	vsub.f32 v6, v7;
	v13 =	vmul.f32 v13, v4  }
0x3f6: {  	v7 =	vsub.f32 v0, v2;
	v5 =	vld [tilespmem:s9+$0x10C10];
	v8 =	vmul.f32 v12, v4  }
0x3f7: {  	s10 =	sadd.s32 $0x1, s10;
	v6 =	vld [tilespmem:s9+$0x12C10];
	v9 =	vadd.f32 v10, v9;
	v10 =	vmul.f32 v16, v16;
	v11 =	vsub.f32 v11, v13;
	v0 =	vmovc v14  }
0x3f8: {  	s11 =	sadd.s32 $0x100, s11;
	v4 =	vld.msk [tilespmem:s10+$0x0 ss:$0x0], $0xffff;
	v2 =	vmov v15  }
0x3f9: {  	v12 =	vld [tilespmem:s9+$0x14C10]  }
0x3fa: {  	v13 =	vld [tilespmem:s9+$0x12C20]  }
0x3fb: {  	v14 =	vld [tilespmem:s9+$0x14C20]  }
0x3fc: {  	v15 =	vld [tilespmem:s9+$0x12C30]  }
0x3fd: {  	v16 =	vld [tilespmem:s9+$0x14C30];
	s22 =	simm.s32 $0x0;
	s10 =	simm.s32 $0x10C10;
	s23 =	simm.s32 $0x1  }
0x3fe: {  	v17 =	vld [tilespmem:s9+$0x14C40];
	[tilespmem:s10], [sflag:$0x1] =	stream.linear.gather [hbm4b:s8+s22], $0x2000, $0x38  }
0x3ff: {  	_ =	swait.ge [sflag:s23], $0x2000  }
0x400: {  	s24 =	simm.s32 $0x80;
	[sflag:s23] =	ssyncset.done $0x0  }
0x401: {  	s25 =	simm.s32 $0x10710;
	s11 =	simm.s32 $0x12C10;
	[sflag:s23] =	ssyncadd.s32 $0xFFFFE000  }
0x402: {  	[tilespmem:s11], [sflag:$0x1] =	stream.indirect.gather [hbm4b:s6+s24], $0x40, s25, s24, $0xb8;
	[tilespmem:$0x16EC0] =	vst v63  }
0x403: {  	_ =	swait.ge [sflag:s23], $0x2000  }
0x404: {  	[sflag:s23] =	ssyncset.done $0x0  }
0x405: {  	s26 =	simm.s32 $0x10B10;
	s28 =	simm.s32 $0x14C10;
	[sflag:s23] =	ssyncadd.s32 $0xFFFFE000  }
0x406: {  	[tilespmem:s28], [sflag:$0x1] =	stream.indirect.gather [spmem:s5], $0x40, s26, s24, $0xb8;
	[tilespmem:$0x16EC0] =	vst v63  }
0x407: {  	_ =	swait.ge [sflag:s23], $0x2000  }
0x408: {  	[sflag:s23] =	ssyncset.done $0x0  }
0x409: {  	s29 =	simm.s32 $0x16C10;
	[sflag:s23] =	ssyncadd.s32 $0xFFFFE000  }
0x40a: {  	[tilespmem:s29], [sflag:$0x1] =	stream.indirect.gather [spmem:s4], $0x1, s26, s24, $0xb8;
	[tilespmem:$0x16EC0] =	vst v63  }
0x40b: {  	_ =	swait.ge [sflag:s23], $0x80  }
0x40c: {  	[sflag:s23] =	ssyncset.done $0x0  }
0x40d: {  	[sflag:s23] =	ssyncadd.s32 $0xFFFFFF80  }
0x40e: {  	v18 =	vld [tilespmem:$0x16C10]  }
0x40f: {  	v19 =	vld [tilespmem:$0x16C20]  }
0x410: {  	v20 =	vld [tilespmem:$0x16C30]  }
0x411: {  	v21 =	vld [tilespmem:$0x16C40]  }
0x412: {  	v22 =	vld [tilespmem:$0x16C50]  }
0x413: {  	v23 =	vld [tilespmem:$0x16C60];
	v18 =	vadd.f32 $1.000000000e+00, v18  }
0x414: {  	v24 =	vld [tilespmem:$0x16C70];
	v19 =	vadd.f32 $1.000000000e+00, v19  }
0x415: {  	v39 =	vld [tilespmem:$0x16C80];
	v38 =	vadd.f32 $1.000000000e+00, v20;
	(erf) = vrcp.f32 v18  }
0x416: {  	v40 =	vadd.f32 $1.000000000e+00, v21;
	(erf) = vrcp.f32 v19  }
0x417: {  	v41 =	vadd.f32 $1.000000000e+00, v22;
	(erf) = vrcp.f32 v38  }
0x418: {  	v42 =	vadd.f32 $1.000000000e+00, v23;
	(erf) = vrcp.f32 v40  }
0x419: {  	v43 =	vadd.f32 $1.000000000e+00, v24;
	(erf) = vrcp.f32 v41  }
0x41a: {  	v44 =	vadd.f32 $1.000000000e+00, v39;
	(erf) = vrcp.f32 v42  }
0x41b: {  	(erf) = vrcp.f32 v43  }
0x41c: {  	(erf) = vrcp.f32 v44;
	_ =	sdelay $0x1  }
0x41d: {  	v45 =	vpop (erf)  }
0x41e: {  	v46 =	vpop (erf);
	v18 =	vmul.f32 $5.000000000e-01, v45  }
0x41f: {  	v47 =	vpop (erf);
	v19 =	vmul.f32 $5.000000000e-01, v46  }
0x420: {  	v48 =	vpop (erf);
	[tilespmem:$0x16C90] =	vst v18;
	v49 =	vmul.f32 $5.000000000e-01, v47  }
0x421: {  	v50 =	vpop (erf);
	[tilespmem:$0x16CA0] =	vst v19;
	v51 =	vmul.f32 $5.000000000e-01, v48  }
0x422: {  	v52 =	vpop (erf);
	[tilespmem:$0x16CB0] =	vst v49;
	v53 =	vmul.f32 $5.000000000e-01, v50  }
0x423: {  	v54 =	vpop (erf);
	[tilespmem:$0x16CC0] =	vst v51;
	v55 =	vmul.f32 $5.000000000e-01, v52  }
0x424: {  	[tilespmem:$0x16CD0] =	vst v53;
	v56 =	vmul.f32 $5.000000000e-01, v54;
	v57 =	vpop (erf)  }
0x425: {  	[tilespmem:$0x16CE0] =	vst v55;
	v58 =	vmul.f32 $5.000000000e-01, v57  }
0x426: {  	[tilespmem:$0x16CF0] =	vst v56  }
0x427: {  	s30 =	simm.s32 $0x0;
	[tilespmem:$0x16D00] =	vst v58  }
0x428: {  	v18 =	vld [tilespmem:s30+$0x10C40]  }
0x429: {  	v59 =	vld [tilespmem:s30+$0x10C30]  }
0x42a: {  	v9 =	vadd.f32 v10, v9;
	v10 =	vmul.f32 v11, v11;
	v7 =	vsub.f32 v7, v8;
	v8 =	vld [tilespmem:s30+$0x10C20]  }
0x42b: {  	v5 =	vsub.f32 v5, v6;
	v6 =	vmul.f32 v12, v4;
	v11 =	vld [tilespmem:s30+$0x10C10]  }
0x42c: {  	s31 =	simm.s32 $0x16C90;
	v9 =	vadd.f32 v10, v9;
	v7 =	vmul.f32 v7, v7;
	v10 =	vld [tilespmem:s30+$0x12C10]  }
0x42d: {  	v3 =	vsub.f32 v3, v13;
	v5 =	vsub.f32 v5, v6;
	v6 =	vmul.f32 v14, v4;
	v60 =	vld.msk [tilespmem:s31+$0x0 ss:$0x0], $0xffff  }
0x42e: {  	v7 =	vadd.f32 v7, v9;
	v1 =	vsub.f32 v1, v15;
	v9 =	vld [tilespmem:s30+$0x14C10]  }
0x42f: {  	v5 =	vmul.f32 v5, v5;
	v3 =	vsub.f32 v3, v6;
	v6 =	vmul.f32 v16, v4;
	v61 =	vld [tilespmem:s30+$0x12C20]  }
0x430: {  	v0 =	vsub.f32 v0, v2;
	v2 =	vmul.f32 v17, v4;
	v4 =	vld [tilespmem:s30+$0x14C20]  }
0x431: {  	v5 =	vadd.f32 v5, v7;
	v3 =	vmul.f32 v3, v3;
	v1 =	vsub.f32 v1, v6;
	v6 =	vld [tilespmem:s30+$0x12C30]  }
0x432: {  	v7 =	vld [tilespmem:s30+$0x14C30]  }
0x433: {  	v2 =	vsub.f32 v0, v2;
	v3 =	vadd.f32 v3, v5;
	v1 =	vmul.f32 v1, v1;
	v19 =	vld [tilespmem:s30+$0x12C40]  }
0x434: {  	s8 =	simm.s32 $0x40;
	v62 =	vld [tilespmem:s30+$0x14C40];
	v5 =	vsub.f32 v11, v10;
	v9 =	vmul.f32 v9, v60  }
0x435: {  	v3 =	vadd.f32 v1, v3;
	v0 =	vld [tilespmem:s8+$0x10C40];
	v10 =	vmul.f32 v2, v2  }
0x436: {  	v1 =	vld [tilespmem:s8+$0x10C30];
	v8 =	vsub.f32 v8, v61;
	v4 =	vmul.f32 v4, v60;
	v5 =	vsub.f32 v5, v9  }
0x437: {  	v2 =	vld [tilespmem:s8+$0x12C40];
	v11 =	vsub.f32 v59, v6;
	v63 =	vmul.f32 v7, v60  }
0x438: {  	v6 =	vld [tilespmem:s8+$0x12C10];
	v9 =	vadd.f32 v10, v3;
	v4 =	vsub.f32 v8, v4;
	v10 =	vmul.f32 v5, v5  }
0x439: {  	v7 =	vsub.f32 v18, v19;
	v3 =	vld [tilespmem:s8+$0x10C20];
	v8 =	vmul.f32 v62, v60  }
0x43a: {  	s9 =	simm.s32 $0x16C91;
	v11 =	vsub.f32 v11, v63;
	v5 =	vld [tilespmem:s8+$0x10C10];
	v9 =	vadd.f32 v10, v9;
	v10 =	vmul.f32 v4, v4  }
0x43b: {  	s10 =	simm.s32 $0x200;
	v4 =	vld.msk [tilespmem:s9+$0x0 ss:$0x0], $0xffff  }
.LBB2_33:
0x43c: {  	p0 =	sne.s32 s10, $0x7F00;
	v12 =	vld [tilespmem:s8+$0x14C10];
	v9 =	vadd.f32 v10, v9;
	v10 =	vmul.f32 v11, v11;
	v7 =	vsub.f32 v7, v8  }
0x43d: {  	v8 =	vld [tilespmem:s8+$0x12C20]  }
0x43e: {  	v11 =	vld [tilespmem:s8+$0x14C20];
	v9 =	vadd.f32 v10, v9;
	v7 =	vmul.f32 v7, v7  }
0x43f: {  	v10 =	vld [tilespmem:s8+$0x12C30]  }
0x440: {  	v13 =	vld [tilespmem:s8+$0x14C30];
	v9 =	vadd.f32 v7, v9  }
0x441: {  	v5 =	vsub.f32 v5, v6;
	v6 =	vmul.f32 v12, v4;
	v12 =	vld [tilespmem:s8+$0x14C40];
	s8 =	sshra.s32 s10, $0x2  }
0x442: {  	v14 =	vld [tilespmem:s8+$0x10C40]  }
0x443: {  	v15 =	vld [tilespmem:s8+$0x12C40];
	v5 =	vsub.f32 v5, v6;
	v6 =	vsub.f32 v3, v8;
	v7 =	vmul.f32 v11, v4  }
.Ltmp16:
0x444: {  	v11 =	vsub.f32 v1, v10;
	v1 =	vld [tilespmem:s8+$0x10C30];
	(pc) =	sbr.rel @p0 .LBB2_33-.Ltmp16, $4  }
0x445: {  	v3 =	vld [tilespmem:s8+$0x10C20];
	v10 =	vmul.f32 v5, v5;
	v16 =	vsub.f32 v6, v7;
	v13 =	vmul.f32 v13, v4  }
0x446: {  	v7 =	vsub.f32 v0, v2;
	v5 =	vld [tilespmem:s8+$0x10C10];
	v8 =	vmul.f32 v12, v4  }
0x447: {  	s9 =	sadd.s32 $0x1, s9;
	v6 =	vld [tilespmem:s8+$0x12C10];
	v9 =	vadd.f32 v10, v9;
	v10 =	vmul.f32 v16, v16;
	v11 =	vsub.f32 v11, v13;
	v0 =	vmovc v14  }
0x448: {  	s10 =	sadd.s32 $0x100, s10;
	v4 =	vld.msk [tilespmem:s9+$0x0 ss:$0x0], $0xffff;
	v2 =	vmov v15  }
0x449: {  	v12 =	vld [tilespmem:s8+$0x14C10]  }
0x44a: {  	v13 =	vld [tilespmem:s8+$0x12C20]  }
0x44b: {  	v14 =	vld [tilespmem:s8+$0x14C20]  }
0x44c: {  	v15 =	vld [tilespmem:s8+$0x12C30]  }
0x44d: {  	v16 =	vld [tilespmem:s8+$0x14C30];
	s22 =	simm.s32 $0x0;
	s9 =	simm.s32 $0x10C10;
	s23 =	simm.s32 $0x1  }
0x44e: {  	v17 =	vld [tilespmem:s8+$0x14C40];
	[tilespmem:s9], [sflag:$0x1] =	stream.linear.gather [hbm4b:s7+s22], $0x2000, $0x38  }
0x44f: {  	_ =	swait.ge [sflag:s23], $0x2000  }
0x450: {  	s24 =	simm.s32 $0x80;
	[sflag:s23] =	ssyncset.done $0x0  }
0x451: {  	s25 =	simm.s32 $0x10790;
	s10 =	simm.s32 $0x12C10;
	[sflag:s23] =	ssyncadd.s32 $0xFFFFE000  }
0x452: {  	[tilespmem:s10], [sflag:$0x1] =	stream.indirect.gather [hbm4b:s6+s24], $0x40, s25, s24, $0xb8;
	[tilespmem:$0x16EC0] =	vst v63  }
0x453: {  	_ =	swait.ge [sflag:s23], $0x2000  }
0x454: {  	[sflag:s23] =	ssyncset.done $0x0  }
0x455: {  	s26 =	simm.s32 $0x10B90;
	s28 =	simm.s32 $0x14C10;
	[sflag:s23] =	ssyncadd.s32 $0xFFFFE000  }
0x456: {  	[tilespmem:s28], [sflag:$0x1] =	stream.indirect.gather [spmem:s5], $0x40, s26, s24, $0xb8;
	[tilespmem:$0x16EC0] =	vst v63  }
0x457: {  	_ =	swait.ge [sflag:s23], $0x2000  }
0x458: {  	[sflag:s23] =	ssyncset.done $0x0  }
0x459: {  	s29 =	simm.s32 $0x16C10;
	[sflag:s23] =	ssyncadd.s32 $0xFFFFE000  }
0x45a: {  	[tilespmem:s29], [sflag:$0x1] =	stream.indirect.gather [spmem:s4], $0x1, s26, s24, $0xb8;
	[tilespmem:$0x16EC0] =	vst v63  }
0x45b: {  	_ =	swait.ge [sflag:s23], $0x80  }
0x45c: {  	[sflag:s23] =	ssyncset.done $0x0  }
0x45d: {  	[sflag:s23] =	ssyncadd.s32 $0xFFFFFF80  }
0x45e: {  	v18 =	vld [tilespmem:$0x16C10]  }
0x45f: {  	v19 =	vld [tilespmem:$0x16C20]  }
0x460: {  	v20 =	vld [tilespmem:$0x16C30]  }
0x461: {  	v21 =	vld [tilespmem:$0x16C40]  }
0x462: {  	v22 =	vld [tilespmem:$0x16C50]  }
0x463: {  	v23 =	vld [tilespmem:$0x16C60];
	v18 =	vadd.f32 $1.000000000e+00, v18  }
0x464: {  	v24 =	vld [tilespmem:$0x16C70];
	v19 =	vadd.f32 $1.000000000e+00, v19  }
0x465: {  	v39 =	vld [tilespmem:$0x16C80];
	v38 =	vadd.f32 $1.000000000e+00, v20;
	(erf) = vrcp.f32 v18  }
0x466: {  	v40 =	vadd.f32 $1.000000000e+00, v21;
	(erf) = vrcp.f32 v19  }
0x467: {  	v41 =	vadd.f32 $1.000000000e+00, v22;
	(erf) = vrcp.f32 v38  }
0x468: {  	v42 =	vadd.f32 $1.000000000e+00, v23;
	(erf) = vrcp.f32 v40  }
0x469: {  	v43 =	vadd.f32 $1.000000000e+00, v24;
	(erf) = vrcp.f32 v41  }
0x46a: {  	v44 =	vadd.f32 $1.000000000e+00, v39;
	(erf) = vrcp.f32 v42  }
0x46b: {  	(erf) = vrcp.f32 v43  }
0x46c: {  	(erf) = vrcp.f32 v44;
	_ =	sdelay $0x1  }
0x46d: {  	v45 =	vpop (erf)  }
0x46e: {  	v46 =	vpop (erf);
	v18 =	vmul.f32 $5.000000000e-01, v45  }
0x46f: {  	v47 =	vpop (erf);
	v19 =	vmul.f32 $5.000000000e-01, v46  }
0x470: {  	v48 =	vpop (erf);
	[tilespmem:$0x16C90] =	vst v18;
	v49 =	vmul.f32 $5.000000000e-01, v47  }
0x471: {  	v50 =	vpop (erf);
	[tilespmem:$0x16CA0] =	vst v19;
	v51 =	vmul.f32 $5.000000000e-01, v48  }
0x472: {  	v52 =	vpop (erf);
	[tilespmem:$0x16CB0] =	vst v49;
	v53 =	vmul.f32 $5.000000000e-01, v50  }
0x473: {  	v54 =	vpop (erf);
	[tilespmem:$0x16CC0] =	vst v51;
	v55 =	vmul.f32 $5.000000000e-01, v52  }
0x474: {  	[tilespmem:$0x16CD0] =	vst v53;
	v56 =	vmul.f32 $5.000000000e-01, v54;
	v57 =	vpop (erf)  }
0x475: {  	[tilespmem:$0x16CE0] =	vst v55;
	v58 =	vmul.f32 $5.000000000e-01, v57  }
0x476: {  	[tilespmem:$0x16CF0] =	vst v56  }
0x477: {  	s30 =	simm.s32 $0x0;
	[tilespmem:$0x16D00] =	vst v58  }
0x478: {  	v18 =	vld [tilespmem:s30+$0x10C40]  }
0x479: {  	v59 =	vld [tilespmem:s30+$0x10C30]  }
0x47a: {  	v9 =	vadd.f32 v10, v9;
	v10 =	vmul.f32 v11, v11;
	v7 =	vsub.f32 v7, v8;
	v8 =	vld [tilespmem:s30+$0x10C20]  }
0x47b: {  	v5 =	vsub.f32 v5, v6;
	v6 =	vmul.f32 v12, v4;
	v11 =	vld [tilespmem:s30+$0x10C10]  }
0x47c: {  	s31 =	simm.s32 $0x16C90;
	v9 =	vadd.f32 v10, v9;
	v7 =	vmul.f32 v7, v7;
	v10 =	vld [tilespmem:s30+$0x12C10]  }
0x47d: {  	v3 =	vsub.f32 v3, v13;
	v5 =	vsub.f32 v5, v6;
	v6 =	vmul.f32 v14, v4;
	v60 =	vld.msk [tilespmem:s31+$0x0 ss:$0x0], $0xffff  }
0x47e: {  	v7 =	vadd.f32 v7, v9;
	v1 =	vsub.f32 v1, v15;
	v9 =	vld [tilespmem:s30+$0x14C10]  }
0x47f: {  	v5 =	vmul.f32 v5, v5;
	v3 =	vsub.f32 v3, v6;
	v6 =	vmul.f32 v16, v4;
	v61 =	vld [tilespmem:s30+$0x12C20]  }
0x480: {  	v0 =	vsub.f32 v0, v2;
	v2 =	vmul.f32 v17, v4;
	v4 =	vld [tilespmem:s30+$0x14C20]  }
0x481: {  	v5 =	vadd.f32 v5, v7;
	v3 =	vmul.f32 v3, v3;
	v1 =	vsub.f32 v1, v6;
	v6 =	vld [tilespmem:s30+$0x12C30]  }
0x482: {  	v7 =	vld [tilespmem:s30+$0x14C30]  }
0x483: {  	v2 =	vsub.f32 v0, v2;
	v3 =	vadd.f32 v3, v5;
	v1 =	vmul.f32 v1, v1;
	v19 =	vld [tilespmem:s30+$0x12C40]  }
0x484: {  	s4 =	simm.s32 $0x40;
	v62 =	vld [tilespmem:s30+$0x14C40];
	v5 =	vsub.f32 v11, v10;
	v9 =	vmul.f32 v9, v60  }
0x485: {  	v3 =	vadd.f32 v1, v3;
	v0 =	vld [tilespmem:s4+$0x10C40];
	v10 =	vmul.f32 v2, v2  }
0x486: {  	v1 =	vld [tilespmem:s4+$0x10C30];
	v8 =	vsub.f32 v8, v61;
	v4 =	vmul.f32 v4, v60;
	v5 =	vsub.f32 v5, v9  }
0x487: {  	v2 =	vld [tilespmem:s4+$0x12C40];
	v11 =	vsub.f32 v59, v6;
	v63 =	vmul.f32 v7, v60  }
0x488: {  	v6 =	vld [tilespmem:s4+$0x12C10];
	v9 =	vadd.f32 v10, v3;
	v4 =	vsub.f32 v8, v4;
	v10 =	vmul.f32 v5, v5  }
0x489: {  	v7 =	vsub.f32 v18, v19;
	v3 =	vld [tilespmem:s4+$0x10C20];
	v8 =	vmul.f32 v62, v60  }
0x48a: {  	s5 =	simm.s32 $0x16C91;
	v11 =	vsub.f32 v11, v63;
	v5 =	vld [tilespmem:s4+$0x10C10];
	v9 =	vadd.f32 v10, v9;
	v10 =	vmul.f32 v4, v4  }
0x48b: {  	s6 =	simm.s32 $0x200;
	v4 =	vld.msk [tilespmem:s5+$0x0 ss:$0x0], $0xffff  }
.LBB2_35:
0x48c: {  	p0 =	sne.s32 s6, $0x7F00;
	v12 =	vld [tilespmem:s4+$0x14C10];
	v9 =	vadd.f32 v10, v9;
	v10 =	vmul.f32 v11, v11;
	v7 =	vsub.f32 v7, v8  }
0x48d: {  	v8 =	vld [tilespmem:s4+$0x12C20]  }
0x48e: {  	v11 =	vld [tilespmem:s4+$0x14C20];
	v9 =	vadd.f32 v10, v9;
	v7 =	vmul.f32 v7, v7  }
0x48f: {  	v10 =	vld [tilespmem:s4+$0x12C30]  }
0x490: {  	v13 =	vld [tilespmem:s4+$0x14C30];
	v9 =	vadd.f32 v7, v9  }
0x491: {  	v5 =	vsub.f32 v5, v6;
	v6 =	vmul.f32 v12, v4;
	v12 =	vld [tilespmem:s4+$0x14C40];
	s4 =	sshra.s32 s6, $0x2  }
0x492: {  	v14 =	vld [tilespmem:s4+$0x10C40]  }
0x493: {  	v15 =	vld [tilespmem:s4+$0x12C40];
	v5 =	vsub.f32 v5, v6;
	v6 =	vsub.f32 v3, v8;
	v7 =	vmul.f32 v11, v4  }
.Ltmp17:
0x494: {  	v11 =	vsub.f32 v1, v10;
	v1 =	vld [tilespmem:s4+$0x10C30];
	(pc) =	sbr.rel @p0 .LBB2_35-.Ltmp17, $4  }
0x495: {  	v3 =	vld [tilespmem:s4+$0x10C20];
	v10 =	vmul.f32 v5, v5;
	v16 =	vsub.f32 v6, v7;
	v13 =	vmul.f32 v13, v4  }
0x496: {  	v7 =	vsub.f32 v0, v2;
	v5 =	vld [tilespmem:s4+$0x10C10];
	v8 =	vmul.f32 v12, v4  }
0x497: {  	s5 =	sadd.s32 $0x1, s5;
	v6 =	vld [tilespmem:s4+$0x12C10];
	v9 =	vadd.f32 v10, v9;
	v10 =	vmul.f32 v16, v16;
	v11 =	vsub.f32 v11, v13;
	v0 =	vmovc v14  }
0x498: {  	s6 =	sadd.s32 $0x100, s6;
	v4 =	vld.msk [tilespmem:s5+$0x0 ss:$0x0], $0xffff;
	v2 =	vmov v15  }
0x499: {  	v12 =	vld [tilespmem:s4+$0x14C10]  }
0x49a: {  	v13 =	vld [tilespmem:s4+$0x12C20]  }
0x49b: {  	v14 =	vld [tilespmem:s4+$0x14C20]  }
0x49c: {  	v15 =	vld [tilespmem:s4+$0x12C30]  }
0x49d: {  	v9 =	vadd.f32 v10, v9;
	v56 =	vmul.f32 v11, v11;
	v7 =	vsub.f32 v7, v8;
	v57 =	vld [tilespmem:s4+$0x14C30]  }
0x49e: {  	v59 =	vld [tilespmem:s4+$0x14C40];
	v5 =	vsub.f32 v5, v6;
	v58 =	vmul.f32 v12, v4  }
0x49f: {  	v9 =	vadd.f32 v56, v9;
	v7 =	vmul.f32 v7, v7  }
0x4a0: {  	v3 =	vsub.f32 v3, v13;
	v60 =	vmul.f32 v14, v4;
	v5 =	vsub.f32 v5, v58  }
0x4a1: {  	v7 =	vadd.f32 v7, v9;
	v1 =	vsub.f32 v1, v15  }
0x4a2: {  	v61 =	vmul.f32 v57, v4;
	v3 =	vsub.f32 v3, v60;
	v5 =	vmul.f32 v5, v5  }
0x4a3: {  	v0 =	vsub.f32 v0, v2;
	v62 =	vmul.f32 v59, v4  }
0x4a4: {  	v1 =	vsub.f32 v1, v61;
	v3 =	vmul.f32 v3, v3;
	v63 =	vadd.f32 v5, v7;
	_ =	sdelay $0x1  }
0x4a5: {  	v0 =	vsub.f32 v0, v62;
	v1 =	vmul.f32 v1, v1;
	v3 =	vadd.f32 v3, v63;
	_ =	sdelay $0x1  }
0x4a6: {  	v0 =	vmul.f32 v0, v0;
	v1 =	vadd.f32 v1, v3;
	_ =	sdelay $0x1  }
0x4a7: {  	v0 =	vadd.f32 v0, v1  }
0x4a8: {  	s31 =	sshll.u32 s3, $0x4  }
0x4a9: {  	s5 =	simm.s32 $0x16EA0;
	s4 =	sadd.s32 s31, s2;
	[tilespmem:$0x16EA0] =	vst v0  }
0x4aa: {  	[spmem:s4] =	stream.linear.scatter [tilespmem:s5], [sflag:$0x1], $0x10, $0x38;
	[tilespmem:$0x16EC0] =	vst v63  }
0x4ab: {  	s4 =	simm.s32 $0x1  }
0x4ac: {  	_ =	swait.ge [sflag:s4], $0x10  }
0x4ad: {  	[sflag:s4] =	ssyncset.done $0x0  }
0x4ae: {  	[sflag:s4] =	ssyncadd.s32 $0xFFFFFFF0  }
0x4af: {  	p0 =	sne.s32 s3, $0x0;
	[bflag:$0x0] =	sbarrier.arrive $0xFFFF  }
0x4b0: {  	_ =	sfence.sel @p0 $0x180000  }
0x4b1: {  	[bflag:$0x0] =	sbarrier.arrive @p0 $0xFFFF  }
0x4b2: {  	_ =	strace @p0 $0x9000004A  }
0x4b3: {  	[bflag:$0x2] =	sbarrier.arrive @p0 $0xFFFF  }
0x4b4: {  	_ =	shalt @p0  }
.LBB2_37:
0x4b5: {  	s3 =	simm.s32 $0x16DA0  }
0x4b6: {  	[tilespmem:s3], [sflag:$0x1] =	stream.linear.gather [spmem:s2], $0x100, $0x38;
	[tilespmem:$0x16EC0] =	vst v63  }
0x4b7: {  	_ =	swait.ge [sflag:s4], $0x100  }
0x4b8: {  	[sflag:s4] =	ssyncset.done $0x0  }
0x4b9: {  	[sflag:s4] =	ssyncadd.s32 $0xFFFFFF00  }
0x4ba: {  	v0 =	vld [tilespmem:$0x16DA0];
	_ =	sdelay $0x1  }
0x4bb: {  	v1 =	vld [tilespmem:$0x16DB0];
	_ =	sdelay $0x1  }
0x4bc: {  	v2 =	vld [tilespmem:$0x16DC0]  }
0x4bd: {  	v0 =	vadd.f32 $0.0e+00, v0  }
0x4be: {  	v3 =	vld [tilespmem:$0x16DD0]  }
0x4bf: {  	v0 =	vadd.f32 v1, v0  }
0x4c0: {  	v42 =	vld [tilespmem:$0x16DE0]  }
0x4c1: {  	v0 =	vadd.f32 v2, v0  }
0x4c2: {  	v43 =	vld [tilespmem:$0x16DF0]  }
0x4c3: {  	v0 =	vadd.f32 v3, v0  }
0x4c4: {  	v44 =	vld [tilespmem:$0x16E00]  }
0x4c5: {  	v0 =	vadd.f32 v42, v0  }
0x4c6: {  	v45 =	vld [tilespmem:$0x16E10]  }
0x4c7: {  	v0 =	vadd.f32 v43, v0  }
0x4c8: {  	v46 =	vld [tilespmem:$0x16E20]  }
0x4c9: {  	v0 =	vadd.f32 v44, v0  }
0x4ca: {  	v47 =	vld [tilespmem:$0x16E30]  }
0x4cb: {  	v0 =	vadd.f32 v45, v0  }
0x4cc: {  	v48 =	vld [tilespmem:$0x16E40]  }
0x4cd: {  	v0 =	vadd.f32 v46, v0  }
0x4ce: {  	v49 =	vld [tilespmem:$0x16E50]  }
0x4cf: {  	v0 =	vadd.f32 v47, v0  }
0x4d0: {  	v50 =	vld [tilespmem:$0x16E60]  }
0x4d1: {  	v0 =	vadd.f32 v48, v0  }
0x4d2: {  	v51 =	vld [tilespmem:$0x16E70]  }
0x4d3: {  	v0 =	vadd.f32 v49, v0  }
0x4d4: {  	v4 =	vimm.s32 $0xFEDCBA98;
	v52 =	vld [tilespmem:$0x16E80]  }
0x4d5: {  	v54 =	vimm.s32 $0x76543210;
	v4 =	vunpack.c.l.s4.s8 v4;
	v0 =	vadd.f32 v50, v0  }
0x4d6: {  	v53 =	vld [tilespmem:$0x16E90];
	v1 =	vunpack.c.l.s4.s8 v54  }
0x4d7: {  	v55 =	vunpack.c.0.s8.s32 v4;
	v0 =	vadd.f32 v51, v0  }
0x4d8: {  	v56 =	vimm.s32 $0x3210FEDC;
	v1 =	vunpack.c.0.s8.s32 v1  }
0x4d9: {  	v57 =	vimm.s32 $0xBA987654;
	v2 =	vand.u32 $0xF, v55;
	v0 =	vadd.f32 v52, v0  }
0x4da: {  	v1 =	vcombine.low v2, v1;
	v2 =	vunpack.c.l.s4.s8 v56;
	v3 =	vunpack.c.l.s4.s8 v57  }
0x4db: {  	v0 =	vadd.f32 v53, v0  }
0x4dc: {  	v2 =	vunpack.c.0.s8.s32 v2;
	v3 =	vunpack.c.0.s8.s32 v3  }
0x4dd: {  	v1 =	vperm.xlane v0, v1  }
0x4de: {  	v59 =	vimm.s32 $0x10FEDCBA;
	v60 =	vimm.s32 $0x98765432;
	v58 =	vcombine.low v3, v2  }
0x4df: {  	v2 =	vunpack.c.l.s4.s8 v59;
	v3 =	vunpack.c.l.s4.s8 v60;
	v0 =	vadd.f32 v1, v0  }
0x4e0: {  	v62 =	vimm.s32 $0x87654321  }
0x4e1: {  	v2 =	vunpack.c.0.s8.s32 v2;
	v3 =	vunpack.c.0.s8.s32 v3;
	v1 =	vperm.xlane v0, v58  }
0x4e2: {  	v61 =	vimm.s32 $0xFEDCBA9;
	v63 =	vunpack.c.l.s4.s8 v62  }
0x4e3: {  	v2 =	vcombine.low v3, v2;
	v0 =	vadd.f32 v1, v0;
	v1 =	vunpack.c.l.s4.s8 v61;
	_ =	sdelay $0x1  }
0x4e4: {  	v3 =	vunpack.c.0.s8.s32 v63;
	v2 =	vperm.xlane v0, v2;
	v1 =	vunpack.c.0.s8.s32 v1;
	_ =	sdelay $0x1  }
0x4e5: {  	v0 =	vadd.f32 v2, v0;
	v1 =	vcombine.low v3, v1;
	_ =	sdelay $0x1  }
0x4e6: {  	v1 =	vperm.xlane v0, v1;
	_ =	sdelay $0x1  }
0x4e7: {  	v0 =	vadd.f32 v1, v0;
	_ =	sdelay $0x1  }
0x4e8: {  	v0 =	vmul.f32 $9.536743160e-07, v0;
	_ =	sdelay $0x1  }
0x4e9: {  	s30 =	simm.s32 $0x0;
	s31 =	simm.s32 $0x16EB0;
	[tilespmem:$0x16EB0] =	vst v0  }
0x4ea: {  	[hbm4b:s1+s30] =	stream.linear.scatter [tilespmem:s31], [sflag:$0x1], $0x10, $0x38;
	[tilespmem:$0x16EC0] =	vst v63  }
0x4eb: {  	_ =	swait.ge [sflag:s4], $0x10  }
0x4ec: {  	[sflag:s4] =	ssyncset.done $0x0  }
0x4ed: {  	[sflag:s4] =	ssyncadd.s32 $0xFFFFFFF0  }
0x4ee: {  	_ =	sfence.sel $0x180000  }
0x4ef: {  	[bflag:$0x0] =	sbarrier.arrive $0xFFFF  }
0x4f0: {  	_ =	strace $0x9000004A  }
0x4f1: {  	s0 =	sadd.s32 $0x100000, s0;
	[bflag:$0x2] =	sbarrier.arrive $0xFFFF  }
0x4f2: {  	[sflag:s0] =	ssyncadd.tile.s32 $0x1;
	_ =	shalt  }
.Lfunc_end2:
_tile_overlayer_lowered:
.L_overlay_start_2:
0x4f3: {  	(tag) =	ssettag $0x2  }
0x4f4: {  	s0 =	rddreg [dreg:$0x0];
	s2 =	stileid.u32  }
0x4f5: {  	s1 =	rddreg [dreg:$0x1];
	p0 =	sne.s32 s2, $0x0  }
0x4f6: {  	s3 =	rddreg [dreg:$0x2];
	[bflag:$0x3] =	sbarrier.arrive $0xFFFF;
	s2 =	simm.s32 @!p0 $0x1C01  }
0x4f7: {  	[timem:s3], [sflag:s2] =	dma.local @!p0 [hbm:s0], s1  }
0x4f8: {  	s0 =	simm.s32 @!p0 $0x1  }
0x4f9: {  	_ =	swait.ge @!p0 [sflag:s0], s1  }
0x4fa: {  	s1 =	ssub.s32 @!p0 $0x0, s1;
	[sflag:s0] =	ssyncset.done @!p0 $0x0  }
0x4fb: {  	[sflag:s0] =	ssyncadd.s32 @!p0 s1  }
0x4fc: {  	[bflag:$0x3] =	sbarrier.arrive $0xFFFF  }
0x4fd: {  	_ =	shalt  }

</sc_bundles>
